<compile_context>
chip_gen: v7x
topology: tpu7x:2x2x1
jax: 0.10.2.dev20260603
libtpu: 0.0.44.dev20260713+nightly
codegen_flags: <defaults>
</compile_context>

<pallas_src>
import functools

import jax
import jax.numpy as jnp
from jax import lax
from jax.experimental import pallas as pl
from jax.experimental.pallas import tpu as pltpu
from jax.experimental.pallas import tpu_sc as plsc

_F32 = jnp.float32


def _sc_gate(logits_t):
    e_num, n = logits_t.shape
    info = plsc.get_sparse_core_info()
    nw = info.num_cores * info.num_subcores
    chunk = n // nw
    mesh = plsc.VectorSubcoreMesh(core_axis_name="c", subcore_axis_name="s")

    @functools.partial(
        pl.kernel, mesh=mesh,
        out_type=jax.ShapeDtypeStruct((e_num, n), _F32),
        scratch_types=[pltpu.VMEM((e_num, chunk), _F32),
                       pltpu.VMEM((e_num, chunk), _F32)],
    )
    def k(lg_hbm, gate_hbm, lg_v, g_v):
        wid = lax.axis_index("s") * info.num_cores + lax.axis_index("c")
        base = wid * chunk
        pltpu.sync_copy(lg_hbm.at[:, pl.ds(base, chunk)], lg_v)
        for j in range(chunk // 16):
            vs = [lg_v[e, 16 * j:16 * (j + 1)] for e in range(e_num)]
            m1 = vs[0]
            for e in range(1, e_num):
                m1 = jnp.maximum(m1, vs[e])
            i1 = jnp.zeros((16,), jnp.int32)
            for e in range(e_num - 1, -1, -1):
                ev = jnp.full((16,), e, jnp.int32)
                i1 = jnp.where(vs[e] == m1, ev, i1)
            neg = jnp.full((16,), -3e38, _F32)
            v2 = neg
            for e in range(e_num):
                ev = jnp.full((16,), e, jnp.int32)
                v2 = jnp.maximum(v2, jnp.where(i1 == ev, neg, vs[e]))
            i2 = jnp.zeros((16,), jnp.int32)
            for e in range(e_num - 1, -1, -1):
                ev = jnp.full((16,), e, jnp.int32)
                i2 = jnp.where((vs[e] == v2) & (i1 != ev), ev, i2)
            one = jnp.full((16,), 1.0, _F32)
            w1 = one / (one + jnp.exp(v2 - m1))
            w2 = one - w1
            zero = jnp.full((16,), 0.0, _F32)
            for e in range(e_num):
                ev = jnp.full((16,), e, jnp.int32)
                g = jnp.where(i1 == ev, w1, jnp.where(i2 == ev, w2, zero))
                g_v[e, 16 * j:16 * (j + 1)] = g
        pltpu.sync_copy(g_v, gate_hbm.at[:, pl.ds(base, chunk)])

    return k(logits_t)


def _mm_packed_kernel(a_ref, b_ref, bias_ref, o_ref):
    res = 2.0 * (jnp.dot(a_ref[...], b_ref[...], preferred_element_type=_F32)
                 + bias_ref[...])
    for r in range(o_ref.shape[1]):
        o_ref[:, r, :] = res[:, 128 * r:128 * (r + 1)]


def _matmul_packed(a, b, bias, batch, seq, bm=512):
    m, k = a.shape
    n = b.shape[1]
    sb = seq // bm
    return pl.pallas_call(
        _mm_packed_kernel,
        grid=(m // bm,),
        in_specs=[
            pl.BlockSpec((bm, k), lambda i: (i, 0)),
            pl.BlockSpec((k, n), lambda i: (0, 0)),
            pl.BlockSpec((1, n), lambda i: (0, 0)),
        ],
        out_specs=pl.BlockSpec((None, bm, n // 128, 128),
                               lambda i: (i // sb, i % sb, 0, 0)),
        out_shape=jax.ShapeDtypeStruct((batch, seq, n // 128, 128), _F32),
        compiler_params=pltpu.CompilerParams(
            dimension_semantics=("parallel",),
        ),
    )(a, b, bias.reshape(1, n))


def _gif_kernel(cur_ref, out_ref, mem_ref):
    @pl.when(pl.program_id(0) == 0)
    def _():
        mem_ref[...] = jnp.zeros_like(mem_ref)

    cs = cur_ref.shape[1]

    def body(t, y):
        y = 0.9 * y + cur_ref[:, t]
        spike = 0.5 + 0.5 * jnp.tanh(y - 2.0)
        out_ref[:, t] = spike
        return y - 2.0 * spike

    mem_ref[...] = jax.lax.fori_loop(0, cs, body, mem_ref[...], unroll=8)


def _gif_scan(cur_packed, cs=256):
    b, s, r, l = cur_packed.shape
    return pl.pallas_call(
        _gif_kernel,
        grid=(s // cs,),
        in_specs=[
            pl.BlockSpec((b, cs, r, l), lambda j: (0, j, 0, 0)),
        ],
        out_specs=pl.BlockSpec((b, cs, r, l), lambda j: (0, j, 0, 0)),
        out_shape=jax.ShapeDtypeStruct((b, s, r, l), _F32),
        scratch_shapes=[pltpu.VMEM((b, r, l), _F32)],
        compiler_params=pltpu.CompilerParams(
            dimension_semantics=("arbitrary",),
        ),
    )(cur_packed)


def _router_kernel(sp_ref, w_s2c_ref, b_s2c_ref, wr1_ref, br1_ref, wr2_ref,
                   br2_ref, cont_ref, lgt_ref):
    rt = sp_ref.shape[1]
    cont = b_s2c_ref[...]
    for r in range(rt):
        cont = cont + jnp.dot(sp_ref[:, r, :],
                              w_s2c_ref[128 * r:128 * (r + 1), :],
                              preferred_element_type=_F32)
    h = jnp.tanh(jnp.dot(cont, wr1_ref[...], preferred_element_type=_F32)
                 + br1_ref[...])
    logits = (jnp.dot(h, wr2_ref[...], preferred_element_type=_F32)
              + br2_ref[...])
    cont_ref[...] = cont
    lgt_ref[...] = logits.T


def _router(sp_packed, W_s2c, b_s2c, Wr1, br1, Wr2, br2, bt=1024):
    batch, seq, rt, l = sp_packed.shape
    hid = rt * l
    moe_h = W_s2c.shape[1]
    ne = Wr2.shape[1]
    n = batch * seq
    sb = seq // bt
    full = lambda shape: pl.BlockSpec(shape, lambda i: tuple(0 for _ in shape))
    return pl.pallas_call(
        _router_kernel,
        grid=(batch * sb,),
        in_specs=[
            pl.BlockSpec((None, bt, rt, l), lambda i: (i // sb, i % sb, 0, 0)),
            full((hid, moe_h)),
            full((1, moe_h)),
            full((moe_h, Wr1.shape[1])),
            full((1, br1.shape[0])),
            full((Wr2.shape[0], ne)),
            full((1, ne)),
        ],
        out_specs=(pl.BlockSpec((bt, moe_h), lambda i: (i, 0)),
                   pl.BlockSpec((ne, bt), lambda i: (0, i))),
        out_shape=(jax.ShapeDtypeStruct((n, moe_h), _F32),
                   jax.ShapeDtypeStruct((ne, n), _F32)),
        compiler_params=pltpu.CompilerParams(
            dimension_semantics=("arbitrary",),
        ),
    )(sp_packed, W_s2c, b_s2c.reshape(1, -1), Wr1, br1.reshape(1, -1), Wr2,
      br2.reshape(1, -1))


def _moe_kernel(cont_ref, gate_t_ref, w1cat_ref, be1cat_ref, w2cat_ref,
                be2_ref, w_c2s_ref, b_c2s_ref, w_dec_ref, b_dec_ref, o_ref):
    cont = cont_ref[...]
    gate = gate_t_ref[...].T
    bt, ne = gate.shape
    exp_h = w1cat_ref.shape[1] // ne
    acc = jnp.dot(gate, be2_ref[...], preferred_element_type=_F32)
    for e in range(ne):
        h1 = jnp.maximum(
            jnp.dot(cont, w1cat_ref[:, exp_h * e:exp_h * (e + 1)],
                    preferred_element_type=_F32)
            + be1cat_ref[:, exp_h * e:exp_h * (e + 1)], 0.0)
        acc = acc + gate[:, e:e + 1] * jnp.dot(
            h1, w2cat_ref[exp_h * e:exp_h * (e + 1), :],
            preferred_element_type=_F32)
    moe_sig = jax.nn.sigmoid(
        jnp.dot(acc, w_c2s_ref[...], preferred_element_type=_F32)
        + b_c2s_ref[...])
    cur = 2.0 * (jnp.dot(moe_sig, w_dec_ref[...], preferred_element_type=_F32)
                 + b_dec_ref[...])
    for r in range(o_ref.shape[1]):
        o_ref[:, r, :] = cur[:, 128 * r:128 * (r + 1)]


def _moe_dec(cont, gate_t, We1, be1, We2, be2, W_c2s, b_c2s, W_dec, b_dec,
             batch, seq, bt=1024):
    n, moe_h = cont.shape
    ne = We1.shape[0]
    exp_h = We1.shape[2]
    hid = W_c2s.shape[1]
    d_out = W_dec.shape[1]
    sb = seq // bt
    w1cat = We1.transpose(1, 0, 2).reshape(moe_h, ne * exp_h)
    w2cat = We2.reshape(ne * exp_h, moe_h)
    full = lambda shape: pl.BlockSpec(shape, lambda i: tuple(0 for _ in shape))
    return pl.pallas_call(
        _moe_kernel,
        grid=(batch * sb,),
        in_specs=[
            pl.BlockSpec((bt, moe_h), lambda i: (i, 0)),
            pl.BlockSpec((ne, bt), lambda i: (0, i)),
            full((moe_h, ne * exp_h)),
            full((1, ne * exp_h)),
            full((ne * exp_h, moe_h)),
            full((ne, moe_h)),
            full((moe_h, hid)),
            full((1, hid)),
            full((hid, d_out)),
            full((1, d_out)),
        ],
        out_specs=pl.BlockSpec((None, bt, d_out // 128, 128),
                               lambda i: (i // sb, i % sb, 0, 0)),
        out_shape=jax.ShapeDtypeStruct((batch, seq, d_out // 128, 128), _F32),
        compiler_params=pltpu.CompilerParams(
            dimension_semantics=("arbitrary",),
        ),
    )(cont, gate_t, w1cat, be1.reshape(1, -1), w2cat, be2,
      W_c2s, b_c2s.reshape(1, -1), W_dec, b_dec.reshape(1, -1))


def _ln_kernel(x_ref, g_ref, b_ref, o_ref):
    rt = x_ref.shape[1]
    d = rt * x_ref.shape[2]
    s = jnp.zeros((x_ref.shape[0], 1), _F32)
    for r in range(rt):
        s = s + jnp.sum(x_ref[:, r, :], axis=-1, keepdims=True)
    mu = s / d
    ss = jnp.zeros((x_ref.shape[0], 1), _F32)
    for r in range(rt):
        xc = x_ref[:, r, :] - mu
        ss = ss + jnp.sum(xc * xc, axis=-1, keepdims=True)
    inv = jax.lax.rsqrt(ss / d + 1e-5)
    for r in range(rt):
        o_ref[:, 128 * r:128 * (r + 1)] = (
            (x_ref[:, r, :] - mu) * inv * g_ref[:, 128 * r:128 * (r + 1)]
            + b_ref[:, 128 * r:128 * (r + 1)])


def _layernorm(x_packed, g, b, bt=512):
    batch, seq, rt, l = x_packed.shape
    d = rt * l
    sb = seq // bt
    return pl.pallas_call(
        _ln_kernel,
        grid=(batch * sb,),
        in_specs=[
            pl.BlockSpec((None, bt, rt, l), lambda i: (i // sb, i % sb, 0, 0)),
            pl.BlockSpec((1, d), lambda i: (0, 0)),
            pl.BlockSpec((1, d), lambda i: (0, 0)),
        ],
        out_specs=pl.BlockSpec((bt, d), lambda i: (i, 0)),
        out_shape=jax.ShapeDtypeStruct((batch * seq, d), _F32),
        compiler_params=pltpu.CompilerParams(
            dimension_semantics=("parallel",),
        ),
    )(x_packed, g.reshape(1, d), b.reshape(1, d))


def kernel(inputs_embeds, W_enc, b_enc, W_s2c, b_s2c, Wr1, br1, Wr2, br2,
           We1, be1, We2, be2, W_c2s, b_c2s, W_dec, b_dec, ln_g, ln_b):
    b, s, d = inputs_embeds.shape
    n = b * s
    flat = inputs_embeds.reshape(n, d)
    cur_enc = _matmul_packed(flat, W_enc, b_enc, b, s)
    spikes = _gif_scan(cur_enc)
    cont, logits_t = _router(spikes, W_s2c, b_s2c, Wr1, br1, Wr2, br2)
    gate_t = _sc_gate(logits_t)
    cur_dec = _moe_dec(cont, gate_t, We1, be1, We2, be2, W_c2s, b_c2s,
                       W_dec, b_dec, b, s)
    decoded = _gif_scan(cur_dec)
    out = _layernorm(decoded, ln_g, ln_b)
    return out.reshape(b, s, d)

# --- scband reference (transcript-rebuilt; emitter-appended) ---
"""Pipeline reference for scband-full-language-zone-90314572300855 (READ-ONLY COPY).

The authoritative reference and input builder live on the scoring server;
editing this copy changes nothing except your own understanding.
"""

import jax, jax.numpy as jnp
import numpy as np

B, S, D_MODEL = 2, 2048, 1024
HID, MOE_H, E, TOPK = 2048, 64, 8, 2
EXP_H = HID // 2


def _gif(x, W, b):
    # GIF spiking neuron: leaky integrate, soft (surrogate) spike, reset.
    cur = jnp.einsum('bsd,dh->bsh', x, W) + b
    decay, thresh = 0.9, 1.0
    def step(mem, c):
        mem = decay * mem + c
        spike = jax.nn.sigmoid(4.0 * (mem - thresh))
        mem = mem - spike * thresh
        return mem, spike
    mem0 = jnp.zeros((x.shape[0], W.shape[1]), dtype=x.dtype)
    _, spikes = jax.lax.scan(step, mem0, jnp.swapaxes(cur, 0, 1))
    return jnp.swapaxes(spikes, 0, 1)


def _forward(inputs_embeds, W_enc, b_enc, W_s2c, b_s2c, Wr1, br1, Wr2, br2,
             We1, be1, We2, be2, W_c2s, b_c2s, W_dec, b_dec, ln_g, ln_b):
    batch, seq, _ = inputs_embeds.shape
    # encoder GIFNeuron
    spikes_enc = _gif(inputs_embeds, W_enc, b_enc)
    flat = spikes_enc.reshape(batch * seq, HID)
    # spike -> continuous bridge (rate coding over single timestep + linear)
    continuous = flat @ W_s2c + b_s2c  # [N, MOE_H]
    # liquid MoE router: hidden tanh layer then logits, top-k, softmax weights
    h = jnp.tanh(continuous @ Wr1 + br1)
    logits = h @ Wr2 + br2
    topv, topi = jax.lax.top_k(logits, TOPK)
    weights = jax.nn.softmax(topv, axis=-1)  # [N, K]
    onehot = jax.nn.one_hot(topi, E, dtype=continuous.dtype)  # [N, K, E]
    gate = (weights[..., None] * onehot).sum(axis=1)  # [N, E] == per-expert w_sum
    # SNN experts (2-layer MLP), dense compute then gated combine (math-equivalent
    # to the masked index_add loop since gate==0 for unrouted tokens)
    h1 = jax.nn.relu(jnp.einsum('nd,edh->enh', continuous, We1) + be1[:, None, :])
    eo = jnp.einsum('enh,ehd->end', h1, We2) + be2[:, None, :]
    output_flat = jnp.einsum('end,ne->nd', eo, gate)  # [N, MOE_H]
    # continuous -> spike bridge (poisson rate, deterministic rate used)
    spikes_moe = jax.nn.sigmoid(output_flat @ W_c2s + b_c2s)  # [N, HID]
    spikes_moe = spikes_moe.reshape(batch, seq, 1, HID).mean(axis=2)
    # decoder GIFNeuron
    decoded = _gif(spikes_moe, W_dec, b_dec)
    # output LayerNorm
    mu = decoded.mean(-1, keepdims=True)
    var = decoded.var(-1, keepdims=True)
    return (decoded - mu) / jnp.sqrt(var + 1e-5) * ln_g + ln_b


def setup_inputs(seed: int = 0) -> dict:
    key = jax.random.key(seed)
    ks = jax.random.split(key, 16)
    def w(i, shape, fan_in):
        return jax.random.normal(ks[i], shape, dtype=jnp.float32) / np.sqrt(fan_in)
    return {
        'inputs_embeds': jax.random.normal(ks[0], (B, S, D_MODEL), dtype=jnp.float32),
        'W_enc': w(1, (D_MODEL, HID), D_MODEL), 'b_enc': jnp.zeros((HID,), jnp.float32),
        'W_s2c': w(2, (HID, MOE_H), HID), 'b_s2c': jnp.zeros((MOE_H,), jnp.float32),
        'Wr1': w(3, (MOE_H, 64), MOE_H), 'br1': jnp.zeros((64,), jnp.float32),
        'Wr2': w(4, (64, E), 64), 'br2': jnp.zeros((E,), jnp.float32),
        'We1': w(5, (E, MOE_H, EXP_H), MOE_H), 'be1': jnp.zeros((E, EXP_H), jnp.float32),
        'We2': w(6, (E, EXP_H, MOE_H), EXP_H), 'be2': jnp.zeros((E, MOE_H), jnp.float32),
        'W_c2s': w(7, (MOE_H, HID), MOE_H), 'b_c2s': jnp.zeros((HID,), jnp.float32),
        'W_dec': w(8, (HID, D_MODEL), HID), 'b_dec': jnp.zeros((D_MODEL,), jnp.float32),
        'ln_g': jnp.ones((D_MODEL,), jnp.float32), 'ln_b': jnp.zeros((D_MODEL,), jnp.float32),
    }


def reference(inputs_embeds, W_enc, b_enc, W_s2c, b_s2c, Wr1, br1, Wr2, br2,
              We1, be1, We2, be2, W_c2s, b_c2s, W_dec, b_dec, ln_g, ln_b):
    return _forward(inputs_embeds, W_enc, b_enc, W_s2c, b_s2c, Wr1, br1, Wr2, br2,
                    We1, be1, We2, be2, W_c2s, b_c2s, W_dec, b_dec, ln_g, ln_b)

if __name__ == "__main__":
    import jax
    _d = setup_inputs()
    print(jax.jit(kernel)(*tuple(_d.values())))

</pallas_src>

<mosaic_0001>
#map = affine_map<(d0, d1) -> (0, 0)>
module attributes {stable_mosaic.version = 14 : i64} {
  func.func @k(%arg0: i32, %arg1: i32, %arg2: memref<8x4096xf32, #tpu.memory_space<hbm>>, %arg3: memref<8x4096xf32, #tpu.memory_space<hbm>>, %arg4: memref<8x128xf32, #tpu.memory_space<vmem>>, %arg5: memref<8x128xf32, #tpu.memory_space<vmem>>) attributes {dimension_semantics = [#tpu.dimension_semantics<core_parallel>, #tpu.dimension_semantics<subcore_parallel>], iteration_bounds = array<i64: 2, 16>, scalar_prefetch = 0 : i64, scratch_operands = 2 : i64, tpu.core_type = #tpu.core_type<sc_vector_subcore>, window_params = [{transform_indices = #map}, {transform_indices = #map}]} {
    %mul3A = arith.constant 2 : i32
    %mul3A_0 = arith.muli %arg1, %mul3A : i32
    %add3A = arith.addi %mul3A_0, %arg0 : i32
    %mul3A_1 = arith.constant 128 : i32
    %mul3A_2 = arith.muli %add3A, %mul3A_1 : i32
    "tpu.region"() ({
      %run_scoped3A = tpu.sem_alloc : memref<!tpu.dma_semaphore, #tpu.memory_space<semaphore_mem>>
      %dma_start3A = arith.constant 0 : i32
      %dma_start3A_2216 = tpu.memref_slice %arg2[%dma_start3A, %mul3A_2] : memref<8x4096xf32, #tpu.memory_space<hbm>> -> memref<8x128xf32, #tpu.memory_space<hbm>>
      %dma_start3A_2217 = arith.constant 0 : i32
      %dma_start3A_2218 = tpu.memref_slice %arg2[%dma_start3A_2217, %mul3A_2] : memref<8x4096xf32, #tpu.memory_space<hbm>> -> memref<8x128xf32, #tpu.memory_space<hbm>>
      tpu.enqueue_dma source(%dma_start3A_2218 : memref<8x128xf32, #tpu.memory_space<hbm>>) target(%arg4 : memref<8x128xf32, #tpu.memory_space<vmem>>) target_semaphore(%run_scoped3A : memref<!tpu.dma_semaphore, #tpu.memory_space<semaphore_mem>>)
      %dma_wait3A = arith.constant 0 : i32
      %dma_wait3A_2219 = tpu.memref_slice %arg2[%dma_wait3A, %mul3A_2] : memref<8x4096xf32, #tpu.memory_space<hbm>> -> memref<8x128xf32, #tpu.memory_space<hbm>>
      %dma_wait3A_2220 = arith.constant 0 : i32
      %dma_wait3A_2221 = tpu.memref_slice %arg2[%dma_wait3A_2220, %mul3A_2] : memref<8x4096xf32, #tpu.memory_space<hbm>> -> memref<8x128xf32, #tpu.memory_space<hbm>>
      tpu.wait_dma2 semaphore(%run_scoped3A : memref<!tpu.dma_semaphore, #tpu.memory_space<semaphore_mem>>) src(%dma_wait3A_2221 : memref<8x128xf32, #tpu.memory_space<hbm>>) dst(%arg4 : memref<8x128xf32, #tpu.memory_space<vmem>>)
      tpu.yield
    }) : () -> ()
    %get3A = arith.constant 0 : i32
    %get3A_3 = arith.index_cast %get3A : i32 to index
    %get3A_4 = arith.constant 0 : index
    %get3A_5 = tpu.vector_load %arg4[%get3A_3, %get3A_4] {strides = array<i32>} : memref<8x128xf32, #tpu.memory_space<vmem>>, vector<1x16xf32>,
    %get3A_6 = vector.shape_cast %get3A_5 : vector<1x16xf32> to vector<16xf32>
    %get3A_7 = arith.constant 1 : i32
    %get3A_8 = arith.index_cast %get3A_7 : i32 to index
    %get3A_9 = arith.constant 0 : index
    %get3A_10 = tpu.vector_load %arg4[%get3A_8, %get3A_9] {strides = array<i32>} : memref<8x128xf32, #tpu.memory_space<vmem>>, vector<1x16xf32>,
    %get3A_11 = vector.shape_cast %get3A_10 : vector<1x16xf32> to vector<16xf32>
    %get3A_12 = arith.constant 2 : i32
    %get3A_13 = arith.index_cast %get3A_12 : i32 to index
    %get3A_14 = arith.constant 0 : index
    %get3A_15 = tpu.vector_load %arg4[%get3A_13, %get3A_14] {strides = array<i32>} : memref<8x128xf32, #tpu.memory_space<vmem>>, vector<1x16xf32>,
    %get3A_16 = vector.shape_cast %get3A_15 : vector<1x16xf32> to vector<16xf32>
    %get3A_17 = arith.constant 3 : i32
    %get3A_18 = arith.index_cast %get3A_17 : i32 to index
    %get3A_19 = arith.constant 0 : index
    %get3A_20 = tpu.vector_load %arg4[%get3A_18, %get3A_19] {strides = array<i32>} : memref<8x128xf32, #tpu.memory_space<vmem>>, vector<1x16xf32>,
    %get3A_21 = vector.shape_cast %get3A_20 : vector<1x16xf32> to vector<16xf32>
    %get3A_22 = arith.constant 4 : i32
    %get3A_23 = arith.index_cast %get3A_22 : i32 to index
    %get3A_24 = arith.constant 0 : index
    %get3A_25 = tpu.vector_load %arg4[%get3A_23, %get3A_24] {strides = array<i32>} : memref<8x128xf32, #tpu.memory_space<vmem>>, vector<1x16xf32>,
    %get3A_26 = vector.shape_cast %get3A_25 : vector<1x16xf32> to vector<16xf32>
    %get3A_27 = arith.constant 5 : i32
    %get3A_28 = arith.index_cast %get3A_27 : i32 to index
    %get3A_29 = arith.constant 0 : index
    %get3A_30 = tpu.vector_load %arg4[%get3A_28, %get3A_29] {strides = array<i32>} : memref<8x128xf32, #tpu.memory_space<vmem>>, vector<1x16xf32>,
    %get3A_31 = vector.shape_cast %get3A_30 : vector<1x16xf32> to vector<16xf32>
    %get3A_32 = arith.constant 6 : i32
    %get3A_33 = arith.index_cast %get3A_32 : i32 to index
    %get3A_34 = arith.constant 0 : index
    %get3A_35 = tpu.vector_load %arg4[%get3A_33, %get3A_34] {strides = array<i32>} : memref<8x128xf32, #tpu.memory_space<vmem>>, vector<1x16xf32>,
    %get3A_36 = vector.shape_cast %get3A_35 : vector<1x16xf32> to vector<16xf32>
    %get3A_37 = arith.constant 7 : i32
    %get3A_38 = arith.index_cast %get3A_37 : i32 to index
    %get3A_39 = arith.constant 0 : index
    %get3A_40 = tpu.vector_load %arg4[%get3A_38, %get3A_39] {strides = array<i32>} : memref<8x128xf32, #tpu.memory_space<vmem>>, vector<1x16xf32>,
    %get3A_41 = vector.shape_cast %get3A_40 : vector<1x16xf32> to vector<16xf32>
    %max3A = arith.maximumf %get3A_6, %get3A_11 : vector<16xf32>
    %max3A_42 = arith.maximumf %max3A, %get3A_16 : vector<16xf32>
    %max3A_43 = arith.maximumf %max3A_42, %get3A_21 : vector<16xf32>
    %max3A_44 = arith.maximumf %max3A_43, %get3A_26 : vector<16xf32>
    %max3A_45 = arith.maximumf %max3A_44, %get3A_31 : vector<16xf32>
    %max3A_46 = arith.maximumf %max3A_45, %get3A_36 : vector<16xf32>
    %max3A_47 = arith.maximumf %max3A_46, %get3A_41 : vector<16xf32>
    %broadcast_in_dim3A = arith.constant 0 : i32
    %broadcast_in_dim3A_48 = vector.broadcast %broadcast_in_dim3A : i32 to vector<16xi32>
    %broadcast_in_dim3A_49 = arith.constant 7 : i32
    %broadcast_in_dim3A_50 = vector.broadcast %broadcast_in_dim3A_49 : i32 to vector<16xi32>
    %eq3A = arith.cmpf oeq, %get3A_41, %max3A_47 : vector<16xf32>
    %select_n3A = arith.select %eq3A, %broadcast_in_dim3A_50, %broadcast_in_dim3A_48 : vector<16xi1>, vector<16xi32>
    %broadcast_in_dim3A_51 = arith.constant 6 : i32
    %broadcast_in_dim3A_52 = vector.broadcast %broadcast_in_dim3A_51 : i32 to vector<16xi32>
    %eq3A_53 = arith.cmpf oeq, %get3A_36, %max3A_47 : vector<16xf32>
    %select_n3A_54 = arith.select %eq3A_53, %broadcast_in_dim3A_52, %select_n3A : vector<16xi1>, vector<16xi32>
    %broadcast_in_dim3A_55 = arith.constant 5 : i32
    %broadcast_in_dim3A_56 = vector.broadcast %broadcast_in_dim3A_55 : i32 to vector<16xi32>
    %eq3A_57 = arith.cmpf oeq, %get3A_31, %max3A_47 : vector<16xf32>
    %select_n3A_58 = arith.select %eq3A_57, %broadcast_in_dim3A_56, %select_n3A_54 : vector<16xi1>, vector<16xi32>
    %broadcast_in_dim3A_59 = arith.constant 4 : i32
    %broadcast_in_dim3A_60 = vector.broadcast %broadcast_in_dim3A_59 : i32 to vector<16xi32>
    %eq3A_61 = arith.cmpf oeq, %get3A_26, %max3A_47 : vector<16xf32>
    %select_n3A_62 = arith.select %eq3A_61, %broadcast_in_dim3A_60, %select_n3A_58 : vector<16xi1>, vector<16xi32>
    %broadcast_in_dim3A_63 = arith.constant 3 : i32
    %broadcast_in_dim3A_64 = vector.broadcast %broadcast_in_dim3A_63 : i32 to vector<16xi32>
    %eq3A_65 = arith.cmpf oeq, %get3A_21, %max3A_47 : vector<16xf32>
    %select_n3A_66 = arith.select %eq3A_65, %broadcast_in_dim3A_64, %select_n3A_62 : vector<16xi1>, vector<16xi32>
    %broadcast_in_dim3A_67 = arith.constant 2 : i32
    %broadcast_in_dim3A_68 = vector.broadcast %broadcast_in_dim3A_67 : i32 to vector<16xi32>
    %eq3A_69 = arith.cmpf oeq, %get3A_16, %max3A_47 : vector<16xf32>
    %select_n3A_70 = arith.select %eq3A_69, %broadcast_in_dim3A_68, %select_n3A_66 : vector<16xi1>, vector<16xi32>
    %broadcast_in_dim3A_71 = arith.constant 1 : i32
    %broadcast_in_dim3A_72 = vector.broadcast %broadcast_in_dim3A_71 : i32 to vector<16xi32>
    %eq3A_73 = arith.cmpf oeq, %get3A_11, %max3A_47 : vector<16xf32>
    %select_n3A_74 = arith.select %eq3A_73, %broadcast_in_dim3A_72, %select_n3A_70 : vector<16xi1>, vector<16xi32>
    %broadcast_in_dim3A_75 = arith.constant 0 : i32
    %broadcast_in_dim3A_76 = vector.broadcast %broadcast_in_dim3A_75 : i32 to vector<16xi32>
    %eq3A_77 = arith.cmpf oeq, %get3A_6, %max3A_47 : vector<16xf32>
    %select_n3A_78 = arith.select %eq3A_77, %broadcast_in_dim3A_76, %select_n3A_74 : vector<16xi1>, vector<16xi32>
    %broadcast_in_dim3A_79 = arith.constant -3.000000e+38 : f32
    %broadcast_in_dim3A_80 = vector.broadcast %broadcast_in_dim3A_79 : f32 to vector<16xf32>
    %broadcast_in_dim3A_81 = arith.constant 0 : i32
    %broadcast_in_dim3A_82 = vector.broadcast %broadcast_in_dim3A_81 : i32 to vector<16xi32>
    %eq3A_83 = arith.cmpi eq, %select_n3A_78, %broadcast_in_dim3A_82 : vector<16xi32>
    %select_n3A_84 = arith.select %eq3A_83, %broadcast_in_dim3A_80, %get3A_6 : vector<16xi1>, vector<16xf32>
    %max3A_85 = arith.maximumf %broadcast_in_dim3A_80, %select_n3A_84 : vector<16xf32>
    %broadcast_in_dim3A_86 = arith.constant 1 : i32
    %broadcast_in_dim3A_87 = vector.broadcast %broadcast_in_dim3A_86 : i32 to vector<16xi32>
    %eq3A_88 = arith.cmpi eq, %select_n3A_78, %broadcast_in_dim3A_87 : vector<16xi32>
    %select_n3A_89 = arith.select %eq3A_88, %broadcast_in_dim3A_80, %get3A_11 : vector<16xi1>, vector<16xf32>
    %max3A_90 = arith.maximumf %max3A_85, %select_n3A_89 : vector<16xf32>
    %broadcast_in_dim3A_91 = arith.constant 2 : i32
    %broadcast_in_dim3A_92 = vector.broadcast %broadcast_in_dim3A_91 : i32 to vector<16xi32>
    %eq3A_93 = arith.cmpi eq, %select_n3A_78, %broadcast_in_dim3A_92 : vector<16xi32>
    %select_n3A_94 = arith.select %eq3A_93, %broadcast_in_dim3A_80, %get3A_16 : vector<16xi1>, vector<16xf32>
    %max3A_95 = arith.maximumf %max3A_90, %select_n3A_94 : vector<16xf32>
    %broadcast_in_dim3A_96 = arith.constant 3 : i32
    %broadcast_in_dim3A_97 = vector.broadcast %broadcast_in_dim3A_96 : i32 to vector<16xi32>
    %eq3A_98 = arith.cmpi eq, %select_n3A_78, %broadcast_in_dim3A_97 : vector<16xi32>
    %select_n3A_99 = arith.select %eq3A_98, %broadcast_in_dim3A_80, %get3A_21 : vector<16xi1>, vector<16xf32>
    %max3A_100 = arith.maximumf %max3A_95, %select_n3A_99 : vector<16xf32>
    %broadcast_in_dim3A_101 = arith.constant 4 : i32
    %broadcast_in_dim3A_102 = vector.broadcast %broadcast_in_dim3A_101 : i32 to vector<16xi32>
    %eq3A_103 = arith.cmpi eq, %select_n3A_78, %broadcast_in_dim3A_102 : vector<16xi32>
    %select_n3A_104 = arith.select %eq3A_103, %broadcast_in_dim3A_80, %get3A_26 : vector<16xi1>, vector<16xf32>
    %max3A_105 = arith.maximumf %max3A_100, %select_n3A_104 : vector<16xf32>
    %broadcast_in_dim3A_106 = arith.constant 5 : i32
    %broadcast_in_dim3A_107 = vector.broadcast %broadcast_in_dim3A_106 : i32 to vector<16xi32>
    %eq3A_108 = arith.cmpi eq, %select_n3A_78, %broadcast_in_dim3A_107 : vector<16xi32>
    %select_n3A_109 = arith.select %eq3A_108, %broadcast_in_dim3A_80, %get3A_31 : vector<16xi1>, vector<16xf32>
    %max3A_110 = arith.maximumf %max3A_105, %select_n3A_109 : vector<16xf32>
    %broadcast_in_dim3A_111 = arith.constant 6 : i32
    %broadcast_in_dim3A_112 = vector.broadcast %broadcast_in_dim3A_111 : i32 to vector<16xi32>
    %eq3A_113 = arith.cmpi eq, %select_n3A_78, %broadcast_in_dim3A_112 : vector<16xi32>
    %select_n3A_114 = arith.select %eq3A_113, %broadcast_in_dim3A_80, %get3A_36 : vector<16xi1>, vector<16xf32>
    %max3A_115 = arith.maximumf %max3A_110, %select_n3A_114 : vector<16xf32>
    %broadcast_in_dim3A_116 = arith.constant 7 : i32
    %broadcast_in_dim3A_117 = vector.broadcast %broadcast_in_dim3A_116 : i32 to vector<16xi32>
    %eq3A_118 = arith.cmpi eq, %select_n3A_78, %broadcast_in_dim3A_117 : vector<16xi32>
    %select_n3A_119 = arith.select %eq3A_118, %broadcast_in_dim3A_80, %get3A_41 : vector<16xi1>, vector<16xf32>
    %max3A_120 = arith.maximumf %max3A_115, %select_n3A_119 : vector<16xf32>
    %broadcast_in_dim3A_121 = arith.constant 0 : i32
    %broadcast_in_dim3A_122 = vector.broadcast %broadcast_in_dim3A_121 : i32 to vector<16xi32>
    %broadcast_in_dim3A_123 = arith.constant 7 : i32
    %broadcast_in_dim3A_124 = vector.broadcast %broadcast_in_dim3A_123 : i32 to vector<16xi32>
    %eq3A_125 = arith.cmpf oeq, %get3A_41, %max3A_120 : vector<16xf32>
    %ne3A = arith.cmpi ne, %select_n3A_78, %broadcast_in_dim3A_124 : vector<16xi32>
    %and3A = arith.andi %eq3A_125, %ne3A : vector<16xi1>
    %select_n3A_126 = arith.select %and3A, %broadcast_in_dim3A_124, %broadcast_in_dim3A_122 : vector<16xi1>, vector<16xi32>
    %broadcast_in_dim3A_127 = arith.constant 6 : i32
    %broadcast_in_dim3A_128 = vector.broadcast %broadcast_in_dim3A_127 : i32 to vector<16xi32>
    %eq3A_129 = arith.cmpf oeq, %get3A_36, %max3A_120 : vector<16xf32>
    %ne3A_130 = arith.cmpi ne, %select_n3A_78, %broadcast_in_dim3A_128 : vector<16xi32>
    %and3A_131 = arith.andi %eq3A_129, %ne3A_130 : vector<16xi1>
    %select_n3A_132 = arith.select %and3A_131, %broadcast_in_dim3A_128, %select_n3A_126 : vector<16xi1>, vector<16xi32>
    %broadcast_in_dim3A_133 = arith.constant 5 : i32
    %broadcast_in_dim3A_134 = vector.broadcast %broadcast_in_dim3A_133 : i32 to vector<16xi32>
    %eq3A_135 = arith.cmpf oeq, %get3A_31, %max3A_120 : vector<16xf32>
    %ne3A_136 = arith.cmpi ne, %select_n3A_78, %broadcast_in_dim3A_134 : vector<16xi32>
    %and3A_137 = arith.andi %eq3A_135, %ne3A_136 : vector<16xi1>
    %select_n3A_138 = arith.select %and3A_137, %broadcast_in_dim3A_134, %select_n3A_132 : vector<16xi1>, vector<16xi32>
    %broadcast_in_dim3A_139 = arith.constant 4 : i32
    %broadcast_in_dim3A_140 = vector.broadcast %broadcast_in_dim3A_139 : i32 to vector<16xi32>
    %eq3A_141 = arith.cmpf oeq, %get3A_26, %max3A_120 : vector<16xf32>
    %ne3A_142 = arith.cmpi ne, %select_n3A_78, %broadcast_in_dim3A_140 : vector<16xi32>
    %and3A_143 = arith.andi %eq3A_141, %ne3A_142 : vector<16xi1>
    %select_n3A_144 = arith.select %and3A_143, %broadcast_in_dim3A_140, %select_n3A_138 : vector<16xi1>, vector<16xi32>
    %broadcast_in_dim3A_145 = arith.constant 3 : i32
    %broadcast_in_dim3A_146 = vector.broadcast %broadcast_in_dim3A_145 : i32 to vector<16xi32>
    %eq3A_147 = arith.cmpf oeq, %get3A_21, %max3A_120 : vector<16xf32>
    %ne3A_148 = arith.cmpi ne, %select_n3A_78, %broadcast_in_dim3A_146 : vector<16xi32>
    %and3A_149 = arith.andi %eq3A_147, %ne3A_148 : vector<16xi1>
    %select_n3A_150 = arith.select %and3A_149, %broadcast_in_dim3A_146, %select_n3A_144 : vector<16xi1>, vector<16xi32>
    %broadcast_in_dim3A_151 = arith.constant 2 : i32
    %broadcast_in_dim3A_152 = vector.broadcast %broadcast_in_dim3A_151 : i32 to vector<16xi32>
    %eq3A_153 = arith.cmpf oeq, %get3A_16, %max3A_120 : vector<16xf32>
    %ne3A_154 = arith.cmpi ne, %select_n3A_78, %broadcast_in_dim3A_152 : vector<16xi32>
    %and3A_155 = arith.andi %eq3A_153, %ne3A_154 : vector<16xi1>
    %select_n3A_156 = arith.select %and3A_155, %broadcast_in_dim3A_152, %select_n3A_150 : vector<16xi1>, vector<16xi32>
    %broadcast_in_dim3A_157 = arith.constant 1 : i32
    %broadcast_in_dim3A_158 = vector.broadcast %broadcast_in_dim3A_157 : i32 to vector<16xi32>
    %eq3A_159 = arith.cmpf oeq, %get3A_11, %max3A_120 : vector<16xf32>
    %ne3A_160 = arith.cmpi ne, %select_n3A_78, %broadcast_in_dim3A_158 : vector<16xi32>
    %and3A_161 = arith.andi %eq3A_159, %ne3A_160 : vector<16xi1>
    %select_n3A_162 = arith.select %and3A_161, %broadcast_in_dim3A_158, %select_n3A_156 : vector<16xi1>, vector<16xi32>
    %broadcast_in_dim3A_163 = arith.constant 0 : i32
    %broadcast_in_dim3A_164 = vector.broadcast %broadcast_in_dim3A_163 : i32 to vector<16xi32>
    %eq3A_165 = arith.cmpf oeq, %get3A_6, %max3A_120 : vector<16xf32>
    %ne3A_166 = arith.cmpi ne, %select_n3A_78, %broadcast_in_dim3A_164 : vector<16xi32>
    %and3A_167 = arith.andi %eq3A_165, %ne3A_166 : vector<16xi1>
    %select_n3A_168 = arith.select %and3A_167, %broadcast_in_dim3A_164, %select_n3A_162 : vector<16xi1>, vector<16xi32>
    %broadcast_in_dim3A_169 = arith.constant 1.000000e+00 : f32
    %broadcast_in_dim3A_170 = vector.broadcast %broadcast_in_dim3A_169 : f32 to vector<16xf32>
    %sub3A = arith.subf %max3A_120, %max3A_47 : vector<16xf32>
    %exp3A = math.exp %sub3A : vector<16xf32>
    %add3A_171 = arith.addf %broadcast_in_dim3A_170, %exp3A : vector<16xf32>
    %div3A = arith.divf %broadcast_in_dim3A_170, %add3A_171 : vector<16xf32>
    %sub3A_172 = arith.subf %broadcast_in_dim3A_170, %div3A : vector<16xf32>
    %broadcast_in_dim3A_173 = arith.constant 0.000000e+00 : f32
    %broadcast_in_dim3A_174 = vector.broadcast %broadcast_in_dim3A_173 : f32 to vector<16xf32>
    %broadcast_in_dim3A_175 = arith.constant 0 : i32
    %broadcast_in_dim3A_176 = vector.broadcast %broadcast_in_dim3A_175 : i32 to vector<16xi32>
    %eq3A_177 = arith.cmpi eq, %select_n3A_78, %broadcast_in_dim3A_176 : vector<16xi32>
    %eq3A_178 = arith.cmpi eq, %select_n3A_168, %broadcast_in_dim3A_176 : vector<16xi32>
    %select_n3A_179 = arith.select %eq3A_178, %sub3A_172, %broadcast_in_dim3A_174 : vector<16xi1>, vector<16xf32>
    %select_n3A_180 = arith.select %eq3A_177, %div3A, %select_n3A_179 : vector<16xi1>, vector<16xf32>
    %swap3A = arith.constant 0 : i32
    %swap3A_181 = arith.index_cast %swap3A : i32 to index
    %swap3A_182 = arith.constant 0 : index
    %swap3A_183 = tpu.vector_load %arg5[%swap3A_181, %swap3A_182] {strides = array<i32>} : memref<8x128xf32, #tpu.memory_space<vmem>>, vector<1x16xf32>,
    %swap3A_184 = vector.shape_cast %swap3A_183 : vector<1x16xf32> to vector<16xf32>
    %swap3A_185 = vector.shape_cast %select_n3A_180 : vector<16xf32> to vector<1x16xf32>
    tpu.vector_store %arg5[%swap3A_181, %swap3A_182], %swap3A_185 {strides = array<i32>} : memref<8x128xf32, #tpu.memory_space<vmem>>, vector<1x16xf32>,
    %broadcast_in_dim3A_186 = arith.constant 1 : i32
    %broadcast_in_dim3A_187 = vector.broadcast %broadcast_in_dim3A_186 : i32 to vector<16xi32>
    %eq3A_188 = arith.cmpi eq, %select_n3A_78, %broadcast_in_dim3A_187 : vector<16xi32>
    %eq3A_189 = arith.cmpi eq, %select_n3A_168, %broadcast_in_dim3A_187 : vector<16xi32>
    %select_n3A_190 = arith.select %eq3A_189, %sub3A_172, %broadcast_in_dim3A_174 : vector<16xi1>, vector<16xf32>
    %select_n3A_191 = arith.select %eq3A_188, %div3A, %select_n3A_190 : vector<16xi1>, vector<16xf32>
    %swap3A_192 = arith.constant 1 : i32
    %swap3A_193 = arith.index_cast %swap3A_192 : i32 to index
    %swap3A_194 = arith.constant 0 : index
    %swap3A_195 = tpu.vector_load %arg5[%swap3A_193, %swap3A_194] {strides = array<i32>} : memref<8x128xf32, #tpu.memory_space<vmem>>, vector<1x16xf32>,
    %swap3A_196 = vector.shape_cast %swap3A_195 : vector<1x16xf32> to vector<16xf32>
    %swap3A_197 = vector.shape_cast %select_n3A_191 : vector<16xf32> to vector<1x16xf32>
    tpu.vector_store %arg5[%swap3A_193, %swap3A_194], %swap3A_197 {strides = array<i32>} : memref<8x128xf32, #tpu.memory_space<vmem>>, vector<1x16xf32>,
    %broadcast_in_dim3A_198 = arith.constant 2 : i32
    %broadcast_in_dim3A_199 = vector.broadcast %broadcast_in_dim3A_198 : i32 to vector<16xi32>
    %eq3A_200 = arith.cmpi eq, %select_n3A_78, %broadcast_in_dim3A_199 : vector<16xi32>
    %eq3A_201 = arith.cmpi eq, %select_n3A_168, %broadcast_in_dim3A_199 : vector<16xi32>
    %select_n3A_202 = arith.select %eq3A_201, %sub3A_172, %broadcast_in_dim3A_174 : vector<16xi1>, vector<16xf32>
    %select_n3A_203 = arith.select %eq3A_200, %div3A, %select_n3A_202 : vector<16xi1>, vector<16xf32>
    %swap3A_204 = arith.constant 2 : i32
    %swap3A_205 = arith.index_cast %swap3A_204 : i32 to index
    %swap3A_206 = arith.constant 0 : index
    %swap3A_207 = tpu.vector_load %arg5[%swap3A_205, %swap3A_206] {strides = array<i32>} : memref<8x128xf32, #tpu.memory_space<vmem>>, vector<1x16xf32>,
    %swap3A_208 = vector.shape_cast %swap3A_207 : vector<1x16xf32> to vector<16xf32>
    %swap3A_209 = vector.shape_cast %select_n3A_203 : vector<16xf32> to vector<1x16xf32>
    tpu.vector_store %arg5[%swap3A_205, %swap3A_206], %swap3A_209 {strides = array<i32>} : memref<8x128xf32, #tpu.memory_space<vmem>>, vector<1x16xf32>,
    %broadcast_in_dim3A_210 = arith.constant 3 : i32
    %broadcast_in_dim3A_211 = vector.broadcast %broadcast_in_dim3A_210 : i32 to vector<16xi32>
    %eq3A_212 = arith.cmpi eq, %select_n3A_78, %broadcast_in_dim3A_211 : vector<16xi32>
    %eq3A_213 = arith.cmpi eq, %select_n3A_168, %broadcast_in_dim3A_211 : vector<16xi32>
    %select_n3A_214 = arith.select %eq3A_213, %sub3A_172, %broadcast_in_dim3A_174 : vector<16xi1>, vector<16xf32>
    %select_n3A_215 = arith.select %eq3A_212, %div3A, %select_n3A_214 : vector<16xi1>, vector<16xf32>
    %swap3A_216 = arith.constant 3 : i32
    %swap3A_217 = arith.index_cast %swap3A_216 : i32 to index
    %swap3A_218 = arith.constant 0 : index
    %swap3A_219 = tpu.vector_load %arg5[%swap3A_217, %swap3A_218] {strides = array<i32>} : memref<8x128xf32, #tpu.memory_space<vmem>>, vector<1x16xf32>,
    %swap3A_220 = vector.shape_cast %swap3A_219 : vector<1x16xf32> to vector<16xf32>
    %swap3A_221 = vector.shape_cast %select_n3A_215 : vector<16xf32> to vector<1x16xf32>
    tpu.vector_store %arg5[%swap3A_217, %swap3A_218], %swap3A_221 {strides = array<i32>} : memref<8x128xf32, #tpu.memory_space<vmem>>, vector<1x16xf32>,
    %broadcast_in_dim3A_222 = arith.constant 4 : i32
    %broadcast_in_dim3A_223 = vector.broadcast %broadcast_in_dim3A_222 : i32 to vector<16xi32>
    %eq3A_224 = arith.cmpi eq, %select_n3A_78, %broadcast_in_dim3A_223 : vector<16xi32>
    %eq3A_225 = arith.cmpi eq, %select_n3A_168, %broadcast_in_dim3A_223 : vector<16xi32>
    %select_n3A_226 = arith.select %eq3A_225, %sub3A_172, %broadcast_in_dim3A_174 : vector<16xi1>, vector<16xf32>
    %select_n3A_227 = arith.select %eq3A_224, %div3A, %select_n3A_226 : vector<16xi1>, vector<16xf32>
    %swap3A_228 = arith.constant 4 : i32
    %swap3A_229 = arith.index_cast %swap3A_228 : i32 to index
    %swap3A_230 = arith.constant 0 : index
    %swap3A_231 = tpu.vector_load %arg5[%swap3A_229, %swap3A_230] {strides = array<i32>} : memref<8x128xf32, #tpu.memory_space<vmem>>, vector<1x16xf32>,
    %swap3A_232 = vector.shape_cast %swap3A_231 : vector<1x16xf32> to vector<16xf32>
    %swap3A_233 = vector.shape_cast %select_n3A_227 : vector<16xf32> to vector<1x16xf32>
    tpu.vector_store %arg5[%swap3A_229, %swap3A_230], %swap3A_233 {strides = array<i32>} : memref<8x128xf32, #tpu.memory_space<vmem>>, vector<1x16xf32>,
    %broadcast_in_dim3A_234 = arith.constant 5 : i32
    %broadcast_in_dim3A_235 = vector.broadcast %broadcast_in_dim3A_234 : i32 to vector<16xi32>
    %eq3A_236 = arith.cmpi eq, %select_n3A_78, %broadcast_in_dim3A_235 : vector<16xi32>
    %eq3A_237 = arith.cmpi eq, %select_n3A_168, %broadcast_in_dim3A_235 : vector<16xi32>
    %select_n3A_238 = arith.select %eq3A_237, %sub3A_172, %broadcast_in_dim3A_174 : vector<16xi1>, vector<16xf32>
    %select_n3A_239 = arith.select %eq3A_236, %div3A, %select_n3A_238 : vector<16xi1>, vector<16xf32>
    %swap3A_240 = arith.constant 5 : i32
    %swap3A_241 = arith.index_cast %swap3A_240 : i32 to index
    %swap3A_242 = arith.constant 0 : index
    %swap3A_243 = tpu.vector_load %arg5[%swap3A_241, %swap3A_242] {strides = array<i32>} : memref<8x128xf32, #tpu.memory_space<vmem>>, vector<1x16xf32>,
    %swap3A_244 = vector.shape_cast %swap3A_243 : vector<1x16xf32> to vector<16xf32>
    %swap3A_245 = vector.shape_cast %select_n3A_239 : vector<16xf32> to vector<1x16xf32>
    tpu.vector_store %arg5[%swap3A_241, %swap3A_242], %swap3A_245 {strides = array<i32>} : memref<8x128xf32, #tpu.memory_space<vmem>>, vector<1x16xf32>,
    %broadcast_in_dim3A_246 = arith.constant 6 : i32
    %broadcast_in_dim3A_247 = vector.broadcast %broadcast_in_dim3A_246 : i32 to vector<16xi32>
    %eq3A_248 = arith.cmpi eq, %select_n3A_78, %broadcast_in_dim3A_247 : vector<16xi32>
    %eq3A_249 = arith.cmpi eq, %select_n3A_168, %broadcast_in_dim3A_247 : vector<16xi32>
    %select_n3A_250 = arith.select %eq3A_249, %sub3A_172, %broadcast_in_dim3A_174 : vector<16xi1>, vector<16xf32>
    %select_n3A_251 = arith.select %eq3A_248, %div3A, %select_n3A_250 : vector<16xi1>, vector<16xf32>
    %swap3A_252 = arith.constant 6 : i32
    %swap3A_253 = arith.index_cast %swap3A_252 : i32 to index
    %swap3A_254 = arith.constant 0 : index
    %swap3A_255 = tpu.vector_load %arg5[%swap3A_253, %swap3A_254] {strides = array<i32>} : memref<8x128xf32, #tpu.memory_space<vmem>>, vector<1x16xf32>,
    %swap3A_256 = vector.shape_cast %swap3A_255 : vector<1x16xf32> to vector<16xf32>
    %swap3A_257 = vector.shape_cast %select_n3A_251 : vector<16xf32> to vector<1x16xf32>
    tpu.vector_store %arg5[%swap3A_253, %swap3A_254], %swap3A_257 {strides = array<i32>} : memref<8x128xf32, #tpu.memory_space<vmem>>, vector<1x16xf32>,
    %broadcast_in_dim3A_258 = arith.constant 7 : i32
    %broadcast_in_dim3A_259 = vector.broadcast %broadcast_in_dim3A_258 : i32 to vector<16xi32>
    %eq3A_260 = arith.cmpi eq, %select_n3A_78, %broadcast_in_dim3A_259 : vector<16xi32>
    %eq3A_261 = arith.cmpi eq, %select_n3A_168, %broadcast_in_dim3A_259 : vector<16xi32>
    %select_n3A_262 = arith.select %eq3A_261, %sub3A_172, %broadcast_in_dim3A_174 : vector<16xi1>, vector<16xf32>
    %select_n3A_263 = arith.select %eq3A_260, %div3A, %select_n3A_262 : vector<16xi1>, vector<16xf32>
    %swap3A_264 = arith.constant 7 : i32
    %swap3A_265 = arith.index_cast %swap3A_264 : i32 to index
    %swap3A_266 = arith.constant 0 : index
    %swap3A_267 = tpu.vector_load %arg5[%swap3A_265, %swap3A_266] {strides = array<i32>} : memref<8x128xf32, #tpu.memory_space<vmem>>, vector<1x16xf32>,
    %swap3A_268 = vector.shape_cast %swap3A_267 : vector<1x16xf32> to vector<16xf32>
    %swap3A_269 = vector.shape_cast %select_n3A_263 : vector<16xf32> to vector<1x16xf32>
    tpu.vector_store %arg5[%swap3A_265, %swap3A_266], %swap3A_269 {strides = array<i32>} : memref<8x128xf32, #tpu.memory_space<vmem>>, vector<1x16xf32>,
    %get3A_270 = arith.constant 0 : i32
    %get3A_271 = arith.index_cast %get3A_270 : i32 to index
    %get3A_272 = arith.constant 16 : index
    %get3A_273 = tpu.vector_load %arg4[%get3A_271, %get3A_272] {strides = array<i32>} : memref<8x128xf32, #tpu.memory_space<vmem>>, vector<1x16xf32>,
    %get3A_274 = vector.shape_cast %get3A_273 : vector<1x16xf32> to vector<16xf32>
    %get3A_275 = arith.constant 1 : i32
    %get3A_276 = arith.index_cast %get3A_275 : i32 to index
    %get3A_277 = arith.constant 16 : index
    %get3A_278 = tpu.vector_load %arg4[%get3A_276, %get3A_277] {strides = array<i32>} : memref<8x128xf32, #tpu.memory_space<vmem>>, vector<1x16xf32>,
    %get3A_279 = vector.shape_cast %get3A_278 : vector<1x16xf32> to vector<16xf32>
    %get3A_280 = arith.constant 2 : i32
    %get3A_281 = arith.index_cast %get3A_280 : i32 to index
    %get3A_282 = arith.constant 16 : index
    %get3A_283 = tpu.vector_load %arg4[%get3A_281, %get3A_282] {strides = array<i32>} : memref<8x128xf32, #tpu.memory_space<vmem>>, vector<1x16xf32>,
    %get3A_284 = vector.shape_cast %get3A_283 : vector<1x16xf32> to vector<16xf32>
    %get3A_285 = arith.constant 3 : i32
    %get3A_286 = arith.index_cast %get3A_285 : i32 to index
    %get3A_287 = arith.constant 16 : index
    %get3A_288 = tpu.vector_load %arg4[%get3A_286, %get3A_287] {strides = array<i32>} : memref<8x128xf32, #tpu.memory_space<vmem>>, vector<1x16xf32>,
    %get3A_289 = vector.shape_cast %get3A_288 : vector<1x16xf32> to vector<16xf32>
    %get3A_290 = arith.constant 4 : i32
    %get3A_291 = arith.index_cast %get3A_290 : i32 to index
    %get3A_292 = arith.constant 16 : index
    %get3A_293 = tpu.vector_load %arg4[%get3A_291, %get3A_292] {strides = array<i32>} : memref<8x128xf32, #tpu.memory_space<vmem>>, vector<1x16xf32>,
    %get3A_294 = vector.shape_cast %get3A_293 : vector<1x16xf32> to vector<16xf32>
    %get3A_295 = arith.constant 5 : i32
    %get3A_296 = arith.index_cast %get3A_295 : i32 to index
    %get3A_297 = arith.constant 16 : index
    %get3A_298 = tpu.vector_load %arg4[%get3A_296, %get3A_297] {strides = array<i32>} : memref<8x128xf32, #tpu.memory_space<vmem>>, vector<1x16xf32>,
    %get3A_299 = vector.shape_cast %get3A_298 : vector<1x16xf32> to vector<16xf32>
    %get3A_300 = arith.constant 6 : i32
    %get3A_301 = arith.index_cast %get3A_300 : i32 to index
    %get3A_302 = arith.constant 16 : index
    %get3A_303 = tpu.vector_load %arg4[%get3A_301, %get3A_302] {strides = array<i32>} : memref<8x128xf32, #tpu.memory_space<vmem>>, vector<1x16xf32>,
    %get3A_304 = vector.shape_cast %get3A_303 : vector<1x16xf32> to vector<16xf32>
    %get3A_305 = arith.constant 7 : i32
    %get3A_306 = arith.index_cast %get3A_305 : i32 to index
    %get3A_307 = arith.constant 16 : index
    %get3A_308 = tpu.vector_load %arg4[%get3A_306, %get3A_307] {strides = array<i32>} : memref<8x128xf32, #tpu.memory_space<vmem>>, vector<1x16xf32>,
    %get3A_309 = vector.shape_cast %get3A_308 : vector<1x16xf32> to vector<16xf32>
    %max3A_310 = arith.maximumf %get3A_274, %get3A_279 : vector<16xf32>
    %max3A_311 = arith.maximumf %max3A_310, %get3A_284 : vector<16xf32>
    %max3A_312 = arith.maximumf %max3A_311, %get3A_289 : vector<16xf32>
    %max3A_313 = arith.maximumf %max3A_312, %get3A_294 : vector<16xf32>
    %max3A_314 = arith.maximumf %max3A_313, %get3A_299 : vector<16xf32>
    %max3A_315 = arith.maximumf %max3A_314, %get3A_304 : vector<16xf32>
    %max3A_316 = arith.maximumf %max3A_315, %get3A_309 : vector<16xf32>
    %broadcast_in_dim3A_317 = arith.constant 0 : i32
    %broadcast_in_dim3A_318 = vector.broadcast %broadcast_in_dim3A_317 : i32 to vector<16xi32>
    %broadcast_in_dim3A_319 = arith.constant 7 : i32
    %broadcast_in_dim3A_320 = vector.broadcast %broadcast_in_dim3A_319 : i32 to vector<16xi32>
    %eq3A_321 = arith.cmpf oeq, %get3A_309, %max3A_316 : vector<16xf32>
    %select_n3A_322 = arith.select %eq3A_321, %broadcast_in_dim3A_320, %broadcast_in_dim3A_318 : vector<16xi1>, vector<16xi32>
    %broadcast_in_dim3A_323 = arith.constant 6 : i32
    %broadcast_in_dim3A_324 = vector.broadcast %broadcast_in_dim3A_323 : i32 to vector<16xi32>
    %eq3A_325 = arith.cmpf oeq, %get3A_304, %max3A_316 : vector<16xf32>
    %select_n3A_326 = arith.select %eq3A_325, %broadcast_in_dim3A_324, %select_n3A_322 : vector<16xi1>, vector<16xi32>
    %broadcast_in_dim3A_327 = arith.constant 5 : i32
    %broadcast_in_dim3A_328 = vector.broadcast %broadcast_in_dim3A_327 : i32 to vector<16xi32>
    %eq3A_329 = arith.cmpf oeq, %get3A_299, %max3A_316 : vector<16xf32>
    %select_n3A_330 = arith.select %eq3A_329, %broadcast_in_dim3A_328, %select_n3A_326 : vector<16xi1>, vector<16xi32>
    %broadcast_in_dim3A_331 = arith.constant 4 : i32
    %broadcast_in_dim3A_332 = vector.broadcast %broadcast_in_dim3A_331 : i32 to vector<16xi32>
    %eq3A_333 = arith.cmpf oeq, %get3A_294, %max3A_316 : vector<16xf32>
    %select_n3A_334 = arith.select %eq3A_333, %broadcast_in_dim3A_332, %select_n3A_330 : vector<16xi1>, vector<16xi32>
    %broadcast_in_dim3A_335 = arith.constant 3 : i32
    %broadcast_in_dim3A_336 = vector.broadcast %broadcast_in_dim3A_335 : i32 to vector<16xi32>
    %eq3A_337 = arith.cmpf oeq, %get3A_289, %max3A_316 : vector<16xf32>
    %select_n3A_338 = arith.select %eq3A_337, %broadcast_in_dim3A_336, %select_n3A_334 : vector<16xi1>, vector<16xi32>
    %broadcast_in_dim3A_339 = arith.constant 2 : i32
    %broadcast_in_dim3A_340 = vector.broadcast %broadcast_in_dim3A_339 : i32 to vector<16xi32>
    %eq3A_341 = arith.cmpf oeq, %get3A_284, %max3A_316 : vector<16xf32>
    %select_n3A_342 = arith.select %eq3A_341, %broadcast_in_dim3A_340, %select_n3A_338 : vector<16xi1>, vector<16xi32>
    %broadcast_in_dim3A_343 = arith.constant 1 : i32
    %broadcast_in_dim3A_344 = vector.broadcast %broadcast_in_dim3A_343 : i32 to vector<16xi32>
    %eq3A_345 = arith.cmpf oeq, %get3A_279, %max3A_316 : vector<16xf32>
    %select_n3A_346 = arith.select %eq3A_345, %broadcast_in_dim3A_344, %select_n3A_342 : vector<16xi1>, vector<16xi32>
    %broadcast_in_dim3A_347 = arith.constant 0 : i32
    %broadcast_in_dim3A_348 = vector.broadcast %broadcast_in_dim3A_347 : i32 to vector<16xi32>
    %eq3A_349 = arith.cmpf oeq, %get3A_274, %max3A_316 : vector<16xf32>
    %select_n3A_350 = arith.select %eq3A_349, %broadcast_in_dim3A_348, %select_n3A_346 : vector<16xi1>, vector<16xi32>
    %broadcast_in_dim3A_351 = arith.constant -3.000000e+38 : f32
    %broadcast_in_dim3A_352 = vector.broadcast %broadcast_in_dim3A_351 : f32 to vector<16xf32>
    %broadcast_in_dim3A_353 = arith.constant 0 : i32
    %broadcast_in_dim3A_354 = vector.broadcast %broadcast_in_dim3A_353 : i32 to vector<16xi32>
    %eq3A_355 = arith.cmpi eq, %select_n3A_350, %broadcast_in_dim3A_354 : vector<16xi32>
    %select_n3A_356 = arith.select %eq3A_355, %broadcast_in_dim3A_352, %get3A_274 : vector<16xi1>, vector<16xf32>
    %max3A_357 = arith.maximumf %broadcast_in_dim3A_352, %select_n3A_356 : vector<16xf32>
    %broadcast_in_dim3A_358 = arith.constant 1 : i32
    %broadcast_in_dim3A_359 = vector.broadcast %broadcast_in_dim3A_358 : i32 to vector<16xi32>
    %eq3A_360 = arith.cmpi eq, %select_n3A_350, %broadcast_in_dim3A_359 : vector<16xi32>
    %select_n3A_361 = arith.select %eq3A_360, %broadcast_in_dim3A_352, %get3A_279 : vector<16xi1>, vector<16xf32>
    %max3A_362 = arith.maximumf %max3A_357, %select_n3A_361 : vector<16xf32>
    %broadcast_in_dim3A_363 = arith.constant 2 : i32
    %broadcast_in_dim3A_364 = vector.broadcast %broadcast_in_dim3A_363 : i32 to vector<16xi32>
    %eq3A_365 = arith.cmpi eq, %select_n3A_350, %broadcast_in_dim3A_364 : vector<16xi32>
    %select_n3A_366 = arith.select %eq3A_365, %broadcast_in_dim3A_352, %get3A_284 : vector<16xi1>, vector<16xf32>
    %max3A_367 = arith.maximumf %max3A_362, %select_n3A_366 : vector<16xf32>
    %broadcast_in_dim3A_368 = arith.constant 3 : i32
    %broadcast_in_dim3A_369 = vector.broadcast %broadcast_in_dim3A_368 : i32 to vector<16xi32>
    %eq3A_370 = arith.cmpi eq, %select_n3A_350, %broadcast_in_dim3A_369 : vector<16xi32>
    %select_n3A_371 = arith.select %eq3A_370, %broadcast_in_dim3A_352, %get3A_289 : vector<16xi1>, vector<16xf32>
    %max3A_372 = arith.maximumf %max3A_367, %select_n3A_371 : vector<16xf32>
    %broadcast_in_dim3A_373 = arith.constant 4 : i32
    %broadcast_in_dim3A_374 = vector.broadcast %broadcast_in_dim3A_373 : i32 to vector<16xi32>
    %eq3A_375 = arith.cmpi eq, %select_n3A_350, %broadcast_in_dim3A_374 : vector<16xi32>
    %select_n3A_376 = arith.select %eq3A_375, %broadcast_in_dim3A_352, %get3A_294 : vector<16xi1>, vector<16xf32>
    %max3A_377 = arith.maximumf %max3A_372, %select_n3A_376 : vector<16xf32>
    %broadcast_in_dim3A_378 = arith.constant 5 : i32
    %broadcast_in_dim3A_379 = vector.broadcast %broadcast_in_dim3A_378 : i32 to vector<16xi32>
    %eq3A_380 = arith.cmpi eq, %select_n3A_350, %broadcast_in_dim3A_379 : vector<16xi32>
    %select_n3A_381 = arith.select %eq3A_380, %broadcast_in_dim3A_352, %get3A_299 : vector<16xi1>, vector<16xf32>
    %max3A_382 = arith.maximumf %max3A_377, %select_n3A_381 : vector<16xf32>
    %broadcast_in_dim3A_383 = arith.constant 6 : i32
    %broadcast_in_dim3A_384 = vector.broadcast %broadcast_in_dim3A_383 : i32 to vector<16xi32>
    %eq3A_385 = arith.cmpi eq, %select_n3A_350, %broadcast_in_dim3A_384 : vector<16xi32>
    %select_n3A_386 = arith.select %eq3A_385, %broadcast_in_dim3A_352, %get3A_304 : vector<16xi1>, vector<16xf32>
    %max3A_387 = arith.maximumf %max3A_382, %select_n3A_386 : vector<16xf32>
    %broadcast_in_dim3A_388 = arith.constant 7 : i32
    %broadcast_in_dim3A_389 = vector.broadcast %broadcast_in_dim3A_388 : i32 to vector<16xi32>
    %eq3A_390 = arith.cmpi eq, %select_n3A_350, %broadcast_in_dim3A_389 : vector<16xi32>
    %select_n3A_391 = arith.select %eq3A_390, %broadcast_in_dim3A_352, %get3A_309 : vector<16xi1>, vector<16xf32>
    %max3A_392 = arith.maximumf %max3A_387, %select_n3A_391 : vector<16xf32>
    %broadcast_in_dim3A_393 = arith.constant 0 : i32
    %broadcast_in_dim3A_394 = vector.broadcast %broadcast_in_dim3A_393 : i32 to vector<16xi32>
    %broadcast_in_dim3A_395 = arith.constant 7 : i32
    %broadcast_in_dim3A_396 = vector.broadcast %broadcast_in_dim3A_395 : i32 to vector<16xi32>
    %eq3A_397 = arith.cmpf oeq, %get3A_309, %max3A_392 : vector<16xf32>
    %ne3A_398 = arith.cmpi ne, %select_n3A_350, %broadcast_in_dim3A_396 : vector<16xi32>
    %and3A_399 = arith.andi %eq3A_397, %ne3A_398 : vector<16xi1>
    %select_n3A_400 = arith.select %and3A_399, %broadcast_in_dim3A_396, %broadcast_in_dim3A_394 : vector<16xi1>, vector<16xi32>
    %broadcast_in_dim3A_401 = arith.constant 6 : i32
    %broadcast_in_dim3A_402 = vector.broadcast %broadcast_in_dim3A_401 : i32 to vector<16xi32>
    %eq3A_403 = arith.cmpf oeq, %get3A_304, %max3A_392 : vector<16xf32>
    %ne3A_404 = arith.cmpi ne, %select_n3A_350, %broadcast_in_dim3A_402 : vector<16xi32>
    %and3A_405 = arith.andi %eq3A_403, %ne3A_404 : vector<16xi1>
    %select_n3A_406 = arith.select %and3A_405, %broadcast_in_dim3A_402, %select_n3A_400 : vector<16xi1>, vector<16xi32>
    %broadcast_in_dim3A_407 = arith.constant 5 : i32
    %broadcast_in_dim3A_408 = vector.broadcast %broadcast_in_dim3A_407 : i32 to vector<16xi32>
    %eq3A_409 = arith.cmpf oeq, %get3A_299, %max3A_392 : vector<16xf32>
    %ne3A_410 = arith.cmpi ne, %select_n3A_350, %broadcast_in_dim3A_408 : vector<16xi32>
    %and3A_411 = arith.andi %eq3A_409, %ne3A_410 : vector<16xi1>
    %select_n3A_412 = arith.select %and3A_411, %broadcast_in_dim3A_408, %select_n3A_406 : vector<16xi1>, vector<16xi32>
    %broadcast_in_dim3A_413 = arith.constant 4 : i32
    %broadcast_in_dim3A_414 = vector.broadcast %broadcast_in_dim3A_413 : i32 to vector<16xi32>
    %eq3A_415 = arith.cmpf oeq, %get3A_294, %max3A_392 : vector<16xf32>
    %ne3A_416 = arith.cmpi ne, %select_n3A_350, %broadcast_in_dim3A_414 : vector<16xi32>
    %and3A_417 = arith.andi %eq3A_415, %ne3A_416 : vector<16xi1>
    %select_n3A_418 = arith.select %and3A_417, %broadcast_in_dim3A_414, %select_n3A_412 : vector<16xi1>, vector<16xi32>
    %broadcast_in_dim3A_419 = arith.constant 3 : i32
    %broadcast_in_dim3A_420 = vector.broadcast %broadcast_in_dim3A_419 : i32 to vector<16xi32>
    %eq3A_421 = arith.cmpf oeq, %get3A_289, %max3A_392 : vector<16xf32>
    %ne3A_422 = arith.cmpi ne, %select_n3A_350, %broadcast_in_dim3A_420 : vector<16xi32>
    %and3A_423 = arith.andi %eq3A_421, %ne3A_422 : vector<16xi1>
    %select_n3A_424 = arith.select %and3A_423, %broadcast_in_dim3A_420, %select_n3A_418 : vector<16xi1>, vector<16xi32>
    %broadcast_in_dim3A_425 = arith.constant 2 : i32
    %broadcast_in_dim3A_426 = vector.broadcast %broadcast_in_dim3A_425 : i32 to vector<16xi32>
    %eq3A_427 = arith.cmpf oeq, %get3A_284, %max3A_392 : vector<16xf32>
    %ne3A_428 = arith.cmpi ne, %select_n3A_350, %broadcast_in_dim3A_426 : vector<16xi32>
    %and3A_429 = arith.andi %eq3A_427, %ne3A_428 : vector<16xi1>
    %select_n3A_430 = arith.select %and3A_429, %broadcast_in_dim3A_426, %select_n3A_424 : vector<16xi1>, vector<16xi32>
    %broadcast_in_dim3A_431 = arith.constant 1 : i32
    %broadcast_in_dim3A_432 = vector.broadcast %broadcast_in_dim3A_431 : i32 to vector<16xi32>
    %eq3A_433 = arith.cmpf oeq, %get3A_279, %max3A_392 : vector<16xf32>
    %ne3A_434 = arith.cmpi ne, %select_n3A_350, %broadcast_in_dim3A_432 : vector<16xi32>
    %and3A_435 = arith.andi %eq3A_433, %ne3A_434 : vector<16xi1>
    %select_n3A_436 = arith.select %and3A_435, %broadcast_in_dim3A_432, %select_n3A_430 : vector<16xi1>, vector<16xi32>
    %broadcast_in_dim3A_437 = arith.constant 0 : i32
    %broadcast_in_dim3A_438 = vector.broadcast %broadcast_in_dim3A_437 : i32 to vector<16xi32>
    %eq3A_439 = arith.cmpf oeq, %get3A_274, %max3A_392 : vector<16xf32>
    %ne3A_440 = arith.cmpi ne, %select_n3A_350, %broadcast_in_dim3A_438 : vector<16xi32>
    %and3A_441 = arith.andi %eq3A_439, %ne3A_440 : vector<16xi1>
    %select_n3A_442 = arith.select %and3A_441, %broadcast_in_dim3A_438, %select_n3A_436 : vector<16xi1>, vector<16xi32>
    %broadcast_in_dim3A_443 = arith.constant 1.000000e+00 : f32
    %broadcast_in_dim3A_444 = vector.broadcast %broadcast_in_dim3A_443 : f32 to vector<16xf32>
    %sub3A_445 = arith.subf %max3A_392, %max3A_316 : vector<16xf32>
    %exp3A_446 = math.exp %sub3A_445 : vector<16xf32>
    %add3A_447 = arith.addf %broadcast_in_dim3A_444, %exp3A_446 : vector<16xf32>
    %div3A_448 = arith.divf %broadcast_in_dim3A_444, %add3A_447 : vector<16xf32>
    %sub3A_449 = arith.subf %broadcast_in_dim3A_444, %div3A_448 : vector<16xf32>
    %broadcast_in_dim3A_450 = arith.constant 0.000000e+00 : f32
    %broadcast_in_dim3A_451 = vector.broadcast %broadcast_in_dim3A_450 : f32 to vector<16xf32>
    %broadcast_in_dim3A_452 = arith.constant 0 : i32
    %broadcast_in_dim3A_453 = vector.broadcast %broadcast_in_dim3A_452 : i32 to vector<16xi32>
    %eq3A_454 = arith.cmpi eq, %select_n3A_350, %broadcast_in_dim3A_453 : vector<16xi32>
    %eq3A_455 = arith.cmpi eq, %select_n3A_442, %broadcast_in_dim3A_453 : vector<16xi32>
    %select_n3A_456 = arith.select %eq3A_455, %sub3A_449, %broadcast_in_dim3A_451 : vector<16xi1>, vector<16xf32>
    %select_n3A_457 = arith.select %eq3A_454, %div3A_448, %select_n3A_456 : vector<16xi1>, vector<16xf32>
    %swap3A_458 = arith.constant 0 : i32
    %swap3A_459 = arith.index_cast %swap3A_458 : i32 to index
    %swap3A_460 = arith.constant 16 : index
    %swap3A_461 = tpu.vector_load %arg5[%swap3A_459, %swap3A_460] {strides = array<i32>} : memref<8x128xf32, #tpu.memory_space<vmem>>, vector<1x16xf32>,
    %swap3A_462 = vector.shape_cast %swap3A_461 : vector<1x16xf32> to vector<16xf32>
    %swap3A_463 = vector.shape_cast %select_n3A_457 : vector<16xf32> to vector<1x16xf32>
    tpu.vector_store %arg5[%swap3A_459, %swap3A_460], %swap3A_463 {strides = array<i32>} : memref<8x128xf32, #tpu.memory_space<vmem>>, vector<1x16xf32>,
    %broadcast_in_dim3A_464 = arith.constant 1 : i32
    %broadcast_in_dim3A_465 = vector.broadcast %broadcast_in_dim3A_464 : i32 to vector<16xi32>
    %eq3A_466 = arith.cmpi eq, %select_n3A_350, %broadcast_in_dim3A_465 : vector<16xi32>
    %eq3A_467 = arith.cmpi eq, %select_n3A_442, %broadcast_in_dim3A_465 : vector<16xi32>
    %select_n3A_468 = arith.select %eq3A_467, %sub3A_449, %broadcast_in_dim3A_451 : vector<16xi1>, vector<16xf32>
    %select_n3A_469 = arith.select %eq3A_466, %div3A_448, %select_n3A_468 : vector<16xi1>, vector<16xf32>
    %swap3A_470 = arith.constant 1 : i32
    %swap3A_471 = arith.index_cast %swap3A_470 : i32 to index
    %swap3A_472 = arith.constant 16 : index
    %swap3A_473 = tpu.vector_load %arg5[%swap3A_471, %swap3A_472] {strides = array<i32>} : memref<8x128xf32, #tpu.memory_space<vmem>>, vector<1x16xf32>,
    %swap3A_474 = vector.shape_cast %swap3A_473 : vector<1x16xf32> to vector<16xf32>
    %swap3A_475 = vector.shape_cast %select_n3A_469 : vector<16xf32> to vector<1x16xf32>
    tpu.vector_store %arg5[%swap3A_471, %swap3A_472], %swap3A_475 {strides = array<i32>} : memref<8x128xf32, #tpu.memory_space<vmem>>, vector<1x16xf32>,
    %broadcast_in_dim3A_476 = arith.constant 2 : i32
    %broadcast_in_dim3A_477 = vector.broadcast %broadcast_in_dim3A_476 : i32 to vector<16xi32>
    %eq3A_478 = arith.cmpi eq, %select_n3A_350, %broadcast_in_dim3A_477 : vector<16xi32>
    %eq3A_479 = arith.cmpi eq, %select_n3A_442, %broadcast_in_dim3A_477 : vector<16xi32>
    %select_n3A_480 = arith.select %eq3A_479, %sub3A_449, %broadcast_in_dim3A_451 : vector<16xi1>, vector<16xf32>
    %select_n3A_481 = arith.select %eq3A_478, %div3A_448, %select_n3A_480 : vector<16xi1>, vector<16xf32>
    %swap3A_482 = arith.constant 2 : i32
    %swap3A_483 = arith.index_cast %swap3A_482 : i32 to index
    %swap3A_484 = arith.constant 16 : index
    %swap3A_485 = tpu.vector_load %arg5[%swap3A_483, %swap3A_484] {strides = array<i32>} : memref<8x128xf32, #tpu.memory_space<vmem>>, vector<1x16xf32>,
    %swap3A_486 = vector.shape_cast %swap3A_485 : vector<1x16xf32> to vector<16xf32>
    %swap3A_487 = vector.shape_cast %select_n3A_481 : vector<16xf32> to vector<1x16xf32>
    tpu.vector_store %arg5[%swap3A_483, %swap3A_484], %swap3A_487 {strides = array<i32>} : memref<8x128xf32, #tpu.memory_space<vmem>>, vector<1x16xf32>,
    %broadcast_in_dim3A_488 = arith.constant 3 : i32
    %broadcast_in_dim3A_489 = vector.broadcast %broadcast_in_dim3A_488 : i32 to vector<16xi32>
    %eq3A_490 = arith.cmpi eq, %select_n3A_350, %broadcast_in_dim3A_489 : vector<16xi32>
    %eq3A_491 = arith.cmpi eq, %select_n3A_442, %broadcast_in_dim3A_489 : vector<16xi32>
    %select_n3A_492 = arith.select %eq3A_491, %sub3A_449, %broadcast_in_dim3A_451 : vector<16xi1>, vector<16xf32>
    %select_n3A_493 = arith.select %eq3A_490, %div3A_448, %select_n3A_492 : vector<16xi1>, vector<16xf32>
    %swap3A_494 = arith.constant 3 : i32
    %swap3A_495 = arith.index_cast %swap3A_494 : i32 to index
    %swap3A_496 = arith.constant 16 : index
    %swap3A_497 = tpu.vector_load %arg5[%swap3A_495, %swap3A_496] {strides = array<i32>} : memref<8x128xf32, #tpu.memory_space<vmem>>, vector<1x16xf32>,
    %swap3A_498 = vector.shape_cast %swap3A_497 : vector<1x16xf32> to vector<16xf32>
    %swap3A_499 = vector.shape_cast %select_n3A_493 : vector<16xf32> to vector<1x16xf32>
    tpu.vector_store %arg5[%swap3A_495, %swap3A_496], %swap3A_499 {strides = array<i32>} : memref<8x128xf32, #tpu.memory_space<vmem>>, vector<1x16xf32>,
    %broadcast_in_dim3A_500 = arith.constant 4 : i32
    %broadcast_in_dim3A_501 = vector.broadcast %broadcast_in_dim3A_500 : i32 to vector<16xi32>
    %eq3A_502 = arith.cmpi eq, %select_n3A_350, %broadcast_in_dim3A_501 : vector<16xi32>
    %eq3A_503 = arith.cmpi eq, %select_n3A_442, %broadcast_in_dim3A_501 : vector<16xi32>
    %select_n3A_504 = arith.select %eq3A_503, %sub3A_449, %broadcast_in_dim3A_451 : vector<16xi1>, vector<16xf32>
    %select_n3A_505 = arith.select %eq3A_502, %div3A_448, %select_n3A_504 : vector<16xi1>, vector<16xf32>
    %swap3A_506 = arith.constant 4 : i32
    %swap3A_507 = arith.index_cast %swap3A_506 : i32 to index
    %swap3A_508 = arith.constant 16 : index
    %swap3A_509 = tpu.vector_load %arg5[%swap3A_507, %swap3A_508] {strides = array<i32>} : memref<8x128xf32, #tpu.memory_space<vmem>>, vector<1x16xf32>,
    %swap3A_510 = vector.shape_cast %swap3A_509 : vector<1x16xf32> to vector<16xf32>
    %swap3A_511 = vector.shape_cast %select_n3A_505 : vector<16xf32> to vector<1x16xf32>
    tpu.vector_store %arg5[%swap3A_507, %swap3A_508], %swap3A_511 {strides = array<i32>} : memref<8x128xf32, #tpu.memory_space<vmem>>, vector<1x16xf32>,
    %broadcast_in_dim3A_512 = arith.constant 5 : i32
    %broadcast_in_dim3A_513 = vector.broadcast %broadcast_in_dim3A_512 : i32 to vector<16xi32>
    %eq3A_514 = arith.cmpi eq, %select_n3A_350, %broadcast_in_dim3A_513 : vector<16xi32>
    %eq3A_515 = arith.cmpi eq, %select_n3A_442, %broadcast_in_dim3A_513 : vector<16xi32>
    %select_n3A_516 = arith.select %eq3A_515, %sub3A_449, %broadcast_in_dim3A_451 : vector<16xi1>, vector<16xf32>
    %select_n3A_517 = arith.select %eq3A_514, %div3A_448, %select_n3A_516 : vector<16xi1>, vector<16xf32>
    %swap3A_518 = arith.constant 5 : i32
    %swap3A_519 = arith.index_cast %swap3A_518 : i32 to index
    %swap3A_520 = arith.constant 16 : index
    %swap3A_521 = tpu.vector_load %arg5[%swap3A_519, %swap3A_520] {strides = array<i32>} : memref<8x128xf32, #tpu.memory_space<vmem>>, vector<1x16xf32>,
    %swap3A_522 = vector.shape_cast %swap3A_521 : vector<1x16xf32> to vector<16xf32>
    %swap3A_523 = vector.shape_cast %select_n3A_517 : vector<16xf32> to vector<1x16xf32>
    tpu.vector_store %arg5[%swap3A_519, %swap3A_520], %swap3A_523 {strides = array<i32>} : memref<8x128xf32, #tpu.memory_space<vmem>>, vector<1x16xf32>,
    %broadcast_in_dim3A_524 = arith.constant 6 : i32
    %broadcast_in_dim3A_525 = vector.broadcast %broadcast_in_dim3A_524 : i32 to vector<16xi32>
    %eq3A_526 = arith.cmpi eq, %select_n3A_350, %broadcast_in_dim3A_525 : vector<16xi32>
    %eq3A_527 = arith.cmpi eq, %select_n3A_442, %broadcast_in_dim3A_525 : vector<16xi32>
    %select_n3A_528 = arith.select %eq3A_527, %sub3A_449, %broadcast_in_dim3A_451 : vector<16xi1>, vector<16xf32>
    %select_n3A_529 = arith.select %eq3A_526, %div3A_448, %select_n3A_528 : vector<16xi1>, vector<16xf32>
    %swap3A_530 = arith.constant 6 : i32
    %swap3A_531 = arith.index_cast %swap3A_530 : i32 to index
    %swap3A_532 = arith.constant 16 : index
    %swap3A_533 = tpu.vector_load %arg5[%swap3A_531, %swap3A_532] {strides = array<i32>} : memref<8x128xf32, #tpu.memory_space<vmem>>, vector<1x16xf32>,
    %swap3A_534 = vector.shape_cast %swap3A_533 : vector<1x16xf32> to vector<16xf32>
    %swap3A_535 = vector.shape_cast %select_n3A_529 : vector<16xf32> to vector<1x16xf32>
    tpu.vector_store %arg5[%swap3A_531, %swap3A_532], %swap3A_535 {strides = array<i32>} : memref<8x128xf32, #tpu.memory_space<vmem>>, vector<1x16xf32>,
    %broadcast_in_dim3A_536 = arith.constant 7 : i32
    %broadcast_in_dim3A_537 = vector.broadcast %broadcast_in_dim3A_536 : i32 to vector<16xi32>
    %eq3A_538 = arith.cmpi eq, %select_n3A_350, %broadcast_in_dim3A_537 : vector<16xi32>
    %eq3A_539 = arith.cmpi eq, %select_n3A_442, %broadcast_in_dim3A_537 : vector<16xi32>
    %select_n3A_540 = arith.select %eq3A_539, %sub3A_449, %broadcast_in_dim3A_451 : vector<16xi1>, vector<16xf32>
    %select_n3A_541 = arith.select %eq3A_538, %div3A_448, %select_n3A_540 : vector<16xi1>, vector<16xf32>
    %swap3A_542 = arith.constant 7 : i32
    %swap3A_543 = arith.index_cast %swap3A_542 : i32 to index
    %swap3A_544 = arith.constant 16 : index
    %swap3A_545 = tpu.vector_load %arg5[%swap3A_543, %swap3A_544] {strides = array<i32>} : memref<8x128xf32, #tpu.memory_space<vmem>>, vector<1x16xf32>,
    %swap3A_546 = vector.shape_cast %swap3A_545 : vector<1x16xf32> to vector<16xf32>
    %swap3A_547 = vector.shape_cast %select_n3A_541 : vector<16xf32> to vector<1x16xf32>
    tpu.vector_store %arg5[%swap3A_543, %swap3A_544], %swap3A_547 {strides = array<i32>} : memref<8x128xf32, #tpu.memory_space<vmem>>, vector<1x16xf32>,
    %get3A_548 = arith.constant 0 : i32
    %get3A_549 = arith.index_cast %get3A_548 : i32 to index
    %get3A_550 = arith.constant 32 : index
    %get3A_551 = tpu.vector_load %arg4[%get3A_549, %get3A_550] {strides = array<i32>} : memref<8x128xf32, #tpu.memory_space<vmem>>, vector<1x16xf32>,
    %get3A_552 = vector.shape_cast %get3A_551 : vector<1x16xf32> to vector<16xf32>
    %get3A_553 = arith.constant 1 : i32
    %get3A_554 = arith.index_cast %get3A_553 : i32 to index
    %get3A_555 = arith.constant 32 : index
    %get3A_556 = tpu.vector_load %arg4[%get3A_554, %get3A_555] {strides = array<i32>} : memref<8x128xf32, #tpu.memory_space<vmem>>, vector<1x16xf32>,
    %get3A_557 = vector.shape_cast %get3A_556 : vector<1x16xf32> to vector<16xf32>
    %get3A_558 = arith.constant 2 : i32
    %get3A_559 = arith.index_cast %get3A_558 : i32 to index
    %get3A_560 = arith.constant 32 : index
    %get3A_561 = tpu.vector_load %arg4[%get3A_559, %get3A_560] {strides = array<i32>} : memref<8x128xf32, #tpu.memory_space<vmem>>, vector<1x16xf32>,
    %get3A_562 = vector.shape_cast %get3A_561 : vector<1x16xf32> to vector<16xf32>
    %get3A_563 = arith.constant 3 : i32
    %get3A_564 = arith.index_cast %get3A_563 : i32 to index
    %get3A_565 = arith.constant 32 : index
    %get3A_566 = tpu.vector_load %arg4[%get3A_564, %get3A_565] {strides = array<i32>} : memref<8x128xf32, #tpu.memory_space<vmem>>, vector<1x16xf32>,
    %get3A_567 = vector.shape_cast %get3A_566 : vector<1x16xf32> to vector<16xf32>
    %get3A_568 = arith.constant 4 : i32
    %get3A_569 = arith.index_cast %get3A_568 : i32 to index
    %get3A_570 = arith.constant 32 : index
    %get3A_571 = tpu.vector_load %arg4[%get3A_569, %get3A_570] {strides = array<i32>} : memref<8x128xf32, #tpu.memory_space<vmem>>, vector<1x16xf32>,
    %get3A_572 = vector.shape_cast %get3A_571 : vector<1x16xf32> to vector<16xf32>
    %get3A_573 = arith.constant 5 : i32
    %get3A_574 = arith.index_cast %get3A_573 : i32 to index
    %get3A_575 = arith.constant 32 : index
    %get3A_576 = tpu.vector_load %arg4[%get3A_574, %get3A_575] {strides = array<i32>} : memref<8x128xf32, #tpu.memory_space<vmem>>, vector<1x16xf32>,
    %get3A_577 = vector.shape_cast %get3A_576 : vector<1x16xf32> to vector<16xf32>
    %get3A_578 = arith.constant 6 : i32
    %get3A_579 = arith.index_cast %get3A_578 : i32 to index
    %get3A_580 = arith.constant 32 : index
    %get3A_581 = tpu.vector_load %arg4[%get3A_579, %get3A_580] {strides = array<i32>} : memref<8x128xf32, #tpu.memory_space<vmem>>, vector<1x16xf32>,
    %get3A_582 = vector.shape_cast %get3A_581 : vector<1x16xf32> to vector<16xf32>
    %get3A_583 = arith.constant 7 : i32
    %get3A_584 = arith.index_cast %get3A_583 : i32 to index
    %get3A_585 = arith.constant 32 : index
    %get3A_586 = tpu.vector_load %arg4[%get3A_584, %get3A_585] {strides = array<i32>} : memref<8x128xf32, #tpu.memory_space<vmem>>, vector<1x16xf32>,
    %get3A_587 = vector.shape_cast %get3A_586 : vector<1x16xf32> to vector<16xf32>
    %max3A_588 = arith.maximumf %get3A_552, %get3A_557 : vector<16xf32>
    %max3A_589 = arith.maximumf %max3A_588, %get3A_562 : vector<16xf32>
    %max3A_590 = arith.maximumf %max3A_589, %get3A_567 : vector<16xf32>
    %max3A_591 = arith.maximumf %max3A_590, %get3A_572 : vector<16xf32>
    %max3A_592 = arith.maximumf %max3A_591, %get3A_577 : vector<16xf32>
    %max3A_593 = arith.maximumf %max3A_592, %get3A_582 : vector<16xf32>
    %max3A_594 = arith.maximumf %max3A_593, %get3A_587 : vector<16xf32>
    %broadcast_in_dim3A_595 = arith.constant 0 : i32
    %broadcast_in_dim3A_596 = vector.broadcast %broadcast_in_dim3A_595 : i32 to vector<16xi32>
    %broadcast_in_dim3A_597 = arith.constant 7 : i32
    %broadcast_in_dim3A_598 = vector.broadcast %broadcast_in_dim3A_597 : i32 to vector<16xi32>
    %eq3A_599 = arith.cmpf oeq, %get3A_587, %max3A_594 : vector<16xf32>
    %select_n3A_600 = arith.select %eq3A_599, %broadcast_in_dim3A_598, %broadcast_in_dim3A_596 : vector<16xi1>, vector<16xi32>
    %broadcast_in_dim3A_601 = arith.constant 6 : i32
    %broadcast_in_dim3A_602 = vector.broadcast %broadcast_in_dim3A_601 : i32 to vector<16xi32>
    %eq3A_603 = arith.cmpf oeq, %get3A_582, %max3A_594 : vector<16xf32>
    %select_n3A_604 = arith.select %eq3A_603, %broadcast_in_dim3A_602, %select_n3A_600 : vector<16xi1>, vector<16xi32>
    %broadcast_in_dim3A_605 = arith.constant 5 : i32
    %broadcast_in_dim3A_606 = vector.broadcast %broadcast_in_dim3A_605 : i32 to vector<16xi32>
    %eq3A_607 = arith.cmpf oeq, %get3A_577, %max3A_594 : vector<16xf32>
    %select_n3A_608 = arith.select %eq3A_607, %broadcast_in_dim3A_606, %select_n3A_604 : vector<16xi1>, vector<16xi32>
    %broadcast_in_dim3A_609 = arith.constant 4 : i32
    %broadcast_in_dim3A_610 = vector.broadcast %broadcast_in_dim3A_609 : i32 to vector<16xi32>
    %eq3A_611 = arith.cmpf oeq, %get3A_572, %max3A_594 : vector<16xf32>
    %select_n3A_612 = arith.select %eq3A_611, %broadcast_in_dim3A_610, %select_n3A_608 : vector<16xi1>, vector<16xi32>
    %broadcast_in_dim3A_613 = arith.constant 3 : i32
    %broadcast_in_dim3A_614 = vector.broadcast %broadcast_in_dim3A_613 : i32 to vector<16xi32>
    %eq3A_615 = arith.cmpf oeq, %get3A_567, %max3A_594 : vector<16xf32>
    %select_n3A_616 = arith.select %eq3A_615, %broadcast_in_dim3A_614, %select_n3A_612 : vector<16xi1>, vector<16xi32>
    %broadcast_in_dim3A_617 = arith.constant 2 : i32
    %broadcast_in_dim3A_618 = vector.broadcast %broadcast_in_dim3A_617 : i32 to vector<16xi32>
    %eq3A_619 = arith.cmpf oeq, %get3A_562, %max3A_594 : vector<16xf32>
    %select_n3A_620 = arith.select %eq3A_619, %broadcast_in_dim3A_618, %select_n3A_616 : vector<16xi1>, vector<16xi32>
    %broadcast_in_dim3A_621 = arith.constant 1 : i32
    %broadcast_in_dim3A_622 = vector.broadcast %broadcast_in_dim3A_621 : i32 to vector<16xi32>
    %eq3A_623 = arith.cmpf oeq, %get3A_557, %max3A_594 : vector<16xf32>
    %select_n3A_624 = arith.select %eq3A_623, %broadcast_in_dim3A_622, %select_n3A_620 : vector<16xi1>, vector<16xi32>
    %broadcast_in_dim3A_625 = arith.constant 0 : i32
    %broadcast_in_dim3A_626 = vector.broadcast %broadcast_in_dim3A_625 : i32 to vector<16xi32>
    %eq3A_627 = arith.cmpf oeq, %get3A_552, %max3A_594 : vector<16xf32>
    %select_n3A_628 = arith.select %eq3A_627, %broadcast_in_dim3A_626, %select_n3A_624 : vector<16xi1>, vector<16xi32>
    %broadcast_in_dim3A_629 = arith.constant -3.000000e+38 : f32
    %broadcast_in_dim3A_630 = vector.broadcast %broadcast_in_dim3A_629 : f32 to vector<16xf32>
    %broadcast_in_dim3A_631 = arith.constant 0 : i32
    %broadcast_in_dim3A_632 = vector.broadcast %broadcast_in_dim3A_631 : i32 to vector<16xi32>
    %eq3A_633 = arith.cmpi eq, %select_n3A_628, %broadcast_in_dim3A_632 : vector<16xi32>
    %select_n3A_634 = arith.select %eq3A_633, %broadcast_in_dim3A_630, %get3A_552 : vector<16xi1>, vector<16xf32>
    %max3A_635 = arith.maximumf %broadcast_in_dim3A_630, %select_n3A_634 : vector<16xf32>
    %broadcast_in_dim3A_636 = arith.constant 1 : i32
    %broadcast_in_dim3A_637 = vector.broadcast %broadcast_in_dim3A_636 : i32 to vector<16xi32>
    %eq3A_638 = arith.cmpi eq, %select_n3A_628, %broadcast_in_dim3A_637 : vector<16xi32>
    %select_n3A_639 = arith.select %eq3A_638, %broadcast_in_dim3A_630, %get3A_557 : vector<16xi1>, vector<16xf32>
    %max3A_640 = arith.maximumf %max3A_635, %select_n3A_639 : vector<16xf32>
    %broadcast_in_dim3A_641 = arith.constant 2 : i32
    %broadcast_in_dim3A_642 = vector.broadcast %broadcast_in_dim3A_641 : i32 to vector<16xi32>
    %eq3A_643 = arith.cmpi eq, %select_n3A_628, %broadcast_in_dim3A_642 : vector<16xi32>
    %select_n3A_644 = arith.select %eq3A_643, %broadcast_in_dim3A_630, %get3A_562 : vector<16xi1>, vector<16xf32>
    %max3A_645 = arith.maximumf %max3A_640, %select_n3A_644 : vector<16xf32>
    %broadcast_in_dim3A_646 = arith.constant 3 : i32
    %broadcast_in_dim3A_647 = vector.broadcast %broadcast_in_dim3A_646 : i32 to vector<16xi32>
    %eq3A_648 = arith.cmpi eq, %select_n3A_628, %broadcast_in_dim3A_647 : vector<16xi32>
    %select_n3A_649 = arith.select %eq3A_648, %broadcast_in_dim3A_630, %get3A_567 : vector<16xi1>, vector<16xf32>
    %max3A_650 = arith.maximumf %max3A_645, %select_n3A_649 : vector<16xf32>
    %broadcast_in_dim3A_651 = arith.constant 4 : i32
    %broadcast_in_dim3A_652 = vector.broadcast %broadcast_in_dim3A_651 : i32 to vector<16xi32>
    %eq3A_653 = arith.cmpi eq, %select_n3A_628, %broadcast_in_dim3A_652 : vector<16xi32>
    %select_n3A_654 = arith.select %eq3A_653, %broadcast_in_dim3A_630, %get3A_572 : vector<16xi1>, vector<16xf32>
    %max3A_655 = arith.maximumf %max3A_650, %select_n3A_654 : vector<16xf32>
    %broadcast_in_dim3A_656 = arith.constant 5 : i32
    %broadcast_in_dim3A_657 = vector.broadcast %broadcast_in_dim3A_656 : i32 to vector<16xi32>
    %eq3A_658 = arith.cmpi eq, %select_n3A_628, %broadcast_in_dim3A_657 : vector<16xi32>
    %select_n3A_659 = arith.select %eq3A_658, %broadcast_in_dim3A_630, %get3A_577 : vector<16xi1>, vector<16xf32>
    %max3A_660 = arith.maximumf %max3A_655, %select_n3A_659 : vector<16xf32>
    %broadcast_in_dim3A_661 = arith.constant 6 : i32
    %broadcast_in_dim3A_662 = vector.broadcast %broadcast_in_dim3A_661 : i32 to vector<16xi32>
    %eq3A_663 = arith.cmpi eq, %select_n3A_628, %broadcast_in_dim3A_662 : vector<16xi32>
    %select_n3A_664 = arith.select %eq3A_663, %broadcast_in_dim3A_630, %get3A_582 : vector<16xi1>, vector<16xf32>
    %max3A_665 = arith.maximumf %max3A_660, %select_n3A_664 : vector<16xf32>
    %broadcast_in_dim3A_666 = arith.constant 7 : i32
    %broadcast_in_dim3A_667 = vector.broadcast %broadcast_in_dim3A_666 : i32 to vector<16xi32>
    %eq3A_668 = arith.cmpi eq, %select_n3A_628, %broadcast_in_dim3A_667 : vector<16xi32>
    %select_n3A_669 = arith.select %eq3A_668, %broadcast_in_dim3A_630, %get3A_587 : vector<16xi1>, vector<16xf32>
    %max3A_670 = arith.maximumf %max3A_665, %select_n3A_669 : vector<16xf32>
    %broadcast_in_dim3A_671 = arith.constant 0 : i32
    %broadcast_in_dim3A_672 = vector.broadcast %broadcast_in_dim3A_671 : i32 to vector<16xi32>
    %broadcast_in_dim3A_673 = arith.constant 7 : i32
    %broadcast_in_dim3A_674 = vector.broadcast %broadcast_in_dim3A_673 : i32 to vector<16xi32>
    %eq3A_675 = arith.cmpf oeq, %get3A_587, %max3A_670 : vector<16xf32>
    %ne3A_676 = arith.cmpi ne, %select_n3A_628, %broadcast_in_dim3A_674 : vector<16xi32>
    %and3A_677 = arith.andi %eq3A_675, %ne3A_676 : vector<16xi1>
    %select_n3A_678 = arith.select %and3A_677, %broadcast_in_dim3A_674, %broadcast_in_dim3A_672 : vector<16xi1>, vector<16xi32>
    %broadcast_in_dim3A_679 = arith.constant 6 : i32
    %broadcast_in_dim3A_680 = vector.broadcast %broadcast_in_dim3A_679 : i32 to vector<16xi32>
    %eq3A_681 = arith.cmpf oeq, %get3A_582, %max3A_670 : vector<16xf32>
    %ne3A_682 = arith.cmpi ne, %select_n3A_628, %broadcast_in_dim3A_680 : vector<16xi32>
    %and3A_683 = arith.andi %eq3A_681, %ne3A_682 : vector<16xi1>
    %select_n3A_684 = arith.select %and3A_683, %broadcast_in_dim3A_680, %select_n3A_678 : vector<16xi1>, vector<16xi32>
    %broadcast_in_dim3A_685 = arith.constant 5 : i32
    %broadcast_in_dim3A_686 = vector.broadcast %broadcast_in_dim3A_685 : i32 to vector<16xi32>
    %eq3A_687 = arith.cmpf oeq, %get3A_577, %max3A_670 : vector<16xf32>
    %ne3A_688 = arith.cmpi ne, %select_n3A_628, %broadcast_in_dim3A_686 : vector<16xi32>
    %and3A_689 = arith.andi %eq3A_687, %ne3A_688 : vector<16xi1>
    %select_n3A_690 = arith.select %and3A_689, %broadcast_in_dim3A_686, %select_n3A_684 : vector<16xi1>, vector<16xi32>
    %broadcast_in_dim3A_691 = arith.constant 4 : i32
    %broadcast_in_dim3A_692 = vector.broadcast %broadcast_in_dim3A_691 : i32 to vector<16xi32>
    %eq3A_693 = arith.cmpf oeq, %get3A_572, %max3A_670 : vector<16xf32>
    %ne3A_694 = arith.cmpi ne, %select_n3A_628, %broadcast_in_dim3A_692 : vector<16xi32>
    %and3A_695 = arith.andi %eq3A_693, %ne3A_694 : vector<16xi1>
    %select_n3A_696 = arith.select %and3A_695, %broadcast_in_dim3A_692, %select_n3A_690 : vector<16xi1>, vector<16xi32>
    %broadcast_in_dim3A_697 = arith.constant 3 : i32
    %broadcast_in_dim3A_698 = vector.broadcast %broadcast_in_dim3A_697 : i32 to vector<16xi32>
    %eq3A_699 = arith.cmpf oeq, %get3A_567, %max3A_670 : vector<16xf32>
    %ne3A_700 = arith.cmpi ne, %select_n3A_628, %broadcast_in_dim3A_698 : vector<16xi32>
    %and3A_701 = arith.andi %eq3A_699, %ne3A_700 : vector<16xi1>
    %select_n3A_702 = arith.select %and3A_701, %broadcast_in_dim3A_698, %select_n3A_696 : vector<16xi1>, vector<16xi32>
    %broadcast_in_dim3A_703 = arith.constant 2 : i32
    %broadcast_in_dim3A_704 = vector.broadcast %broadcast_in_dim3A_703 : i32 to vector<16xi32>
    %eq3A_705 = arith.cmpf oeq, %get3A_562, %max3A_670 : vector<16xf32>
    %ne3A_706 = arith.cmpi ne, %select_n3A_628, %broadcast_in_dim3A_704 : vector<16xi32>
    %and3A_707 = arith.andi %eq3A_705, %ne3A_706 : vector<16xi1>
    %select_n3A_708 = arith.select %and3A_707, %broadcast_in_dim3A_704, %select_n3A_702 : vector<16xi1>, vector<16xi32>
    %broadcast_in_dim3A_709 = arith.constant 1 : i32
    %broadcast_in_dim3A_710 = vector.broadcast %broadcast_in_dim3A_709 : i32 to vector<16xi32>
    %eq3A_711 = arith.cmpf oeq, %get3A_557, %max3A_670 : vector<16xf32>
    %ne3A_712 = arith.cmpi ne, %select_n3A_628, %broadcast_in_dim3A_710 : vector<16xi32>
    %and3A_713 = arith.andi %eq3A_711, %ne3A_712 : vector<16xi1>
    %select_n3A_714 = arith.select %and3A_713, %broadcast_in_dim3A_710, %select_n3A_708 : vector<16xi1>, vector<16xi32>
    %broadcast_in_dim3A_715 = arith.constant 0 : i32
    %broadcast_in_dim3A_716 = vector.broadcast %broadcast_in_dim3A_715 : i32 to vector<16xi32>
    %eq3A_717 = arith.cmpf oeq, %get3A_552, %max3A_670 : vector<16xf32>
    %ne3A_718 = arith.cmpi ne, %select_n3A_628, %broadcast_in_dim3A_716 : vector<16xi32>
    %and3A_719 = arith.andi %eq3A_717, %ne3A_718 : vector<16xi1>
    %select_n3A_720 = arith.select %and3A_719, %broadcast_in_dim3A_716, %select_n3A_714 : vector<16xi1>, vector<16xi32>
    %broadcast_in_dim3A_721 = arith.constant 1.000000e+00 : f32
    %broadcast_in_dim3A_722 = vector.broadcast %broadcast_in_dim3A_721 : f32 to vector<16xf32>
    %sub3A_723 = arith.subf %max3A_670, %max3A_594 : vector<16xf32>
    %exp3A_724 = math.exp %sub3A_723 : vector<16xf32>
    %add3A_725 = arith.addf %broadcast_in_dim3A_722, %exp3A_724 : vector<16xf32>
    %div3A_726 = arith.divf %broadcast_in_dim3A_722, %add3A_725 : vector<16xf32>
    %sub3A_727 = arith.subf %broadcast_in_dim3A_722, %div3A_726 : vector<16xf32>
    %broadcast_in_dim3A_728 = arith.constant 0.000000e+00 : f32
    %broadcast_in_dim3A_729 = vector.broadcast %broadcast_in_dim3A_728 : f32 to vector<16xf32>
    %broadcast_in_dim3A_730 = arith.constant 0 : i32
    %broadcast_in_dim3A_731 = vector.broadcast %broadcast_in_dim3A_730 : i32 to vector<16xi32>
    %eq3A_732 = arith.cmpi eq, %select_n3A_628, %broadcast_in_dim3A_731 : vector<16xi32>
    %eq3A_733 = arith.cmpi eq, %select_n3A_720, %broadcast_in_dim3A_731 : vector<16xi32>
    %select_n3A_734 = arith.select %eq3A_733, %sub3A_727, %broadcast_in_dim3A_729 : vector<16xi1>, vector<16xf32>
    %select_n3A_735 = arith.select %eq3A_732, %div3A_726, %select_n3A_734 : vector<16xi1>, vector<16xf32>
    %swap3A_736 = arith.constant 0 : i32
    %swap3A_737 = arith.index_cast %swap3A_736 : i32 to index
    %swap3A_738 = arith.constant 32 : index
    %swap3A_739 = tpu.vector_load %arg5[%swap3A_737, %swap3A_738] {strides = array<i32>} : memref<8x128xf32, #tpu.memory_space<vmem>>, vector<1x16xf32>,
    %swap3A_740 = vector.shape_cast %swap3A_739 : vector<1x16xf32> to vector<16xf32>
    %swap3A_741 = vector.shape_cast %select_n3A_735 : vector<16xf32> to vector<1x16xf32>
    tpu.vector_store %arg5[%swap3A_737, %swap3A_738], %swap3A_741 {strides = array<i32>} : memref<8x128xf32, #tpu.memory_space<vmem>>, vector<1x16xf32>,
    %broadcast_in_dim3A_742 = arith.constant 1 : i32
    %broadcast_in_dim3A_743 = vector.broadcast %broadcast_in_dim3A_742 : i32 to vector<16xi32>
    %eq3A_744 = arith.cmpi eq, %select_n3A_628, %broadcast_in_dim3A_743 : vector<16xi32>
    %eq3A_745 = arith.cmpi eq, %select_n3A_720, %broadcast_in_dim3A_743 : vector<16xi32>
    %select_n3A_746 = arith.select %eq3A_745, %sub3A_727, %broadcast_in_dim3A_729 : vector<16xi1>, vector<16xf32>
    %select_n3A_747 = arith.select %eq3A_744, %div3A_726, %select_n3A_746 : vector<16xi1>, vector<16xf32>
    %swap3A_748 = arith.constant 1 : i32
    %swap3A_749 = arith.index_cast %swap3A_748 : i32 to index
    %swap3A_750 = arith.constant 32 : index
    %swap3A_751 = tpu.vector_load %arg5[%swap3A_749, %swap3A_750] {strides = array<i32>} : memref<8x128xf32, #tpu.memory_space<vmem>>, vector<1x16xf32>,
    %swap3A_752 = vector.shape_cast %swap3A_751 : vector<1x16xf32> to vector<16xf32>
    %swap3A_753 = vector.shape_cast %select_n3A_747 : vector<16xf32> to vector<1x16xf32>
    tpu.vector_store %arg5[%swap3A_749, %swap3A_750], %swap3A_753 {strides = array<i32>} : memref<8x128xf32, #tpu.memory_space<vmem>>, vector<1x16xf32>,
    %broadcast_in_dim3A_754 = arith.constant 2 : i32
    %broadcast_in_dim3A_755 = vector.broadcast %broadcast_in_dim3A_754 : i32 to vector<16xi32>
    %eq3A_756 = arith.cmpi eq, %select_n3A_628, %broadcast_in_dim3A_755 : vector<16xi32>
    %eq3A_757 = arith.cmpi eq, %select_n3A_720, %broadcast_in_dim3A_755 : vector<16xi32>
    %select_n3A_758 = arith.select %eq3A_757, %sub3A_727, %broadcast_in_dim3A_729 : vector<16xi1>, vector<16xf32>
    %select_n3A_759 = arith.select %eq3A_756, %div3A_726, %select_n3A_758 : vector<16xi1>, vector<16xf32>
    %swap3A_760 = arith.constant 2 : i32
    %swap3A_761 = arith.index_cast %swap3A_760 : i32 to index
    %swap3A_762 = arith.constant 32 : index
    %swap3A_763 = tpu.vector_load %arg5[%swap3A_761, %swap3A_762] {strides = array<i32>} : memref<8x128xf32, #tpu.memory_space<vmem>>, vector<1x16xf32>,
    %swap3A_764 = vector.shape_cast %swap3A_763 : vector<1x16xf32> to vector<16xf32>
    %swap3A_765 = vector.shape_cast %select_n3A_759 : vector<16xf32> to vector<1x16xf32>
    tpu.vector_store %arg5[%swap3A_761, %swap3A_762], %swap3A_765 {strides = array<i32>} : memref<8x128xf32, #tpu.memory_space<vmem>>, vector<1x16xf32>,
    %broadcast_in_dim3A_766 = arith.constant 3 : i32
    %broadcast_in_dim3A_767 = vector.broadcast %broadcast_in_dim3A_766 : i32 to vector<16xi32>
    %eq3A_768 = arith.cmpi eq, %select_n3A_628, %broadcast_in_dim3A_767 : vector<16xi32>
    %eq3A_769 = arith.cmpi eq, %select_n3A_720, %broadcast_in_dim3A_767 : vector<16xi32>
    %select_n3A_770 = arith.select %eq3A_769, %sub3A_727, %broadcast_in_dim3A_729 : vector<16xi1>, vector<16xf32>
    %select_n3A_771 = arith.select %eq3A_768, %div3A_726, %select_n3A_770 : vector<16xi1>, vector<16xf32>
    %swap3A_772 = arith.constant 3 : i32
    %swap3A_773 = arith.index_cast %swap3A_772 : i32 to index
    %swap3A_774 = arith.constant 32 : index
    %swap3A_775 = tpu.vector_load %arg5[%swap3A_773, %swap3A_774] {strides = array<i32>} : memref<8x128xf32, #tpu.memory_space<vmem>>, vector<1x16xf32>,
    %swap3A_776 = vector.shape_cast %swap3A_775 : vector<1x16xf32> to vector<16xf32>
    %swap3A_777 = vector.shape_cast %select_n3A_771 : vector<16xf32> to vector<1x16xf32>
    tpu.vector_store %arg5[%swap3A_773, %swap3A_774], %swap3A_777 {strides = array<i32>} : memref<8x128xf32, #tpu.memory_space<vmem>>, vector<1x16xf32>,
    %broadcast_in_dim3A_778 = arith.constant 4 : i32
    %broadcast_in_dim3A_779 = vector.broadcast %broadcast_in_dim3A_778 : i32 to vector<16xi32>
    %eq3A_780 = arith.cmpi eq, %select_n3A_628, %broadcast_in_dim3A_779 : vector<16xi32>
    %eq3A_781 = arith.cmpi eq, %select_n3A_720, %broadcast_in_dim3A_779 : vector<16xi32>
    %select_n3A_782 = arith.select %eq3A_781, %sub3A_727, %broadcast_in_dim3A_729 : vector<16xi1>, vector<16xf32>
    %select_n3A_783 = arith.select %eq3A_780, %div3A_726, %select_n3A_782 : vector<16xi1>, vector<16xf32>
    %swap3A_784 = arith.constant 4 : i32
    %swap3A_785 = arith.index_cast %swap3A_784 : i32 to index
    %swap3A_786 = arith.constant 32 : index
    %swap3A_787 = tpu.vector_load %arg5[%swap3A_785, %swap3A_786] {strides = array<i32>} : memref<8x128xf32, #tpu.memory_space<vmem>>, vector<1x16xf32>,
    %swap3A_788 = vector.shape_cast %swap3A_787 : vector<1x16xf32> to vector<16xf32>
    %swap3A_789 = vector.shape_cast %select_n3A_783 : vector<16xf32> to vector<1x16xf32>
    tpu.vector_store %arg5[%swap3A_785, %swap3A_786], %swap3A_789 {strides = array<i32>} : memref<8x128xf32, #tpu.memory_space<vmem>>, vector<1x16xf32>,
    %broadcast_in_dim3A_790 = arith.constant 5 : i32
    %broadcast_in_dim3A_791 = vector.broadcast %broadcast_in_dim3A_790 : i32 to vector<16xi32>
    %eq3A_792 = arith.cmpi eq, %select_n3A_628, %broadcast_in_dim3A_791 : vector<16xi32>
    %eq3A_793 = arith.cmpi eq, %select_n3A_720, %broadcast_in_dim3A_791 : vector<16xi32>
    %select_n3A_794 = arith.select %eq3A_793, %sub3A_727, %broadcast_in_dim3A_729 : vector<16xi1>, vector<16xf32>
    %select_n3A_795 = arith.select %eq3A_792, %div3A_726, %select_n3A_794 : vector<16xi1>, vector<16xf32>
    %swap3A_796 = arith.constant 5 : i32
    %swap3A_797 = arith.index_cast %swap3A_796 : i32 to index
    %swap3A_798 = arith.constant 32 : index
    %swap3A_799 = tpu.vector_load %arg5[%swap3A_797, %swap3A_798] {strides = array<i32>} : memref<8x128xf32, #tpu.memory_space<vmem>>, vector<1x16xf32>,
    %swap3A_800 = vector.shape_cast %swap3A_799 : vector<1x16xf32> to vector<16xf32>
    %swap3A_801 = vector.shape_cast %select_n3A_795 : vector<16xf32> to vector<1x16xf32>
    tpu.vector_store %arg5[%swap3A_797, %swap3A_798], %swap3A_801 {strides = array<i32>} : memref<8x128xf32, #tpu.memory_space<vmem>>, vector<1x16xf32>,
    %broadcast_in_dim3A_802 = arith.constant 6 : i32
    %broadcast_in_dim3A_803 = vector.broadcast %broadcast_in_dim3A_802 : i32 to vector<16xi32>
    %eq3A_804 = arith.cmpi eq, %select_n3A_628, %broadcast_in_dim3A_803 : vector<16xi32>
    %eq3A_805 = arith.cmpi eq, %select_n3A_720, %broadcast_in_dim3A_803 : vector<16xi32>
    %select_n3A_806 = arith.select %eq3A_805, %sub3A_727, %broadcast_in_dim3A_729 : vector<16xi1>, vector<16xf32>
    %select_n3A_807 = arith.select %eq3A_804, %div3A_726, %select_n3A_806 : vector<16xi1>, vector<16xf32>
    %swap3A_808 = arith.constant 6 : i32
    %swap3A_809 = arith.index_cast %swap3A_808 : i32 to index
    %swap3A_810 = arith.constant 32 : index
    %swap3A_811 = tpu.vector_load %arg5[%swap3A_809, %swap3A_810] {strides = array<i32>} : memref<8x128xf32, #tpu.memory_space<vmem>>, vector<1x16xf32>,
    %swap3A_812 = vector.shape_cast %swap3A_811 : vector<1x16xf32> to vector<16xf32>
    %swap3A_813 = vector.shape_cast %select_n3A_807 : vector<16xf32> to vector<1x16xf32>
    tpu.vector_store %arg5[%swap3A_809, %swap3A_810], %swap3A_813 {strides = array<i32>} : memref<8x128xf32, #tpu.memory_space<vmem>>, vector<1x16xf32>,
    %broadcast_in_dim3A_814 = arith.constant 7 : i32
    %broadcast_in_dim3A_815 = vector.broadcast %broadcast_in_dim3A_814 : i32 to vector<16xi32>
    %eq3A_816 = arith.cmpi eq, %select_n3A_628, %broadcast_in_dim3A_815 : vector<16xi32>
    %eq3A_817 = arith.cmpi eq, %select_n3A_720, %broadcast_in_dim3A_815 : vector<16xi32>
    %select_n3A_818 = arith.select %eq3A_817, %sub3A_727, %broadcast_in_dim3A_729 : vector<16xi1>, vector<16xf32>
    %select_n3A_819 = arith.select %eq3A_816, %div3A_726, %select_n3A_818 : vector<16xi1>, vector<16xf32>
    %swap3A_820 = arith.constant 7 : i32
    %swap3A_821 = arith.index_cast %swap3A_820 : i32 to index
    %swap3A_822 = arith.constant 32 : index
    %swap3A_823 = tpu.vector_load %arg5[%swap3A_821, %swap3A_822] {strides = array<i32>} : memref<8x128xf32, #tpu.memory_space<vmem>>, vector<1x16xf32>,
    %swap3A_824 = vector.shape_cast %swap3A_823 : vector<1x16xf32> to vector<16xf32>
    %swap3A_825 = vector.shape_cast %select_n3A_819 : vector<16xf32> to vector<1x16xf32>
    tpu.vector_store %arg5[%swap3A_821, %swap3A_822], %swap3A_825 {strides = array<i32>} : memref<8x128xf32, #tpu.memory_space<vmem>>, vector<1x16xf32>,
    %get3A_826 = arith.constant 0 : i32
    %get3A_827 = arith.index_cast %get3A_826 : i32 to index
    %get3A_828 = arith.constant 48 : index
    %get3A_829 = tpu.vector_load %arg4[%get3A_827, %get3A_828] {strides = array<i32>} : memref<8x128xf32, #tpu.memory_space<vmem>>, vector<1x16xf32>,
    %get3A_830 = vector.shape_cast %get3A_829 : vector<1x16xf32> to vector<16xf32>
    %get3A_831 = arith.constant 1 : i32
    %get3A_832 = arith.index_cast %get3A_831 : i32 to index
    %get3A_833 = arith.constant 48 : index
    %get3A_834 = tpu.vector_load %arg4[%get3A_832, %get3A_833] {strides = array<i32>} : memref<8x128xf32, #tpu.memory_space<vmem>>, vector<1x16xf32>,
    %get3A_835 = vector.shape_cast %get3A_834 : vector<1x16xf32> to vector<16xf32>
    %get3A_836 = arith.constant 2 : i32
    %get3A_837 = arith.index_cast %get3A_836 : i32 to index
    %get3A_838 = arith.constant 48 : index
    %get3A_839 = tpu.vector_load %arg4[%get3A_837, %get3A_838] {strides = array<i32>} : memref<8x128xf32, #tpu.memory_space<vmem>>, vector<1x16xf32>,
    %get3A_840 = vector.shape_cast %get3A_839 : vector<1x16xf32> to vector<16xf32>
    %get3A_841 = arith.constant 3 : i32
    %get3A_842 = arith.index_cast %get3A_841 : i32 to index
    %get3A_843 = arith.constant 48 : index
    %get3A_844 = tpu.vector_load %arg4[%get3A_842, %get3A_843] {strides = array<i32>} : memref<8x128xf32, #tpu.memory_space<vmem>>, vector<1x16xf32>,
    %get3A_845 = vector.shape_cast %get3A_844 : vector<1x16xf32> to vector<16xf32>
    %get3A_846 = arith.constant 4 : i32
    %get3A_847 = arith.index_cast %get3A_846 : i32 to index
    %get3A_848 = arith.constant 48 : index
    %get3A_849 = tpu.vector_load %arg4[%get3A_847, %get3A_848] {strides = array<i32>} : memref<8x128xf32, #tpu.memory_space<vmem>>, vector<1x16xf32>,
    %get3A_850 = vector.shape_cast %get3A_849 : vector<1x16xf32> to vector<16xf32>
    %get3A_851 = arith.constant 5 : i32
    %get3A_852 = arith.index_cast %get3A_851 : i32 to index
    %get3A_853 = arith.constant 48 : index
    %get3A_854 = tpu.vector_load %arg4[%get3A_852, %get3A_853] {strides = array<i32>} : memref<8x128xf32, #tpu.memory_space<vmem>>, vector<1x16xf32>,
    %get3A_855 = vector.shape_cast %get3A_854 : vector<1x16xf32> to vector<16xf32>
    %get3A_856 = arith.constant 6 : i32
    %get3A_857 = arith.index_cast %get3A_856 : i32 to index
    %get3A_858 = arith.constant 48 : index
    %get3A_859 = tpu.vector_load %arg4[%get3A_857, %get3A_858] {strides = array<i32>} : memref<8x128xf32, #tpu.memory_space<vmem>>, vector<1x16xf32>,
    %get3A_860 = vector.shape_cast %get3A_859 : vector<1x16xf32> to vector<16xf32>
    %get3A_861 = arith.constant 7 : i32
    %get3A_862 = arith.index_cast %get3A_861 : i32 to index
    %get3A_863 = arith.constant 48 : index
    %get3A_864 = tpu.vector_load %arg4[%get3A_862, %get3A_863] {strides = array<i32>} : memref<8x128xf32, #tpu.memory_space<vmem>>, vector<1x16xf32>,
    %get3A_865 = vector.shape_cast %get3A_864 : vector<1x16xf32> to vector<16xf32>
    %max3A_866 = arith.maximumf %get3A_830, %get3A_835 : vector<16xf32>
    %max3A_867 = arith.maximumf %max3A_866, %get3A_840 : vector<16xf32>
    %max3A_868 = arith.maximumf %max3A_867, %get3A_845 : vector<16xf32>
    %max3A_869 = arith.maximumf %max3A_868, %get3A_850 : vector<16xf32>
    %max3A_870 = arith.maximumf %max3A_869, %get3A_855 : vector<16xf32>
    %max3A_871 = arith.maximumf %max3A_870, %get3A_860 : vector<16xf32>
    %max3A_872 = arith.maximumf %max3A_871, %get3A_865 : vector<16xf32>
    %broadcast_in_dim3A_873 = arith.constant 0 : i32
    %broadcast_in_dim3A_874 = vector.broadcast %broadcast_in_dim3A_873 : i32 to vector<16xi32>
    %broadcast_in_dim3A_875 = arith.constant 7 : i32
    %broadcast_in_dim3A_876 = vector.broadcast %broadcast_in_dim3A_875 : i32 to vector<16xi32>
    %eq3A_877 = arith.cmpf oeq, %get3A_865, %max3A_872 : vector<16xf32>
    %select_n3A_878 = arith.select %eq3A_877, %broadcast_in_dim3A_876, %broadcast_in_dim3A_874 : vector<16xi1>, vector<16xi32>
    %broadcast_in_dim3A_879 = arith.constant 6 : i32
    %broadcast_in_dim3A_880 = vector.broadcast %broadcast_in_dim3A_879 : i32 to vector<16xi32>
    %eq3A_881 = arith.cmpf oeq, %get3A_860, %max3A_872 : vector<16xf32>
    %select_n3A_882 = arith.select %eq3A_881, %broadcast_in_dim3A_880, %select_n3A_878 : vector<16xi1>, vector<16xi32>
    %broadcast_in_dim3A_883 = arith.constant 5 : i32
    %broadcast_in_dim3A_884 = vector.broadcast %broadcast_in_dim3A_883 : i32 to vector<16xi32>
    %eq3A_885 = arith.cmpf oeq, %get3A_855, %max3A_872 : vector<16xf32>
    %select_n3A_886 = arith.select %eq3A_885, %broadcast_in_dim3A_884, %select_n3A_882 : vector<16xi1>, vector<16xi32>
    %broadcast_in_dim3A_887 = arith.constant 4 : i32
    %broadcast_in_dim3A_888 = vector.broadcast %broadcast_in_dim3A_887 : i32 to vector<16xi32>
    %eq3A_889 = arith.cmpf oeq, %get3A_850, %max3A_872 : vector<16xf32>
    %select_n3A_890 = arith.select %eq3A_889, %broadcast_in_dim3A_888, %select_n3A_886 : vector<16xi1>, vector<16xi32>
    %broadcast_in_dim3A_891 = arith.constant 3 : i32
    %broadcast_in_dim3A_892 = vector.broadcast %broadcast_in_dim3A_891 : i32 to vector<16xi32>
    %eq3A_893 = arith.cmpf oeq, %get3A_845, %max3A_872 : vector<16xf32>
    %select_n3A_894 = arith.select %eq3A_893, %broadcast_in_dim3A_892, %select_n3A_890 : vector<16xi1>, vector<16xi32>
    %broadcast_in_dim3A_895 = arith.constant 2 : i32
    %broadcast_in_dim3A_896 = vector.broadcast %broadcast_in_dim3A_895 : i32 to vector<16xi32>
    %eq3A_897 = arith.cmpf oeq, %get3A_840, %max3A_872 : vector<16xf32>
    %select_n3A_898 = arith.select %eq3A_897, %broadcast_in_dim3A_896, %select_n3A_894 : vector<16xi1>, vector<16xi32>
    %broadcast_in_dim3A_899 = arith.constant 1 : i32
    %broadcast_in_dim3A_900 = vector.broadcast %broadcast_in_dim3A_899 : i32 to vector<16xi32>
    %eq3A_901 = arith.cmpf oeq, %get3A_835, %max3A_872 : vector<16xf32>
    %select_n3A_902 = arith.select %eq3A_901, %broadcast_in_dim3A_900, %select_n3A_898 : vector<16xi1>, vector<16xi32>
    %broadcast_in_dim3A_903 = arith.constant 0 : i32
    %broadcast_in_dim3A_904 = vector.broadcast %broadcast_in_dim3A_903 : i32 to vector<16xi32>
    %eq3A_905 = arith.cmpf oeq, %get3A_830, %max3A_872 : vector<16xf32>
    %select_n3A_906 = arith.select %eq3A_905, %broadcast_in_dim3A_904, %select_n3A_902 : vector<16xi1>, vector<16xi32>
    %broadcast_in_dim3A_907 = arith.constant -3.000000e+38 : f32
    %broadcast_in_dim3A_908 = vector.broadcast %broadcast_in_dim3A_907 : f32 to vector<16xf32>
    %broadcast_in_dim3A_909 = arith.constant 0 : i32
    %broadcast_in_dim3A_910 = vector.broadcast %broadcast_in_dim3A_909 : i32 to vector<16xi32>
    %eq3A_911 = arith.cmpi eq, %select_n3A_906, %broadcast_in_dim3A_910 : vector<16xi32>
    %select_n3A_912 = arith.select %eq3A_911, %broadcast_in_dim3A_908, %get3A_830 : vector<16xi1>, vector<16xf32>
    %max3A_913 = arith.maximumf %broadcast_in_dim3A_908, %select_n3A_912 : vector<16xf32>
    %broadcast_in_dim3A_914 = arith.constant 1 : i32
    %broadcast_in_dim3A_915 = vector.broadcast %broadcast_in_dim3A_914 : i32 to vector<16xi32>
    %eq3A_916 = arith.cmpi eq, %select_n3A_906, %broadcast_in_dim3A_915 : vector<16xi32>
    %select_n3A_917 = arith.select %eq3A_916, %broadcast_in_dim3A_908, %get3A_835 : vector<16xi1>, vector<16xf32>
    %max3A_918 = arith.maximumf %max3A_913, %select_n3A_917 : vector<16xf32>
    %broadcast_in_dim3A_919 = arith.constant 2 : i32
    %broadcast_in_dim3A_920 = vector.broadcast %broadcast_in_dim3A_919 : i32 to vector<16xi32>
    %eq3A_921 = arith.cmpi eq, %select_n3A_906, %broadcast_in_dim3A_920 : vector<16xi32>
    %select_n3A_922 = arith.select %eq3A_921, %broadcast_in_dim3A_908, %get3A_840 : vector<16xi1>, vector<16xf32>
    %max3A_923 = arith.maximumf %max3A_918, %select_n3A_922 : vector<16xf32>
    %broadcast_in_dim3A_924 = arith.constant 3 : i32
    %broadcast_in_dim3A_925 = vector.broadcast %broadcast_in_dim3A_924 : i32 to vector<16xi32>
    %eq3A_926 = arith.cmpi eq, %select_n3A_906, %broadcast_in_dim3A_925 : vector<16xi32>
    %select_n3A_927 = arith.select %eq3A_926, %broadcast_in_dim3A_908, %get3A_845 : vector<16xi1>, vector<16xf32>
    %max3A_928 = arith.maximumf %max3A_923, %select_n3A_927 : vector<16xf32>
    %broadcast_in_dim3A_929 = arith.constant 4 : i32
    %broadcast_in_dim3A_930 = vector.broadcast %broadcast_in_dim3A_929 : i32 to vector<16xi32>
    %eq3A_931 = arith.cmpi eq, %select_n3A_906, %broadcast_in_dim3A_930 : vector<16xi32>
    %select_n3A_932 = arith.select %eq3A_931, %broadcast_in_dim3A_908, %get3A_850 : vector<16xi1>, vector<16xf32>
    %max3A_933 = arith.maximumf %max3A_928, %select_n3A_932 : vector<16xf32>
    %broadcast_in_dim3A_934 = arith.constant 5 : i32
    %broadcast_in_dim3A_935 = vector.broadcast %broadcast_in_dim3A_934 : i32 to vector<16xi32>
    %eq3A_936 = arith.cmpi eq, %select_n3A_906, %broadcast_in_dim3A_935 : vector<16xi32>
    %select_n3A_937 = arith.select %eq3A_936, %broadcast_in_dim3A_908, %get3A_855 : vector<16xi1>, vector<16xf32>
    %max3A_938 = arith.maximumf %max3A_933, %select_n3A_937 : vector<16xf32>
    %broadcast_in_dim3A_939 = arith.constant 6 : i32
    %broadcast_in_dim3A_940 = vector.broadcast %broadcast_in_dim3A_939 : i32 to vector<16xi32>
    %eq3A_941 = arith.cmpi eq, %select_n3A_906, %broadcast_in_dim3A_940 : vector<16xi32>
    %select_n3A_942 = arith.select %eq3A_941, %broadcast_in_dim3A_908, %get3A_860 : vector<16xi1>, vector<16xf32>
    %max3A_943 = arith.maximumf %max3A_938, %select_n3A_942 : vector<16xf32>
    %broadcast_in_dim3A_944 = arith.constant 7 : i32
    %broadcast_in_dim3A_945 = vector.broadcast %broadcast_in_dim3A_944 : i32 to vector<16xi32>
    %eq3A_946 = arith.cmpi eq, %select_n3A_906, %broadcast_in_dim3A_945 : vector<16xi32>
    %select_n3A_947 = arith.select %eq3A_946, %broadcast_in_dim3A_908, %get3A_865 : vector<16xi1>, vector<16xf32>
    %max3A_948 = arith.maximumf %max3A_943, %select_n3A_947 : vector<16xf32>
    %broadcast_in_dim3A_949 = arith.constant 0 : i32
    %broadcast_in_dim3A_950 = vector.broadcast %broadcast_in_dim3A_949 : i32 to vector<16xi32>
    %broadcast_in_dim3A_951 = arith.constant 7 : i32
    %broadcast_in_dim3A_952 = vector.broadcast %broadcast_in_dim3A_951 : i32 to vector<16xi32>
    %eq3A_953 = arith.cmpf oeq, %get3A_865, %max3A_948 : vector<16xf32>
    %ne3A_954 = arith.cmpi ne, %select_n3A_906, %broadcast_in_dim3A_952 : vector<16xi32>
    %and3A_955 = arith.andi %eq3A_953, %ne3A_954 : vector<16xi1>
    %select_n3A_956 = arith.select %and3A_955, %broadcast_in_dim3A_952, %broadcast_in_dim3A_950 : vector<16xi1>, vector<16xi32>
    %broadcast_in_dim3A_957 = arith.constant 6 : i32
    %broadcast_in_dim3A_958 = vector.broadcast %broadcast_in_dim3A_957 : i32 to vector<16xi32>
    %eq3A_959 = arith.cmpf oeq, %get3A_860, %max3A_948 : vector<16xf32>
    %ne3A_960 = arith.cmpi ne, %select_n3A_906, %broadcast_in_dim3A_958 : vector<16xi32>
    %and3A_961 = arith.andi %eq3A_959, %ne3A_960 : vector<16xi1>
    %select_n3A_962 = arith.select %and3A_961, %broadcast_in_dim3A_958, %select_n3A_956 : vector<16xi1>, vector<16xi32>
    %broadcast_in_dim3A_963 = arith.constant 5 : i32
    %broadcast_in_dim3A_964 = vector.broadcast %broadcast_in_dim3A_963 : i32 to vector<16xi32>
    %eq3A_965 = arith.cmpf oeq, %get3A_855, %max3A_948 : vector<16xf32>
    %ne3A_966 = arith.cmpi ne, %select_n3A_906, %broadcast_in_dim3A_964 : vector<16xi32>
    %and3A_967 = arith.andi %eq3A_965, %ne3A_966 : vector<16xi1>
    %select_n3A_968 = arith.select %and3A_967, %broadcast_in_dim3A_964, %select_n3A_962 : vector<16xi1>, vector<16xi32>
    %broadcast_in_dim3A_969 = arith.constant 4 : i32
    %broadcast_in_dim3A_970 = vector.broadcast %broadcast_in_dim3A_969 : i32 to vector<16xi32>
    %eq3A_971 = arith.cmpf oeq, %get3A_850, %max3A_948 : vector<16xf32>
    %ne3A_972 = arith.cmpi ne, %select_n3A_906, %broadcast_in_dim3A_970 : vector<16xi32>
    %and3A_973 = arith.andi %eq3A_971, %ne3A_972 : vector<16xi1>
    %select_n3A_974 = arith.select %and3A_973, %broadcast_in_dim3A_970, %select_n3A_968 : vector<16xi1>, vector<16xi32>
    %broadcast_in_dim3A_975 = arith.constant 3 : i32
    %broadcast_in_dim3A_976 = vector.broadcast %broadcast_in_dim3A_975 : i32 to vector<16xi32>
    %eq3A_977 = arith.cmpf oeq, %get3A_845, %max3A_948 : vector<16xf32>
    %ne3A_978 = arith.cmpi ne, %select_n3A_906, %broadcast_in_dim3A_976 : vector<16xi32>
    %and3A_979 = arith.andi %eq3A_977, %ne3A_978 : vector<16xi1>
    %select_n3A_980 = arith.select %and3A_979, %broadcast_in_dim3A_976, %select_n3A_974 : vector<16xi1>, vector<16xi32>
    %broadcast_in_dim3A_981 = arith.constant 2 : i32
    %broadcast_in_dim3A_982 = vector.broadcast %broadcast_in_dim3A_981 : i32 to vector<16xi32>
    %eq3A_983 = arith.cmpf oeq, %get3A_840, %max3A_948 : vector<16xf32>
    %ne3A_984 = arith.cmpi ne, %select_n3A_906, %broadcast_in_dim3A_982 : vector<16xi32>
    %and3A_985 = arith.andi %eq3A_983, %ne3A_984 : vector<16xi1>
    %select_n3A_986 = arith.select %and3A_985, %broadcast_in_dim3A_982, %select_n3A_980 : vector<16xi1>, vector<16xi32>
    %broadcast_in_dim3A_987 = arith.constant 1 : i32
    %broadcast_in_dim3A_988 = vector.broadcast %broadcast_in_dim3A_987 : i32 to vector<16xi32>
    %eq3A_989 = arith.cmpf oeq, %get3A_835, %max3A_948 : vector<16xf32>
    %ne3A_990 = arith.cmpi ne, %select_n3A_906, %broadcast_in_dim3A_988 : vector<16xi32>
    %and3A_991 = arith.andi %eq3A_989, %ne3A_990 : vector<16xi1>
    %select_n3A_992 = arith.select %and3A_991, %broadcast_in_dim3A_988, %select_n3A_986 : vector<16xi1>, vector<16xi32>
    %broadcast_in_dim3A_993 = arith.constant 0 : i32
    %broadcast_in_dim3A_994 = vector.broadcast %broadcast_in_dim3A_993 : i32 to vector<16xi32>
    %eq3A_995 = arith.cmpf oeq, %get3A_830, %max3A_948 : vector<16xf32>
    %ne3A_996 = arith.cmpi ne, %select_n3A_906, %broadcast_in_dim3A_994 : vector<16xi32>
    %and3A_997 = arith.andi %eq3A_995, %ne3A_996 : vector<16xi1>
    %select_n3A_998 = arith.select %and3A_997, %broadcast_in_dim3A_994, %select_n3A_992 : vector<16xi1>, vector<16xi32>
    %broadcast_in_dim3A_999 = arith.constant 1.000000e+00 : f32
    %broadcast_in_dim3A_1000 = vector.broadcast %broadcast_in_dim3A_999 : f32 to vector<16xf32>
    %sub3A_1001 = arith.subf %max3A_948, %max3A_872 : vector<16xf32>
    %exp3A_1002 = math.exp %sub3A_1001 : vector<16xf32>
    %add3A_1003 = arith.addf %broadcast_in_dim3A_1000, %exp3A_1002 : vector<16xf32>
    %div3A_1004 = arith.divf %broadcast_in_dim3A_1000, %add3A_1003 : vector<16xf32>
    %sub3A_1005 = arith.subf %broadcast_in_dim3A_1000, %div3A_1004 : vector<16xf32>
    %broadcast_in_dim3A_1006 = arith.constant 0.000000e+00 : f32
    %broadcast_in_dim3A_1007 = vector.broadcast %broadcast_in_dim3A_1006 : f32 to vector<16xf32>
    %broadcast_in_dim3A_1008 = arith.constant 0 : i32
    %broadcast_in_dim3A_1009 = vector.broadcast %broadcast_in_dim3A_1008 : i32 to vector<16xi32>
    %eq3A_1010 = arith.cmpi eq, %select_n3A_906, %broadcast_in_dim3A_1009 : vector<16xi32>
    %eq3A_1011 = arith.cmpi eq, %select_n3A_998, %broadcast_in_dim3A_1009 : vector<16xi32>
    %select_n3A_1012 = arith.select %eq3A_1011, %sub3A_1005, %broadcast_in_dim3A_1007 : vector<16xi1>, vector<16xf32>
    %select_n3A_1013 = arith.select %eq3A_1010, %div3A_1004, %select_n3A_1012 : vector<16xi1>, vector<16xf32>
    %swap3A_1014 = arith.constant 0 : i32
    %swap3A_1015 = arith.index_cast %swap3A_1014 : i32 to index
    %swap3A_1016 = arith.constant 48 : index
    %swap3A_1017 = tpu.vector_load %arg5[%swap3A_1015, %swap3A_1016] {strides = array<i32>} : memref<8x128xf32, #tpu.memory_space<vmem>>, vector<1x16xf32>,
    %swap3A_1018 = vector.shape_cast %swap3A_1017 : vector<1x16xf32> to vector<16xf32>
    %swap3A_1019 = vector.shape_cast %select_n3A_1013 : vector<16xf32> to vector<1x16xf32>
    tpu.vector_store %arg5[%swap3A_1015, %swap3A_1016], %swap3A_1019 {strides = array<i32>} : memref<8x128xf32, #tpu.memory_space<vmem>>, vector<1x16xf32>,
    %broadcast_in_dim3A_1020 = arith.constant 1 : i32
    %broadcast_in_dim3A_1021 = vector.broadcast %broadcast_in_dim3A_1020 : i32 to vector<16xi32>
    %eq3A_1022 = arith.cmpi eq, %select_n3A_906, %broadcast_in_dim3A_1021 : vector<16xi32>
    %eq3A_1023 = arith.cmpi eq, %select_n3A_998, %broadcast_in_dim3A_1021 : vector<16xi32>
    %select_n3A_1024 = arith.select %eq3A_1023, %sub3A_1005, %broadcast_in_dim3A_1007 : vector<16xi1>, vector<16xf32>
    %select_n3A_1025 = arith.select %eq3A_1022, %div3A_1004, %select_n3A_1024 : vector<16xi1>, vector<16xf32>
    %swap3A_1026 = arith.constant 1 : i32
    %swap3A_1027 = arith.index_cast %swap3A_1026 : i32 to index
    %swap3A_1028 = arith.constant 48 : index
    %swap3A_1029 = tpu.vector_load %arg5[%swap3A_1027, %swap3A_1028] {strides = array<i32>} : memref<8x128xf32, #tpu.memory_space<vmem>>, vector<1x16xf32>,
    %swap3A_1030 = vector.shape_cast %swap3A_1029 : vector<1x16xf32> to vector<16xf32>
    %swap3A_1031 = vector.shape_cast %select_n3A_1025 : vector<16xf32> to vector<1x16xf32>
    tpu.vector_store %arg5[%swap3A_1027, %swap3A_1028], %swap3A_1031 {strides = array<i32>} : memref<8x128xf32, #tpu.memory_space<vmem>>, vector<1x16xf32>,
    %broadcast_in_dim3A_1032 = arith.constant 2 : i32
    %broadcast_in_dim3A_1033 = vector.broadcast %broadcast_in_dim3A_1032 : i32 to vector<16xi32>
    %eq3A_1034 = arith.cmpi eq, %select_n3A_906, %broadcast_in_dim3A_1033 : vector<16xi32>
    %eq3A_1035 = arith.cmpi eq, %select_n3A_998, %broadcast_in_dim3A_1033 : vector<16xi32>
    %select_n3A_1036 = arith.select %eq3A_1035, %sub3A_1005, %broadcast_in_dim3A_1007 : vector<16xi1>, vector<16xf32>
    %select_n3A_1037 = arith.select %eq3A_1034, %div3A_1004, %select_n3A_1036 : vector<16xi1>, vector<16xf32>
    %swap3A_1038 = arith.constant 2 : i32
    %swap3A_1039 = arith.index_cast %swap3A_1038 : i32 to index
    %swap3A_1040 = arith.constant 48 : index
    %swap3A_1041 = tpu.vector_load %arg5[%swap3A_1039, %swap3A_1040] {strides = array<i32>} : memref<8x128xf32, #tpu.memory_space<vmem>>, vector<1x16xf32>,
    %swap3A_1042 = vector.shape_cast %swap3A_1041 : vector<1x16xf32> to vector<16xf32>
    %swap3A_1043 = vector.shape_cast %select_n3A_1037 : vector<16xf32> to vector<1x16xf32>
    tpu.vector_store %arg5[%swap3A_1039, %swap3A_1040], %swap3A_1043 {strides = array<i32>} : memref<8x128xf32, #tpu.memory_space<vmem>>, vector<1x16xf32>,
    %broadcast_in_dim3A_1044 = arith.constant 3 : i32
    %broadcast_in_dim3A_1045 = vector.broadcast %broadcast_in_dim3A_1044 : i32 to vector<16xi32>
    %eq3A_1046 = arith.cmpi eq, %select_n3A_906, %broadcast_in_dim3A_1045 : vector<16xi32>
    %eq3A_1047 = arith.cmpi eq, %select_n3A_998, %broadcast_in_dim3A_1045 : vector<16xi32>
    %select_n3A_1048 = arith.select %eq3A_1047, %sub3A_1005, %broadcast_in_dim3A_1007 : vector<16xi1>, vector<16xf32>
    %select_n3A_1049 = arith.select %eq3A_1046, %div3A_1004, %select_n3A_1048 : vector<16xi1>, vector<16xf32>
    %swap3A_1050 = arith.constant 3 : i32
    %swap3A_1051 = arith.index_cast %swap3A_1050 : i32 to index
    %swap3A_1052 = arith.constant 48 : index
    %swap3A_1053 = tpu.vector_load %arg5[%swap3A_1051, %swap3A_1052] {strides = array<i32>} : memref<8x128xf32, #tpu.memory_space<vmem>>, vector<1x16xf32>,
    %swap3A_1054 = vector.shape_cast %swap3A_1053 : vector<1x16xf32> to vector<16xf32>
    %swap3A_1055 = vector.shape_cast %select_n3A_1049 : vector<16xf32> to vector<1x16xf32>
    tpu.vector_store %arg5[%swap3A_1051, %swap3A_1052], %swap3A_1055 {strides = array<i32>} : memref<8x128xf32, #tpu.memory_space<vmem>>, vector<1x16xf32>,
    %broadcast_in_dim3A_1056 = arith.constant 4 : i32
    %broadcast_in_dim3A_1057 = vector.broadcast %broadcast_in_dim3A_1056 : i32 to vector<16xi32>
    %eq3A_1058 = arith.cmpi eq, %select_n3A_906, %broadcast_in_dim3A_1057 : vector<16xi32>
    %eq3A_1059 = arith.cmpi eq, %select_n3A_998, %broadcast_in_dim3A_1057 : vector<16xi32>
    %select_n3A_1060 = arith.select %eq3A_1059, %sub3A_1005, %broadcast_in_dim3A_1007 : vector<16xi1>, vector<16xf32>
    %select_n3A_1061 = arith.select %eq3A_1058, %div3A_1004, %select_n3A_1060 : vector<16xi1>, vector<16xf32>
    %swap3A_1062 = arith.constant 4 : i32
    %swap3A_1063 = arith.index_cast %swap3A_1062 : i32 to index
    %swap3A_1064 = arith.constant 48 : index
    %swap3A_1065 = tpu.vector_load %arg5[%swap3A_1063, %swap3A_1064] {strides = array<i32>} : memref<8x128xf32, #tpu.memory_space<vmem>>, vector<1x16xf32>,
    %swap3A_1066 = vector.shape_cast %swap3A_1065 : vector<1x16xf32> to vector<16xf32>
    %swap3A_1067 = vector.shape_cast %select_n3A_1061 : vector<16xf32> to vector<1x16xf32>
    tpu.vector_store %arg5[%swap3A_1063, %swap3A_1064], %swap3A_1067 {strides = array<i32>} : memref<8x128xf32, #tpu.memory_space<vmem>>, vector<1x16xf32>,
    %broadcast_in_dim3A_1068 = arith.constant 5 : i32
    %broadcast_in_dim3A_1069 = vector.broadcast %broadcast_in_dim3A_1068 : i32 to vector<16xi32>
    %eq3A_1070 = arith.cmpi eq, %select_n3A_906, %broadcast_in_dim3A_1069 : vector<16xi32>
    %eq3A_1071 = arith.cmpi eq, %select_n3A_998, %broadcast_in_dim3A_1069 : vector<16xi32>
    %select_n3A_1072 = arith.select %eq3A_1071, %sub3A_1005, %broadcast_in_dim3A_1007 : vector<16xi1>, vector<16xf32>
    %select_n3A_1073 = arith.select %eq3A_1070, %div3A_1004, %select_n3A_1072 : vector<16xi1>, vector<16xf32>
    %swap3A_1074 = arith.constant 5 : i32
    %swap3A_1075 = arith.index_cast %swap3A_1074 : i32 to index
    %swap3A_1076 = arith.constant 48 : index
    %swap3A_1077 = tpu.vector_load %arg5[%swap3A_1075, %swap3A_1076] {strides = array<i32>} : memref<8x128xf32, #tpu.memory_space<vmem>>, vector<1x16xf32>,
    %swap3A_1078 = vector.shape_cast %swap3A_1077 : vector<1x16xf32> to vector<16xf32>
    %swap3A_1079 = vector.shape_cast %select_n3A_1073 : vector<16xf32> to vector<1x16xf32>
    tpu.vector_store %arg5[%swap3A_1075, %swap3A_1076], %swap3A_1079 {strides = array<i32>} : memref<8x128xf32, #tpu.memory_space<vmem>>, vector<1x16xf32>,
    %broadcast_in_dim3A_1080 = arith.constant 6 : i32
    %broadcast_in_dim3A_1081 = vector.broadcast %broadcast_in_dim3A_1080 : i32 to vector<16xi32>
    %eq3A_1082 = arith.cmpi eq, %select_n3A_906, %broadcast_in_dim3A_1081 : vector<16xi32>
    %eq3A_1083 = arith.cmpi eq, %select_n3A_998, %broadcast_in_dim3A_1081 : vector<16xi32>
    %select_n3A_1084 = arith.select %eq3A_1083, %sub3A_1005, %broadcast_in_dim3A_1007 : vector<16xi1>, vector<16xf32>
    %select_n3A_1085 = arith.select %eq3A_1082, %div3A_1004, %select_n3A_1084 : vector<16xi1>, vector<16xf32>
    %swap3A_1086 = arith.constant 6 : i32
    %swap3A_1087 = arith.index_cast %swap3A_1086 : i32 to index
    %swap3A_1088 = arith.constant 48 : index
    %swap3A_1089 = tpu.vector_load %arg5[%swap3A_1087, %swap3A_1088] {strides = array<i32>} : memref<8x128xf32, #tpu.memory_space<vmem>>, vector<1x16xf32>,
    %swap3A_1090 = vector.shape_cast %swap3A_1089 : vector<1x16xf32> to vector<16xf32>
    %swap3A_1091 = vector.shape_cast %select_n3A_1085 : vector<16xf32> to vector<1x16xf32>
    tpu.vector_store %arg5[%swap3A_1087, %swap3A_1088], %swap3A_1091 {strides = array<i32>} : memref<8x128xf32, #tpu.memory_space<vmem>>, vector<1x16xf32>,
    %broadcast_in_dim3A_1092 = arith.constant 7 : i32
    %broadcast_in_dim3A_1093 = vector.broadcast %broadcast_in_dim3A_1092 : i32 to vector<16xi32>
    %eq3A_1094 = arith.cmpi eq, %select_n3A_906, %broadcast_in_dim3A_1093 : vector<16xi32>
    %eq3A_1095 = arith.cmpi eq, %select_n3A_998, %broadcast_in_dim3A_1093 : vector<16xi32>
    %select_n3A_1096 = arith.select %eq3A_1095, %sub3A_1005, %broadcast_in_dim3A_1007 : vector<16xi1>, vector<16xf32>
    %select_n3A_1097 = arith.select %eq3A_1094, %div3A_1004, %select_n3A_1096 : vector<16xi1>, vector<16xf32>
    %swap3A_1098 = arith.constant 7 : i32
    %swap3A_1099 = arith.index_cast %swap3A_1098 : i32 to index
    %swap3A_1100 = arith.constant 48 : index
    %swap3A_1101 = tpu.vector_load %arg5[%swap3A_1099, %swap3A_1100] {strides = array<i32>} : memref<8x128xf32, #tpu.memory_space<vmem>>, vector<1x16xf32>,
    %swap3A_1102 = vector.shape_cast %swap3A_1101 : vector<1x16xf32> to vector<16xf32>
    %swap3A_1103 = vector.shape_cast %select_n3A_1097 : vector<16xf32> to vector<1x16xf32>
    tpu.vector_store %arg5[%swap3A_1099, %swap3A_1100], %swap3A_1103 {strides = array<i32>} : memref<8x128xf32, #tpu.memory_space<vmem>>, vector<1x16xf32>,
    %get3A_1104 = arith.constant 0 : i32
    %get3A_1105 = arith.index_cast %get3A_1104 : i32 to index
    %get3A_1106 = arith.constant 64 : index
    %get3A_1107 = tpu.vector_load %arg4[%get3A_1105, %get3A_1106] {strides = array<i32>} : memref<8x128xf32, #tpu.memory_space<vmem>>, vector<1x16xf32>,
    %get3A_1108 = vector.shape_cast %get3A_1107 : vector<1x16xf32> to vector<16xf32>
    %get3A_1109 = arith.constant 1 : i32
    %get3A_1110 = arith.index_cast %get3A_1109 : i32 to index
    %get3A_1111 = arith.constant 64 : index
    %get3A_1112 = tpu.vector_load %arg4[%get3A_1110, %get3A_1111] {strides = array<i32>} : memref<8x128xf32, #tpu.memory_space<vmem>>, vector<1x16xf32>,
    %get3A_1113 = vector.shape_cast %get3A_1112 : vector<1x16xf32> to vector<16xf32>
    %get3A_1114 = arith.constant 2 : i32
    %get3A_1115 = arith.index_cast %get3A_1114 : i32 to index
    %get3A_1116 = arith.constant 64 : index
    %get3A_1117 = tpu.vector_load %arg4[%get3A_1115, %get3A_1116] {strides = array<i32>} : memref<8x128xf32, #tpu.memory_space<vmem>>, vector<1x16xf32>,
    %get3A_1118 = vector.shape_cast %get3A_1117 : vector<1x16xf32> to vector<16xf32>
    %get3A_1119 = arith.constant 3 : i32
    %get3A_1120 = arith.index_cast %get3A_1119 : i32 to index
    %get3A_1121 = arith.constant 64 : index
    %get3A_1122 = tpu.vector_load %arg4[%get3A_1120, %get3A_1121] {strides = array<i32>} : memref<8x128xf32, #tpu.memory_space<vmem>>, vector<1x16xf32>,
    %get3A_1123 = vector.shape_cast %get3A_1122 : vector<1x16xf32> to vector<16xf32>
    %get3A_1124 = arith.constant 4 : i32
    %get3A_1125 = arith.index_cast %get3A_1124 : i32 to index
    %get3A_1126 = arith.constant 64 : index
    %get3A_1127 = tpu.vector_load %arg4[%get3A_1125, %get3A_1126] {strides = array<i32>} : memref<8x128xf32, #tpu.memory_space<vmem>>, vector<1x16xf32>,
    %get3A_1128 = vector.shape_cast %get3A_1127 : vector<1x16xf32> to vector<16xf32>
    %get3A_1129 = arith.constant 5 : i32
    %get3A_1130 = arith.index_cast %get3A_1129 : i32 to index
    %get3A_1131 = arith.constant 64 : index
    %get3A_1132 = tpu.vector_load %arg4[%get3A_1130, %get3A_1131] {strides = array<i32>} : memref<8x128xf32, #tpu.memory_space<vmem>>, vector<1x16xf32>,
    %get3A_1133 = vector.shape_cast %get3A_1132 : vector<1x16xf32> to vector<16xf32>
    %get3A_1134 = arith.constant 6 : i32
    %get3A_1135 = arith.index_cast %get3A_1134 : i32 to index
    %get3A_1136 = arith.constant 64 : index
    %get3A_1137 = tpu.vector_load %arg4[%get3A_1135, %get3A_1136] {strides = array<i32>} : memref<8x128xf32, #tpu.memory_space<vmem>>, vector<1x16xf32>,
    %get3A_1138 = vector.shape_cast %get3A_1137 : vector<1x16xf32> to vector<16xf32>
    %get3A_1139 = arith.constant 7 : i32
    %get3A_1140 = arith.index_cast %get3A_1139 : i32 to index
    %get3A_1141 = arith.constant 64 : index
    %get3A_1142 = tpu.vector_load %arg4[%get3A_1140, %get3A_1141] {strides = array<i32>} : memref<8x128xf32, #tpu.memory_space<vmem>>, vector<1x16xf32>,
    %get3A_1143 = vector.shape_cast %get3A_1142 : vector<1x16xf32> to vector<16xf32>
    %max3A_1144 = arith.maximumf %get3A_1108, %get3A_1113 : vector<16xf32>
    %max3A_1145 = arith.maximumf %max3A_1144, %get3A_1118 : vector<16xf32>
    %max3A_1146 = arith.maximumf %max3A_1145, %get3A_1123 : vector<16xf32>
    %max3A_1147 = arith.maximumf %max3A_1146, %get3A_1128 : vector<16xf32>
    %max3A_1148 = arith.maximumf %max3A_1147, %get3A_1133 : vector<16xf32>
    %max3A_1149 = arith.maximumf %max3A_1148, %get3A_1138 : vector<16xf32>
    %max3A_1150 = arith.maximumf %max3A_1149, %get3A_1143 : vector<16xf32>
    %broadcast_in_dim3A_1151 = arith.constant 0 : i32
    %broadcast_in_dim3A_1152 = vector.broadcast %broadcast_in_dim3A_1151 : i32 to vector<16xi32>
    %broadcast_in_dim3A_1153 = arith.constant 7 : i32
    %broadcast_in_dim3A_1154 = vector.broadcast %broadcast_in_dim3A_1153 : i32 to vector<16xi32>
    %eq3A_1155 = arith.cmpf oeq, %get3A_1143, %max3A_1150 : vector<16xf32>
    %select_n3A_1156 = arith.select %eq3A_1155, %broadcast_in_dim3A_1154, %broadcast_in_dim3A_1152 : vector<16xi1>, vector<16xi32>
    %broadcast_in_dim3A_1157 = arith.constant 6 : i32
    %broadcast_in_dim3A_1158 = vector.broadcast %broadcast_in_dim3A_1157 : i32 to vector<16xi32>
    %eq3A_1159 = arith.cmpf oeq, %get3A_1138, %max3A_1150 : vector<16xf32>
    %select_n3A_1160 = arith.select %eq3A_1159, %broadcast_in_dim3A_1158, %select_n3A_1156 : vector<16xi1>, vector<16xi32>
    %broadcast_in_dim3A_1161 = arith.constant 5 : i32
    %broadcast_in_dim3A_1162 = vector.broadcast %broadcast_in_dim3A_1161 : i32 to vector<16xi32>
    %eq3A_1163 = arith.cmpf oeq, %get3A_1133, %max3A_1150 : vector<16xf32>
    %select_n3A_1164 = arith.select %eq3A_1163, %broadcast_in_dim3A_1162, %select_n3A_1160 : vector<16xi1>, vector<16xi32>
    %broadcast_in_dim3A_1165 = arith.constant 4 : i32
    %broadcast_in_dim3A_1166 = vector.broadcast %broadcast_in_dim3A_1165 : i32 to vector<16xi32>
    %eq3A_1167 = arith.cmpf oeq, %get3A_1128, %max3A_1150 : vector<16xf32>
    %select_n3A_1168 = arith.select %eq3A_1167, %broadcast_in_dim3A_1166, %select_n3A_1164 : vector<16xi1>, vector<16xi32>
    %broadcast_in_dim3A_1169 = arith.constant 3 : i32
    %broadcast_in_dim3A_1170 = vector.broadcast %broadcast_in_dim3A_1169 : i32 to vector<16xi32>
    %eq3A_1171 = arith.cmpf oeq, %get3A_1123, %max3A_1150 : vector<16xf32>
    %select_n3A_1172 = arith.select %eq3A_1171, %broadcast_in_dim3A_1170, %select_n3A_1168 : vector<16xi1>, vector<16xi32>
    %broadcast_in_dim3A_1173 = arith.constant 2 : i32
    %broadcast_in_dim3A_1174 = vector.broadcast %broadcast_in_dim3A_1173 : i32 to vector<16xi32>
    %eq3A_1175 = arith.cmpf oeq, %get3A_1118, %max3A_1150 : vector<16xf32>
    %select_n3A_1176 = arith.select %eq3A_1175, %broadcast_in_dim3A_1174, %select_n3A_1172 : vector<16xi1>, vector<16xi32>
    %broadcast_in_dim3A_1177 = arith.constant 1 : i32
    %broadcast_in_dim3A_1178 = vector.broadcast %broadcast_in_dim3A_1177 : i32 to vector<16xi32>
    %eq3A_1179 = arith.cmpf oeq, %get3A_1113, %max3A_1150 : vector<16xf32>
    %select_n3A_1180 = arith.select %eq3A_1179, %broadcast_in_dim3A_1178, %select_n3A_1176 : vector<16xi1>, vector<16xi32>
    %broadcast_in_dim3A_1181 = arith.constant 0 : i32
    %broadcast_in_dim3A_1182 = vector.broadcast %broadcast_in_dim3A_1181 : i32 to vector<16xi32>
    %eq3A_1183 = arith.cmpf oeq, %get3A_1108, %max3A_1150 : vector<16xf32>
    %select_n3A_1184 = arith.select %eq3A_1183, %broadcast_in_dim3A_1182, %select_n3A_1180 : vector<16xi1>, vector<16xi32>
    %broadcast_in_dim3A_1185 = arith.constant -3.000000e+38 : f32
    %broadcast_in_dim3A_1186 = vector.broadcast %broadcast_in_dim3A_1185 : f32 to vector<16xf32>
    %broadcast_in_dim3A_1187 = arith.constant 0 : i32
    %broadcast_in_dim3A_1188 = vector.broadcast %broadcast_in_dim3A_1187 : i32 to vector<16xi32>
    %eq3A_1189 = arith.cmpi eq, %select_n3A_1184, %broadcast_in_dim3A_1188 : vector<16xi32>
    %select_n3A_1190 = arith.select %eq3A_1189, %broadcast_in_dim3A_1186, %get3A_1108 : vector<16xi1>, vector<16xf32>
    %max3A_1191 = arith.maximumf %broadcast_in_dim3A_1186, %select_n3A_1190 : vector<16xf32>
    %broadcast_in_dim3A_1192 = arith.constant 1 : i32
    %broadcast_in_dim3A_1193 = vector.broadcast %broadcast_in_dim3A_1192 : i32 to vector<16xi32>
    %eq3A_1194 = arith.cmpi eq, %select_n3A_1184, %broadcast_in_dim3A_1193 : vector<16xi32>
    %select_n3A_1195 = arith.select %eq3A_1194, %broadcast_in_dim3A_1186, %get3A_1113 : vector<16xi1>, vector<16xf32>
    %max3A_1196 = arith.maximumf %max3A_1191, %select_n3A_1195 : vector<16xf32>
    %broadcast_in_dim3A_1197 = arith.constant 2 : i32
    %broadcast_in_dim3A_1198 = vector.broadcast %broadcast_in_dim3A_1197 : i32 to vector<16xi32>
    %eq3A_1199 = arith.cmpi eq, %select_n3A_1184, %broadcast_in_dim3A_1198 : vector<16xi32>
    %select_n3A_1200 = arith.select %eq3A_1199, %broadcast_in_dim3A_1186, %get3A_1118 : vector<16xi1>, vector<16xf32>
    %max3A_1201 = arith.maximumf %max3A_1196, %select_n3A_1200 : vector<16xf32>
    %broadcast_in_dim3A_1202 = arith.constant 3 : i32
    %broadcast_in_dim3A_1203 = vector.broadcast %broadcast_in_dim3A_1202 : i32 to vector<16xi32>
    %eq3A_1204 = arith.cmpi eq, %select_n3A_1184, %broadcast_in_dim3A_1203 : vector<16xi32>
    %select_n3A_1205 = arith.select %eq3A_1204, %broadcast_in_dim3A_1186, %get3A_1123 : vector<16xi1>, vector<16xf32>
    %max3A_1206 = arith.maximumf %max3A_1201, %select_n3A_1205 : vector<16xf32>
    %broadcast_in_dim3A_1207 = arith.constant 4 : i32
    %broadcast_in_dim3A_1208 = vector.broadcast %broadcast_in_dim3A_1207 : i32 to vector<16xi32>
    %eq3A_1209 = arith.cmpi eq, %select_n3A_1184, %broadcast_in_dim3A_1208 : vector<16xi32>
    %select_n3A_1210 = arith.select %eq3A_1209, %broadcast_in_dim3A_1186, %get3A_1128 : vector<16xi1>, vector<16xf32>
    %max3A_1211 = arith.maximumf %max3A_1206, %select_n3A_1210 : vector<16xf32>
    %broadcast_in_dim3A_1212 = arith.constant 5 : i32
    %broadcast_in_dim3A_1213 = vector.broadcast %broadcast_in_dim3A_1212 : i32 to vector<16xi32>
    %eq3A_1214 = arith.cmpi eq, %select_n3A_1184, %broadcast_in_dim3A_1213 : vector<16xi32>
    %select_n3A_1215 = arith.select %eq3A_1214, %broadcast_in_dim3A_1186, %get3A_1133 : vector<16xi1>, vector<16xf32>
    %max3A_1216 = arith.maximumf %max3A_1211, %select_n3A_1215 : vector<16xf32>
    %broadcast_in_dim3A_1217 = arith.constant 6 : i32
    %broadcast_in_dim3A_1218 = vector.broadcast %broadcast_in_dim3A_1217 : i32 to vector<16xi32>
    %eq3A_1219 = arith.cmpi eq, %select_n3A_1184, %broadcast_in_dim3A_1218 : vector<16xi32>
    %select_n3A_1220 = arith.select %eq3A_1219, %broadcast_in_dim3A_1186, %get3A_1138 : vector<16xi1>, vector<16xf32>
    %max3A_1221 = arith.maximumf %max3A_1216, %select_n3A_1220 : vector<16xf32>
    %broadcast_in_dim3A_1222 = arith.constant 7 : i32
    %broadcast_in_dim3A_1223 = vector.broadcast %broadcast_in_dim3A_1222 : i32 to vector<16xi32>
    %eq3A_1224 = arith.cmpi eq, %select_n3A_1184, %broadcast_in_dim3A_1223 : vector<16xi32>
    %select_n3A_1225 = arith.select %eq3A_1224, %broadcast_in_dim3A_1186, %get3A_1143 : vector<16xi1>, vector<16xf32>
    %max3A_1226 = arith.maximumf %max3A_1221, %select_n3A_1225 : vector<16xf32>
    %broadcast_in_dim3A_1227 = arith.constant 0 : i32
    %broadcast_in_dim3A_1228 = vector.broadcast %broadcast_in_dim3A_1227 : i32 to vector<16xi32>
    %broadcast_in_dim3A_1229 = arith.constant 7 : i32
    %broadcast_in_dim3A_1230 = vector.broadcast %broadcast_in_dim3A_1229 : i32 to vector<16xi32>
    %eq3A_1231 = arith.cmpf oeq, %get3A_1143, %max3A_1226 : vector<16xf32>
    %ne3A_1232 = arith.cmpi ne, %select_n3A_1184, %broadcast_in_dim3A_1230 : vector<16xi32>
    %and3A_1233 = arith.andi %eq3A_1231, %ne3A_1232 : vector<16xi1>
    %select_n3A_1234 = arith.select %and3A_1233, %broadcast_in_dim3A_1230, %broadcast_in_dim3A_1228 : vector<16xi1>, vector<16xi32>
    %broadcast_in_dim3A_1235 = arith.constant 6 : i32
    %broadcast_in_dim3A_1236 = vector.broadcast %broadcast_in_dim3A_1235 : i32 to vector<16xi32>
    %eq3A_1237 = arith.cmpf oeq, %get3A_1138, %max3A_1226 : vector<16xf32>
    %ne3A_1238 = arith.cmpi ne, %select_n3A_1184, %broadcast_in_dim3A_1236 : vector<16xi32>
    %and3A_1239 = arith.andi %eq3A_1237, %ne3A_1238 : vector<16xi1>
    %select_n3A_1240 = arith.select %and3A_1239, %broadcast_in_dim3A_1236, %select_n3A_1234 : vector<16xi1>, vector<16xi32>
    %broadcast_in_dim3A_1241 = arith.constant 5 : i32
    %broadcast_in_dim3A_1242 = vector.broadcast %broadcast_in_dim3A_1241 : i32 to vector<16xi32>
    %eq3A_1243 = arith.cmpf oeq, %get3A_1133, %max3A_1226 : vector<16xf32>
    %ne3A_1244 = arith.cmpi ne, %select_n3A_1184, %broadcast_in_dim3A_1242 : vector<16xi32>
    %and3A_1245 = arith.andi %eq3A_1243, %ne3A_1244 : vector<16xi1>
    %select_n3A_1246 = arith.select %and3A_1245, %broadcast_in_dim3A_1242, %select_n3A_1240 : vector<16xi1>, vector<16xi32>
    %broadcast_in_dim3A_1247 = arith.constant 4 : i32
    %broadcast_in_dim3A_1248 = vector.broadcast %broadcast_in_dim3A_1247 : i32 to vector<16xi32>
    %eq3A_1249 = arith.cmpf oeq, %get3A_1128, %max3A_1226 : vector<16xf32>
    %ne3A_1250 = arith.cmpi ne, %select_n3A_1184, %broadcast_in_dim3A_1248 : vector<16xi32>
    %and3A_1251 = arith.andi %eq3A_1249, %ne3A_1250 : vector<16xi1>
    %select_n3A_1252 = arith.select %and3A_1251, %broadcast_in_dim3A_1248, %select_n3A_1246 : vector<16xi1>, vector<16xi32>
    %broadcast_in_dim3A_1253 = arith.constant 3 : i32
    %broadcast_in_dim3A_1254 = vector.broadcast %broadcast_in_dim3A_1253 : i32 to vector<16xi32>
    %eq3A_1255 = arith.cmpf oeq, %get3A_1123, %max3A_1226 : vector<16xf32>
    %ne3A_1256 = arith.cmpi ne, %select_n3A_1184, %broadcast_in_dim3A_1254 : vector<16xi32>
    %and3A_1257 = arith.andi %eq3A_1255, %ne3A_1256 : vector<16xi1>
    %select_n3A_1258 = arith.select %and3A_1257, %broadcast_in_dim3A_1254, %select_n3A_1252 : vector<16xi1>, vector<16xi32>
    %broadcast_in_dim3A_1259 = arith.constant 2 : i32
    %broadcast_in_dim3A_1260 = vector.broadcast %broadcast_in_dim3A_1259 : i32 to vector<16xi32>
    %eq3A_1261 = arith.cmpf oeq, %get3A_1118, %max3A_1226 : vector<16xf32>
    %ne3A_1262 = arith.cmpi ne, %select_n3A_1184, %broadcast_in_dim3A_1260 : vector<16xi32>
    %and3A_1263 = arith.andi %eq3A_1261, %ne3A_1262 : vector<16xi1>
    %select_n3A_1264 = arith.select %and3A_1263, %broadcast_in_dim3A_1260, %select_n3A_1258 : vector<16xi1>, vector<16xi32>
    %broadcast_in_dim3A_1265 = arith.constant 1 : i32
    %broadcast_in_dim3A_1266 = vector.broadcast %broadcast_in_dim3A_1265 : i32 to vector<16xi32>
    %eq3A_1267 = arith.cmpf oeq, %get3A_1113, %max3A_1226 : vector<16xf32>
    %ne3A_1268 = arith.cmpi ne, %select_n3A_1184, %broadcast_in_dim3A_1266 : vector<16xi32>
    %and3A_1269 = arith.andi %eq3A_1267, %ne3A_1268 : vector<16xi1>
    %select_n3A_1270 = arith.select %and3A_1269, %broadcast_in_dim3A_1266, %select_n3A_1264 : vector<16xi1>, vector<16xi32>
    %broadcast_in_dim3A_1271 = arith.constant 0 : i32
    %broadcast_in_dim3A_1272 = vector.broadcast %broadcast_in_dim3A_1271 : i32 to vector<16xi32>
    %eq3A_1273 = arith.cmpf oeq, %get3A_1108, %max3A_1226 : vector<16xf32>
    %ne3A_1274 = arith.cmpi ne, %select_n3A_1184, %broadcast_in_dim3A_1272 : vector<16xi32>
    %and3A_1275 = arith.andi %eq3A_1273, %ne3A_1274 : vector<16xi1>
    %select_n3A_1276 = arith.select %and3A_1275, %broadcast_in_dim3A_1272, %select_n3A_1270 : vector<16xi1>, vector<16xi32>
    %broadcast_in_dim3A_1277 = arith.constant 1.000000e+00 : f32
    %broadcast_in_dim3A_1278 = vector.broadcast %broadcast_in_dim3A_1277 : f32 to vector<16xf32>
    %sub3A_1279 = arith.subf %max3A_1226, %max3A_1150 : vector<16xf32>
    %exp3A_1280 = math.exp %sub3A_1279 : vector<16xf32>
    %add3A_1281 = arith.addf %broadcast_in_dim3A_1278, %exp3A_1280 : vector<16xf32>
    %div3A_1282 = arith.divf %broadcast_in_dim3A_1278, %add3A_1281 : vector<16xf32>
    %sub3A_1283 = arith.subf %broadcast_in_dim3A_1278, %div3A_1282 : vector<16xf32>
    %broadcast_in_dim3A_1284 = arith.constant 0.000000e+00 : f32
    %broadcast_in_dim3A_1285 = vector.broadcast %broadcast_in_dim3A_1284 : f32 to vector<16xf32>
    %broadcast_in_dim3A_1286 = arith.constant 0 : i32
    %broadcast_in_dim3A_1287 = vector.broadcast %broadcast_in_dim3A_1286 : i32 to vector<16xi32>
    %eq3A_1288 = arith.cmpi eq, %select_n3A_1184, %broadcast_in_dim3A_1287 : vector<16xi32>
    %eq3A_1289 = arith.cmpi eq, %select_n3A_1276, %broadcast_in_dim3A_1287 : vector<16xi32>
    %select_n3A_1290 = arith.select %eq3A_1289, %sub3A_1283, %broadcast_in_dim3A_1285 : vector<16xi1>, vector<16xf32>
    %select_n3A_1291 = arith.select %eq3A_1288, %div3A_1282, %select_n3A_1290 : vector<16xi1>, vector<16xf32>
    %swap3A_1292 = arith.constant 0 : i32
    %swap3A_1293 = arith.index_cast %swap3A_1292 : i32 to index
    %swap3A_1294 = arith.constant 64 : index
    %swap3A_1295 = tpu.vector_load %arg5[%swap3A_1293, %swap3A_1294] {strides = array<i32>} : memref<8x128xf32, #tpu.memory_space<vmem>>, vector<1x16xf32>,
    %swap3A_1296 = vector.shape_cast %swap3A_1295 : vector<1x16xf32> to vector<16xf32>
    %swap3A_1297 = vector.shape_cast %select_n3A_1291 : vector<16xf32> to vector<1x16xf32>
    tpu.vector_store %arg5[%swap3A_1293, %swap3A_1294], %swap3A_1297 {strides = array<i32>} : memref<8x128xf32, #tpu.memory_space<vmem>>, vector<1x16xf32>,
    %broadcast_in_dim3A_1298 = arith.constant 1 : i32
    %broadcast_in_dim3A_1299 = vector.broadcast %broadcast_in_dim3A_1298 : i32 to vector<16xi32>
    %eq3A_1300 = arith.cmpi eq, %select_n3A_1184, %broadcast_in_dim3A_1299 : vector<16xi32>
    %eq3A_1301 = arith.cmpi eq, %select_n3A_1276, %broadcast_in_dim3A_1299 : vector<16xi32>
    %select_n3A_1302 = arith.select %eq3A_1301, %sub3A_1283, %broadcast_in_dim3A_1285 : vector<16xi1>, vector<16xf32>
    %select_n3A_1303 = arith.select %eq3A_1300, %div3A_1282, %select_n3A_1302 : vector<16xi1>, vector<16xf32>
    %swap3A_1304 = arith.constant 1 : i32
    %swap3A_1305 = arith.index_cast %swap3A_1304 : i32 to index
    %swap3A_1306 = arith.constant 64 : index
    %swap3A_1307 = tpu.vector_load %arg5[%swap3A_1305, %swap3A_1306] {strides = array<i32>} : memref<8x128xf32, #tpu.memory_space<vmem>>, vector<1x16xf32>,
    %swap3A_1308 = vector.shape_cast %swap3A_1307 : vector<1x16xf32> to vector<16xf32>
    %swap3A_1309 = vector.shape_cast %select_n3A_1303 : vector<16xf32> to vector<1x16xf32>
    tpu.vector_store %arg5[%swap3A_1305, %swap3A_1306], %swap3A_1309 {strides = array<i32>} : memref<8x128xf32, #tpu.memory_space<vmem>>, vector<1x16xf32>,
    %broadcast_in_dim3A_1310 = arith.constant 2 : i32
    %broadcast_in_dim3A_1311 = vector.broadcast %broadcast_in_dim3A_1310 : i32 to vector<16xi32>
    %eq3A_1312 = arith.cmpi eq, %select_n3A_1184, %broadcast_in_dim3A_1311 : vector<16xi32>
    %eq3A_1313 = arith.cmpi eq, %select_n3A_1276, %broadcast_in_dim3A_1311 : vector<16xi32>
    %select_n3A_1314 = arith.select %eq3A_1313, %sub3A_1283, %broadcast_in_dim3A_1285 : vector<16xi1>, vector<16xf32>
    %select_n3A_1315 = arith.select %eq3A_1312, %div3A_1282, %select_n3A_1314 : vector<16xi1>, vector<16xf32>
    %swap3A_1316 = arith.constant 2 : i32
    %swap3A_1317 = arith.index_cast %swap3A_1316 : i32 to index
    %swap3A_1318 = arith.constant 64 : index
    %swap3A_1319 = tpu.vector_load %arg5[%swap3A_1317, %swap3A_1318] {strides = array<i32>} : memref<8x128xf32, #tpu.memory_space<vmem>>, vector<1x16xf32>,
    %swap3A_1320 = vector.shape_cast %swap3A_1319 : vector<1x16xf32> to vector<16xf32>
    %swap3A_1321 = vector.shape_cast %select_n3A_1315 : vector<16xf32> to vector<1x16xf32>
    tpu.vector_store %arg5[%swap3A_1317, %swap3A_1318], %swap3A_1321 {strides = array<i32>} : memref<8x128xf32, #tpu.memory_space<vmem>>, vector<1x16xf32>,
    %broadcast_in_dim3A_1322 = arith.constant 3 : i32
    %broadcast_in_dim3A_1323 = vector.broadcast %broadcast_in_dim3A_1322 : i32 to vector<16xi32>
    %eq3A_1324 = arith.cmpi eq, %select_n3A_1184, %broadcast_in_dim3A_1323 : vector<16xi32>
    %eq3A_1325 = arith.cmpi eq, %select_n3A_1276, %broadcast_in_dim3A_1323 : vector<16xi32>
    %select_n3A_1326 = arith.select %eq3A_1325, %sub3A_1283, %broadcast_in_dim3A_1285 : vector<16xi1>, vector<16xf32>
    %select_n3A_1327 = arith.select %eq3A_1324, %div3A_1282, %select_n3A_1326 : vector<16xi1>, vector<16xf32>
    %swap3A_1328 = arith.constant 3 : i32
    %swap3A_1329 = arith.index_cast %swap3A_1328 : i32 to index
    %swap3A_1330 = arith.constant 64 : index
    %swap3A_1331 = tpu.vector_load %arg5[%swap3A_1329, %swap3A_1330] {strides = array<i32>} : memref<8x128xf32, #tpu.memory_space<vmem>>, vector<1x16xf32>,
    %swap3A_1332 = vector.shape_cast %swap3A_1331 : vector<1x16xf32> to vector<16xf32>
    %swap3A_1333 = vector.shape_cast %select_n3A_1327 : vector<16xf32> to vector<1x16xf32>
    tpu.vector_store %arg5[%swap3A_1329, %swap3A_1330], %swap3A_1333 {strides = array<i32>} : memref<8x128xf32, #tpu.memory_space<vmem>>, vector<1x16xf32>,
    %broadcast_in_dim3A_1334 = arith.constant 4 : i32
    %broadcast_in_dim3A_1335 = vector.broadcast %broadcast_in_dim3A_1334 : i32 to vector<16xi32>
    %eq3A_1336 = arith.cmpi eq, %select_n3A_1184, %broadcast_in_dim3A_1335 : vector<16xi32>
    %eq3A_1337 = arith.cmpi eq, %select_n3A_1276, %broadcast_in_dim3A_1335 : vector<16xi32>
    %select_n3A_1338 = arith.select %eq3A_1337, %sub3A_1283, %broadcast_in_dim3A_1285 : vector<16xi1>, vector<16xf32>
    %select_n3A_1339 = arith.select %eq3A_1336, %div3A_1282, %select_n3A_1338 : vector<16xi1>, vector<16xf32>
    %swap3A_1340 = arith.constant 4 : i32
    %swap3A_1341 = arith.index_cast %swap3A_1340 : i32 to index
    %swap3A_1342 = arith.constant 64 : index
    %swap3A_1343 = tpu.vector_load %arg5[%swap3A_1341, %swap3A_1342] {strides = array<i32>} : memref<8x128xf32, #tpu.memory_space<vmem>>, vector<1x16xf32>,
    %swap3A_1344 = vector.shape_cast %swap3A_1343 : vector<1x16xf32> to vector<16xf32>
    %swap3A_1345 = vector.shape_cast %select_n3A_1339 : vector<16xf32> to vector<1x16xf32>
    tpu.vector_store %arg5[%swap3A_1341, %swap3A_1342], %swap3A_1345 {strides = array<i32>} : memref<8x128xf32, #tpu.memory_space<vmem>>, vector<1x16xf32>,
    %broadcast_in_dim3A_1346 = arith.constant 5 : i32
    %broadcast_in_dim3A_1347 = vector.broadcast %broadcast_in_dim3A_1346 : i32 to vector<16xi32>
    %eq3A_1348 = arith.cmpi eq, %select_n3A_1184, %broadcast_in_dim3A_1347 : vector<16xi32>
    %eq3A_1349 = arith.cmpi eq, %select_n3A_1276, %broadcast_in_dim3A_1347 : vector<16xi32>
    %select_n3A_1350 = arith.select %eq3A_1349, %sub3A_1283, %broadcast_in_dim3A_1285 : vector<16xi1>, vector<16xf32>
    %select_n3A_1351 = arith.select %eq3A_1348, %div3A_1282, %select_n3A_1350 : vector<16xi1>, vector<16xf32>
    %swap3A_1352 = arith.constant 5 : i32
    %swap3A_1353 = arith.index_cast %swap3A_1352 : i32 to index
    %swap3A_1354 = arith.constant 64 : index
    %swap3A_1355 = tpu.vector_load %arg5[%swap3A_1353, %swap3A_1354] {strides = array<i32>} : memref<8x128xf32, #tpu.memory_space<vmem>>, vector<1x16xf32>,
    %swap3A_1356 = vector.shape_cast %swap3A_1355 : vector<1x16xf32> to vector<16xf32>
    %swap3A_1357 = vector.shape_cast %select_n3A_1351 : vector<16xf32> to vector<1x16xf32>
    tpu.vector_store %arg5[%swap3A_1353, %swap3A_1354], %swap3A_1357 {strides = array<i32>} : memref<8x128xf32, #tpu.memory_space<vmem>>, vector<1x16xf32>,
    %broadcast_in_dim3A_1358 = arith.constant 6 : i32
    %broadcast_in_dim3A_1359 = vector.broadcast %broadcast_in_dim3A_1358 : i32 to vector<16xi32>
    %eq3A_1360 = arith.cmpi eq, %select_n3A_1184, %broadcast_in_dim3A_1359 : vector<16xi32>
    %eq3A_1361 = arith.cmpi eq, %select_n3A_1276, %broadcast_in_dim3A_1359 : vector<16xi32>
    %select_n3A_1362 = arith.select %eq3A_1361, %sub3A_1283, %broadcast_in_dim3A_1285 : vector<16xi1>, vector<16xf32>
    %select_n3A_1363 = arith.select %eq3A_1360, %div3A_1282, %select_n3A_1362 : vector<16xi1>, vector<16xf32>
    %swap3A_1364 = arith.constant 6 : i32
    %swap3A_1365 = arith.index_cast %swap3A_1364 : i32 to index
    %swap3A_1366 = arith.constant 64 : index
    %swap3A_1367 = tpu.vector_load %arg5[%swap3A_1365, %swap3A_1366] {strides = array<i32>} : memref<8x128xf32, #tpu.memory_space<vmem>>, vector<1x16xf32>,
    %swap3A_1368 = vector.shape_cast %swap3A_1367 : vector<1x16xf32> to vector<16xf32>
    %swap3A_1369 = vector.shape_cast %select_n3A_1363 : vector<16xf32> to vector<1x16xf32>
    tpu.vector_store %arg5[%swap3A_1365, %swap3A_1366], %swap3A_1369 {strides = array<i32>} : memref<8x128xf32, #tpu.memory_space<vmem>>, vector<1x16xf32>,
    %broadcast_in_dim3A_1370 = arith.constant 7 : i32
    %broadcast_in_dim3A_1371 = vector.broadcast %broadcast_in_dim3A_1370 : i32 to vector<16xi32>
    %eq3A_1372 = arith.cmpi eq, %select_n3A_1184, %broadcast_in_dim3A_1371 : vector<16xi32>
    %eq3A_1373 = arith.cmpi eq, %select_n3A_1276, %broadcast_in_dim3A_1371 : vector<16xi32>
    %select_n3A_1374 = arith.select %eq3A_1373, %sub3A_1283, %broadcast_in_dim3A_1285 : vector<16xi1>, vector<16xf32>
    %select_n3A_1375 = arith.select %eq3A_1372, %div3A_1282, %select_n3A_1374 : vector<16xi1>, vector<16xf32>
    %swap3A_1376 = arith.constant 7 : i32
    %swap3A_1377 = arith.index_cast %swap3A_1376 : i32 to index
    %swap3A_1378 = arith.constant 64 : index
    %swap3A_1379 = tpu.vector_load %arg5[%swap3A_1377, %swap3A_1378] {strides = array<i32>} : memref<8x128xf32, #tpu.memory_space<vmem>>, vector<1x16xf32>,
    %swap3A_1380 = vector.shape_cast %swap3A_1379 : vector<1x16xf32> to vector<16xf32>
    %swap3A_1381 = vector.shape_cast %select_n3A_1375 : vector<16xf32> to vector<1x16xf32>
    tpu.vector_store %arg5[%swap3A_1377, %swap3A_1378], %swap3A_1381 {strides = array<i32>} : memref<8x128xf32, #tpu.memory_space<vmem>>, vector<1x16xf32>,
    %get3A_1382 = arith.constant 0 : i32
    %get3A_1383 = arith.index_cast %get3A_1382 : i32 to index
    %get3A_1384 = arith.constant 80 : index
    %get3A_1385 = tpu.vector_load %arg4[%get3A_1383, %get3A_1384] {strides = array<i32>} : memref<8x128xf32, #tpu.memory_space<vmem>>, vector<1x16xf32>,
    %get3A_1386 = vector.shape_cast %get3A_1385 : vector<1x16xf32> to vector<16xf32>
    %get3A_1387 = arith.constant 1 : i32
    %get3A_1388 = arith.index_cast %get3A_1387 : i32 to index
    %get3A_1389 = arith.constant 80 : index
    %get3A_1390 = tpu.vector_load %arg4[%get3A_1388, %get3A_1389] {strides = array<i32>} : memref<8x128xf32, #tpu.memory_space<vmem>>, vector<1x16xf32>,
    %get3A_1391 = vector.shape_cast %get3A_1390 : vector<1x16xf32> to vector<16xf32>
    %get3A_1392 = arith.constant 2 : i32
    %get3A_1393 = arith.index_cast %get3A_1392 : i32 to index
    %get3A_1394 = arith.constant 80 : index
    %get3A_1395 = tpu.vector_load %arg4[%get3A_1393, %get3A_1394] {strides = array<i32>} : memref<8x128xf32, #tpu.memory_space<vmem>>, vector<1x16xf32>,
    %get3A_1396 = vector.shape_cast %get3A_1395 : vector<1x16xf32> to vector<16xf32>
    %get3A_1397 = arith.constant 3 : i32
    %get3A_1398 = arith.index_cast %get3A_1397 : i32 to index
    %get3A_1399 = arith.constant 80 : index
    %get3A_1400 = tpu.vector_load %arg4[%get3A_1398, %get3A_1399] {strides = array<i32>} : memref<8x128xf32, #tpu.memory_space<vmem>>, vector<1x16xf32>,
    %get3A_1401 = vector.shape_cast %get3A_1400 : vector<1x16xf32> to vector<16xf32>
    %get3A_1402 = arith.constant 4 : i32
    %get3A_1403 = arith.index_cast %get3A_1402 : i32 to index
    %get3A_1404 = arith.constant 80 : index
    %get3A_1405 = tpu.vector_load %arg4[%get3A_1403, %get3A_1404] {strides = array<i32>} : memref<8x128xf32, #tpu.memory_space<vmem>>, vector<1x16xf32>,
    %get3A_1406 = vector.shape_cast %get3A_1405 : vector<1x16xf32> to vector<16xf32>
    %get3A_1407 = arith.constant 5 : i32
    %get3A_1408 = arith.index_cast %get3A_1407 : i32 to index
    %get3A_1409 = arith.constant 80 : index
    %get3A_1410 = tpu.vector_load %arg4[%get3A_1408, %get3A_1409] {strides = array<i32>} : memref<8x128xf32, #tpu.memory_space<vmem>>, vector<1x16xf32>,
    %get3A_1411 = vector.shape_cast %get3A_1410 : vector<1x16xf32> to vector<16xf32>
    %get3A_1412 = arith.constant 6 : i32
    %get3A_1413 = arith.index_cast %get3A_1412 : i32 to index
    %get3A_1414 = arith.constant 80 : index
    %get3A_1415 = tpu.vector_load %arg4[%get3A_1413, %get3A_1414] {strides = array<i32>} : memref<8x128xf32, #tpu.memory_space<vmem>>, vector<1x16xf32>,
    %get3A_1416 = vector.shape_cast %get3A_1415 : vector<1x16xf32> to vector<16xf32>
    %get3A_1417 = arith.constant 7 : i32
    %get3A_1418 = arith.index_cast %get3A_1417 : i32 to index
    %get3A_1419 = arith.constant 80 : index
    %get3A_1420 = tpu.vector_load %arg4[%get3A_1418, %get3A_1419] {strides = array<i32>} : memref<8x128xf32, #tpu.memory_space<vmem>>, vector<1x16xf32>,
    %get3A_1421 = vector.shape_cast %get3A_1420 : vector<1x16xf32> to vector<16xf32>
    %max3A_1422 = arith.maximumf %get3A_1386, %get3A_1391 : vector<16xf32>
    %max3A_1423 = arith.maximumf %max3A_1422, %get3A_1396 : vector<16xf32>
    %max3A_1424 = arith.maximumf %max3A_1423, %get3A_1401 : vector<16xf32>
    %max3A_1425 = arith.maximumf %max3A_1424, %get3A_1406 : vector<16xf32>
    %max3A_1426 = arith.maximumf %max3A_1425, %get3A_1411 : vector<16xf32>
    %max3A_1427 = arith.maximumf %max3A_1426, %get3A_1416 : vector<16xf32>
    %max3A_1428 = arith.maximumf %max3A_1427, %get3A_1421 : vector<16xf32>
    %broadcast_in_dim3A_1429 = arith.constant 0 : i32
    %broadcast_in_dim3A_1430 = vector.broadcast %broadcast_in_dim3A_1429 : i32 to vector<16xi32>
    %broadcast_in_dim3A_1431 = arith.constant 7 : i32
    %broadcast_in_dim3A_1432 = vector.broadcast %broadcast_in_dim3A_1431 : i32 to vector<16xi32>
    %eq3A_1433 = arith.cmpf oeq, %get3A_1421, %max3A_1428 : vector<16xf32>
    %select_n3A_1434 = arith.select %eq3A_1433, %broadcast_in_dim3A_1432, %broadcast_in_dim3A_1430 : vector<16xi1>, vector<16xi32>
    %broadcast_in_dim3A_1435 = arith.constant 6 : i32
    %broadcast_in_dim3A_1436 = vector.broadcast %broadcast_in_dim3A_1435 : i32 to vector<16xi32>
    %eq3A_1437 = arith.cmpf oeq, %get3A_1416, %max3A_1428 : vector<16xf32>
    %select_n3A_1438 = arith.select %eq3A_1437, %broadcast_in_dim3A_1436, %select_n3A_1434 : vector<16xi1>, vector<16xi32>
    %broadcast_in_dim3A_1439 = arith.constant 5 : i32
    %broadcast_in_dim3A_1440 = vector.broadcast %broadcast_in_dim3A_1439 : i32 to vector<16xi32>
    %eq3A_1441 = arith.cmpf oeq, %get3A_1411, %max3A_1428 : vector<16xf32>
    %select_n3A_1442 = arith.select %eq3A_1441, %broadcast_in_dim3A_1440, %select_n3A_1438 : vector<16xi1>, vector<16xi32>
    %broadcast_in_dim3A_1443 = arith.constant 4 : i32
    %broadcast_in_dim3A_1444 = vector.broadcast %broadcast_in_dim3A_1443 : i32 to vector<16xi32>
    %eq3A_1445 = arith.cmpf oeq, %get3A_1406, %max3A_1428 : vector<16xf32>
    %select_n3A_1446 = arith.select %eq3A_1445, %broadcast_in_dim3A_1444, %select_n3A_1442 : vector<16xi1>, vector<16xi32>
    %broadcast_in_dim3A_1447 = arith.constant 3 : i32
    %broadcast_in_dim3A_1448 = vector.broadcast %broadcast_in_dim3A_1447 : i32 to vector<16xi32>
    %eq3A_1449 = arith.cmpf oeq, %get3A_1401, %max3A_1428 : vector<16xf32>
    %select_n3A_1450 = arith.select %eq3A_1449, %broadcast_in_dim3A_1448, %select_n3A_1446 : vector<16xi1>, vector<16xi32>
    %broadcast_in_dim3A_1451 = arith.constant 2 : i32
    %broadcast_in_dim3A_1452 = vector.broadcast %broadcast_in_dim3A_1451 : i32 to vector<16xi32>
    %eq3A_1453 = arith.cmpf oeq, %get3A_1396, %max3A_1428 : vector<16xf32>
    %select_n3A_1454 = arith.select %eq3A_1453, %broadcast_in_dim3A_1452, %select_n3A_1450 : vector<16xi1>, vector<16xi32>
    %broadcast_in_dim3A_1455 = arith.constant 1 : i32
    %broadcast_in_dim3A_1456 = vector.broadcast %broadcast_in_dim3A_1455 : i32 to vector<16xi32>
    %eq3A_1457 = arith.cmpf oeq, %get3A_1391, %max3A_1428 : vector<16xf32>
    %select_n3A_1458 = arith.select %eq3A_1457, %broadcast_in_dim3A_1456, %select_n3A_1454 : vector<16xi1>, vector<16xi32>
    %broadcast_in_dim3A_1459 = arith.constant 0 : i32
    %broadcast_in_dim3A_1460 = vector.broadcast %broadcast_in_dim3A_1459 : i32 to vector<16xi32>
    %eq3A_1461 = arith.cmpf oeq, %get3A_1386, %max3A_1428 : vector<16xf32>
    %select_n3A_1462 = arith.select %eq3A_1461, %broadcast_in_dim3A_1460, %select_n3A_1458 : vector<16xi1>, vector<16xi32>
    %broadcast_in_dim3A_1463 = arith.constant -3.000000e+38 : f32
    %broadcast_in_dim3A_1464 = vector.broadcast %broadcast_in_dim3A_1463 : f32 to vector<16xf32>
    %broadcast_in_dim3A_1465 = arith.constant 0 : i32
    %broadcast_in_dim3A_1466 = vector.broadcast %broadcast_in_dim3A_1465 : i32 to vector<16xi32>
    %eq3A_1467 = arith.cmpi eq, %select_n3A_1462, %broadcast_in_dim3A_1466 : vector<16xi32>
    %select_n3A_1468 = arith.select %eq3A_1467, %broadcast_in_dim3A_1464, %get3A_1386 : vector<16xi1>, vector<16xf32>
    %max3A_1469 = arith.maximumf %broadcast_in_dim3A_1464, %select_n3A_1468 : vector<16xf32>
    %broadcast_in_dim3A_1470 = arith.constant 1 : i32
    %broadcast_in_dim3A_1471 = vector.broadcast %broadcast_in_dim3A_1470 : i32 to vector<16xi32>
    %eq3A_1472 = arith.cmpi eq, %select_n3A_1462, %broadcast_in_dim3A_1471 : vector<16xi32>
    %select_n3A_1473 = arith.select %eq3A_1472, %broadcast_in_dim3A_1464, %get3A_1391 : vector<16xi1>, vector<16xf32>
    %max3A_1474 = arith.maximumf %max3A_1469, %select_n3A_1473 : vector<16xf32>
    %broadcast_in_dim3A_1475 = arith.constant 2 : i32
    %broadcast_in_dim3A_1476 = vector.broadcast %broadcast_in_dim3A_1475 : i32 to vector<16xi32>
    %eq3A_1477 = arith.cmpi eq, %select_n3A_1462, %broadcast_in_dim3A_1476 : vector<16xi32>
    %select_n3A_1478 = arith.select %eq3A_1477, %broadcast_in_dim3A_1464, %get3A_1396 : vector<16xi1>, vector<16xf32>
    %max3A_1479 = arith.maximumf %max3A_1474, %select_n3A_1478 : vector<16xf32>
    %broadcast_in_dim3A_1480 = arith.constant 3 : i32
    %broadcast_in_dim3A_1481 = vector.broadcast %broadcast_in_dim3A_1480 : i32 to vector<16xi32>
    %eq3A_1482 = arith.cmpi eq, %select_n3A_1462, %broadcast_in_dim3A_1481 : vector<16xi32>
    %select_n3A_1483 = arith.select %eq3A_1482, %broadcast_in_dim3A_1464, %get3A_1401 : vector<16xi1>, vector<16xf32>
    %max3A_1484 = arith.maximumf %max3A_1479, %select_n3A_1483 : vector<16xf32>
    %broadcast_in_dim3A_1485 = arith.constant 4 : i32
    %broadcast_in_dim3A_1486 = vector.broadcast %broadcast_in_dim3A_1485 : i32 to vector<16xi32>
    %eq3A_1487 = arith.cmpi eq, %select_n3A_1462, %broadcast_in_dim3A_1486 : vector<16xi32>
    %select_n3A_1488 = arith.select %eq3A_1487, %broadcast_in_dim3A_1464, %get3A_1406 : vector<16xi1>, vector<16xf32>
    %max3A_1489 = arith.maximumf %max3A_1484, %select_n3A_1488 : vector<16xf32>
    %broadcast_in_dim3A_1490 = arith.constant 5 : i32
    %broadcast_in_dim3A_1491 = vector.broadcast %broadcast_in_dim3A_1490 : i32 to vector<16xi32>
    %eq3A_1492 = arith.cmpi eq, %select_n3A_1462, %broadcast_in_dim3A_1491 : vector<16xi32>
    %select_n3A_1493 = arith.select %eq3A_1492, %broadcast_in_dim3A_1464, %get3A_1411 : vector<16xi1>, vector<16xf32>
    %max3A_1494 = arith.maximumf %max3A_1489, %select_n3A_1493 : vector<16xf32>
    %broadcast_in_dim3A_1495 = arith.constant 6 : i32
    %broadcast_in_dim3A_1496 = vector.broadcast %broadcast_in_dim3A_1495 : i32 to vector<16xi32>
    %eq3A_1497 = arith.cmpi eq, %select_n3A_1462, %broadcast_in_dim3A_1496 : vector<16xi32>
    %select_n3A_1498 = arith.select %eq3A_1497, %broadcast_in_dim3A_1464, %get3A_1416 : vector<16xi1>, vector<16xf32>
    %max3A_1499 = arith.maximumf %max3A_1494, %select_n3A_1498 : vector<16xf32>
    %broadcast_in_dim3A_1500 = arith.constant 7 : i32
    %broadcast_in_dim3A_1501 = vector.broadcast %broadcast_in_dim3A_1500 : i32 to vector<16xi32>
    %eq3A_1502 = arith.cmpi eq, %select_n3A_1462, %broadcast_in_dim3A_1501 : vector<16xi32>
    %select_n3A_1503 = arith.select %eq3A_1502, %broadcast_in_dim3A_1464, %get3A_1421 : vector<16xi1>, vector<16xf32>
    %max3A_1504 = arith.maximumf %max3A_1499, %select_n3A_1503 : vector<16xf32>
    %broadcast_in_dim3A_1505 = arith.constant 0 : i32
    %broadcast_in_dim3A_1506 = vector.broadcast %broadcast_in_dim3A_1505 : i32 to vector<16xi32>
    %broadcast_in_dim3A_1507 = arith.constant 7 : i32
    %broadcast_in_dim3A_1508 = vector.broadcast %broadcast_in_dim3A_1507 : i32 to vector<16xi32>
    %eq3A_1509 = arith.cmpf oeq, %get3A_1421, %max3A_1504 : vector<16xf32>
    %ne3A_1510 = arith.cmpi ne, %select_n3A_1462, %broadcast_in_dim3A_1508 : vector<16xi32>
    %and3A_1511 = arith.andi %eq3A_1509, %ne3A_1510 : vector<16xi1>
    %select_n3A_1512 = arith.select %and3A_1511, %broadcast_in_dim3A_1508, %broadcast_in_dim3A_1506 : vector<16xi1>, vector<16xi32>
    %broadcast_in_dim3A_1513 = arith.constant 6 : i32
    %broadcast_in_dim3A_1514 = vector.broadcast %broadcast_in_dim3A_1513 : i32 to vector<16xi32>
    %eq3A_1515 = arith.cmpf oeq, %get3A_1416, %max3A_1504 : vector<16xf32>
    %ne3A_1516 = arith.cmpi ne, %select_n3A_1462, %broadcast_in_dim3A_1514 : vector<16xi32>
    %and3A_1517 = arith.andi %eq3A_1515, %ne3A_1516 : vector<16xi1>
    %select_n3A_1518 = arith.select %and3A_1517, %broadcast_in_dim3A_1514, %select_n3A_1512 : vector<16xi1>, vector<16xi32>
    %broadcast_in_dim3A_1519 = arith.constant 5 : i32
    %broadcast_in_dim3A_1520 = vector.broadcast %broadcast_in_dim3A_1519 : i32 to vector<16xi32>
    %eq3A_1521 = arith.cmpf oeq, %get3A_1411, %max3A_1504 : vector<16xf32>
    %ne3A_1522 = arith.cmpi ne, %select_n3A_1462, %broadcast_in_dim3A_1520 : vector<16xi32>
    %and3A_1523 = arith.andi %eq3A_1521, %ne3A_1522 : vector<16xi1>
    %select_n3A_1524 = arith.select %and3A_1523, %broadcast_in_dim3A_1520, %select_n3A_1518 : vector<16xi1>, vector<16xi32>
    %broadcast_in_dim3A_1525 = arith.constant 4 : i32
    %broadcast_in_dim3A_1526 = vector.broadcast %broadcast_in_dim3A_1525 : i32 to vector<16xi32>
    %eq3A_1527 = arith.cmpf oeq, %get3A_1406, %max3A_1504 : vector<16xf32>
    %ne3A_1528 = arith.cmpi ne, %select_n3A_1462, %broadcast_in_dim3A_1526 : vector<16xi32>
    %and3A_1529 = arith.andi %eq3A_1527, %ne3A_1528 : vector<16xi1>
    %select_n3A_1530 = arith.select %and3A_1529, %broadcast_in_dim3A_1526, %select_n3A_1524 : vector<16xi1>, vector<16xi32>
    %broadcast_in_dim3A_1531 = arith.constant 3 : i32
    %broadcast_in_dim3A_1532 = vector.broadcast %broadcast_in_dim3A_1531 : i32 to vector<16xi32>
    %eq3A_1533 = arith.cmpf oeq, %get3A_1401, %max3A_1504 : vector<16xf32>
    %ne3A_1534 = arith.cmpi ne, %select_n3A_1462, %broadcast_in_dim3A_1532 : vector<16xi32>
    %and3A_1535 = arith.andi %eq3A_1533, %ne3A_1534 : vector<16xi1>
    %select_n3A_1536 = arith.select %and3A_1535, %broadcast_in_dim3A_1532, %select_n3A_1530 : vector<16xi1>, vector<16xi32>
    %broadcast_in_dim3A_1537 = arith.constant 2 : i32
    %broadcast_in_dim3A_1538 = vector.broadcast %broadcast_in_dim3A_1537 : i32 to vector<16xi32>
    %eq3A_1539 = arith.cmpf oeq, %get3A_1396, %max3A_1504 : vector<16xf32>
    %ne3A_1540 = arith.cmpi ne, %select_n3A_1462, %broadcast_in_dim3A_1538 : vector<16xi32>
    %and3A_1541 = arith.andi %eq3A_1539, %ne3A_1540 : vector<16xi1>
    %select_n3A_1542 = arith.select %and3A_1541, %broadcast_in_dim3A_1538, %select_n3A_1536 : vector<16xi1>, vector<16xi32>
    %broadcast_in_dim3A_1543 = arith.constant 1 : i32
    %broadcast_in_dim3A_1544 = vector.broadcast %broadcast_in_dim3A_1543 : i32 to vector<16xi32>
    %eq3A_1545 = arith.cmpf oeq, %get3A_1391, %max3A_1504 : vector<16xf32>
    %ne3A_1546 = arith.cmpi ne, %select_n3A_1462, %broadcast_in_dim3A_1544 : vector<16xi32>
    %and3A_1547 = arith.andi %eq3A_1545, %ne3A_1546 : vector<16xi1>
    %select_n3A_1548 = arith.select %and3A_1547, %broadcast_in_dim3A_1544, %select_n3A_1542 : vector<16xi1>, vector<16xi32>
    %broadcast_in_dim3A_1549 = arith.constant 0 : i32
    %broadcast_in_dim3A_1550 = vector.broadcast %broadcast_in_dim3A_1549 : i32 to vector<16xi32>
    %eq3A_1551 = arith.cmpf oeq, %get3A_1386, %max3A_1504 : vector<16xf32>
    %ne3A_1552 = arith.cmpi ne, %select_n3A_1462, %broadcast_in_dim3A_1550 : vector<16xi32>
    %and3A_1553 = arith.andi %eq3A_1551, %ne3A_1552 : vector<16xi1>
    %select_n3A_1554 = arith.select %and3A_1553, %broadcast_in_dim3A_1550, %select_n3A_1548 : vector<16xi1>, vector<16xi32>
    %broadcast_in_dim3A_1555 = arith.constant 1.000000e+00 : f32
    %broadcast_in_dim3A_1556 = vector.broadcast %broadcast_in_dim3A_1555 : f32 to vector<16xf32>
    %sub3A_1557 = arith.subf %max3A_1504, %max3A_1428 : vector<16xf32>
    %exp3A_1558 = math.exp %sub3A_1557 : vector<16xf32>
    %add3A_1559 = arith.addf %broadcast_in_dim3A_1556, %exp3A_1558 : vector<16xf32>
    %div3A_1560 = arith.divf %broadcast_in_dim3A_1556, %add3A_1559 : vector<16xf32>
    %sub3A_1561 = arith.subf %broadcast_in_dim3A_1556, %div3A_1560 : vector<16xf32>
    %broadcast_in_dim3A_1562 = arith.constant 0.000000e+00 : f32
    %broadcast_in_dim3A_1563 = vector.broadcast %broadcast_in_dim3A_1562 : f32 to vector<16xf32>
    %broadcast_in_dim3A_1564 = arith.constant 0 : i32
    %broadcast_in_dim3A_1565 = vector.broadcast %broadcast_in_dim3A_1564 : i32 to vector<16xi32>
    %eq3A_1566 = arith.cmpi eq, %select_n3A_1462, %broadcast_in_dim3A_1565 : vector<16xi32>
    %eq3A_1567 = arith.cmpi eq, %select_n3A_1554, %broadcast_in_dim3A_1565 : vector<16xi32>
    %select_n3A_1568 = arith.select %eq3A_1567, %sub3A_1561, %broadcast_in_dim3A_1563 : vector<16xi1>, vector<16xf32>
    %select_n3A_1569 = arith.select %eq3A_1566, %div3A_1560, %select_n3A_1568 : vector<16xi1>, vector<16xf32>
    %swap3A_1570 = arith.constant 0 : i32
    %swap3A_1571 = arith.index_cast %swap3A_1570 : i32 to index
    %swap3A_1572 = arith.constant 80 : index
    %swap3A_1573 = tpu.vector_load %arg5[%swap3A_1571, %swap3A_1572] {strides = array<i32>} : memref<8x128xf32, #tpu.memory_space<vmem>>, vector<1x16xf32>,
    %swap3A_1574 = vector.shape_cast %swap3A_1573 : vector<1x16xf32> to vector<16xf32>
    %swap3A_1575 = vector.shape_cast %select_n3A_1569 : vector<16xf32> to vector<1x16xf32>
    tpu.vector_store %arg5[%swap3A_1571, %swap3A_1572], %swap3A_1575 {strides = array<i32>} : memref<8x128xf32, #tpu.memory_space<vmem>>, vector<1x16xf32>,
    %broadcast_in_dim3A_1576 = arith.constant 1 : i32
    %broadcast_in_dim3A_1577 = vector.broadcast %broadcast_in_dim3A_1576 : i32 to vector<16xi32>
    %eq3A_1578 = arith.cmpi eq, %select_n3A_1462, %broadcast_in_dim3A_1577 : vector<16xi32>
    %eq3A_1579 = arith.cmpi eq, %select_n3A_1554, %broadcast_in_dim3A_1577 : vector<16xi32>
    %select_n3A_1580 = arith.select %eq3A_1579, %sub3A_1561, %broadcast_in_dim3A_1563 : vector<16xi1>, vector<16xf32>
    %select_n3A_1581 = arith.select %eq3A_1578, %div3A_1560, %select_n3A_1580 : vector<16xi1>, vector<16xf32>
    %swap3A_1582 = arith.constant 1 : i32
    %swap3A_1583 = arith.index_cast %swap3A_1582 : i32 to index
    %swap3A_1584 = arith.constant 80 : index
    %swap3A_1585 = tpu.vector_load %arg5[%swap3A_1583, %swap3A_1584] {strides = array<i32>} : memref<8x128xf32, #tpu.memory_space<vmem>>, vector<1x16xf32>,
    %swap3A_1586 = vector.shape_cast %swap3A_1585 : vector<1x16xf32> to vector<16xf32>
    %swap3A_1587 = vector.shape_cast %select_n3A_1581 : vector<16xf32> to vector<1x16xf32>
    tpu.vector_store %arg5[%swap3A_1583, %swap3A_1584], %swap3A_1587 {strides = array<i32>} : memref<8x128xf32, #tpu.memory_space<vmem>>, vector<1x16xf32>,
    %broadcast_in_dim3A_1588 = arith.constant 2 : i32
    %broadcast_in_dim3A_1589 = vector.broadcast %broadcast_in_dim3A_1588 : i32 to vector<16xi32>
    %eq3A_1590 = arith.cmpi eq, %select_n3A_1462, %broadcast_in_dim3A_1589 : vector<16xi32>
    %eq3A_1591 = arith.cmpi eq, %select_n3A_1554, %broadcast_in_dim3A_1589 : vector<16xi32>
    %select_n3A_1592 = arith.select %eq3A_1591, %sub3A_1561, %broadcast_in_dim3A_1563 : vector<16xi1>, vector<16xf32>
    %select_n3A_1593 = arith.select %eq3A_1590, %div3A_1560, %select_n3A_1592 : vector<16xi1>, vector<16xf32>
    %swap3A_1594 = arith.constant 2 : i32
    %swap3A_1595 = arith.index_cast %swap3A_1594 : i32 to index
    %swap3A_1596 = arith.constant 80 : index
    %swap3A_1597 = tpu.vector_load %arg5[%swap3A_1595, %swap3A_1596] {strides = array<i32>} : memref<8x128xf32, #tpu.memory_space<vmem>>, vector<1x16xf32>,
    %swap3A_1598 = vector.shape_cast %swap3A_1597 : vector<1x16xf32> to vector<16xf32>
    %swap3A_1599 = vector.shape_cast %select_n3A_1593 : vector<16xf32> to vector<1x16xf32>
    tpu.vector_store %arg5[%swap3A_1595, %swap3A_1596], %swap3A_1599 {strides = array<i32>} : memref<8x128xf32, #tpu.memory_space<vmem>>, vector<1x16xf32>,
    %broadcast_in_dim3A_1600 = arith.constant 3 : i32
    %broadcast_in_dim3A_1601 = vector.broadcast %broadcast_in_dim3A_1600 : i32 to vector<16xi32>
    %eq3A_1602 = arith.cmpi eq, %select_n3A_1462, %broadcast_in_dim3A_1601 : vector<16xi32>
    %eq3A_1603 = arith.cmpi eq, %select_n3A_1554, %broadcast_in_dim3A_1601 : vector<16xi32>
    %select_n3A_1604 = arith.select %eq3A_1603, %sub3A_1561, %broadcast_in_dim3A_1563 : vector<16xi1>, vector<16xf32>
    %select_n3A_1605 = arith.select %eq3A_1602, %div3A_1560, %select_n3A_1604 : vector<16xi1>, vector<16xf32>
    %swap3A_1606 = arith.constant 3 : i32
    %swap3A_1607 = arith.index_cast %swap3A_1606 : i32 to index
    %swap3A_1608 = arith.constant 80 : index
    %swap3A_1609 = tpu.vector_load %arg5[%swap3A_1607, %swap3A_1608] {strides = array<i32>} : memref<8x128xf32, #tpu.memory_space<vmem>>, vector<1x16xf32>,
    %swap3A_1610 = vector.shape_cast %swap3A_1609 : vector<1x16xf32> to vector<16xf32>
    %swap3A_1611 = vector.shape_cast %select_n3A_1605 : vector<16xf32> to vector<1x16xf32>
    tpu.vector_store %arg5[%swap3A_1607, %swap3A_1608], %swap3A_1611 {strides = array<i32>} : memref<8x128xf32, #tpu.memory_space<vmem>>, vector<1x16xf32>,
    %broadcast_in_dim3A_1612 = arith.constant 4 : i32
    %broadcast_in_dim3A_1613 = vector.broadcast %broadcast_in_dim3A_1612 : i32 to vector<16xi32>
    %eq3A_1614 = arith.cmpi eq, %select_n3A_1462, %broadcast_in_dim3A_1613 : vector<16xi32>
    %eq3A_1615 = arith.cmpi eq, %select_n3A_1554, %broadcast_in_dim3A_1613 : vector<16xi32>
    %select_n3A_1616 = arith.select %eq3A_1615, %sub3A_1561, %broadcast_in_dim3A_1563 : vector<16xi1>, vector<16xf32>
    %select_n3A_1617 = arith.select %eq3A_1614, %div3A_1560, %select_n3A_1616 : vector<16xi1>, vector<16xf32>
    %swap3A_1618 = arith.constant 4 : i32
    %swap3A_1619 = arith.index_cast %swap3A_1618 : i32 to index
    %swap3A_1620 = arith.constant 80 : index
    %swap3A_1621 = tpu.vector_load %arg5[%swap3A_1619, %swap3A_1620] {strides = array<i32>} : memref<8x128xf32, #tpu.memory_space<vmem>>, vector<1x16xf32>,
    %swap3A_1622 = vector.shape_cast %swap3A_1621 : vector<1x16xf32> to vector<16xf32>
    %swap3A_1623 = vector.shape_cast %select_n3A_1617 : vector<16xf32> to vector<1x16xf32>
    tpu.vector_store %arg5[%swap3A_1619, %swap3A_1620], %swap3A_1623 {strides = array<i32>} : memref<8x128xf32, #tpu.memory_space<vmem>>, vector<1x16xf32>,
    %broadcast_in_dim3A_1624 = arith.constant 5 : i32
    %broadcast_in_dim3A_1625 = vector.broadcast %broadcast_in_dim3A_1624 : i32 to vector<16xi32>
    %eq3A_1626 = arith.cmpi eq, %select_n3A_1462, %broadcast_in_dim3A_1625 : vector<16xi32>
    %eq3A_1627 = arith.cmpi eq, %select_n3A_1554, %broadcast_in_dim3A_1625 : vector<16xi32>
    %select_n3A_1628 = arith.select %eq3A_1627, %sub3A_1561, %broadcast_in_dim3A_1563 : vector<16xi1>, vector<16xf32>
    %select_n3A_1629 = arith.select %eq3A_1626, %div3A_1560, %select_n3A_1628 : vector<16xi1>, vector<16xf32>
    %swap3A_1630 = arith.constant 5 : i32
    %swap3A_1631 = arith.index_cast %swap3A_1630 : i32 to index
    %swap3A_1632 = arith.constant 80 : index
    %swap3A_1633 = tpu.vector_load %arg5[%swap3A_1631, %swap3A_1632] {strides = array<i32>} : memref<8x128xf32, #tpu.memory_space<vmem>>, vector<1x16xf32>,
    %swap3A_1634 = vector.shape_cast %swap3A_1633 : vector<1x16xf32> to vector<16xf32>
    %swap3A_1635 = vector.shape_cast %select_n3A_1629 : vector<16xf32> to vector<1x16xf32>
    tpu.vector_store %arg5[%swap3A_1631, %swap3A_1632], %swap3A_1635 {strides = array<i32>} : memref<8x128xf32, #tpu.memory_space<vmem>>, vector<1x16xf32>,
    %broadcast_in_dim3A_1636 = arith.constant 6 : i32
    %broadcast_in_dim3A_1637 = vector.broadcast %broadcast_in_dim3A_1636 : i32 to vector<16xi32>
    %eq3A_1638 = arith.cmpi eq, %select_n3A_1462, %broadcast_in_dim3A_1637 : vector<16xi32>
    %eq3A_1639 = arith.cmpi eq, %select_n3A_1554, %broadcast_in_dim3A_1637 : vector<16xi32>
    %select_n3A_1640 = arith.select %eq3A_1639, %sub3A_1561, %broadcast_in_dim3A_1563 : vector<16xi1>, vector<16xf32>
    %select_n3A_1641 = arith.select %eq3A_1638, %div3A_1560, %select_n3A_1640 : vector<16xi1>, vector<16xf32>
    %swap3A_1642 = arith.constant 6 : i32
    %swap3A_1643 = arith.index_cast %swap3A_1642 : i32 to index
    %swap3A_1644 = arith.constant 80 : index
    %swap3A_1645 = tpu.vector_load %arg5[%swap3A_1643, %swap3A_1644] {strides = array<i32>} : memref<8x128xf32, #tpu.memory_space<vmem>>, vector<1x16xf32>,
    %swap3A_1646 = vector.shape_cast %swap3A_1645 : vector<1x16xf32> to vector<16xf32>
    %swap3A_1647 = vector.shape_cast %select_n3A_1641 : vector<16xf32> to vector<1x16xf32>
    tpu.vector_store %arg5[%swap3A_1643, %swap3A_1644], %swap3A_1647 {strides = array<i32>} : memref<8x128xf32, #tpu.memory_space<vmem>>, vector<1x16xf32>,
    %broadcast_in_dim3A_1648 = arith.constant 7 : i32
    %broadcast_in_dim3A_1649 = vector.broadcast %broadcast_in_dim3A_1648 : i32 to vector<16xi32>
    %eq3A_1650 = arith.cmpi eq, %select_n3A_1462, %broadcast_in_dim3A_1649 : vector<16xi32>
    %eq3A_1651 = arith.cmpi eq, %select_n3A_1554, %broadcast_in_dim3A_1649 : vector<16xi32>
    %select_n3A_1652 = arith.select %eq3A_1651, %sub3A_1561, %broadcast_in_dim3A_1563 : vector<16xi1>, vector<16xf32>
    %select_n3A_1653 = arith.select %eq3A_1650, %div3A_1560, %select_n3A_1652 : vector<16xi1>, vector<16xf32>
    %swap3A_1654 = arith.constant 7 : i32
    %swap3A_1655 = arith.index_cast %swap3A_1654 : i32 to index
    %swap3A_1656 = arith.constant 80 : index
    %swap3A_1657 = tpu.vector_load %arg5[%swap3A_1655, %swap3A_1656] {strides = array<i32>} : memref<8x128xf32, #tpu.memory_space<vmem>>, vector<1x16xf32>,
    %swap3A_1658 = vector.shape_cast %swap3A_1657 : vector<1x16xf32> to vector<16xf32>
    %swap3A_1659 = vector.shape_cast %select_n3A_1653 : vector<16xf32> to vector<1x16xf32>
    tpu.vector_store %arg5[%swap3A_1655, %swap3A_1656], %swap3A_1659 {strides = array<i32>} : memref<8x128xf32, #tpu.memory_space<vmem>>, vector<1x16xf32>,
    %get3A_1660 = arith.constant 0 : i32
    %get3A_1661 = arith.index_cast %get3A_1660 : i32 to index
    %get3A_1662 = arith.constant 96 : index
    %get3A_1663 = tpu.vector_load %arg4[%get3A_1661, %get3A_1662] {strides = array<i32>} : memref<8x128xf32, #tpu.memory_space<vmem>>, vector<1x16xf32>,
    %get3A_1664 = vector.shape_cast %get3A_1663 : vector<1x16xf32> to vector<16xf32>
    %get3A_1665 = arith.constant 1 : i32
    %get3A_1666 = arith.index_cast %get3A_1665 : i32 to index
    %get3A_1667 = arith.constant 96 : index
    %get3A_1668 = tpu.vector_load %arg4[%get3A_1666, %get3A_1667] {strides = array<i32>} : memref<8x128xf32, #tpu.memory_space<vmem>>, vector<1x16xf32>,
    %get3A_1669 = vector.shape_cast %get3A_1668 : vector<1x16xf32> to vector<16xf32>
    %get3A_1670 = arith.constant 2 : i32
    %get3A_1671 = arith.index_cast %get3A_1670 : i32 to index
    %get3A_1672 = arith.constant 96 : index
    %get3A_1673 = tpu.vector_load %arg4[%get3A_1671, %get3A_1672] {strides = array<i32>} : memref<8x128xf32, #tpu.memory_space<vmem>>, vector<1x16xf32>,
    %get3A_1674 = vector.shape_cast %get3A_1673 : vector<1x16xf32> to vector<16xf32>
    %get3A_1675 = arith.constant 3 : i32
    %get3A_1676 = arith.index_cast %get3A_1675 : i32 to index
    %get3A_1677 = arith.constant 96 : index
    %get3A_1678 = tpu.vector_load %arg4[%get3A_1676, %get3A_1677] {strides = array<i32>} : memref<8x128xf32, #tpu.memory_space<vmem>>, vector<1x16xf32>,
    %get3A_1679 = vector.shape_cast %get3A_1678 : vector<1x16xf32> to vector<16xf32>
    %get3A_1680 = arith.constant 4 : i32
    %get3A_1681 = arith.index_cast %get3A_1680 : i32 to index
    %get3A_1682 = arith.constant 96 : index
    %get3A_1683 = tpu.vector_load %arg4[%get3A_1681, %get3A_1682] {strides = array<i32>} : memref<8x128xf32, #tpu.memory_space<vmem>>, vector<1x16xf32>,
    %get3A_1684 = vector.shape_cast %get3A_1683 : vector<1x16xf32> to vector<16xf32>
    %get3A_1685 = arith.constant 5 : i32
    %get3A_1686 = arith.index_cast %get3A_1685 : i32 to index
    %get3A_1687 = arith.constant 96 : index
    %get3A_1688 = tpu.vector_load %arg4[%get3A_1686, %get3A_1687] {strides = array<i32>} : memref<8x128xf32, #tpu.memory_space<vmem>>, vector<1x16xf32>,
    %get3A_1689 = vector.shape_cast %get3A_1688 : vector<1x16xf32> to vector<16xf32>
    %get3A_1690 = arith.constant 6 : i32
    %get3A_1691 = arith.index_cast %get3A_1690 : i32 to index
    %get3A_1692 = arith.constant 96 : index
    %get3A_1693 = tpu.vector_load %arg4[%get3A_1691, %get3A_1692] {strides = array<i32>} : memref<8x128xf32, #tpu.memory_space<vmem>>, vector<1x16xf32>,
    %get3A_1694 = vector.shape_cast %get3A_1693 : vector<1x16xf32> to vector<16xf32>
    %get3A_1695 = arith.constant 7 : i32
    %get3A_1696 = arith.index_cast %get3A_1695 : i32 to index
    %get3A_1697 = arith.constant 96 : index
    %get3A_1698 = tpu.vector_load %arg4[%get3A_1696, %get3A_1697] {strides = array<i32>} : memref<8x128xf32, #tpu.memory_space<vmem>>, vector<1x16xf32>,
    %get3A_1699 = vector.shape_cast %get3A_1698 : vector<1x16xf32> to vector<16xf32>
    %max3A_1700 = arith.maximumf %get3A_1664, %get3A_1669 : vector<16xf32>
    %max3A_1701 = arith.maximumf %max3A_1700, %get3A_1674 : vector<16xf32>
    %max3A_1702 = arith.maximumf %max3A_1701, %get3A_1679 : vector<16xf32>
    %max3A_1703 = arith.maximumf %max3A_1702, %get3A_1684 : vector<16xf32>
    %max3A_1704 = arith.maximumf %max3A_1703, %get3A_1689 : vector<16xf32>
    %max3A_1705 = arith.maximumf %max3A_1704, %get3A_1694 : vector<16xf32>
    %max3A_1706 = arith.maximumf %max3A_1705, %get3A_1699 : vector<16xf32>
    %broadcast_in_dim3A_1707 = arith.constant 0 : i32
    %broadcast_in_dim3A_1708 = vector.broadcast %broadcast_in_dim3A_1707 : i32 to vector<16xi32>
    %broadcast_in_dim3A_1709 = arith.constant 7 : i32
    %broadcast_in_dim3A_1710 = vector.broadcast %broadcast_in_dim3A_1709 : i32 to vector<16xi32>
    %eq3A_1711 = arith.cmpf oeq, %get3A_1699, %max3A_1706 : vector<16xf32>
    %select_n3A_1712 = arith.select %eq3A_1711, %broadcast_in_dim3A_1710, %broadcast_in_dim3A_1708 : vector<16xi1>, vector<16xi32>
    %broadcast_in_dim3A_1713 = arith.constant 6 : i32
    %broadcast_in_dim3A_1714 = vector.broadcast %broadcast_in_dim3A_1713 : i32 to vector<16xi32>
    %eq3A_1715 = arith.cmpf oeq, %get3A_1694, %max3A_1706 : vector<16xf32>
    %select_n3A_1716 = arith.select %eq3A_1715, %broadcast_in_dim3A_1714, %select_n3A_1712 : vector<16xi1>, vector<16xi32>
    %broadcast_in_dim3A_1717 = arith.constant 5 : i32
    %broadcast_in_dim3A_1718 = vector.broadcast %broadcast_in_dim3A_1717 : i32 to vector<16xi32>
    %eq3A_1719 = arith.cmpf oeq, %get3A_1689, %max3A_1706 : vector<16xf32>
    %select_n3A_1720 = arith.select %eq3A_1719, %broadcast_in_dim3A_1718, %select_n3A_1716 : vector<16xi1>, vector<16xi32>
    %broadcast_in_dim3A_1721 = arith.constant 4 : i32
    %broadcast_in_dim3A_1722 = vector.broadcast %broadcast_in_dim3A_1721 : i32 to vector<16xi32>
    %eq3A_1723 = arith.cmpf oeq, %get3A_1684, %max3A_1706 : vector<16xf32>
    %select_n3A_1724 = arith.select %eq3A_1723, %broadcast_in_dim3A_1722, %select_n3A_1720 : vector<16xi1>, vector<16xi32>
    %broadcast_in_dim3A_1725 = arith.constant 3 : i32
    %broadcast_in_dim3A_1726 = vector.broadcast %broadcast_in_dim3A_1725 : i32 to vector<16xi32>
    %eq3A_1727 = arith.cmpf oeq, %get3A_1679, %max3A_1706 : vector<16xf32>
    %select_n3A_1728 = arith.select %eq3A_1727, %broadcast_in_dim3A_1726, %select_n3A_1724 : vector<16xi1>, vector<16xi32>
    %broadcast_in_dim3A_1729 = arith.constant 2 : i32
    %broadcast_in_dim3A_1730 = vector.broadcast %broadcast_in_dim3A_1729 : i32 to vector<16xi32>
    %eq3A_1731 = arith.cmpf oeq, %get3A_1674, %max3A_1706 : vector<16xf32>
    %select_n3A_1732 = arith.select %eq3A_1731, %broadcast_in_dim3A_1730, %select_n3A_1728 : vector<16xi1>, vector<16xi32>
    %broadcast_in_dim3A_1733 = arith.constant 1 : i32
    %broadcast_in_dim3A_1734 = vector.broadcast %broadcast_in_dim3A_1733 : i32 to vector<16xi32>
    %eq3A_1735 = arith.cmpf oeq, %get3A_1669, %max3A_1706 : vector<16xf32>
    %select_n3A_1736 = arith.select %eq3A_1735, %broadcast_in_dim3A_1734, %select_n3A_1732 : vector<16xi1>, vector<16xi32>
    %broadcast_in_dim3A_1737 = arith.constant 0 : i32
    %broadcast_in_dim3A_1738 = vector.broadcast %broadcast_in_dim3A_1737 : i32 to vector<16xi32>
    %eq3A_1739 = arith.cmpf oeq, %get3A_1664, %max3A_1706 : vector<16xf32>
    %select_n3A_1740 = arith.select %eq3A_1739, %broadcast_in_dim3A_1738, %select_n3A_1736 : vector<16xi1>, vector<16xi32>
    %broadcast_in_dim3A_1741 = arith.constant -3.000000e+38 : f32
    %broadcast_in_dim3A_1742 = vector.broadcast %broadcast_in_dim3A_1741 : f32 to vector<16xf32>
    %broadcast_in_dim3A_1743 = arith.constant 0 : i32
    %broadcast_in_dim3A_1744 = vector.broadcast %broadcast_in_dim3A_1743 : i32 to vector<16xi32>
    %eq3A_1745 = arith.cmpi eq, %select_n3A_1740, %broadcast_in_dim3A_1744 : vector<16xi32>
    %select_n3A_1746 = arith.select %eq3A_1745, %broadcast_in_dim3A_1742, %get3A_1664 : vector<16xi1>, vector<16xf32>
    %max3A_1747 = arith.maximumf %broadcast_in_dim3A_1742, %select_n3A_1746 : vector<16xf32>
    %broadcast_in_dim3A_1748 = arith.constant 1 : i32
    %broadcast_in_dim3A_1749 = vector.broadcast %broadcast_in_dim3A_1748 : i32 to vector<16xi32>
    %eq3A_1750 = arith.cmpi eq, %select_n3A_1740, %broadcast_in_dim3A_1749 : vector<16xi32>
    %select_n3A_1751 = arith.select %eq3A_1750, %broadcast_in_dim3A_1742, %get3A_1669 : vector<16xi1>, vector<16xf32>
    %max3A_1752 = arith.maximumf %max3A_1747, %select_n3A_1751 : vector<16xf32>
    %broadcast_in_dim3A_1753 = arith.constant 2 : i32
    %broadcast_in_dim3A_1754 = vector.broadcast %broadcast_in_dim3A_1753 : i32 to vector<16xi32>
    %eq3A_1755 = arith.cmpi eq, %select_n3A_1740, %broadcast_in_dim3A_1754 : vector<16xi32>
    %select_n3A_1756 = arith.select %eq3A_1755, %broadcast_in_dim3A_1742, %get3A_1674 : vector<16xi1>, vector<16xf32>
    %max3A_1757 = arith.maximumf %max3A_1752, %select_n3A_1756 : vector<16xf32>
    %broadcast_in_dim3A_1758 = arith.constant 3 : i32
    %broadcast_in_dim3A_1759 = vector.broadcast %broadcast_in_dim3A_1758 : i32 to vector<16xi32>
    %eq3A_1760 = arith.cmpi eq, %select_n3A_1740, %broadcast_in_dim3A_1759 : vector<16xi32>
    %select_n3A_1761 = arith.select %eq3A_1760, %broadcast_in_dim3A_1742, %get3A_1679 : vector<16xi1>, vector<16xf32>
    %max3A_1762 = arith.maximumf %max3A_1757, %select_n3A_1761 : vector<16xf32>
    %broadcast_in_dim3A_1763 = arith.constant 4 : i32
    %broadcast_in_dim3A_1764 = vector.broadcast %broadcast_in_dim3A_1763 : i32 to vector<16xi32>
    %eq3A_1765 = arith.cmpi eq, %select_n3A_1740, %broadcast_in_dim3A_1764 : vector<16xi32>
    %select_n3A_1766 = arith.select %eq3A_1765, %broadcast_in_dim3A_1742, %get3A_1684 : vector<16xi1>, vector<16xf32>
    %max3A_1767 = arith.maximumf %max3A_1762, %select_n3A_1766 : vector<16xf32>
    %broadcast_in_dim3A_1768 = arith.constant 5 : i32
    %broadcast_in_dim3A_1769 = vector.broadcast %broadcast_in_dim3A_1768 : i32 to vector<16xi32>
    %eq3A_1770 = arith.cmpi eq, %select_n3A_1740, %broadcast_in_dim3A_1769 : vector<16xi32>
    %select_n3A_1771 = arith.select %eq3A_1770, %broadcast_in_dim3A_1742, %get3A_1689 : vector<16xi1>, vector<16xf32>
    %max3A_1772 = arith.maximumf %max3A_1767, %select_n3A_1771 : vector<16xf32>
    %broadcast_in_dim3A_1773 = arith.constant 6 : i32
    %broadcast_in_dim3A_1774 = vector.broadcast %broadcast_in_dim3A_1773 : i32 to vector<16xi32>
    %eq3A_1775 = arith.cmpi eq, %select_n3A_1740, %broadcast_in_dim3A_1774 : vector<16xi32>
    %select_n3A_1776 = arith.select %eq3A_1775, %broadcast_in_dim3A_1742, %get3A_1694 : vector<16xi1>, vector<16xf32>
    %max3A_1777 = arith.maximumf %max3A_1772, %select_n3A_1776 : vector<16xf32>
    %broadcast_in_dim3A_1778 = arith.constant 7 : i32
    %broadcast_in_dim3A_1779 = vector.broadcast %broadcast_in_dim3A_1778 : i32 to vector<16xi32>
    %eq3A_1780 = arith.cmpi eq, %select_n3A_1740, %broadcast_in_dim3A_1779 : vector<16xi32>
    %select_n3A_1781 = arith.select %eq3A_1780, %broadcast_in_dim3A_1742, %get3A_1699 : vector<16xi1>, vector<16xf32>
    %max3A_1782 = arith.maximumf %max3A_1777, %select_n3A_1781 : vector<16xf32>
    %broadcast_in_dim3A_1783 = arith.constant 0 : i32
    %broadcast_in_dim3A_1784 = vector.broadcast %broadcast_in_dim3A_1783 : i32 to vector<16xi32>
    %broadcast_in_dim3A_1785 = arith.constant 7 : i32
    %broadcast_in_dim3A_1786 = vector.broadcast %broadcast_in_dim3A_1785 : i32 to vector<16xi32>
    %eq3A_1787 = arith.cmpf oeq, %get3A_1699, %max3A_1782 : vector<16xf32>
    %ne3A_1788 = arith.cmpi ne, %select_n3A_1740, %broadcast_in_dim3A_1786 : vector<16xi32>
    %and3A_1789 = arith.andi %eq3A_1787, %ne3A_1788 : vector<16xi1>
    %select_n3A_1790 = arith.select %and3A_1789, %broadcast_in_dim3A_1786, %broadcast_in_dim3A_1784 : vector<16xi1>, vector<16xi32>
    %broadcast_in_dim3A_1791 = arith.constant 6 : i32
    %broadcast_in_dim3A_1792 = vector.broadcast %broadcast_in_dim3A_1791 : i32 to vector<16xi32>
    %eq3A_1793 = arith.cmpf oeq, %get3A_1694, %max3A_1782 : vector<16xf32>
    %ne3A_1794 = arith.cmpi ne, %select_n3A_1740, %broadcast_in_dim3A_1792 : vector<16xi32>
    %and3A_1795 = arith.andi %eq3A_1793, %ne3A_1794 : vector<16xi1>
    %select_n3A_1796 = arith.select %and3A_1795, %broadcast_in_dim3A_1792, %select_n3A_1790 : vector<16xi1>, vector<16xi32>
    %broadcast_in_dim3A_1797 = arith.constant 5 : i32
    %broadcast_in_dim3A_1798 = vector.broadcast %broadcast_in_dim3A_1797 : i32 to vector<16xi32>
    %eq3A_1799 = arith.cmpf oeq, %get3A_1689, %max3A_1782 : vector<16xf32>
    %ne3A_1800 = arith.cmpi ne, %select_n3A_1740, %broadcast_in_dim3A_1798 : vector<16xi32>
    %and3A_1801 = arith.andi %eq3A_1799, %ne3A_1800 : vector<16xi1>
    %select_n3A_1802 = arith.select %and3A_1801, %broadcast_in_dim3A_1798, %select_n3A_1796 : vector<16xi1>, vector<16xi32>
    %broadcast_in_dim3A_1803 = arith.constant 4 : i32
    %broadcast_in_dim3A_1804 = vector.broadcast %broadcast_in_dim3A_1803 : i32 to vector<16xi32>
    %eq3A_1805 = arith.cmpf oeq, %get3A_1684, %max3A_1782 : vector<16xf32>
    %ne3A_1806 = arith.cmpi ne, %select_n3A_1740, %broadcast_in_dim3A_1804 : vector<16xi32>
    %and3A_1807 = arith.andi %eq3A_1805, %ne3A_1806 : vector<16xi1>
    %select_n3A_1808 = arith.select %and3A_1807, %broadcast_in_dim3A_1804, %select_n3A_1802 : vector<16xi1>, vector<16xi32>
    %broadcast_in_dim3A_1809 = arith.constant 3 : i32
    %broadcast_in_dim3A_1810 = vector.broadcast %broadcast_in_dim3A_1809 : i32 to vector<16xi32>
    %eq3A_1811 = arith.cmpf oeq, %get3A_1679, %max3A_1782 : vector<16xf32>
    %ne3A_1812 = arith.cmpi ne, %select_n3A_1740, %broadcast_in_dim3A_1810 : vector<16xi32>
    %and3A_1813 = arith.andi %eq3A_1811, %ne3A_1812 : vector<16xi1>
    %select_n3A_1814 = arith.select %and3A_1813, %broadcast_in_dim3A_1810, %select_n3A_1808 : vector<16xi1>, vector<16xi32>
    %broadcast_in_dim3A_1815 = arith.constant 2 : i32
    %broadcast_in_dim3A_1816 = vector.broadcast %broadcast_in_dim3A_1815 : i32 to vector<16xi32>
    %eq3A_1817 = arith.cmpf oeq, %get3A_1674, %max3A_1782 : vector<16xf32>
    %ne3A_1818 = arith.cmpi ne, %select_n3A_1740, %broadcast_in_dim3A_1816 : vector<16xi32>
    %and3A_1819 = arith.andi %eq3A_1817, %ne3A_1818 : vector<16xi1>
    %select_n3A_1820 = arith.select %and3A_1819, %broadcast_in_dim3A_1816, %select_n3A_1814 : vector<16xi1>, vector<16xi32>
    %broadcast_in_dim3A_1821 = arith.constant 1 : i32
    %broadcast_in_dim3A_1822 = vector.broadcast %broadcast_in_dim3A_1821 : i32 to vector<16xi32>
    %eq3A_1823 = arith.cmpf oeq, %get3A_1669, %max3A_1782 : vector<16xf32>
    %ne3A_1824 = arith.cmpi ne, %select_n3A_1740, %broadcast_in_dim3A_1822 : vector<16xi32>
    %and3A_1825 = arith.andi %eq3A_1823, %ne3A_1824 : vector<16xi1>
    %select_n3A_1826 = arith.select %and3A_1825, %broadcast_in_dim3A_1822, %select_n3A_1820 : vector<16xi1>, vector<16xi32>
    %broadcast_in_dim3A_1827 = arith.constant 0 : i32
    %broadcast_in_dim3A_1828 = vector.broadcast %broadcast_in_dim3A_1827 : i32 to vector<16xi32>
    %eq3A_1829 = arith.cmpf oeq, %get3A_1664, %max3A_1782 : vector<16xf32>
    %ne3A_1830 = arith.cmpi ne, %select_n3A_1740, %broadcast_in_dim3A_1828 : vector<16xi32>
    %and3A_1831 = arith.andi %eq3A_1829, %ne3A_1830 : vector<16xi1>
    %select_n3A_1832 = arith.select %and3A_1831, %broadcast_in_dim3A_1828, %select_n3A_1826 : vector<16xi1>, vector<16xi32>
    %broadcast_in_dim3A_1833 = arith.constant 1.000000e+00 : f32
    %broadcast_in_dim3A_1834 = vector.broadcast %broadcast_in_dim3A_1833 : f32 to vector<16xf32>
    %sub3A_1835 = arith.subf %max3A_1782, %max3A_1706 : vector<16xf32>
    %exp3A_1836 = math.exp %sub3A_1835 : vector<16xf32>
    %add3A_1837 = arith.addf %broadcast_in_dim3A_1834, %exp3A_1836 : vector<16xf32>
    %div3A_1838 = arith.divf %broadcast_in_dim3A_1834, %add3A_1837 : vector<16xf32>
    %sub3A_1839 = arith.subf %broadcast_in_dim3A_1834, %div3A_1838 : vector<16xf32>
    %broadcast_in_dim3A_1840 = arith.constant 0.000000e+00 : f32
    %broadcast_in_dim3A_1841 = vector.broadcast %broadcast_in_dim3A_1840 : f32 to vector<16xf32>
    %broadcast_in_dim3A_1842 = arith.constant 0 : i32
    %broadcast_in_dim3A_1843 = vector.broadcast %broadcast_in_dim3A_1842 : i32 to vector<16xi32>
    %eq3A_1844 = arith.cmpi eq, %select_n3A_1740, %broadcast_in_dim3A_1843 : vector<16xi32>
    %eq3A_1845 = arith.cmpi eq, %select_n3A_1832, %broadcast_in_dim3A_1843 : vector<16xi32>
    %select_n3A_1846 = arith.select %eq3A_1845, %sub3A_1839, %broadcast_in_dim3A_1841 : vector<16xi1>, vector<16xf32>
    %select_n3A_1847 = arith.select %eq3A_1844, %div3A_1838, %select_n3A_1846 : vector<16xi1>, vector<16xf32>
    %swap3A_1848 = arith.constant 0 : i32
    %swap3A_1849 = arith.index_cast %swap3A_1848 : i32 to index
    %swap3A_1850 = arith.constant 96 : index
    %swap3A_1851 = tpu.vector_load %arg5[%swap3A_1849, %swap3A_1850] {strides = array<i32>} : memref<8x128xf32, #tpu.memory_space<vmem>>, vector<1x16xf32>,
    %swap3A_1852 = vector.shape_cast %swap3A_1851 : vector<1x16xf32> to vector<16xf32>
    %swap3A_1853 = vector.shape_cast %select_n3A_1847 : vector<16xf32> to vector<1x16xf32>
    tpu.vector_store %arg5[%swap3A_1849, %swap3A_1850], %swap3A_1853 {strides = array<i32>} : memref<8x128xf32, #tpu.memory_space<vmem>>, vector<1x16xf32>,
    %broadcast_in_dim3A_1854 = arith.constant 1 : i32
    %broadcast_in_dim3A_1855 = vector.broadcast %broadcast_in_dim3A_1854 : i32 to vector<16xi32>
    %eq3A_1856 = arith.cmpi eq, %select_n3A_1740, %broadcast_in_dim3A_1855 : vector<16xi32>
    %eq3A_1857 = arith.cmpi eq, %select_n3A_1832, %broadcast_in_dim3A_1855 : vector<16xi32>
    %select_n3A_1858 = arith.select %eq3A_1857, %sub3A_1839, %broadcast_in_dim3A_1841 : vector<16xi1>, vector<16xf32>
    %select_n3A_1859 = arith.select %eq3A_1856, %div3A_1838, %select_n3A_1858 : vector<16xi1>, vector<16xf32>
    %swap3A_1860 = arith.constant 1 : i32
    %swap3A_1861 = arith.index_cast %swap3A_1860 : i32 to index
    %swap3A_1862 = arith.constant 96 : index
    %swap3A_1863 = tpu.vector_load %arg5[%swap3A_1861, %swap3A_1862] {strides = array<i32>} : memref<8x128xf32, #tpu.memory_space<vmem>>, vector<1x16xf32>,
    %swap3A_1864 = vector.shape_cast %swap3A_1863 : vector<1x16xf32> to vector<16xf32>
    %swap3A_1865 = vector.shape_cast %select_n3A_1859 : vector<16xf32> to vector<1x16xf32>
    tpu.vector_store %arg5[%swap3A_1861, %swap3A_1862], %swap3A_1865 {strides = array<i32>} : memref<8x128xf32, #tpu.memory_space<vmem>>, vector<1x16xf32>,
    %broadcast_in_dim3A_1866 = arith.constant 2 : i32
    %broadcast_in_dim3A_1867 = vector.broadcast %broadcast_in_dim3A_1866 : i32 to vector<16xi32>
    %eq3A_1868 = arith.cmpi eq, %select_n3A_1740, %broadcast_in_dim3A_1867 : vector<16xi32>
    %eq3A_1869 = arith.cmpi eq, %select_n3A_1832, %broadcast_in_dim3A_1867 : vector<16xi32>
    %select_n3A_1870 = arith.select %eq3A_1869, %sub3A_1839, %broadcast_in_dim3A_1841 : vector<16xi1>, vector<16xf32>
    %select_n3A_1871 = arith.select %eq3A_1868, %div3A_1838, %select_n3A_1870 : vector<16xi1>, vector<16xf32>
    %swap3A_1872 = arith.constant 2 : i32
    %swap3A_1873 = arith.index_cast %swap3A_1872 : i32 to index
    %swap3A_1874 = arith.constant 96 : index
    %swap3A_1875 = tpu.vector_load %arg5[%swap3A_1873, %swap3A_1874] {strides = array<i32>} : memref<8x128xf32, #tpu.memory_space<vmem>>, vector<1x16xf32>,
    %swap3A_1876 = vector.shape_cast %swap3A_1875 : vector<1x16xf32> to vector<16xf32>
    %swap3A_1877 = vector.shape_cast %select_n3A_1871 : vector<16xf32> to vector<1x16xf32>
    tpu.vector_store %arg5[%swap3A_1873, %swap3A_1874], %swap3A_1877 {strides = array<i32>} : memref<8x128xf32, #tpu.memory_space<vmem>>, vector<1x16xf32>,
    %broadcast_in_dim3A_1878 = arith.constant 3 : i32
    %broadcast_in_dim3A_1879 = vector.broadcast %broadcast_in_dim3A_1878 : i32 to vector<16xi32>
    %eq3A_1880 = arith.cmpi eq, %select_n3A_1740, %broadcast_in_dim3A_1879 : vector<16xi32>
    %eq3A_1881 = arith.cmpi eq, %select_n3A_1832, %broadcast_in_dim3A_1879 : vector<16xi32>
    %select_n3A_1882 = arith.select %eq3A_1881, %sub3A_1839, %broadcast_in_dim3A_1841 : vector<16xi1>, vector<16xf32>
    %select_n3A_1883 = arith.select %eq3A_1880, %div3A_1838, %select_n3A_1882 : vector<16xi1>, vector<16xf32>
    %swap3A_1884 = arith.constant 3 : i32
    %swap3A_1885 = arith.index_cast %swap3A_1884 : i32 to index
    %swap3A_1886 = arith.constant 96 : index
    %swap3A_1887 = tpu.vector_load %arg5[%swap3A_1885, %swap3A_1886] {strides = array<i32>} : memref<8x128xf32, #tpu.memory_space<vmem>>, vector<1x16xf32>,
    %swap3A_1888 = vector.shape_cast %swap3A_1887 : vector<1x16xf32> to vector<16xf32>
    %swap3A_1889 = vector.shape_cast %select_n3A_1883 : vector<16xf32> to vector<1x16xf32>
    tpu.vector_store %arg5[%swap3A_1885, %swap3A_1886], %swap3A_1889 {strides = array<i32>} : memref<8x128xf32, #tpu.memory_space<vmem>>, vector<1x16xf32>,
    %broadcast_in_dim3A_1890 = arith.constant 4 : i32
    %broadcast_in_dim3A_1891 = vector.broadcast %broadcast_in_dim3A_1890 : i32 to vector<16xi32>
    %eq3A_1892 = arith.cmpi eq, %select_n3A_1740, %broadcast_in_dim3A_1891 : vector<16xi32>
    %eq3A_1893 = arith.cmpi eq, %select_n3A_1832, %broadcast_in_dim3A_1891 : vector<16xi32>
    %select_n3A_1894 = arith.select %eq3A_1893, %sub3A_1839, %broadcast_in_dim3A_1841 : vector<16xi1>, vector<16xf32>
    %select_n3A_1895 = arith.select %eq3A_1892, %div3A_1838, %select_n3A_1894 : vector<16xi1>, vector<16xf32>
    %swap3A_1896 = arith.constant 4 : i32
    %swap3A_1897 = arith.index_cast %swap3A_1896 : i32 to index
    %swap3A_1898 = arith.constant 96 : index
    %swap3A_1899 = tpu.vector_load %arg5[%swap3A_1897, %swap3A_1898] {strides = array<i32>} : memref<8x128xf32, #tpu.memory_space<vmem>>, vector<1x16xf32>,
    %swap3A_1900 = vector.shape_cast %swap3A_1899 : vector<1x16xf32> to vector<16xf32>
    %swap3A_1901 = vector.shape_cast %select_n3A_1895 : vector<16xf32> to vector<1x16xf32>
    tpu.vector_store %arg5[%swap3A_1897, %swap3A_1898], %swap3A_1901 {strides = array<i32>} : memref<8x128xf32, #tpu.memory_space<vmem>>, vector<1x16xf32>,
    %broadcast_in_dim3A_1902 = arith.constant 5 : i32
    %broadcast_in_dim3A_1903 = vector.broadcast %broadcast_in_dim3A_1902 : i32 to vector<16xi32>
    %eq3A_1904 = arith.cmpi eq, %select_n3A_1740, %broadcast_in_dim3A_1903 : vector<16xi32>
    %eq3A_1905 = arith.cmpi eq, %select_n3A_1832, %broadcast_in_dim3A_1903 : vector<16xi32>
    %select_n3A_1906 = arith.select %eq3A_1905, %sub3A_1839, %broadcast_in_dim3A_1841 : vector<16xi1>, vector<16xf32>
    %select_n3A_1907 = arith.select %eq3A_1904, %div3A_1838, %select_n3A_1906 : vector<16xi1>, vector<16xf32>
    %swap3A_1908 = arith.constant 5 : i32
    %swap3A_1909 = arith.index_cast %swap3A_1908 : i32 to index
    %swap3A_1910 = arith.constant 96 : index
    %swap3A_1911 = tpu.vector_load %arg5[%swap3A_1909, %swap3A_1910] {strides = array<i32>} : memref<8x128xf32, #tpu.memory_space<vmem>>, vector<1x16xf32>,
    %swap3A_1912 = vector.shape_cast %swap3A_1911 : vector<1x16xf32> to vector<16xf32>
    %swap3A_1913 = vector.shape_cast %select_n3A_1907 : vector<16xf32> to vector<1x16xf32>
    tpu.vector_store %arg5[%swap3A_1909, %swap3A_1910], %swap3A_1913 {strides = array<i32>} : memref<8x128xf32, #tpu.memory_space<vmem>>, vector<1x16xf32>,
    %broadcast_in_dim3A_1914 = arith.constant 6 : i32
    %broadcast_in_dim3A_1915 = vector.broadcast %broadcast_in_dim3A_1914 : i32 to vector<16xi32>
    %eq3A_1916 = arith.cmpi eq, %select_n3A_1740, %broadcast_in_dim3A_1915 : vector<16xi32>
    %eq3A_1917 = arith.cmpi eq, %select_n3A_1832, %broadcast_in_dim3A_1915 : vector<16xi32>
    %select_n3A_1918 = arith.select %eq3A_1917, %sub3A_1839, %broadcast_in_dim3A_1841 : vector<16xi1>, vector<16xf32>
    %select_n3A_1919 = arith.select %eq3A_1916, %div3A_1838, %select_n3A_1918 : vector<16xi1>, vector<16xf32>
    %swap3A_1920 = arith.constant 6 : i32
    %swap3A_1921 = arith.index_cast %swap3A_1920 : i32 to index
    %swap3A_1922 = arith.constant 96 : index
    %swap3A_1923 = tpu.vector_load %arg5[%swap3A_1921, %swap3A_1922] {strides = array<i32>} : memref<8x128xf32, #tpu.memory_space<vmem>>, vector<1x16xf32>,
    %swap3A_1924 = vector.shape_cast %swap3A_1923 : vector<1x16xf32> to vector<16xf32>
    %swap3A_1925 = vector.shape_cast %select_n3A_1919 : vector<16xf32> to vector<1x16xf32>
    tpu.vector_store %arg5[%swap3A_1921, %swap3A_1922], %swap3A_1925 {strides = array<i32>} : memref<8x128xf32, #tpu.memory_space<vmem>>, vector<1x16xf32>,
    %broadcast_in_dim3A_1926 = arith.constant 7 : i32
    %broadcast_in_dim3A_1927 = vector.broadcast %broadcast_in_dim3A_1926 : i32 to vector<16xi32>
    %eq3A_1928 = arith.cmpi eq, %select_n3A_1740, %broadcast_in_dim3A_1927 : vector<16xi32>
    %eq3A_1929 = arith.cmpi eq, %select_n3A_1832, %broadcast_in_dim3A_1927 : vector<16xi32>
    %select_n3A_1930 = arith.select %eq3A_1929, %sub3A_1839, %broadcast_in_dim3A_1841 : vector<16xi1>, vector<16xf32>
    %select_n3A_1931 = arith.select %eq3A_1928, %div3A_1838, %select_n3A_1930 : vector<16xi1>, vector<16xf32>
    %swap3A_1932 = arith.constant 7 : i32
    %swap3A_1933 = arith.index_cast %swap3A_1932 : i32 to index
    %swap3A_1934 = arith.constant 96 : index
    %swap3A_1935 = tpu.vector_load %arg5[%swap3A_1933, %swap3A_1934] {strides = array<i32>} : memref<8x128xf32, #tpu.memory_space<vmem>>, vector<1x16xf32>,
    %swap3A_1936 = vector.shape_cast %swap3A_1935 : vector<1x16xf32> to vector<16xf32>
    %swap3A_1937 = vector.shape_cast %select_n3A_1931 : vector<16xf32> to vector<1x16xf32>
    tpu.vector_store %arg5[%swap3A_1933, %swap3A_1934], %swap3A_1937 {strides = array<i32>} : memref<8x128xf32, #tpu.memory_space<vmem>>, vector<1x16xf32>,
    %get3A_1938 = arith.constant 0 : i32
    %get3A_1939 = arith.index_cast %get3A_1938 : i32 to index
    %get3A_1940 = arith.constant 112 : index
    %get3A_1941 = tpu.vector_load %arg4[%get3A_1939, %get3A_1940] {strides = array<i32>} : memref<8x128xf32, #tpu.memory_space<vmem>>, vector<1x16xf32>,
    %get3A_1942 = vector.shape_cast %get3A_1941 : vector<1x16xf32> to vector<16xf32>
    %get3A_1943 = arith.constant 1 : i32
    %get3A_1944 = arith.index_cast %get3A_1943 : i32 to index
    %get3A_1945 = arith.constant 112 : index
    %get3A_1946 = tpu.vector_load %arg4[%get3A_1944, %get3A_1945] {strides = array<i32>} : memref<8x128xf32, #tpu.memory_space<vmem>>, vector<1x16xf32>,
    %get3A_1947 = vector.shape_cast %get3A_1946 : vector<1x16xf32> to vector<16xf32>
    %get3A_1948 = arith.constant 2 : i32
    %get3A_1949 = arith.index_cast %get3A_1948 : i32 to index
    %get3A_1950 = arith.constant 112 : index
    %get3A_1951 = tpu.vector_load %arg4[%get3A_1949, %get3A_1950] {strides = array<i32>} : memref<8x128xf32, #tpu.memory_space<vmem>>, vector<1x16xf32>,
    %get3A_1952 = vector.shape_cast %get3A_1951 : vector<1x16xf32> to vector<16xf32>
    %get3A_1953 = arith.constant 3 : i32
    %get3A_1954 = arith.index_cast %get3A_1953 : i32 to index
    %get3A_1955 = arith.constant 112 : index
    %get3A_1956 = tpu.vector_load %arg4[%get3A_1954, %get3A_1955] {strides = array<i32>} : memref<8x128xf32, #tpu.memory_space<vmem>>, vector<1x16xf32>,
    %get3A_1957 = vector.shape_cast %get3A_1956 : vector<1x16xf32> to vector<16xf32>
    %get3A_1958 = arith.constant 4 : i32
    %get3A_1959 = arith.index_cast %get3A_1958 : i32 to index
    %get3A_1960 = arith.constant 112 : index
    %get3A_1961 = tpu.vector_load %arg4[%get3A_1959, %get3A_1960] {strides = array<i32>} : memref<8x128xf32, #tpu.memory_space<vmem>>, vector<1x16xf32>,
    %get3A_1962 = vector.shape_cast %get3A_1961 : vector<1x16xf32> to vector<16xf32>
    %get3A_1963 = arith.constant 5 : i32
    %get3A_1964 = arith.index_cast %get3A_1963 : i32 to index
    %get3A_1965 = arith.constant 112 : index
    %get3A_1966 = tpu.vector_load %arg4[%get3A_1964, %get3A_1965] {strides = array<i32>} : memref<8x128xf32, #tpu.memory_space<vmem>>, vector<1x16xf32>,
    %get3A_1967 = vector.shape_cast %get3A_1966 : vector<1x16xf32> to vector<16xf32>
    %get3A_1968 = arith.constant 6 : i32
    %get3A_1969 = arith.index_cast %get3A_1968 : i32 to index
    %get3A_1970 = arith.constant 112 : index
    %get3A_1971 = tpu.vector_load %arg4[%get3A_1969, %get3A_1970] {strides = array<i32>} : memref<8x128xf32, #tpu.memory_space<vmem>>, vector<1x16xf32>,
    %get3A_1972 = vector.shape_cast %get3A_1971 : vector<1x16xf32> to vector<16xf32>
    %get3A_1973 = arith.constant 7 : i32
    %get3A_1974 = arith.index_cast %get3A_1973 : i32 to index
    %get3A_1975 = arith.constant 112 : index
    %get3A_1976 = tpu.vector_load %arg4[%get3A_1974, %get3A_1975] {strides = array<i32>} : memref<8x128xf32, #tpu.memory_space<vmem>>, vector<1x16xf32>,
    %get3A_1977 = vector.shape_cast %get3A_1976 : vector<1x16xf32> to vector<16xf32>
    %max3A_1978 = arith.maximumf %get3A_1942, %get3A_1947 : vector<16xf32>
    %max3A_1979 = arith.maximumf %max3A_1978, %get3A_1952 : vector<16xf32>
    %max3A_1980 = arith.maximumf %max3A_1979, %get3A_1957 : vector<16xf32>
    %max3A_1981 = arith.maximumf %max3A_1980, %get3A_1962 : vector<16xf32>
    %max3A_1982 = arith.maximumf %max3A_1981, %get3A_1967 : vector<16xf32>
    %max3A_1983 = arith.maximumf %max3A_1982, %get3A_1972 : vector<16xf32>
    %max3A_1984 = arith.maximumf %max3A_1983, %get3A_1977 : vector<16xf32>
    %broadcast_in_dim3A_1985 = arith.constant 0 : i32
    %broadcast_in_dim3A_1986 = vector.broadcast %broadcast_in_dim3A_1985 : i32 to vector<16xi32>
    %broadcast_in_dim3A_1987 = arith.constant 7 : i32
    %broadcast_in_dim3A_1988 = vector.broadcast %broadcast_in_dim3A_1987 : i32 to vector<16xi32>
    %eq3A_1989 = arith.cmpf oeq, %get3A_1977, %max3A_1984 : vector<16xf32>
    %select_n3A_1990 = arith.select %eq3A_1989, %broadcast_in_dim3A_1988, %broadcast_in_dim3A_1986 : vector<16xi1>, vector<16xi32>
    %broadcast_in_dim3A_1991 = arith.constant 6 : i32
    %broadcast_in_dim3A_1992 = vector.broadcast %broadcast_in_dim3A_1991 : i32 to vector<16xi32>
    %eq3A_1993 = arith.cmpf oeq, %get3A_1972, %max3A_1984 : vector<16xf32>
    %select_n3A_1994 = arith.select %eq3A_1993, %broadcast_in_dim3A_1992, %select_n3A_1990 : vector<16xi1>, vector<16xi32>
    %broadcast_in_dim3A_1995 = arith.constant 5 : i32
    %broadcast_in_dim3A_1996 = vector.broadcast %broadcast_in_dim3A_1995 : i32 to vector<16xi32>
    %eq3A_1997 = arith.cmpf oeq, %get3A_1967, %max3A_1984 : vector<16xf32>
    %select_n3A_1998 = arith.select %eq3A_1997, %broadcast_in_dim3A_1996, %select_n3A_1994 : vector<16xi1>, vector<16xi32>
    %broadcast_in_dim3A_1999 = arith.constant 4 : i32
    %broadcast_in_dim3A_2000 = vector.broadcast %broadcast_in_dim3A_1999 : i32 to vector<16xi32>
    %eq3A_2001 = arith.cmpf oeq, %get3A_1962, %max3A_1984 : vector<16xf32>
    %select_n3A_2002 = arith.select %eq3A_2001, %broadcast_in_dim3A_2000, %select_n3A_1998 : vector<16xi1>, vector<16xi32>
    %broadcast_in_dim3A_2003 = arith.constant 3 : i32
    %broadcast_in_dim3A_2004 = vector.broadcast %broadcast_in_dim3A_2003 : i32 to vector<16xi32>
    %eq3A_2005 = arith.cmpf oeq, %get3A_1957, %max3A_1984 : vector<16xf32>
    %select_n3A_2006 = arith.select %eq3A_2005, %broadcast_in_dim3A_2004, %select_n3A_2002 : vector<16xi1>, vector<16xi32>
    %broadcast_in_dim3A_2007 = arith.constant 2 : i32
    %broadcast_in_dim3A_2008 = vector.broadcast %broadcast_in_dim3A_2007 : i32 to vector<16xi32>
    %eq3A_2009 = arith.cmpf oeq, %get3A_1952, %max3A_1984 : vector<16xf32>
    %select_n3A_2010 = arith.select %eq3A_2009, %broadcast_in_dim3A_2008, %select_n3A_2006 : vector<16xi1>, vector<16xi32>
    %broadcast_in_dim3A_2011 = arith.constant 1 : i32
    %broadcast_in_dim3A_2012 = vector.broadcast %broadcast_in_dim3A_2011 : i32 to vector<16xi32>
    %eq3A_2013 = arith.cmpf oeq, %get3A_1947, %max3A_1984 : vector<16xf32>
    %select_n3A_2014 = arith.select %eq3A_2013, %broadcast_in_dim3A_2012, %select_n3A_2010 : vector<16xi1>, vector<16xi32>
    %broadcast_in_dim3A_2015 = arith.constant 0 : i32
    %broadcast_in_dim3A_2016 = vector.broadcast %broadcast_in_dim3A_2015 : i32 to vector<16xi32>
    %eq3A_2017 = arith.cmpf oeq, %get3A_1942, %max3A_1984 : vector<16xf32>
    %select_n3A_2018 = arith.select %eq3A_2017, %broadcast_in_dim3A_2016, %select_n3A_2014 : vector<16xi1>, vector<16xi32>
    %broadcast_in_dim3A_2019 = arith.constant -3.000000e+38 : f32
    %broadcast_in_dim3A_2020 = vector.broadcast %broadcast_in_dim3A_2019 : f32 to vector<16xf32>
    %broadcast_in_dim3A_2021 = arith.constant 0 : i32
    %broadcast_in_dim3A_2022 = vector.broadcast %broadcast_in_dim3A_2021 : i32 to vector<16xi32>
    %eq3A_2023 = arith.cmpi eq, %select_n3A_2018, %broadcast_in_dim3A_2022 : vector<16xi32>
    %select_n3A_2024 = arith.select %eq3A_2023, %broadcast_in_dim3A_2020, %get3A_1942 : vector<16xi1>, vector<16xf32>
    %max3A_2025 = arith.maximumf %broadcast_in_dim3A_2020, %select_n3A_2024 : vector<16xf32>
    %broadcast_in_dim3A_2026 = arith.constant 1 : i32
    %broadcast_in_dim3A_2027 = vector.broadcast %broadcast_in_dim3A_2026 : i32 to vector<16xi32>
    %eq3A_2028 = arith.cmpi eq, %select_n3A_2018, %broadcast_in_dim3A_2027 : vector<16xi32>
    %select_n3A_2029 = arith.select %eq3A_2028, %broadcast_in_dim3A_2020, %get3A_1947 : vector<16xi1>, vector<16xf32>
    %max3A_2030 = arith.maximumf %max3A_2025, %select_n3A_2029 : vector<16xf32>
    %broadcast_in_dim3A_2031 = arith.constant 2 : i32
    %broadcast_in_dim3A_2032 = vector.broadcast %broadcast_in_dim3A_2031 : i32 to vector<16xi32>
    %eq3A_2033 = arith.cmpi eq, %select_n3A_2018, %broadcast_in_dim3A_2032 : vector<16xi32>
    %select_n3A_2034 = arith.select %eq3A_2033, %broadcast_in_dim3A_2020, %get3A_1952 : vector<16xi1>, vector<16xf32>
    %max3A_2035 = arith.maximumf %max3A_2030, %select_n3A_2034 : vector<16xf32>
    %broadcast_in_dim3A_2036 = arith.constant 3 : i32
    %broadcast_in_dim3A_2037 = vector.broadcast %broadcast_in_dim3A_2036 : i32 to vector<16xi32>
    %eq3A_2038 = arith.cmpi eq, %select_n3A_2018, %broadcast_in_dim3A_2037 : vector<16xi32>
    %select_n3A_2039 = arith.select %eq3A_2038, %broadcast_in_dim3A_2020, %get3A_1957 : vector<16xi1>, vector<16xf32>
    %max3A_2040 = arith.maximumf %max3A_2035, %select_n3A_2039 : vector<16xf32>
    %broadcast_in_dim3A_2041 = arith.constant 4 : i32
    %broadcast_in_dim3A_2042 = vector.broadcast %broadcast_in_dim3A_2041 : i32 to vector<16xi32>
    %eq3A_2043 = arith.cmpi eq, %select_n3A_2018, %broadcast_in_dim3A_2042 : vector<16xi32>
    %select_n3A_2044 = arith.select %eq3A_2043, %broadcast_in_dim3A_2020, %get3A_1962 : vector<16xi1>, vector<16xf32>
    %max3A_2045 = arith.maximumf %max3A_2040, %select_n3A_2044 : vector<16xf32>
    %broadcast_in_dim3A_2046 = arith.constant 5 : i32
    %broadcast_in_dim3A_2047 = vector.broadcast %broadcast_in_dim3A_2046 : i32 to vector<16xi32>
    %eq3A_2048 = arith.cmpi eq, %select_n3A_2018, %broadcast_in_dim3A_2047 : vector<16xi32>
    %select_n3A_2049 = arith.select %eq3A_2048, %broadcast_in_dim3A_2020, %get3A_1967 : vector<16xi1>, vector<16xf32>
    %max3A_2050 = arith.maximumf %max3A_2045, %select_n3A_2049 : vector<16xf32>
    %broadcast_in_dim3A_2051 = arith.constant 6 : i32
    %broadcast_in_dim3A_2052 = vector.broadcast %broadcast_in_dim3A_2051 : i32 to vector<16xi32>
    %eq3A_2053 = arith.cmpi eq, %select_n3A_2018, %broadcast_in_dim3A_2052 : vector<16xi32>
    %select_n3A_2054 = arith.select %eq3A_2053, %broadcast_in_dim3A_2020, %get3A_1972 : vector<16xi1>, vector<16xf32>
    %max3A_2055 = arith.maximumf %max3A_2050, %select_n3A_2054 : vector<16xf32>
    %broadcast_in_dim3A_2056 = arith.constant 7 : i32
    %broadcast_in_dim3A_2057 = vector.broadcast %broadcast_in_dim3A_2056 : i32 to vector<16xi32>
    %eq3A_2058 = arith.cmpi eq, %select_n3A_2018, %broadcast_in_dim3A_2057 : vector<16xi32>
    %select_n3A_2059 = arith.select %eq3A_2058, %broadcast_in_dim3A_2020, %get3A_1977 : vector<16xi1>, vector<16xf32>
    %max3A_2060 = arith.maximumf %max3A_2055, %select_n3A_2059 : vector<16xf32>
    %broadcast_in_dim3A_2061 = arith.constant 0 : i32
    %broadcast_in_dim3A_2062 = vector.broadcast %broadcast_in_dim3A_2061 : i32 to vector<16xi32>
    %broadcast_in_dim3A_2063 = arith.constant 7 : i32
    %broadcast_in_dim3A_2064 = vector.broadcast %broadcast_in_dim3A_2063 : i32 to vector<16xi32>
    %eq3A_2065 = arith.cmpf oeq, %get3A_1977, %max3A_2060 : vector<16xf32>
    %ne3A_2066 = arith.cmpi ne, %select_n3A_2018, %broadcast_in_dim3A_2064 : vector<16xi32>
    %and3A_2067 = arith.andi %eq3A_2065, %ne3A_2066 : vector<16xi1>
    %select_n3A_2068 = arith.select %and3A_2067, %broadcast_in_dim3A_2064, %broadcast_in_dim3A_2062 : vector<16xi1>, vector<16xi32>
    %broadcast_in_dim3A_2069 = arith.constant 6 : i32
    %broadcast_in_dim3A_2070 = vector.broadcast %broadcast_in_dim3A_2069 : i32 to vector<16xi32>
    %eq3A_2071 = arith.cmpf oeq, %get3A_1972, %max3A_2060 : vector<16xf32>
    %ne3A_2072 = arith.cmpi ne, %select_n3A_2018, %broadcast_in_dim3A_2070 : vector<16xi32>
    %and3A_2073 = arith.andi %eq3A_2071, %ne3A_2072 : vector<16xi1>
    %select_n3A_2074 = arith.select %and3A_2073, %broadcast_in_dim3A_2070, %select_n3A_2068 : vector<16xi1>, vector<16xi32>
    %broadcast_in_dim3A_2075 = arith.constant 5 : i32
    %broadcast_in_dim3A_2076 = vector.broadcast %broadcast_in_dim3A_2075 : i32 to vector<16xi32>
    %eq3A_2077 = arith.cmpf oeq, %get3A_1967, %max3A_2060 : vector<16xf32>
    %ne3A_2078 = arith.cmpi ne, %select_n3A_2018, %broadcast_in_dim3A_2076 : vector<16xi32>
    %and3A_2079 = arith.andi %eq3A_2077, %ne3A_2078 : vector<16xi1>
    %select_n3A_2080 = arith.select %and3A_2079, %broadcast_in_dim3A_2076, %select_n3A_2074 : vector<16xi1>, vector<16xi32>
    %broadcast_in_dim3A_2081 = arith.constant 4 : i32
    %broadcast_in_dim3A_2082 = vector.broadcast %broadcast_in_dim3A_2081 : i32 to vector<16xi32>
    %eq3A_2083 = arith.cmpf oeq, %get3A_1962, %max3A_2060 : vector<16xf32>
    %ne3A_2084 = arith.cmpi ne, %select_n3A_2018, %broadcast_in_dim3A_2082 : vector<16xi32>
    %and3A_2085 = arith.andi %eq3A_2083, %ne3A_2084 : vector<16xi1>
    %select_n3A_2086 = arith.select %and3A_2085, %broadcast_in_dim3A_2082, %select_n3A_2080 : vector<16xi1>, vector<16xi32>
    %broadcast_in_dim3A_2087 = arith.constant 3 : i32
    %broadcast_in_dim3A_2088 = vector.broadcast %broadcast_in_dim3A_2087 : i32 to vector<16xi32>
    %eq3A_2089 = arith.cmpf oeq, %get3A_1957, %max3A_2060 : vector<16xf32>
    %ne3A_2090 = arith.cmpi ne, %select_n3A_2018, %broadcast_in_dim3A_2088 : vector<16xi32>
    %and3A_2091 = arith.andi %eq3A_2089, %ne3A_2090 : vector<16xi1>
    %select_n3A_2092 = arith.select %and3A_2091, %broadcast_in_dim3A_2088, %select_n3A_2086 : vector<16xi1>, vector<16xi32>
    %broadcast_in_dim3A_2093 = arith.constant 2 : i32
    %broadcast_in_dim3A_2094 = vector.broadcast %broadcast_in_dim3A_2093 : i32 to vector<16xi32>
    %eq3A_2095 = arith.cmpf oeq, %get3A_1952, %max3A_2060 : vector<16xf32>
    %ne3A_2096 = arith.cmpi ne, %select_n3A_2018, %broadcast_in_dim3A_2094 : vector<16xi32>
    %and3A_2097 = arith.andi %eq3A_2095, %ne3A_2096 : vector<16xi1>
    %select_n3A_2098 = arith.select %and3A_2097, %broadcast_in_dim3A_2094, %select_n3A_2092 : vector<16xi1>, vector<16xi32>
    %broadcast_in_dim3A_2099 = arith.constant 1 : i32
    %broadcast_in_dim3A_2100 = vector.broadcast %broadcast_in_dim3A_2099 : i32 to vector<16xi32>
    %eq3A_2101 = arith.cmpf oeq, %get3A_1947, %max3A_2060 : vector<16xf32>
    %ne3A_2102 = arith.cmpi ne, %select_n3A_2018, %broadcast_in_dim3A_2100 : vector<16xi32>
    %and3A_2103 = arith.andi %eq3A_2101, %ne3A_2102 : vector<16xi1>
    %select_n3A_2104 = arith.select %and3A_2103, %broadcast_in_dim3A_2100, %select_n3A_2098 : vector<16xi1>, vector<16xi32>
    %broadcast_in_dim3A_2105 = arith.constant 0 : i32
    %broadcast_in_dim3A_2106 = vector.broadcast %broadcast_in_dim3A_2105 : i32 to vector<16xi32>
    %eq3A_2107 = arith.cmpf oeq, %get3A_1942, %max3A_2060 : vector<16xf32>
    %ne3A_2108 = arith.cmpi ne, %select_n3A_2018, %broadcast_in_dim3A_2106 : vector<16xi32>
    %and3A_2109 = arith.andi %eq3A_2107, %ne3A_2108 : vector<16xi1>
    %select_n3A_2110 = arith.select %and3A_2109, %broadcast_in_dim3A_2106, %select_n3A_2104 : vector<16xi1>, vector<16xi32>
    %broadcast_in_dim3A_2111 = arith.constant 1.000000e+00 : f32
    %broadcast_in_dim3A_2112 = vector.broadcast %broadcast_in_dim3A_2111 : f32 to vector<16xf32>
    %sub3A_2113 = arith.subf %max3A_2060, %max3A_1984 : vector<16xf32>
    %exp3A_2114 = math.exp %sub3A_2113 : vector<16xf32>
    %add3A_2115 = arith.addf %broadcast_in_dim3A_2112, %exp3A_2114 : vector<16xf32>
    %div3A_2116 = arith.divf %broadcast_in_dim3A_2112, %add3A_2115 : vector<16xf32>
    %sub3A_2117 = arith.subf %broadcast_in_dim3A_2112, %div3A_2116 : vector<16xf32>
    %broadcast_in_dim3A_2118 = arith.constant 0.000000e+00 : f32
    %broadcast_in_dim3A_2119 = vector.broadcast %broadcast_in_dim3A_2118 : f32 to vector<16xf32>
    %broadcast_in_dim3A_2120 = arith.constant 0 : i32
    %broadcast_in_dim3A_2121 = vector.broadcast %broadcast_in_dim3A_2120 : i32 to vector<16xi32>
    %eq3A_2122 = arith.cmpi eq, %select_n3A_2018, %broadcast_in_dim3A_2121 : vector<16xi32>
    %eq3A_2123 = arith.cmpi eq, %select_n3A_2110, %broadcast_in_dim3A_2121 : vector<16xi32>
    %select_n3A_2124 = arith.select %eq3A_2123, %sub3A_2117, %broadcast_in_dim3A_2119 : vector<16xi1>, vector<16xf32>
    %select_n3A_2125 = arith.select %eq3A_2122, %div3A_2116, %select_n3A_2124 : vector<16xi1>, vector<16xf32>
    %swap3A_2126 = arith.constant 0 : i32
    %swap3A_2127 = arith.index_cast %swap3A_2126 : i32 to index
    %swap3A_2128 = arith.constant 112 : index
    %swap3A_2129 = tpu.vector_load %arg5[%swap3A_2127, %swap3A_2128] {strides = array<i32>} : memref<8x128xf32, #tpu.memory_space<vmem>>, vector<1x16xf32>,
    %swap3A_2130 = vector.shape_cast %swap3A_2129 : vector<1x16xf32> to vector<16xf32>
    %swap3A_2131 = vector.shape_cast %select_n3A_2125 : vector<16xf32> to vector<1x16xf32>
    tpu.vector_store %arg5[%swap3A_2127, %swap3A_2128], %swap3A_2131 {strides = array<i32>} : memref<8x128xf32, #tpu.memory_space<vmem>>, vector<1x16xf32>,
    %broadcast_in_dim3A_2132 = arith.constant 1 : i32
    %broadcast_in_dim3A_2133 = vector.broadcast %broadcast_in_dim3A_2132 : i32 to vector<16xi32>
    %eq3A_2134 = arith.cmpi eq, %select_n3A_2018, %broadcast_in_dim3A_2133 : vector<16xi32>
    %eq3A_2135 = arith.cmpi eq, %select_n3A_2110, %broadcast_in_dim3A_2133 : vector<16xi32>
    %select_n3A_2136 = arith.select %eq3A_2135, %sub3A_2117, %broadcast_in_dim3A_2119 : vector<16xi1>, vector<16xf32>
    %select_n3A_2137 = arith.select %eq3A_2134, %div3A_2116, %select_n3A_2136 : vector<16xi1>, vector<16xf32>
    %swap3A_2138 = arith.constant 1 : i32
    %swap3A_2139 = arith.index_cast %swap3A_2138 : i32 to index
    %swap3A_2140 = arith.constant 112 : index
    %swap3A_2141 = tpu.vector_load %arg5[%swap3A_2139, %swap3A_2140] {strides = array<i32>} : memref<8x128xf32, #tpu.memory_space<vmem>>, vector<1x16xf32>,
    %swap3A_2142 = vector.shape_cast %swap3A_2141 : vector<1x16xf32> to vector<16xf32>
    %swap3A_2143 = vector.shape_cast %select_n3A_2137 : vector<16xf32> to vector<1x16xf32>
    tpu.vector_store %arg5[%swap3A_2139, %swap3A_2140], %swap3A_2143 {strides = array<i32>} : memref<8x128xf32, #tpu.memory_space<vmem>>, vector<1x16xf32>,
    %broadcast_in_dim3A_2144 = arith.constant 2 : i32
    %broadcast_in_dim3A_2145 = vector.broadcast %broadcast_in_dim3A_2144 : i32 to vector<16xi32>
    %eq3A_2146 = arith.cmpi eq, %select_n3A_2018, %broadcast_in_dim3A_2145 : vector<16xi32>
    %eq3A_2147 = arith.cmpi eq, %select_n3A_2110, %broadcast_in_dim3A_2145 : vector<16xi32>
    %select_n3A_2148 = arith.select %eq3A_2147, %sub3A_2117, %broadcast_in_dim3A_2119 : vector<16xi1>, vector<16xf32>
    %select_n3A_2149 = arith.select %eq3A_2146, %div3A_2116, %select_n3A_2148 : vector<16xi1>, vector<16xf32>
    %swap3A_2150 = arith.constant 2 : i32
    %swap3A_2151 = arith.index_cast %swap3A_2150 : i32 to index
    %swap3A_2152 = arith.constant 112 : index
    %swap3A_2153 = tpu.vector_load %arg5[%swap3A_2151, %swap3A_2152] {strides = array<i32>} : memref<8x128xf32, #tpu.memory_space<vmem>>, vector<1x16xf32>,
    %swap3A_2154 = vector.shape_cast %swap3A_2153 : vector<1x16xf32> to vector<16xf32>
    %swap3A_2155 = vector.shape_cast %select_n3A_2149 : vector<16xf32> to vector<1x16xf32>
    tpu.vector_store %arg5[%swap3A_2151, %swap3A_2152], %swap3A_2155 {strides = array<i32>} : memref<8x128xf32, #tpu.memory_space<vmem>>, vector<1x16xf32>,
    %broadcast_in_dim3A_2156 = arith.constant 3 : i32
    %broadcast_in_dim3A_2157 = vector.broadcast %broadcast_in_dim3A_2156 : i32 to vector<16xi32>
    %eq3A_2158 = arith.cmpi eq, %select_n3A_2018, %broadcast_in_dim3A_2157 : vector<16xi32>
    %eq3A_2159 = arith.cmpi eq, %select_n3A_2110, %broadcast_in_dim3A_2157 : vector<16xi32>
    %select_n3A_2160 = arith.select %eq3A_2159, %sub3A_2117, %broadcast_in_dim3A_2119 : vector<16xi1>, vector<16xf32>
    %select_n3A_2161 = arith.select %eq3A_2158, %div3A_2116, %select_n3A_2160 : vector<16xi1>, vector<16xf32>
    %swap3A_2162 = arith.constant 3 : i32
    %swap3A_2163 = arith.index_cast %swap3A_2162 : i32 to index
    %swap3A_2164 = arith.constant 112 : index
    %swap3A_2165 = tpu.vector_load %arg5[%swap3A_2163, %swap3A_2164] {strides = array<i32>} : memref<8x128xf32, #tpu.memory_space<vmem>>, vector<1x16xf32>,
    %swap3A_2166 = vector.shape_cast %swap3A_2165 : vector<1x16xf32> to vector<16xf32>
    %swap3A_2167 = vector.shape_cast %select_n3A_2161 : vector<16xf32> to vector<1x16xf32>
    tpu.vector_store %arg5[%swap3A_2163, %swap3A_2164], %swap3A_2167 {strides = array<i32>} : memref<8x128xf32, #tpu.memory_space<vmem>>, vector<1x16xf32>,
    %broadcast_in_dim3A_2168 = arith.constant 4 : i32
    %broadcast_in_dim3A_2169 = vector.broadcast %broadcast_in_dim3A_2168 : i32 to vector<16xi32>
    %eq3A_2170 = arith.cmpi eq, %select_n3A_2018, %broadcast_in_dim3A_2169 : vector<16xi32>
    %eq3A_2171 = arith.cmpi eq, %select_n3A_2110, %broadcast_in_dim3A_2169 : vector<16xi32>
    %select_n3A_2172 = arith.select %eq3A_2171, %sub3A_2117, %broadcast_in_dim3A_2119 : vector<16xi1>, vector<16xf32>
    %select_n3A_2173 = arith.select %eq3A_2170, %div3A_2116, %select_n3A_2172 : vector<16xi1>, vector<16xf32>
    %swap3A_2174 = arith.constant 4 : i32
    %swap3A_2175 = arith.index_cast %swap3A_2174 : i32 to index
    %swap3A_2176 = arith.constant 112 : index
    %swap3A_2177 = tpu.vector_load %arg5[%swap3A_2175, %swap3A_2176] {strides = array<i32>} : memref<8x128xf32, #tpu.memory_space<vmem>>, vector<1x16xf32>,
    %swap3A_2178 = vector.shape_cast %swap3A_2177 : vector<1x16xf32> to vector<16xf32>
    %swap3A_2179 = vector.shape_cast %select_n3A_2173 : vector<16xf32> to vector<1x16xf32>
    tpu.vector_store %arg5[%swap3A_2175, %swap3A_2176], %swap3A_2179 {strides = array<i32>} : memref<8x128xf32, #tpu.memory_space<vmem>>, vector<1x16xf32>,
    %broadcast_in_dim3A_2180 = arith.constant 5 : i32
    %broadcast_in_dim3A_2181 = vector.broadcast %broadcast_in_dim3A_2180 : i32 to vector<16xi32>
    %eq3A_2182 = arith.cmpi eq, %select_n3A_2018, %broadcast_in_dim3A_2181 : vector<16xi32>
    %eq3A_2183 = arith.cmpi eq, %select_n3A_2110, %broadcast_in_dim3A_2181 : vector<16xi32>
    %select_n3A_2184 = arith.select %eq3A_2183, %sub3A_2117, %broadcast_in_dim3A_2119 : vector<16xi1>, vector<16xf32>
    %select_n3A_2185 = arith.select %eq3A_2182, %div3A_2116, %select_n3A_2184 : vector<16xi1>, vector<16xf32>
    %swap3A_2186 = arith.constant 5 : i32
    %swap3A_2187 = arith.index_cast %swap3A_2186 : i32 to index
    %swap3A_2188 = arith.constant 112 : index
    %swap3A_2189 = tpu.vector_load %arg5[%swap3A_2187, %swap3A_2188] {strides = array<i32>} : memref<8x128xf32, #tpu.memory_space<vmem>>, vector<1x16xf32>,
    %swap3A_2190 = vector.shape_cast %swap3A_2189 : vector<1x16xf32> to vector<16xf32>
    %swap3A_2191 = vector.shape_cast %select_n3A_2185 : vector<16xf32> to vector<1x16xf32>
    tpu.vector_store %arg5[%swap3A_2187, %swap3A_2188], %swap3A_2191 {strides = array<i32>} : memref<8x128xf32, #tpu.memory_space<vmem>>, vector<1x16xf32>,
    %broadcast_in_dim3A_2192 = arith.constant 6 : i32
    %broadcast_in_dim3A_2193 = vector.broadcast %broadcast_in_dim3A_2192 : i32 to vector<16xi32>
    %eq3A_2194 = arith.cmpi eq, %select_n3A_2018, %broadcast_in_dim3A_2193 : vector<16xi32>
    %eq3A_2195 = arith.cmpi eq, %select_n3A_2110, %broadcast_in_dim3A_2193 : vector<16xi32>
    %select_n3A_2196 = arith.select %eq3A_2195, %sub3A_2117, %broadcast_in_dim3A_2119 : vector<16xi1>, vector<16xf32>
    %select_n3A_2197 = arith.select %eq3A_2194, %div3A_2116, %select_n3A_2196 : vector<16xi1>, vector<16xf32>
    %swap3A_2198 = arith.constant 6 : i32
    %swap3A_2199 = arith.index_cast %swap3A_2198 : i32 to index
    %swap3A_2200 = arith.constant 112 : index
    %swap3A_2201 = tpu.vector_load %arg5[%swap3A_2199, %swap3A_2200] {strides = array<i32>} : memref<8x128xf32, #tpu.memory_space<vmem>>, vector<1x16xf32>,
    %swap3A_2202 = vector.shape_cast %swap3A_2201 : vector<1x16xf32> to vector<16xf32>
    %swap3A_2203 = vector.shape_cast %select_n3A_2197 : vector<16xf32> to vector<1x16xf32>
    tpu.vector_store %arg5[%swap3A_2199, %swap3A_2200], %swap3A_2203 {strides = array<i32>} : memref<8x128xf32, #tpu.memory_space<vmem>>, vector<1x16xf32>,
    %broadcast_in_dim3A_2204 = arith.constant 7 : i32
    %broadcast_in_dim3A_2205 = vector.broadcast %broadcast_in_dim3A_2204 : i32 to vector<16xi32>
    %eq3A_2206 = arith.cmpi eq, %select_n3A_2018, %broadcast_in_dim3A_2205 : vector<16xi32>
    %eq3A_2207 = arith.cmpi eq, %select_n3A_2110, %broadcast_in_dim3A_2205 : vector<16xi32>
    %select_n3A_2208 = arith.select %eq3A_2207, %sub3A_2117, %broadcast_in_dim3A_2119 : vector<16xi1>, vector<16xf32>
    %select_n3A_2209 = arith.select %eq3A_2206, %div3A_2116, %select_n3A_2208 : vector<16xi1>, vector<16xf32>
    %swap3A_2210 = arith.constant 7 : i32
    %swap3A_2211 = arith.index_cast %swap3A_2210 : i32 to index
    %swap3A_2212 = arith.constant 112 : index
    %swap3A_2213 = tpu.vector_load %arg5[%swap3A_2211, %swap3A_2212] {strides = array<i32>} : memref<8x128xf32, #tpu.memory_space<vmem>>, vector<1x16xf32>,
    %swap3A_2214 = vector.shape_cast %swap3A_2213 : vector<1x16xf32> to vector<16xf32>
    %swap3A_2215 = vector.shape_cast %select_n3A_2209 : vector<16xf32> to vector<1x16xf32>
    tpu.vector_store %arg5[%swap3A_2211, %swap3A_2212], %swap3A_2215 {strides = array<i32>} : memref<8x128xf32, #tpu.memory_space<vmem>>, vector<1x16xf32>,
    "tpu.region"() ({
      %run_scoped3A = tpu.sem_alloc : memref<!tpu.dma_semaphore, #tpu.memory_space<semaphore_mem>>
      %dma_start3A = arith.constant 0 : i32
      %dma_start3A_2216 = tpu.memref_slice %arg3[%dma_start3A, %mul3A_2] : memref<8x4096xf32, #tpu.memory_space<hbm>> -> memref<8x128xf32, #tpu.memory_space<hbm>>
      %dma_start3A_2217 = arith.constant 0 : i32
      %dma_start3A_2218 = tpu.memref_slice %arg3[%dma_start3A_2217, %mul3A_2] : memref<8x4096xf32, #tpu.memory_space<hbm>> -> memref<8x128xf32, #tpu.memory_space<hbm>>
      tpu.enqueue_dma source(%arg5 : memref<8x128xf32, #tpu.memory_space<vmem>>) target(%dma_start3A_2218 : memref<8x128xf32, #tpu.memory_space<hbm>>) target_semaphore(%run_scoped3A : memref<!tpu.dma_semaphore, #tpu.memory_space<semaphore_mem>>)
      %dma_wait3A = arith.constant 0 : i32
      %dma_wait3A_2219 = tpu.memref_slice %arg3[%dma_wait3A, %mul3A_2] : memref<8x4096xf32, #tpu.memory_space<hbm>> -> memref<8x128xf32, #tpu.memory_space<hbm>>
      %dma_wait3A_2220 = arith.constant 0 : i32
      %dma_wait3A_2221 = tpu.memref_slice %arg3[%dma_wait3A_2220, %mul3A_2] : memref<8x4096xf32, #tpu.memory_space<hbm>> -> memref<8x128xf32, #tpu.memory_space<hbm>>
      tpu.wait_dma2 semaphore(%run_scoped3A : memref<!tpu.dma_semaphore, #tpu.memory_space<semaphore_mem>>) src(%arg5 : memref<8x128xf32, #tpu.memory_space<vmem>>) dst(%dma_wait3A_2221 : memref<8x128xf32, #tpu.memory_space<hbm>>)
      tpu.yield
    }) : () -> ()
    return
  }
}

module attributes {stable_mosaic.version = 14 : i64} {
  func.func @_gif_kernel(%arg0: i32, %arg1: memref<2x256x16x128xf32, #tpu.memory_space<vmem>>, %arg2: memref<2x256x16x128xf32, #tpu.memory_space<vmem>>, %arg3: memref<2x16x128xf32, #tpu.memory_space<vmem>>) attributes {dimension_semantics = [#tpu.dimension_semantics<arbitrary>], iteration_bounds = array<i64: 8>, scalar_prefetch = 0 : i64, scratch_operands = 1 : i64, tpu.core_type = #tpu.core_type<tc>, window_params = [{transform_indices = @transform_0, window_bounds = array<i64: 2, 256, 16, 128>}, {transform_indices = @transform_1, window_bounds = array<i64: 2, 256, 16, 128>}]} {
    %eq3A = arith.constant 0 : i32
    %eq3A_0 = arith.cmpi eq, %arg0, %eq3A : i32
    %convert_element_type3A = arith.extui %eq3A_0 : i1 to i32
    %cond3A = arith.constant 0 : i32
    %cond3A_1 = arith.cmpi ne, %convert_element_type3A, %cond3A : i32
    scf.if %cond3A_1 {
      %broadcast_in_dim3A = arith.constant 0.000000e+00 : f32
      %broadcast_in_dim3A_13 = vector.broadcast %broadcast_in_dim3A : f32 to vector<2x16x128xf32>
      %swap3A_14 = arith.constant 0 : index
      %swap3A_15 = arith.constant 0 : index
      %swap3A_16 = arith.constant 0 : index
      %swap3A_17 = vector.load %arg3[%swap3A_14, %swap3A_15, %swap3A_16] : memref<2x16x128xf32, #tpu.memory_space<vmem>>, vector<2x16x128xf32>
      tpu.vector_store %arg3[%swap3A_14, %swap3A_15, %swap3A_16], %broadcast_in_dim3A_13 {strides = array<i32>} : memref<2x16x128xf32, #tpu.memory_space<vmem>>, vector<2x16x128xf32>,
    } else {
    }
    %get3A = arith.constant 0 : index
    %get3A_2 = arith.constant 0 : index
    %get3A_3 = arith.constant 0 : index
    %get3A_4 = vector.load %arg3[%get3A, %get3A_2, %get3A_3] : memref<2x16x128xf32, #tpu.memory_space<vmem>>, vector<2x16x128xf32>
    %scan3A = arith.constant 0 : i32
    %scan3A_5 = arith.constant 256 : i32
    %scan3A_6 = arith.addi %scan3A, %scan3A_5 : i32
    %scan3A_7 = arith.constant 8 : i32
    %scan3A_8 = scf.for %scan3A_13 = %scan3A to %scan3A_6 step %scan3A_7 iter_args(%scan3A_14 = %get3A_4) -> (vector<2x16x128xf32>)  : i32 {
      %mul3A = arith.constant 0.899999976 : f32
      %mul3A_15 = vector.broadcast %mul3A : f32 to vector<2x16x128xf32>
      %mul3A_16 = arith.mulf %mul3A_15, %scan3A_14 : vector<2x16x128xf32>
      %get3A_17 = arith.constant 0 : index
      %get3A_18 = arith.index_cast %scan3A_13 : i32 to index
      %get3A_19 = arith.constant 0 : index
      %get3A_20 = arith.constant 0 : index
      %get3A_21 = vector.load %arg1[%get3A_17, %get3A_18, %get3A_19, %get3A_20] : memref<2x256x16x128xf32, #tpu.memory_space<vmem>>, vector<2x1x16x128xf32>
      %get3A_22 = vector.shape_cast %get3A_21 : vector<2x1x16x128xf32> to vector<2x16x128xf32>
      %add3A = arith.addf %mul3A_16, %get3A_22 : vector<2x16x128xf32>
      %sub3A = arith.constant 2.000000e+00 : f32
      %sub3A_23 = vector.broadcast %sub3A : f32 to vector<2x16x128xf32>
      %sub3A_24 = arith.subf %add3A, %sub3A_23 : vector<2x16x128xf32>
      %tanh3A = math.tanh %sub3A_24 : vector<2x16x128xf32>
      %mul3A_25 = arith.constant 5.000000e-01 : f32
      %mul3A_26 = vector.broadcast %mul3A_25 : f32 to vector<2x16x128xf32>
      %mul3A_27 = arith.mulf %mul3A_26, %tanh3A : vector<2x16x128xf32>
      %add3A_28 = arith.constant 5.000000e-01 : f32
      %add3A_29 = vector.broadcast %add3A_28 : f32 to vector<2x16x128xf32>
      %add3A_30 = arith.addf %add3A_29, %mul3A_27 : vector<2x16x128xf32>
      %swap3A_31 = arith.constant 0 : index
      %swap3A_32 = arith.index_cast %scan3A_13 : i32 to index
      %swap3A_33 = arith.constant 0 : index
      %swap3A_34 = arith.constant 0 : index
      %swap3A_35 = vector.load %arg2[%swap3A_31, %swap3A_32, %swap3A_33, %swap3A_34] : memref<2x256x16x128xf32, #tpu.memory_space<vmem>>, vector<2x1x16x128xf32>
      %swap3A_36 = vector.shape_cast %swap3A_35 : vector<2x1x16x128xf32> to vector<2x16x128xf32>
      %swap3A_37 = vector.shape_cast %add3A_30 : vector<2x16x128xf32> to vector<2x1x16x128xf32>
      tpu.vector_store %arg2[%swap3A_31, %swap3A_32, %swap3A_33, %swap3A_34], %swap3A_37 {strides = array<i32>} : memref<2x256x16x128xf32, #tpu.memory_space<vmem>>, vector<2x1x16x128xf32>,
      %mul3A_38 = arith.constant 2.000000e+00 : f32
      %mul3A_39 = vector.broadcast %mul3A_38 : f32 to vector<2x16x128xf32>
      %mul3A_40 = arith.mulf %mul3A_39, %add3A_30 : vector<2x16x128xf32>
      %sub3A_41 = arith.subf %add3A, %mul3A_40 : vector<2x16x128xf32>
      %scan3A_42 = arith.constant 1 : i32
      %scan3A_43 = arith.addi %scan3A_13, %scan3A_42 : i32
      %mul3A_44 = arith.constant 0.899999976 : f32
      %mul3A_45 = vector.broadcast %mul3A_44 : f32 to vector<2x16x128xf32>
      %mul3A_46 = arith.mulf %mul3A_45, %sub3A_41 : vector<2x16x128xf32>
      %get3A_47 = arith.constant 0 : index
      %get3A_48 = arith.index_cast %scan3A_43 : i32 to index
      %get3A_49 = arith.constant 0 : index
      %get3A_50 = arith.constant 0 : index
      %get3A_51 = vector.load %arg1[%get3A_47, %get3A_48, %get3A_49, %get3A_50] : memref<2x256x16x128xf32, #tpu.memory_space<vmem>>, vector<2x1x16x128xf32>
      %get3A_52 = vector.shape_cast %get3A_51 : vector<2x1x16x128xf32> to vector<2x16x128xf32>
      %add3A_53 = arith.addf %mul3A_46, %get3A_52 : vector<2x16x128xf32>
      %sub3A_54 = arith.constant 2.000000e+00 : f32
      %sub3A_55 = vector.broadcast %sub3A_54 : f32 to vector<2x16x128xf32>
      %sub3A_56 = arith.subf %add3A_53, %sub3A_55 : vector<2x16x128xf32>
      %tanh3A_57 = math.tanh %sub3A_56 : vector<2x16x128xf32>
      %mul3A_58 = arith.constant 5.000000e-01 : f32
      %mul3A_59 = vector.broadcast %mul3A_58 : f32 to vector<2x16x128xf32>
      %mul3A_60 = arith.mulf %mul3A_59, %tanh3A_57 : vector<2x16x128xf32>
      %add3A_61 = arith.constant 5.000000e-01 : f32
      %add3A_62 = vector.broadcast %add3A_61 : f32 to vector<2x16x128xf32>
      %add3A_63 = arith.addf %add3A_62, %mul3A_60 : vector<2x16x128xf32>
      %swap3A_64 = arith.constant 0 : index
      %swap3A_65 = arith.index_cast %scan3A_43 : i32 to index
      %swap3A_66 = arith.constant 0 : index
      %swap3A_67 = arith.constant 0 : index
      %swap3A_68 = vector.load %arg2[%swap3A_64, %swap3A_65, %swap3A_66, %swap3A_67] : memref<2x256x16x128xf32, #tpu.memory_space<vmem>>, vector<2x1x16x128xf32>
      %swap3A_69 = vector.shape_cast %swap3A_68 : vector<2x1x16x128xf32> to vector<2x16x128xf32>
      %swap3A_70 = vector.shape_cast %add3A_63 : vector<2x16x128xf32> to vector<2x1x16x128xf32>
      tpu.vector_store %arg2[%swap3A_64, %swap3A_65, %swap3A_66, %swap3A_67], %swap3A_70 {strides = array<i32>} : memref<2x256x16x128xf32, #tpu.memory_space<vmem>>, vector<2x1x16x128xf32>,
      %mul3A_71 = arith.constant 2.000000e+00 : f32
      %mul3A_72 = vector.broadcast %mul3A_71 : f32 to vector<2x16x128xf32>
      %mul3A_73 = arith.mulf %mul3A_72, %add3A_63 : vector<2x16x128xf32>
      %sub3A_74 = arith.subf %add3A_53, %mul3A_73 : vector<2x16x128xf32>
      %scan3A_75 = arith.constant 2 : i32
      %scan3A_76 = arith.addi %scan3A_13, %scan3A_75 : i32
      %mul3A_77 = arith.constant 0.899999976 : f32
      %mul3A_78 = vector.broadcast %mul3A_77 : f32 to vector<2x16x128xf32>
      %mul3A_79 = arith.mulf %mul3A_78, %sub3A_74 : vector<2x16x128xf32>
      %get3A_80 = arith.constant 0 : index
      %get3A_81 = arith.index_cast %scan3A_76 : i32 to index
      %get3A_82 = arith.constant 0 : index
      %get3A_83 = arith.constant 0 : index
      %get3A_84 = vector.load %arg1[%get3A_80, %get3A_81, %get3A_82, %get3A_83] : memref<2x256x16x128xf32, #tpu.memory_space<vmem>>, vector<2x1x16x128xf32>
      %get3A_85 = vector.shape_cast %get3A_84 : vector<2x1x16x128xf32> to vector<2x16x128xf32>
      %add3A_86 = arith.addf %mul3A_79, %get3A_85 : vector<2x16x128xf32>
      %sub3A_87 = arith.constant 2.000000e+00 : f32
      %sub3A_88 = vector.broadcast %sub3A_87 : f32 to vector<2x16x128xf32>
      %sub3A_89 = arith.subf %add3A_86, %sub3A_88 : vector<2x16x128xf32>
      %tanh3A_90 = math.tanh %sub3A_89 : vector<2x16x128xf32>
      %mul3A_91 = arith.constant 5.000000e-01 : f32
      %mul3A_92 = vector.broadcast %mul3A_91 : f32 to vector<2x16x128xf32>
      %mul3A_93 = arith.mulf %mul3A_92, %tanh3A_90 : vector<2x16x128xf32>
      %add3A_94 = arith.constant 5.000000e-01 : f32
      %add3A_95 = vector.broadcast %add3A_94 : f32 to vector<2x16x128xf32>
      %add3A_96 = arith.addf %add3A_95, %mul3A_93 : vector<2x16x128xf32>
      %swap3A_97 = arith.constant 0 : index
      %swap3A_98 = arith.index_cast %scan3A_76 : i32 to index
      %swap3A_99 = arith.constant 0 : index
      %swap3A_100 = arith.constant 0 : index
      %swap3A_101 = vector.load %arg2[%swap3A_97, %swap3A_98, %swap3A_99, %swap3A_100] : memref<2x256x16x128xf32, #tpu.memory_space<vmem>>, vector<2x1x16x128xf32>
      %swap3A_102 = vector.shape_cast %swap3A_101 : vector<2x1x16x128xf32> to vector<2x16x128xf32>
      %swap3A_103 = vector.shape_cast %add3A_96 : vector<2x16x128xf32> to vector<2x1x16x128xf32>
      tpu.vector_store %arg2[%swap3A_97, %swap3A_98, %swap3A_99, %swap3A_100], %swap3A_103 {strides = array<i32>} : memref<2x256x16x128xf32, #tpu.memory_space<vmem>>, vector<2x1x16x128xf32>,
      %mul3A_104 = arith.constant 2.000000e+00 : f32
      %mul3A_105 = vector.broadcast %mul3A_104 : f32 to vector<2x16x128xf32>
      %mul3A_106 = arith.mulf %mul3A_105, %add3A_96 : vector<2x16x128xf32>
      %sub3A_107 = arith.subf %add3A_86, %mul3A_106 : vector<2x16x128xf32>
      %scan3A_108 = arith.constant 3 : i32
      %scan3A_109 = arith.addi %scan3A_13, %scan3A_108 : i32
      %mul3A_110 = arith.constant 0.899999976 : f32
      %mul3A_111 = vector.broadcast %mul3A_110 : f32 to vector<2x16x128xf32>
      %mul3A_112 = arith.mulf %mul3A_111, %sub3A_107 : vector<2x16x128xf32>
      %get3A_113 = arith.constant 0 : index
      %get3A_114 = arith.index_cast %scan3A_109 : i32 to index
      %get3A_115 = arith.constant 0 : index
      %get3A_116 = arith.constant 0 : index
      %get3A_117 = vector.load %arg1[%get3A_113, %get3A_114, %get3A_115, %get3A_116] : memref<2x256x16x128xf32, #tpu.memory_space<vmem>>, vector<2x1x16x128xf32>
      %get3A_118 = vector.shape_cast %get3A_117 : vector<2x1x16x128xf32> to vector<2x16x128xf32>
      %add3A_119 = arith.addf %mul3A_112, %get3A_118 : vector<2x16x128xf32>
      %sub3A_120 = arith.constant 2.000000e+00 : f32
      %sub3A_121 = vector.broadcast %sub3A_120 : f32 to vector<2x16x128xf32>
      %sub3A_122 = arith.subf %add3A_119, %sub3A_121 : vector<2x16x128xf32>
      %tanh3A_123 = math.tanh %sub3A_122 : vector<2x16x128xf32>
      %mul3A_124 = arith.constant 5.000000e-01 : f32
      %mul3A_125 = vector.broadcast %mul3A_124 : f32 to vector<2x16x128xf32>
      %mul3A_126 = arith.mulf %mul3A_125, %tanh3A_123 : vector<2x16x128xf32>
      %add3A_127 = arith.constant 5.000000e-01 : f32
      %add3A_128 = vector.broadcast %add3A_127 : f32 to vector<2x16x128xf32>
      %add3A_129 = arith.addf %add3A_128, %mul3A_126 : vector<2x16x128xf32>
      %swap3A_130 = arith.constant 0 : index
      %swap3A_131 = arith.index_cast %scan3A_109 : i32 to index
      %swap3A_132 = arith.constant 0 : index
      %swap3A_133 = arith.constant 0 : index
      %swap3A_134 = vector.load %arg2[%swap3A_130, %swap3A_131, %swap3A_132, %swap3A_133] : memref<2x256x16x128xf32, #tpu.memory_space<vmem>>, vector<2x1x16x128xf32>
      %swap3A_135 = vector.shape_cast %swap3A_134 : vector<2x1x16x128xf32> to vector<2x16x128xf32>
      %swap3A_136 = vector.shape_cast %add3A_129 : vector<2x16x128xf32> to vector<2x1x16x128xf32>
      tpu.vector_store %arg2[%swap3A_130, %swap3A_131, %swap3A_132, %swap3A_133], %swap3A_136 {strides = array<i32>} : memref<2x256x16x128xf32, #tpu.memory_space<vmem>>, vector<2x1x16x128xf32>,
      %mul3A_137 = arith.constant 2.000000e+00 : f32
      %mul3A_138 = vector.broadcast %mul3A_137 : f32 to vector<2x16x128xf32>
      %mul3A_139 = arith.mulf %mul3A_138, %add3A_129 : vector<2x16x128xf32>
      %sub3A_140 = arith.subf %add3A_119, %mul3A_139 : vector<2x16x128xf32>
      %scan3A_141 = arith.constant 4 : i32
      %scan3A_142 = arith.addi %scan3A_13, %scan3A_141 : i32
      %mul3A_143 = arith.constant 0.899999976 : f32
      %mul3A_144 = vector.broadcast %mul3A_143 : f32 to vector<2x16x128xf32>
      %mul3A_145 = arith.mulf %mul3A_144, %sub3A_140 : vector<2x16x128xf32>
      %get3A_146 = arith.constant 0 : index
      %get3A_147 = arith.index_cast %scan3A_142 : i32 to index
      %get3A_148 = arith.constant 0 : index
      %get3A_149 = arith.constant 0 : index
      %get3A_150 = vector.load %arg1[%get3A_146, %get3A_147, %get3A_148, %get3A_149] : memref<2x256x16x128xf32, #tpu.memory_space<vmem>>, vector<2x1x16x128xf32>
      %get3A_151 = vector.shape_cast %get3A_150 : vector<2x1x16x128xf32> to vector<2x16x128xf32>
      %add3A_152 = arith.addf %mul3A_145, %get3A_151 : vector<2x16x128xf32>
      %sub3A_153 = arith.constant 2.000000e+00 : f32
      %sub3A_154 = vector.broadcast %sub3A_153 : f32 to vector<2x16x128xf32>
      %sub3A_155 = arith.subf %add3A_152, %sub3A_154 : vector<2x16x128xf32>
      %tanh3A_156 = math.tanh %sub3A_155 : vector<2x16x128xf32>
      %mul3A_157 = arith.constant 5.000000e-01 : f32
      %mul3A_158 = vector.broadcast %mul3A_157 : f32 to vector<2x16x128xf32>
      %mul3A_159 = arith.mulf %mul3A_158, %tanh3A_156 : vector<2x16x128xf32>
      %add3A_160 = arith.constant 5.000000e-01 : f32
      %add3A_161 = vector.broadcast %add3A_160 : f32 to vector<2x16x128xf32>
      %add3A_162 = arith.addf %add3A_161, %mul3A_159 : vector<2x16x128xf32>
      %swap3A_163 = arith.constant 0 : index
      %swap3A_164 = arith.index_cast %scan3A_142 : i32 to index
      %swap3A_165 = arith.constant 0 : index
      %swap3A_166 = arith.constant 0 : index
      %swap3A_167 = vector.load %arg2[%swap3A_163, %swap3A_164, %swap3A_165, %swap3A_166] : memref<2x256x16x128xf32, #tpu.memory_space<vmem>>, vector<2x1x16x128xf32>
      %swap3A_168 = vector.shape_cast %swap3A_167 : vector<2x1x16x128xf32> to vector<2x16x128xf32>
      %swap3A_169 = vector.shape_cast %add3A_162 : vector<2x16x128xf32> to vector<2x1x16x128xf32>
      tpu.vector_store %arg2[%swap3A_163, %swap3A_164, %swap3A_165, %swap3A_166], %swap3A_169 {strides = array<i32>} : memref<2x256x16x128xf32, #tpu.memory_space<vmem>>, vector<2x1x16x128xf32>,
      %mul3A_170 = arith.constant 2.000000e+00 : f32
      %mul3A_171 = vector.broadcast %mul3A_170 : f32 to vector<2x16x128xf32>
      %mul3A_172 = arith.mulf %mul3A_171, %add3A_162 : vector<2x16x128xf32>
      %sub3A_173 = arith.subf %add3A_152, %mul3A_172 : vector<2x16x128xf32>
      %scan3A_174 = arith.constant 5 : i32
      %scan3A_175 = arith.addi %scan3A_13, %scan3A_174 : i32
      %mul3A_176 = arith.constant 0.899999976 : f32
      %mul3A_177 = vector.broadcast %mul3A_176 : f32 to vector<2x16x128xf32>
      %mul3A_178 = arith.mulf %mul3A_177, %sub3A_173 : vector<2x16x128xf32>
      %get3A_179 = arith.constant 0 : index
      %get3A_180 = arith.index_cast %scan3A_175 : i32 to index
      %get3A_181 = arith.constant 0 : index
      %get3A_182 = arith.constant 0 : index
      %get3A_183 = vector.load %arg1[%get3A_179, %get3A_180, %get3A_181, %get3A_182] : memref<2x256x16x128xf32, #tpu.memory_space<vmem>>, vector<2x1x16x128xf32>
      %get3A_184 = vector.shape_cast %get3A_183 : vector<2x1x16x128xf32> to vector<2x16x128xf32>
      %add3A_185 = arith.addf %mul3A_178, %get3A_184 : vector<2x16x128xf32>
      %sub3A_186 = arith.constant 2.000000e+00 : f32
      %sub3A_187 = vector.broadcast %sub3A_186 : f32 to vector<2x16x128xf32>
      %sub3A_188 = arith.subf %add3A_185, %sub3A_187 : vector<2x16x128xf32>
      %tanh3A_189 = math.tanh %sub3A_188 : vector<2x16x128xf32>
      %mul3A_190 = arith.constant 5.000000e-01 : f32
      %mul3A_191 = vector.broadcast %mul3A_190 : f32 to vector<2x16x128xf32>
      %mul3A_192 = arith.mulf %mul3A_191, %tanh3A_189 : vector<2x16x128xf32>
      %add3A_193 = arith.constant 5.000000e-01 : f32
      %add3A_194 = vector.broadcast %add3A_193 : f32 to vector<2x16x128xf32>
      %add3A_195 = arith.addf %add3A_194, %mul3A_192 : vector<2x16x128xf32>
      %swap3A_196 = arith.constant 0 : index
      %swap3A_197 = arith.index_cast %scan3A_175 : i32 to index
      %swap3A_198 = arith.constant 0 : index
      %swap3A_199 = arith.constant 0 : index
      %swap3A_200 = vector.load %arg2[%swap3A_196, %swap3A_197, %swap3A_198, %swap3A_199] : memref<2x256x16x128xf32, #tpu.memory_space<vmem>>, vector<2x1x16x128xf32>
      %swap3A_201 = vector.shape_cast %swap3A_200 : vector<2x1x16x128xf32> to vector<2x16x128xf32>
      %swap3A_202 = vector.shape_cast %add3A_195 : vector<2x16x128xf32> to vector<2x1x16x128xf32>
      tpu.vector_store %arg2[%swap3A_196, %swap3A_197, %swap3A_198, %swap3A_199], %swap3A_202 {strides = array<i32>} : memref<2x256x16x128xf32, #tpu.memory_space<vmem>>, vector<2x1x16x128xf32>,
      %mul3A_203 = arith.constant 2.000000e+00 : f32
      %mul3A_204 = vector.broadcast %mul3A_203 : f32 to vector<2x16x128xf32>
      %mul3A_205 = arith.mulf %mul3A_204, %add3A_195 : vector<2x16x128xf32>
      %sub3A_206 = arith.subf %add3A_185, %mul3A_205 : vector<2x16x128xf32>
      %scan3A_207 = arith.constant 6 : i32
      %scan3A_208 = arith.addi %scan3A_13, %scan3A_207 : i32
      %mul3A_209 = arith.constant 0.899999976 : f32
      %mul3A_210 = vector.broadcast %mul3A_209 : f32 to vector<2x16x128xf32>
      %mul3A_211 = arith.mulf %mul3A_210, %sub3A_206 : vector<2x16x128xf32>
      %get3A_212 = arith.constant 0 : index
      %get3A_213 = arith.index_cast %scan3A_208 : i32 to index
      %get3A_214 = arith.constant 0 : index
      %get3A_215 = arith.constant 0 : index
      %get3A_216 = vector.load %arg1[%get3A_212, %get3A_213, %get3A_214, %get3A_215] : memref<2x256x16x128xf32, #tpu.memory_space<vmem>>, vector<2x1x16x128xf32>
      %get3A_217 = vector.shape_cast %get3A_216 : vector<2x1x16x128xf32> to vector<2x16x128xf32>
      %add3A_218 = arith.addf %mul3A_211, %get3A_217 : vector<2x16x128xf32>
      %sub3A_219 = arith.constant 2.000000e+00 : f32
      %sub3A_220 = vector.broadcast %sub3A_219 : f32 to vector<2x16x128xf32>
      %sub3A_221 = arith.subf %add3A_218, %sub3A_220 : vector<2x16x128xf32>
      %tanh3A_222 = math.tanh %sub3A_221 : vector<2x16x128xf32>
      %mul3A_223 = arith.constant 5.000000e-01 : f32
      %mul3A_224 = vector.broadcast %mul3A_223 : f32 to vector<2x16x128xf32>
      %mul3A_225 = arith.mulf %mul3A_224, %tanh3A_222 : vector<2x16x128xf32>
      %add3A_226 = arith.constant 5.000000e-01 : f32
      %add3A_227 = vector.broadcast %add3A_226 : f32 to vector<2x16x128xf32>
      %add3A_228 = arith.addf %add3A_227, %mul3A_225 : vector<2x16x128xf32>
      %swap3A_229 = arith.constant 0 : index
      %swap3A_230 = arith.index_cast %scan3A_208 : i32 to index
      %swap3A_231 = arith.constant 0 : index
      %swap3A_232 = arith.constant 0 : index
      %swap3A_233 = vector.load %arg2[%swap3A_229, %swap3A_230, %swap3A_231, %swap3A_232] : memref<2x256x16x128xf32, #tpu.memory_space<vmem>>, vector<2x1x16x128xf32>
      %swap3A_234 = vector.shape_cast %swap3A_233 : vector<2x1x16x128xf32> to vector<2x16x128xf32>
      %swap3A_235 = vector.shape_cast %add3A_228 : vector<2x16x128xf32> to vector<2x1x16x128xf32>
      tpu.vector_store %arg2[%swap3A_229, %swap3A_230, %swap3A_231, %swap3A_232], %swap3A_235 {strides = array<i32>} : memref<2x256x16x128xf32, #tpu.memory_space<vmem>>, vector<2x1x16x128xf32>,
      %mul3A_236 = arith.constant 2.000000e+00 : f32
      %mul3A_237 = vector.broadcast %mul3A_236 : f32 to vector<2x16x128xf32>
      %mul3A_238 = arith.mulf %mul3A_237, %add3A_228 : vector<2x16x128xf32>
      %sub3A_239 = arith.subf %add3A_218, %mul3A_238 : vector<2x16x128xf32>
      %scan3A_240 = arith.constant 7 : i32
      %scan3A_241 = arith.addi %scan3A_13, %scan3A_240 : i32
      %mul3A_242 = arith.constant 0.899999976 : f32
      %mul3A_243 = vector.broadcast %mul3A_242 : f32 to vector<2x16x128xf32>
      %mul3A_244 = arith.mulf %mul3A_243, %sub3A_239 : vector<2x16x128xf32>
      %get3A_245 = arith.constant 0 : index
      %get3A_246 = arith.index_cast %scan3A_241 : i32 to index
      %get3A_247 = arith.constant 0 : index
      %get3A_248 = arith.constant 0 : index
      %get3A_249 = vector.load %arg1[%get3A_245, %get3A_246, %get3A_247, %get3A_248] : memref<2x256x16x128xf32, #tpu.memory_space<vmem>>, vector<2x1x16x128xf32>
      %get3A_250 = vector.shape_cast %get3A_249 : vector<2x1x16x128xf32> to vector<2x16x128xf32>
      %add3A_251 = arith.addf %mul3A_244, %get3A_250 : vector<2x16x128xf32>
      %sub3A_252 = arith.constant 2.000000e+00 : f32
      %sub3A_253 = vector.broadcast %sub3A_252 : f32 to vector<2x16x128xf32>
      %sub3A_254 = arith.subf %add3A_251, %sub3A_253 : vector<2x16x128xf32>
      %tanh3A_255 = math.tanh %sub3A_254 : vector<2x16x128xf32>
      %mul3A_256 = arith.constant 5.000000e-01 : f32
      %mul3A_257 = vector.broadcast %mul3A_256 : f32 to vector<2x16x128xf32>
      %mul3A_258 = arith.mulf %mul3A_257, %tanh3A_255 : vector<2x16x128xf32>
      %add3A_259 = arith.constant 5.000000e-01 : f32
      %add3A_260 = vector.broadcast %add3A_259 : f32 to vector<2x16x128xf32>
      %add3A_261 = arith.addf %add3A_260, %mul3A_258 : vector<2x16x128xf32>
      %swap3A_262 = arith.constant 0 : index
      %swap3A_263 = arith.index_cast %scan3A_241 : i32 to index
      %swap3A_264 = arith.constant 0 : index
      %swap3A_265 = arith.constant 0 : index
      %swap3A_266 = vector.load %arg2[%swap3A_262, %swap3A_263, %swap3A_264, %swap3A_265] : memref<2x256x16x128xf32, #tpu.memory_space<vmem>>, vector<2x1x16x128xf32>
      %swap3A_267 = vector.shape_cast %swap3A_266 : vector<2x1x16x128xf32> to vector<2x16x128xf32>
      %swap3A_268 = vector.shape_cast %add3A_261 : vector<2x16x128xf32> to vector<2x1x16x128xf32>
      tpu.vector_store %arg2[%swap3A_262, %swap3A_263, %swap3A_264, %swap3A_265], %swap3A_268 {strides = array<i32>} : memref<2x256x16x128xf32, #tpu.memory_space<vmem>>, vector<2x1x16x128xf32>,
      %mul3A_269 = arith.constant 2.000000e+00 : f32
      %mul3A_270 = vector.broadcast %mul3A_269 : f32 to vector<2x16x128xf32>
      %mul3A_271 = arith.mulf %mul3A_270, %add3A_261 : vector<2x16x128xf32>
      %sub3A_272 = arith.subf %add3A_251, %mul3A_271 : vector<2x16x128xf32>
      scf.yield %sub3A_272 : vector<2x16x128xf32>
    }
    %scan3A_9 = arith.constant 256 : i32
    %swap3A = arith.constant 0 : index
    %swap3A_10 = arith.constant 0 : index
    %swap3A_11 = arith.constant 0 : index
    %swap3A_12 = vector.load %arg3[%swap3A, %swap3A_10, %swap3A_11] : memref<2x16x128xf32, #tpu.memory_space<vmem>>, vector<2x16x128xf32>
    tpu.vector_store %arg3[%swap3A, %swap3A_10, %swap3A_11], %scan3A_8 {strides = array<i32>} : memref<2x16x128xf32, #tpu.memory_space<vmem>>, vector<2x16x128xf32>,
    return
  }
  func.func @transform_0(%arg0: i32) -> (i32, i32, i32, i32) {
    %c0_i32 = arith.constant 0 : i32
    %c0_i32_0 = arith.constant 0 : i32
    %c0_i32_1 = arith.constant 0 : i32
    %c0_i32_2 = arith.constant 0 : i32
    return %c0_i32, %arg0, %c0_i32_0, %c0_i32_1 : i32, i32, i32, i32
  }
  func.func @transform_1(%arg0: i32) -> (i32, i32, i32, i32) {
    %c0_i32 = arith.constant 0 : i32
    %c0_i32_0 = arith.constant 0 : i32
    %c0_i32_1 = arith.constant 0 : i32
    %c0_i32_2 = arith.constant 0 : i32
    return %c0_i32, %arg0, %c0_i32_0, %c0_i32_1 : i32, i32, i32, i32
  }
}

module attributes {stable_mosaic.version = 14 : i64} {
  func.func @_mm_packed_kernel(%arg0: i32, %arg1: memref<512x1024xf32, #tpu.memory_space<vmem>>, %arg2: memref<1024x2048xf32, #tpu.memory_space<vmem>>, %arg3: memref<1x2048xf32, #tpu.memory_space<vmem>>, %arg4: memref<1x512x16x128xf32, #tpu.memory_space<vmem>>) attributes {dimension_semantics = [#tpu.dimension_semantics<parallel>], iteration_bounds = array<i64: 8>, scalar_prefetch = 0 : i64, scratch_operands = 0 : i64, tpu.core_type = #tpu.core_type<tc>, window_params = [{transform_indices = @transform_0, window_bounds = array<i64: 512, 1024>}, {pipeline_mode = #tpu.pipeline_mode<synchronous>, transform_indices = @transform_1, window_bounds = array<i64: 1024, 2048>}, {pipeline_mode = #tpu.pipeline_mode<synchronous>, transform_indices = @transform_2, window_bounds = array<i64: 1, 2048>}, {transform_indices = @transform_3, window_bounds = array<i64: 1, 512, 16, 128>}]} {
    %get3A = arith.constant 0 : index
    %get3A_0 = arith.constant 0 : index
    %get3A_1 = vector.load %arg1[%get3A, %get3A_0] : memref<512x1024xf32, #tpu.memory_space<vmem>>, vector<512x1024xf32>
    %get3A_2 = arith.constant 0 : index
    %get3A_3 = arith.constant 0 : index
    %get3A_4 = vector.load %arg2[%get3A_2, %get3A_3] : memref<1024x2048xf32, #tpu.memory_space<vmem>>, vector<1024x2048xf32>
    %dot_general3A = arith.constant dense<0.000000e+00> : vector<512x2048xf32>
    %dot_general3A_5 = tpu.matmul %get3A_1, %get3A_4, %dot_general3A {dimension_numbers = #tpu.dot_dimension_numbers<[1], [0], [0], [1], [0, 0, 1, 1], [], []>, transpose_lhs_hint = false} : vector<512x1024xf32>, vector<1024x2048xf32>, vector<512x2048xf32> -> vector<512x2048xf32>
    %get3A_6 = arith.constant 0 : index
    %get3A_7 = arith.constant 0 : index
    %get3A_8 = vector.load %arg3[%get3A_6, %get3A_7] : memref<1x2048xf32, #tpu.memory_space<vmem>>, vector<1x2048xf32>
    %add3A = vector.broadcast %get3A_8 : vector<1x2048xf32> to vector<512x2048xf32>
    %add3A_9 = arith.addf %dot_general3A_5, %add3A : vector<512x2048xf32>
    %mul3A = arith.constant 2.000000e+00 : f32
    %mul3A_10 = vector.broadcast %mul3A : f32 to vector<512x2048xf32>
    %mul3A_11 = arith.mulf %mul3A_10, %add3A_9 : vector<512x2048xf32>
    %slice3A = vector.extract_strided_slice %mul3A_11 {offsets = [0, 0], sizes = [512, 128], strides = [1, 1]} : vector<512x2048xf32> to vector<512x128xf32>
    %swap3A = arith.constant 0 : index
    %swap3A_12 = arith.constant 0 : index
    %swap3A_13 = arith.constant 0 : index
    %swap3A_14 = arith.constant 0 : index
    %swap3A_15 = vector.load %arg4[%swap3A, %swap3A_12, %swap3A_13, %swap3A_14] : memref<1x512x16x128xf32, #tpu.memory_space<vmem>>, vector<1x512x1x128xf32>
    %swap3A_16 = vector.shape_cast %swap3A_15 : vector<1x512x1x128xf32> to vector<512x128xf32>
    %swap3A_17 = vector.shape_cast %slice3A : vector<512x128xf32> to vector<1x512x1x128xf32>
    tpu.vector_store %arg4[%swap3A, %swap3A_12, %swap3A_13, %swap3A_14], %swap3A_17 {strides = array<i32>} : memref<1x512x16x128xf32, #tpu.memory_space<vmem>>, vector<1x512x1x128xf32>,
    %slice3A_18 = vector.extract_strided_slice %mul3A_11 {offsets = [0, 128], sizes = [512, 128], strides = [1, 1]} : vector<512x2048xf32> to vector<512x128xf32>
    %swap3A_19 = arith.constant 0 : index
    %swap3A_20 = arith.constant 0 : index
    %swap3A_21 = arith.constant 1 : index
    %swap3A_22 = arith.constant 0 : index
    %swap3A_23 = vector.load %arg4[%swap3A_19, %swap3A_20, %swap3A_21, %swap3A_22] : memref<1x512x16x128xf32, #tpu.memory_space<vmem>>, vector<1x512x1x128xf32>
    %swap3A_24 = vector.shape_cast %swap3A_23 : vector<1x512x1x128xf32> to vector<512x128xf32>
    %swap3A_25 = vector.shape_cast %slice3A_18 : vector<512x128xf32> to vector<1x512x1x128xf32>
    tpu.vector_store %arg4[%swap3A_19, %swap3A_20, %swap3A_21, %swap3A_22], %swap3A_25 {strides = array<i32>} : memref<1x512x16x128xf32, #tpu.memory_space<vmem>>, vector<1x512x1x128xf32>,
    %slice3A_26 = vector.extract_strided_slice %mul3A_11 {offsets = [0, 256], sizes = [512, 128], strides = [1, 1]} : vector<512x2048xf32> to vector<512x128xf32>
    %swap3A_27 = arith.constant 0 : index
    %swap3A_28 = arith.constant 0 : index
    %swap3A_29 = arith.constant 2 : index
    %swap3A_30 = arith.constant 0 : index
    %swap3A_31 = vector.load %arg4[%swap3A_27, %swap3A_28, %swap3A_29, %swap3A_30] : memref<1x512x16x128xf32, #tpu.memory_space<vmem>>, vector<1x512x1x128xf32>
    %swap3A_32 = vector.shape_cast %swap3A_31 : vector<1x512x1x128xf32> to vector<512x128xf32>
    %swap3A_33 = vector.shape_cast %slice3A_26 : vector<512x128xf32> to vector<1x512x1x128xf32>
    tpu.vector_store %arg4[%swap3A_27, %swap3A_28, %swap3A_29, %swap3A_30], %swap3A_33 {strides = array<i32>} : memref<1x512x16x128xf32, #tpu.memory_space<vmem>>, vector<1x512x1x128xf32>,
    %slice3A_34 = vector.extract_strided_slice %mul3A_11 {offsets = [0, 384], sizes = [512, 128], strides = [1, 1]} : vector<512x2048xf32> to vector<512x128xf32>
    %swap3A_35 = arith.constant 0 : index
    %swap3A_36 = arith.constant 0 : index
    %swap3A_37 = arith.constant 3 : index
    %swap3A_38 = arith.constant 0 : index
    %swap3A_39 = vector.load %arg4[%swap3A_35, %swap3A_36, %swap3A_37, %swap3A_38] : memref<1x512x16x128xf32, #tpu.memory_space<vmem>>, vector<1x512x1x128xf32>
    %swap3A_40 = vector.shape_cast %swap3A_39 : vector<1x512x1x128xf32> to vector<512x128xf32>
    %swap3A_41 = vector.shape_cast %slice3A_34 : vector<512x128xf32> to vector<1x512x1x128xf32>
    tpu.vector_store %arg4[%swap3A_35, %swap3A_36, %swap3A_37, %swap3A_38], %swap3A_41 {strides = array<i32>} : memref<1x512x16x128xf32, #tpu.memory_space<vmem>>, vector<1x512x1x128xf32>,
    %slice3A_42 = vector.extract_strided_slice %mul3A_11 {offsets = [0, 512], sizes = [512, 128], strides = [1, 1]} : vector<512x2048xf32> to vector<512x128xf32>
    %swap3A_43 = arith.constant 0 : index
    %swap3A_44 = arith.constant 0 : index
    %swap3A_45 = arith.constant 4 : index
    %swap3A_46 = arith.constant 0 : index
    %swap3A_47 = vector.load %arg4[%swap3A_43, %swap3A_44, %swap3A_45, %swap3A_46] : memref<1x512x16x128xf32, #tpu.memory_space<vmem>>, vector<1x512x1x128xf32>
    %swap3A_48 = vector.shape_cast %swap3A_47 : vector<1x512x1x128xf32> to vector<512x128xf32>
    %swap3A_49 = vector.shape_cast %slice3A_42 : vector<512x128xf32> to vector<1x512x1x128xf32>
    tpu.vector_store %arg4[%swap3A_43, %swap3A_44, %swap3A_45, %swap3A_46], %swap3A_49 {strides = array<i32>} : memref<1x512x16x128xf32, #tpu.memory_space<vmem>>, vector<1x512x1x128xf32>,
    %slice3A_50 = vector.extract_strided_slice %mul3A_11 {offsets = [0, 640], sizes = [512, 128], strides = [1, 1]} : vector<512x2048xf32> to vector<512x128xf32>
    %swap3A_51 = arith.constant 0 : index
    %swap3A_52 = arith.constant 0 : index
    %swap3A_53 = arith.constant 5 : index
    %swap3A_54 = arith.constant 0 : index
    %swap3A_55 = vector.load %arg4[%swap3A_51, %swap3A_52, %swap3A_53, %swap3A_54] : memref<1x512x16x128xf32, #tpu.memory_space<vmem>>, vector<1x512x1x128xf32>
    %swap3A_56 = vector.shape_cast %swap3A_55 : vector<1x512x1x128xf32> to vector<512x128xf32>
    %swap3A_57 = vector.shape_cast %slice3A_50 : vector<512x128xf32> to vector<1x512x1x128xf32>
    tpu.vector_store %arg4[%swap3A_51, %swap3A_52, %swap3A_53, %swap3A_54], %swap3A_57 {strides = array<i32>} : memref<1x512x16x128xf32, #tpu.memory_space<vmem>>, vector<1x512x1x128xf32>,
    %slice3A_58 = vector.extract_strided_slice %mul3A_11 {offsets = [0, 768], sizes = [512, 128], strides = [1, 1]} : vector<512x2048xf32> to vector<512x128xf32>
    %swap3A_59 = arith.constant 0 : index
    %swap3A_60 = arith.constant 0 : index
    %swap3A_61 = arith.constant 6 : index
    %swap3A_62 = arith.constant 0 : index
    %swap3A_63 = vector.load %arg4[%swap3A_59, %swap3A_60, %swap3A_61, %swap3A_62] : memref<1x512x16x128xf32, #tpu.memory_space<vmem>>, vector<1x512x1x128xf32>
    %swap3A_64 = vector.shape_cast %swap3A_63 : vector<1x512x1x128xf32> to vector<512x128xf32>
    %swap3A_65 = vector.shape_cast %slice3A_58 : vector<512x128xf32> to vector<1x512x1x128xf32>
    tpu.vector_store %arg4[%swap3A_59, %swap3A_60, %swap3A_61, %swap3A_62], %swap3A_65 {strides = array<i32>} : memref<1x512x16x128xf32, #tpu.memory_space<vmem>>, vector<1x512x1x128xf32>,
    %slice3A_66 = vector.extract_strided_slice %mul3A_11 {offsets = [0, 896], sizes = [512, 128], strides = [1, 1]} : vector<512x2048xf32> to vector<512x128xf32>
    %swap3A_67 = arith.constant 0 : index
    %swap3A_68 = arith.constant 0 : index
    %swap3A_69 = arith.constant 7 : index
    %swap3A_70 = arith.constant 0 : index
    %swap3A_71 = vector.load %arg4[%swap3A_67, %swap3A_68, %swap3A_69, %swap3A_70] : memref<1x512x16x128xf32, #tpu.memory_space<vmem>>, vector<1x512x1x128xf32>
    %swap3A_72 = vector.shape_cast %swap3A_71 : vector<1x512x1x128xf32> to vector<512x128xf32>
    %swap3A_73 = vector.shape_cast %slice3A_66 : vector<512x128xf32> to vector<1x512x1x128xf32>
    tpu.vector_store %arg4[%swap3A_67, %swap3A_68, %swap3A_69, %swap3A_70], %swap3A_73 {strides = array<i32>} : memref<1x512x16x128xf32, #tpu.memory_space<vmem>>, vector<1x512x1x128xf32>,
    %slice3A_74 = vector.extract_strided_slice %mul3A_11 {offsets = [0, 1024], sizes = [512, 128], strides = [1, 1]} : vector<512x2048xf32> to vector<512x128xf32>
    %swap3A_75 = arith.constant 0 : index
    %swap3A_76 = arith.constant 0 : index
    %swap3A_77 = arith.constant 8 : index
    %swap3A_78 = arith.constant 0 : index
    %swap3A_79 = vector.load %arg4[%swap3A_75, %swap3A_76, %swap3A_77, %swap3A_78] : memref<1x512x16x128xf32, #tpu.memory_space<vmem>>, vector<1x512x1x128xf32>
    %swap3A_80 = vector.shape_cast %swap3A_79 : vector<1x512x1x128xf32> to vector<512x128xf32>
    %swap3A_81 = vector.shape_cast %slice3A_74 : vector<512x128xf32> to vector<1x512x1x128xf32>
    tpu.vector_store %arg4[%swap3A_75, %swap3A_76, %swap3A_77, %swap3A_78], %swap3A_81 {strides = array<i32>} : memref<1x512x16x128xf32, #tpu.memory_space<vmem>>, vector<1x512x1x128xf32>,
    %slice3A_82 = vector.extract_strided_slice %mul3A_11 {offsets = [0, 1152], sizes = [512, 128], strides = [1, 1]} : vector<512x2048xf32> to vector<512x128xf32>
    %swap3A_83 = arith.constant 0 : index
    %swap3A_84 = arith.constant 0 : index
    %swap3A_85 = arith.constant 9 : index
    %swap3A_86 = arith.constant 0 : index
    %swap3A_87 = vector.load %arg4[%swap3A_83, %swap3A_84, %swap3A_85, %swap3A_86] : memref<1x512x16x128xf32, #tpu.memory_space<vmem>>, vector<1x512x1x128xf32>
    %swap3A_88 = vector.shape_cast %swap3A_87 : vector<1x512x1x128xf32> to vector<512x128xf32>
    %swap3A_89 = vector.shape_cast %slice3A_82 : vector<512x128xf32> to vector<1x512x1x128xf32>
    tpu.vector_store %arg4[%swap3A_83, %swap3A_84, %swap3A_85, %swap3A_86], %swap3A_89 {strides = array<i32>} : memref<1x512x16x128xf32, #tpu.memory_space<vmem>>, vector<1x512x1x128xf32>,
    %slice3A_90 = vector.extract_strided_slice %mul3A_11 {offsets = [0, 1280], sizes = [512, 128], strides = [1, 1]} : vector<512x2048xf32> to vector<512x128xf32>
    %swap3A_91 = arith.constant 0 : index
    %swap3A_92 = arith.constant 0 : index
    %swap3A_93 = arith.constant 10 : index
    %swap3A_94 = arith.constant 0 : index
    %swap3A_95 = vector.load %arg4[%swap3A_91, %swap3A_92, %swap3A_93, %swap3A_94] : memref<1x512x16x128xf32, #tpu.memory_space<vmem>>, vector<1x512x1x128xf32>
    %swap3A_96 = vector.shape_cast %swap3A_95 : vector<1x512x1x128xf32> to vector<512x128xf32>
    %swap3A_97 = vector.shape_cast %slice3A_90 : vector<512x128xf32> to vector<1x512x1x128xf32>
    tpu.vector_store %arg4[%swap3A_91, %swap3A_92, %swap3A_93, %swap3A_94], %swap3A_97 {strides = array<i32>} : memref<1x512x16x128xf32, #tpu.memory_space<vmem>>, vector<1x512x1x128xf32>,
    %slice3A_98 = vector.extract_strided_slice %mul3A_11 {offsets = [0, 1408], sizes = [512, 128], strides = [1, 1]} : vector<512x2048xf32> to vector<512x128xf32>
    %swap3A_99 = arith.constant 0 : index
    %swap3A_100 = arith.constant 0 : index
    %swap3A_101 = arith.constant 11 : index
    %swap3A_102 = arith.constant 0 : index
    %swap3A_103 = vector.load %arg4[%swap3A_99, %swap3A_100, %swap3A_101, %swap3A_102] : memref<1x512x16x128xf32, #tpu.memory_space<vmem>>, vector<1x512x1x128xf32>
    %swap3A_104 = vector.shape_cast %swap3A_103 : vector<1x512x1x128xf32> to vector<512x128xf32>
    %swap3A_105 = vector.shape_cast %slice3A_98 : vector<512x128xf32> to vector<1x512x1x128xf32>
    tpu.vector_store %arg4[%swap3A_99, %swap3A_100, %swap3A_101, %swap3A_102], %swap3A_105 {strides = array<i32>} : memref<1x512x16x128xf32, #tpu.memory_space<vmem>>, vector<1x512x1x128xf32>,
    %slice3A_106 = vector.extract_strided_slice %mul3A_11 {offsets = [0, 1536], sizes = [512, 128], strides = [1, 1]} : vector<512x2048xf32> to vector<512x128xf32>
    %swap3A_107 = arith.constant 0 : index
    %swap3A_108 = arith.constant 0 : index
    %swap3A_109 = arith.constant 12 : index
    %swap3A_110 = arith.constant 0 : index
    %swap3A_111 = vector.load %arg4[%swap3A_107, %swap3A_108, %swap3A_109, %swap3A_110] : memref<1x512x16x128xf32, #tpu.memory_space<vmem>>, vector<1x512x1x128xf32>
    %swap3A_112 = vector.shape_cast %swap3A_111 : vector<1x512x1x128xf32> to vector<512x128xf32>
    %swap3A_113 = vector.shape_cast %slice3A_106 : vector<512x128xf32> to vector<1x512x1x128xf32>
    tpu.vector_store %arg4[%swap3A_107, %swap3A_108, %swap3A_109, %swap3A_110], %swap3A_113 {strides = array<i32>} : memref<1x512x16x128xf32, #tpu.memory_space<vmem>>, vector<1x512x1x128xf32>,
    %slice3A_114 = vector.extract_strided_slice %mul3A_11 {offsets = [0, 1664], sizes = [512, 128], strides = [1, 1]} : vector<512x2048xf32> to vector<512x128xf32>
    %swap3A_115 = arith.constant 0 : index
    %swap3A_116 = arith.constant 0 : index
    %swap3A_117 = arith.constant 13 : index
    %swap3A_118 = arith.constant 0 : index
    %swap3A_119 = vector.load %arg4[%swap3A_115, %swap3A_116, %swap3A_117, %swap3A_118] : memref<1x512x16x128xf32, #tpu.memory_space<vmem>>, vector<1x512x1x128xf32>
    %swap3A_120 = vector.shape_cast %swap3A_119 : vector<1x512x1x128xf32> to vector<512x128xf32>
    %swap3A_121 = vector.shape_cast %slice3A_114 : vector<512x128xf32> to vector<1x512x1x128xf32>
    tpu.vector_store %arg4[%swap3A_115, %swap3A_116, %swap3A_117, %swap3A_118], %swap3A_121 {strides = array<i32>} : memref<1x512x16x128xf32, #tpu.memory_space<vmem>>, vector<1x512x1x128xf32>,
    %slice3A_122 = vector.extract_strided_slice %mul3A_11 {offsets = [0, 1792], sizes = [512, 128], strides = [1, 1]} : vector<512x2048xf32> to vector<512x128xf32>
    %swap3A_123 = arith.constant 0 : index
    %swap3A_124 = arith.constant 0 : index
    %swap3A_125 = arith.constant 14 : index
    %swap3A_126 = arith.constant 0 : index
    %swap3A_127 = vector.load %arg4[%swap3A_123, %swap3A_124, %swap3A_125, %swap3A_126] : memref<1x512x16x128xf32, #tpu.memory_space<vmem>>, vector<1x512x1x128xf32>
    %swap3A_128 = vector.shape_cast %swap3A_127 : vector<1x512x1x128xf32> to vector<512x128xf32>
    %swap3A_129 = vector.shape_cast %slice3A_122 : vector<512x128xf32> to vector<1x512x1x128xf32>
    tpu.vector_store %arg4[%swap3A_123, %swap3A_124, %swap3A_125, %swap3A_126], %swap3A_129 {strides = array<i32>} : memref<1x512x16x128xf32, #tpu.memory_space<vmem>>, vector<1x512x1x128xf32>,
    %slice3A_130 = vector.extract_strided_slice %mul3A_11 {offsets = [0, 1920], sizes = [512, 128], strides = [1, 1]} : vector<512x2048xf32> to vector<512x128xf32>
    %swap3A_131 = arith.constant 0 : index
    %swap3A_132 = arith.constant 0 : index
    %swap3A_133 = arith.constant 15 : index
    %swap3A_134 = arith.constant 0 : index
    %swap3A_135 = vector.load %arg4[%swap3A_131, %swap3A_132, %swap3A_133, %swap3A_134] : memref<1x512x16x128xf32, #tpu.memory_space<vmem>>, vector<1x512x1x128xf32>
    %swap3A_136 = vector.shape_cast %swap3A_135 : vector<1x512x1x128xf32> to vector<512x128xf32>
    %swap3A_137 = vector.shape_cast %slice3A_130 : vector<512x128xf32> to vector<1x512x1x128xf32>
    tpu.vector_store %arg4[%swap3A_131, %swap3A_132, %swap3A_133, %swap3A_134], %swap3A_137 {strides = array<i32>} : memref<1x512x16x128xf32, #tpu.memory_space<vmem>>, vector<1x512x1x128xf32>,
    return
  }
  func.func @transform_0(%arg0: i32) -> (i32, i32) {
    %c0_i32 = arith.constant 0 : i32
    %c0_i32_0 = arith.constant 0 : i32
    return %arg0, %c0_i32 : i32, i32
  }
  func.func @transform_1(%arg0: i32) -> (i32, i32) {
    %c0_i32 = arith.constant 0 : i32
    %c0_i32_0 = arith.constant 0 : i32
    %c0_i32_1 = arith.constant 0 : i32
    return %c0_i32, %c0_i32_0 : i32, i32
  }
  func.func @transform_2(%arg0: i32) -> (i32, i32) {
    %c0_i32 = arith.constant 0 : i32
    %c0_i32_0 = arith.constant 0 : i32
    %c0_i32_1 = arith.constant 0 : i32
    return %c0_i32, %c0_i32_0 : i32, i32
  }
  func.func @transform_3(%arg0: i32) -> (i32, i32, i32, i32) {
    %jit3A = arith.constant 4 : i32
    %div3A = arith.divsi %arg0, %jit3A : i32
    %sign3A = arith.constant 0 : i32
    %sign3A_0 = arith.cmpi sgt, %arg0, %sign3A : i32
    %sign3A_1 = arith.extui %sign3A_0 : i1 to i32
    %sign3A_2 = arith.constant 0 : i32
    %sign3A_3 = arith.cmpi slt, %arg0, %sign3A_2 : i32
    %sign3A_4 = arith.extui %sign3A_3 : i1 to i32
    %sign3A_5 = arith.subi %sign3A_1, %sign3A_4 : i32
    %sign3A_6 = arith.constant 0 : i32
    %sign3A_7 = arith.cmpi sgt, %jit3A, %sign3A_6 : i32
    %sign3A_8 = arith.extui %sign3A_7 : i1 to i32
    %sign3A_9 = arith.constant 0 : i32
    %sign3A_10 = arith.cmpi slt, %jit3A, %sign3A_9 : i32
    %sign3A_11 = arith.extui %sign3A_10 : i1 to i32
    %sign3A_12 = arith.subi %sign3A_8, %sign3A_11 : i32
    %ne3A = arith.cmpi ne, %sign3A_5, %sign3A_12 : i32
    %rem3A = arith.remsi %arg0, %jit3A : i32
    %ne3A_13 = arith.constant 0 : i32
    %ne3A_14 = arith.cmpi ne, %rem3A, %ne3A_13 : i32
    %and3A = arith.andi %ne3A, %ne3A_14 : i1
    %sub3A = arith.constant 1 : i32
    %sub3A_15 = arith.subi %div3A, %sub3A : i32
    %select_n3A = arith.select %and3A, %sub3A_15, %div3A : i32
    %jit3A_16 = arith.constant 4 : i32
    %eq3A = arith.constant 0 : i32
    %eq3A_17 = arith.cmpi eq, %jit3A_16, %eq3A : i32
    %jit3A_18 = arith.constant 1 : i32
    %select_n3A_19 = arith.select %eq3A_17, %jit3A_18, %jit3A_16 : i32
    %rem3A_20 = arith.remsi %arg0, %select_n3A_19 : i32
    %ne3A_21 = arith.constant 0 : i32
    %ne3A_22 = arith.cmpi ne, %rem3A_20, %ne3A_21 : i32
    %lt3A = arith.constant 0 : i32
    %lt3A_23 = arith.cmpi slt, %rem3A_20, %lt3A : i32
    %lt3A_24 = arith.constant 0 : i32
    %lt3A_25 = arith.cmpi slt, %select_n3A_19, %lt3A_24 : i32
    %ne3A_26 = arith.xori %lt3A_23, %lt3A_25 : i1
    %and3A_27 = arith.andi %ne3A_26, %ne3A_22 : i1
    %add3A = arith.addi %rem3A_20, %select_n3A_19 : i32
    %select_n3A_28 = arith.select %and3A_27, %add3A, %rem3A_20 : i32
    %c0_i32 = arith.constant 0 : i32
    %c0_i32_29 = arith.constant 0 : i32
    %c0_i32_30 = arith.constant 0 : i32
    return %select_n3A, %select_n3A_28, %c0_i32, %c0_i32_29 : i32, i32, i32, i32
  }
}

module attributes {stable_mosaic.version = 14 : i64} {
  func.func @_router_kernel(%arg0: i32, %arg1: memref<1x1024x16x128xf32, #tpu.memory_space<vmem>>, %arg2: memref<2048x64xf32, #tpu.memory_space<vmem>>, %arg3: memref<1x64xf32, #tpu.memory_space<vmem>>, %arg4: memref<64x64xf32, #tpu.memory_space<vmem>>, %arg5: memref<1x64xf32, #tpu.memory_space<vmem>>, %arg6: memref<64x8xf32, #tpu.memory_space<vmem>>, %arg7: memref<1x8xf32, #tpu.memory_space<vmem>>, %arg8: memref<1024x64xf32, #tpu.memory_space<vmem>>, %arg9: memref<8x1024xf32, #tpu.memory_space<vmem>>) attributes {dimension_semantics = [#tpu.dimension_semantics<arbitrary>], iteration_bounds = array<i64: 4>, scalar_prefetch = 0 : i64, scratch_operands = 0 : i64, tpu.core_type = #tpu.core_type<tc>, window_params = [{transform_indices = @transform_0, window_bounds = array<i64: 1, 1024, 16, 128>}, {pipeline_mode = #tpu.pipeline_mode<synchronous>, transform_indices = @transform_1, window_bounds = array<i64: 2048, 64>}, {pipeline_mode = #tpu.pipeline_mode<synchronous>, transform_indices = @transform_2, window_bounds = array<i64: 1, 64>}, {pipeline_mode = #tpu.pipeline_mode<synchronous>, transform_indices = @transform_3, window_bounds = array<i64: 64, 64>}, {pipeline_mode = #tpu.pipeline_mode<synchronous>, transform_indices = @transform_4, window_bounds = array<i64: 1, 64>}, {pipeline_mode = #tpu.pipeline_mode<synchronous>, transform_indices = @transform_5, window_bounds = array<i64: 64, 8>}, {pipeline_mode = #tpu.pipeline_mode<synchronous>, transform_indices = @transform_6, window_bounds = array<i64: 1, 8>}, {transform_indices = @transform_7, window_bounds = array<i64: 1024, 64>}, {transform_indices = @transform_8, window_bounds = array<i64: 8, 1024>}]} {
    %get3A = arith.constant 0 : index
    %get3A_0 = arith.constant 0 : index
    %get3A_1 = vector.load %arg3[%get3A, %get3A_0] : memref<1x64xf32, #tpu.memory_space<vmem>>, vector<1x64xf32>
    %get3A_2 = arith.constant 0 : index
    %get3A_3 = arith.constant 0 : index
    %get3A_4 = arith.constant 0 : index
    %get3A_5 = arith.constant 0 : index
    %get3A_6 = vector.load %arg1[%get3A_2, %get3A_3, %get3A_4, %get3A_5] : memref<1x1024x16x128xf32, #tpu.memory_space<vmem>>, vector<1x1024x1x128xf32>
    %get3A_7 = vector.shape_cast %get3A_6 : vector<1x1024x1x128xf32> to vector<1024x128xf32>
    %get3A_8 = arith.constant 0 : index
    %get3A_9 = arith.constant 0 : index
    %get3A_10 = vector.load %arg2[%get3A_8, %get3A_9] : memref<2048x64xf32, #tpu.memory_space<vmem>>, vector<128x64xf32>
    %dot_general3A = arith.constant dense<0.000000e+00> : vector<1024x64xf32>
    %dot_general3A_11 = tpu.matmul %get3A_7, %get3A_10, %dot_general3A {dimension_numbers = #tpu.dot_dimension_numbers<[1], [0], [0], [1], [0, 0, 1, 1], [], []>, transpose_lhs_hint = false} : vector<1024x128xf32>, vector<128x64xf32>, vector<1024x64xf32> -> vector<1024x64xf32>
    %add3A = vector.broadcast %get3A_1 : vector<1x64xf32> to vector<1024x64xf32>
    %add3A_12 = arith.addf %add3A, %dot_general3A_11 : vector<1024x64xf32>
    %get3A_13 = arith.constant 0 : index
    %get3A_14 = arith.constant 0 : index
    %get3A_15 = arith.constant 1 : index
    %get3A_16 = arith.constant 0 : index
    %get3A_17 = vector.load %arg1[%get3A_13, %get3A_14, %get3A_15, %get3A_16] : memref<1x1024x16x128xf32, #tpu.memory_space<vmem>>, vector<1x1024x1x128xf32>
    %get3A_18 = vector.shape_cast %get3A_17 : vector<1x1024x1x128xf32> to vector<1024x128xf32>
    %get3A_19 = arith.constant 128 : index
    %get3A_20 = arith.constant 0 : index
    %get3A_21 = vector.load %arg2[%get3A_19, %get3A_20] : memref<2048x64xf32, #tpu.memory_space<vmem>>, vector<128x64xf32>
    %dot_general3A_22 = arith.constant dense<0.000000e+00> : vector<1024x64xf32>
    %dot_general3A_23 = tpu.matmul %get3A_18, %get3A_21, %dot_general3A_22 {dimension_numbers = #tpu.dot_dimension_numbers<[1], [0], [0], [1], [0, 0, 1, 1], [], []>, transpose_lhs_hint = false} : vector<1024x128xf32>, vector<128x64xf32>, vector<1024x64xf32> -> vector<1024x64xf32>
    %add3A_24 = arith.addf %add3A_12, %dot_general3A_23 : vector<1024x64xf32>
    %get3A_25 = arith.constant 0 : index
    %get3A_26 = arith.constant 0 : index
    %get3A_27 = arith.constant 2 : index
    %get3A_28 = arith.constant 0 : index
    %get3A_29 = vector.load %arg1[%get3A_25, %get3A_26, %get3A_27, %get3A_28] : memref<1x1024x16x128xf32, #tpu.memory_space<vmem>>, vector<1x1024x1x128xf32>
    %get3A_30 = vector.shape_cast %get3A_29 : vector<1x1024x1x128xf32> to vector<1024x128xf32>
    %get3A_31 = arith.constant 256 : index
    %get3A_32 = arith.constant 0 : index
    %get3A_33 = vector.load %arg2[%get3A_31, %get3A_32] : memref<2048x64xf32, #tpu.memory_space<vmem>>, vector<128x64xf32>
    %dot_general3A_34 = arith.constant dense<0.000000e+00> : vector<1024x64xf32>
    %dot_general3A_35 = tpu.matmul %get3A_30, %get3A_33, %dot_general3A_34 {dimension_numbers = #tpu.dot_dimension_numbers<[1], [0], [0], [1], [0, 0, 1, 1], [], []>, transpose_lhs_hint = false} : vector<1024x128xf32>, vector<128x64xf32>, vector<1024x64xf32> -> vector<1024x64xf32>
    %add3A_36 = arith.addf %add3A_24, %dot_general3A_35 : vector<1024x64xf32>
    %get3A_37 = arith.constant 0 : index
    %get3A_38 = arith.constant 0 : index
    %get3A_39 = arith.constant 3 : index
    %get3A_40 = arith.constant 0 : index
    %get3A_41 = vector.load %arg1[%get3A_37, %get3A_38, %get3A_39, %get3A_40] : memref<1x1024x16x128xf32, #tpu.memory_space<vmem>>, vector<1x1024x1x128xf32>
    %get3A_42 = vector.shape_cast %get3A_41 : vector<1x1024x1x128xf32> to vector<1024x128xf32>
    %get3A_43 = arith.constant 384 : index
    %get3A_44 = arith.constant 0 : index
    %get3A_45 = vector.load %arg2[%get3A_43, %get3A_44] : memref<2048x64xf32, #tpu.memory_space<vmem>>, vector<128x64xf32>
    %dot_general3A_46 = arith.constant dense<0.000000e+00> : vector<1024x64xf32>
    %dot_general3A_47 = tpu.matmul %get3A_42, %get3A_45, %dot_general3A_46 {dimension_numbers = #tpu.dot_dimension_numbers<[1], [0], [0], [1], [0, 0, 1, 1], [], []>, transpose_lhs_hint = false} : vector<1024x128xf32>, vector<128x64xf32>, vector<1024x64xf32> -> vector<1024x64xf32>
    %add3A_48 = arith.addf %add3A_36, %dot_general3A_47 : vector<1024x64xf32>
    %get3A_49 = arith.constant 0 : index
    %get3A_50 = arith.constant 0 : index
    %get3A_51 = arith.constant 4 : index
    %get3A_52 = arith.constant 0 : index
    %get3A_53 = vector.load %arg1[%get3A_49, %get3A_50, %get3A_51, %get3A_52] : memref<1x1024x16x128xf32, #tpu.memory_space<vmem>>, vector<1x1024x1x128xf32>
    %get3A_54 = vector.shape_cast %get3A_53 : vector<1x1024x1x128xf32> to vector<1024x128xf32>
    %get3A_55 = arith.constant 512 : index
    %get3A_56 = arith.constant 0 : index
    %get3A_57 = vector.load %arg2[%get3A_55, %get3A_56] : memref<2048x64xf32, #tpu.memory_space<vmem>>, vector<128x64xf32>
    %dot_general3A_58 = arith.constant dense<0.000000e+00> : vector<1024x64xf32>
    %dot_general3A_59 = tpu.matmul %get3A_54, %get3A_57, %dot_general3A_58 {dimension_numbers = #tpu.dot_dimension_numbers<[1], [0], [0], [1], [0, 0, 1, 1], [], []>, transpose_lhs_hint = false} : vector<1024x128xf32>, vector<128x64xf32>, vector<1024x64xf32> -> vector<1024x64xf32>
    %add3A_60 = arith.addf %add3A_48, %dot_general3A_59 : vector<1024x64xf32>
    %get3A_61 = arith.constant 0 : index
    %get3A_62 = arith.constant 0 : index
    %get3A_63 = arith.constant 5 : index
    %get3A_64 = arith.constant 0 : index
    %get3A_65 = vector.load %arg1[%get3A_61, %get3A_62, %get3A_63, %get3A_64] : memref<1x1024x16x128xf32, #tpu.memory_space<vmem>>, vector<1x1024x1x128xf32>
    %get3A_66 = vector.shape_cast %get3A_65 : vector<1x1024x1x128xf32> to vector<1024x128xf32>
    %get3A_67 = arith.constant 640 : index
    %get3A_68 = arith.constant 0 : index
    %get3A_69 = vector.load %arg2[%get3A_67, %get3A_68] : memref<2048x64xf32, #tpu.memory_space<vmem>>, vector<128x64xf32>
    %dot_general3A_70 = arith.constant dense<0.000000e+00> : vector<1024x64xf32>
    %dot_general3A_71 = tpu.matmul %get3A_66, %get3A_69, %dot_general3A_70 {dimension_numbers = #tpu.dot_dimension_numbers<[1], [0], [0], [1], [0, 0, 1, 1], [], []>, transpose_lhs_hint = false} : vector<1024x128xf32>, vector<128x64xf32>, vector<1024x64xf32> -> vector<1024x64xf32>
    %add3A_72 = arith.addf %add3A_60, %dot_general3A_71 : vector<1024x64xf32>
    %get3A_73 = arith.constant 0 : index
    %get3A_74 = arith.constant 0 : index
    %get3A_75 = arith.constant 6 : index
    %get3A_76 = arith.constant 0 : index
    %get3A_77 = vector.load %arg1[%get3A_73, %get3A_74, %get3A_75, %get3A_76] : memref<1x1024x16x128xf32, #tpu.memory_space<vmem>>, vector<1x1024x1x128xf32>
    %get3A_78 = vector.shape_cast %get3A_77 : vector<1x1024x1x128xf32> to vector<1024x128xf32>
    %get3A_79 = arith.constant 768 : index
    %get3A_80 = arith.constant 0 : index
    %get3A_81 = vector.load %arg2[%get3A_79, %get3A_80] : memref<2048x64xf32, #tpu.memory_space<vmem>>, vector<128x64xf32>
    %dot_general3A_82 = arith.constant dense<0.000000e+00> : vector<1024x64xf32>
    %dot_general3A_83 = tpu.matmul %get3A_78, %get3A_81, %dot_general3A_82 {dimension_numbers = #tpu.dot_dimension_numbers<[1], [0], [0], [1], [0, 0, 1, 1], [], []>, transpose_lhs_hint = false} : vector<1024x128xf32>, vector<128x64xf32>, vector<1024x64xf32> -> vector<1024x64xf32>
    %add3A_84 = arith.addf %add3A_72, %dot_general3A_83 : vector<1024x64xf32>
    %get3A_85 = arith.constant 0 : index
    %get3A_86 = arith.constant 0 : index
    %get3A_87 = arith.constant 7 : index
    %get3A_88 = arith.constant 0 : index
    %get3A_89 = vector.load %arg1[%get3A_85, %get3A_86, %get3A_87, %get3A_88] : memref<1x1024x16x128xf32, #tpu.memory_space<vmem>>, vector<1x1024x1x128xf32>
    %get3A_90 = vector.shape_cast %get3A_89 : vector<1x1024x1x128xf32> to vector<1024x128xf32>
    %get3A_91 = arith.constant 896 : index
    %get3A_92 = arith.constant 0 : index
    %get3A_93 = vector.load %arg2[%get3A_91, %get3A_92] : memref<2048x64xf32, #tpu.memory_space<vmem>>, vector<128x64xf32>
    %dot_general3A_94 = arith.constant dense<0.000000e+00> : vector<1024x64xf32>
    %dot_general3A_95 = tpu.matmul %get3A_90, %get3A_93, %dot_general3A_94 {dimension_numbers = #tpu.dot_dimension_numbers<[1], [0], [0], [1], [0, 0, 1, 1], [], []>, transpose_lhs_hint = false} : vector<1024x128xf32>, vector<128x64xf32>, vector<1024x64xf32> -> vector<1024x64xf32>
    %add3A_96 = arith.addf %add3A_84, %dot_general3A_95 : vector<1024x64xf32>
    %get3A_97 = arith.constant 0 : index
    %get3A_98 = arith.constant 0 : index
    %get3A_99 = arith.constant 8 : index
    %get3A_100 = arith.constant 0 : index
    %get3A_101 = vector.load %arg1[%get3A_97, %get3A_98, %get3A_99, %get3A_100] : memref<1x1024x16x128xf32, #tpu.memory_space<vmem>>, vector<1x1024x1x128xf32>
    %get3A_102 = vector.shape_cast %get3A_101 : vector<1x1024x1x128xf32> to vector<1024x128xf32>
    %get3A_103 = arith.constant 1024 : index
    %get3A_104 = arith.constant 0 : index
    %get3A_105 = vector.load %arg2[%get3A_103, %get3A_104] : memref<2048x64xf32, #tpu.memory_space<vmem>>, vector<128x64xf32>
    %dot_general3A_106 = arith.constant dense<0.000000e+00> : vector<1024x64xf32>
    %dot_general3A_107 = tpu.matmul %get3A_102, %get3A_105, %dot_general3A_106 {dimension_numbers = #tpu.dot_dimension_numbers<[1], [0], [0], [1], [0, 0, 1, 1], [], []>, transpose_lhs_hint = false} : vector<1024x128xf32>, vector<128x64xf32>, vector<1024x64xf32> -> vector<1024x64xf32>
    %add3A_108 = arith.addf %add3A_96, %dot_general3A_107 : vector<1024x64xf32>
    %get3A_109 = arith.constant 0 : index
    %get3A_110 = arith.constant 0 : index
    %get3A_111 = arith.constant 9 : index
    %get3A_112 = arith.constant 0 : index
    %get3A_113 = vector.load %arg1[%get3A_109, %get3A_110, %get3A_111, %get3A_112] : memref<1x1024x16x128xf32, #tpu.memory_space<vmem>>, vector<1x1024x1x128xf32>
    %get3A_114 = vector.shape_cast %get3A_113 : vector<1x1024x1x128xf32> to vector<1024x128xf32>
    %get3A_115 = arith.constant 1152 : index
    %get3A_116 = arith.constant 0 : index
    %get3A_117 = vector.load %arg2[%get3A_115, %get3A_116] : memref<2048x64xf32, #tpu.memory_space<vmem>>, vector<128x64xf32>
    %dot_general3A_118 = arith.constant dense<0.000000e+00> : vector<1024x64xf32>
    %dot_general3A_119 = tpu.matmul %get3A_114, %get3A_117, %dot_general3A_118 {dimension_numbers = #tpu.dot_dimension_numbers<[1], [0], [0], [1], [0, 0, 1, 1], [], []>, transpose_lhs_hint = false} : vector<1024x128xf32>, vector<128x64xf32>, vector<1024x64xf32> -> vector<1024x64xf32>
    %add3A_120 = arith.addf %add3A_108, %dot_general3A_119 : vector<1024x64xf32>
    %get3A_121 = arith.constant 0 : index
    %get3A_122 = arith.constant 0 : index
    %get3A_123 = arith.constant 10 : index
    %get3A_124 = arith.constant 0 : index
    %get3A_125 = vector.load %arg1[%get3A_121, %get3A_122, %get3A_123, %get3A_124] : memref<1x1024x16x128xf32, #tpu.memory_space<vmem>>, vector<1x1024x1x128xf32>
    %get3A_126 = vector.shape_cast %get3A_125 : vector<1x1024x1x128xf32> to vector<1024x128xf32>
    %get3A_127 = arith.constant 1280 : index
    %get3A_128 = arith.constant 0 : index
    %get3A_129 = vector.load %arg2[%get3A_127, %get3A_128] : memref<2048x64xf32, #tpu.memory_space<vmem>>, vector<128x64xf32>
    %dot_general3A_130 = arith.constant dense<0.000000e+00> : vector<1024x64xf32>
    %dot_general3A_131 = tpu.matmul %get3A_126, %get3A_129, %dot_general3A_130 {dimension_numbers = #tpu.dot_dimension_numbers<[1], [0], [0], [1], [0, 0, 1, 1], [], []>, transpose_lhs_hint = false} : vector<1024x128xf32>, vector<128x64xf32>, vector<1024x64xf32> -> vector<1024x64xf32>
    %add3A_132 = arith.addf %add3A_120, %dot_general3A_131 : vector<1024x64xf32>
    %get3A_133 = arith.constant 0 : index
    %get3A_134 = arith.constant 0 : index
    %get3A_135 = arith.constant 11 : index
    %get3A_136 = arith.constant 0 : index
    %get3A_137 = vector.load %arg1[%get3A_133, %get3A_134, %get3A_135, %get3A_136] : memref<1x1024x16x128xf32, #tpu.memory_space<vmem>>, vector<1x1024x1x128xf32>
    %get3A_138 = vector.shape_cast %get3A_137 : vector<1x1024x1x128xf32> to vector<1024x128xf32>
    %get3A_139 = arith.constant 1408 : index
    %get3A_140 = arith.constant 0 : index
    %get3A_141 = vector.load %arg2[%get3A_139, %get3A_140] : memref<2048x64xf32, #tpu.memory_space<vmem>>, vector<128x64xf32>
    %dot_general3A_142 = arith.constant dense<0.000000e+00> : vector<1024x64xf32>
    %dot_general3A_143 = tpu.matmul %get3A_138, %get3A_141, %dot_general3A_142 {dimension_numbers = #tpu.dot_dimension_numbers<[1], [0], [0], [1], [0, 0, 1, 1], [], []>, transpose_lhs_hint = false} : vector<1024x128xf32>, vector<128x64xf32>, vector<1024x64xf32> -> vector<1024x64xf32>
    %add3A_144 = arith.addf %add3A_132, %dot_general3A_143 : vector<1024x64xf32>
    %get3A_145 = arith.constant 0 : index
    %get3A_146 = arith.constant 0 : index
    %get3A_147 = arith.constant 12 : index
    %get3A_148 = arith.constant 0 : index
    %get3A_149 = vector.load %arg1[%get3A_145, %get3A_146, %get3A_147, %get3A_148] : memref<1x1024x16x128xf32, #tpu.memory_space<vmem>>, vector<1x1024x1x128xf32>
    %get3A_150 = vector.shape_cast %get3A_149 : vector<1x1024x1x128xf32> to vector<1024x128xf32>
    %get3A_151 = arith.constant 1536 : index
    %get3A_152 = arith.constant 0 : index
    %get3A_153 = vector.load %arg2[%get3A_151, %get3A_152] : memref<2048x64xf32, #tpu.memory_space<vmem>>, vector<128x64xf32>
    %dot_general3A_154 = arith.constant dense<0.000000e+00> : vector<1024x64xf32>
    %dot_general3A_155 = tpu.matmul %get3A_150, %get3A_153, %dot_general3A_154 {dimension_numbers = #tpu.dot_dimension_numbers<[1], [0], [0], [1], [0, 0, 1, 1], [], []>, transpose_lhs_hint = false} : vector<1024x128xf32>, vector<128x64xf32>, vector<1024x64xf32> -> vector<1024x64xf32>
    %add3A_156 = arith.addf %add3A_144, %dot_general3A_155 : vector<1024x64xf32>
    %get3A_157 = arith.constant 0 : index
    %get3A_158 = arith.constant 0 : index
    %get3A_159 = arith.constant 13 : index
    %get3A_160 = arith.constant 0 : index
    %get3A_161 = vector.load %arg1[%get3A_157, %get3A_158, %get3A_159, %get3A_160] : memref<1x1024x16x128xf32, #tpu.memory_space<vmem>>, vector<1x1024x1x128xf32>
    %get3A_162 = vector.shape_cast %get3A_161 : vector<1x1024x1x128xf32> to vector<1024x128xf32>
    %get3A_163 = arith.constant 1664 : index
    %get3A_164 = arith.constant 0 : index
    %get3A_165 = vector.load %arg2[%get3A_163, %get3A_164] : memref<2048x64xf32, #tpu.memory_space<vmem>>, vector<128x64xf32>
    %dot_general3A_166 = arith.constant dense<0.000000e+00> : vector<1024x64xf32>
    %dot_general3A_167 = tpu.matmul %get3A_162, %get3A_165, %dot_general3A_166 {dimension_numbers = #tpu.dot_dimension_numbers<[1], [0], [0], [1], [0, 0, 1, 1], [], []>, transpose_lhs_hint = false} : vector<1024x128xf32>, vector<128x64xf32>, vector<1024x64xf32> -> vector<1024x64xf32>
    %add3A_168 = arith.addf %add3A_156, %dot_general3A_167 : vector<1024x64xf32>
    %get3A_169 = arith.constant 0 : index
    %get3A_170 = arith.constant 0 : index
    %get3A_171 = arith.constant 14 : index
    %get3A_172 = arith.constant 0 : index
    %get3A_173 = vector.load %arg1[%get3A_169, %get3A_170, %get3A_171, %get3A_172] : memref<1x1024x16x128xf32, #tpu.memory_space<vmem>>, vector<1x1024x1x128xf32>
    %get3A_174 = vector.shape_cast %get3A_173 : vector<1x1024x1x128xf32> to vector<1024x128xf32>
    %get3A_175 = arith.constant 1792 : index
    %get3A_176 = arith.constant 0 : index
    %get3A_177 = vector.load %arg2[%get3A_175, %get3A_176] : memref<2048x64xf32, #tpu.memory_space<vmem>>, vector<128x64xf32>
    %dot_general3A_178 = arith.constant dense<0.000000e+00> : vector<1024x64xf32>
    %dot_general3A_179 = tpu.matmul %get3A_174, %get3A_177, %dot_general3A_178 {dimension_numbers = #tpu.dot_dimension_numbers<[1], [0], [0], [1], [0, 0, 1, 1], [], []>, transpose_lhs_hint = false} : vector<1024x128xf32>, vector<128x64xf32>, vector<1024x64xf32> -> vector<1024x64xf32>
    %add3A_180 = arith.addf %add3A_168, %dot_general3A_179 : vector<1024x64xf32>
    %get3A_181 = arith.constant 0 : index
    %get3A_182 = arith.constant 0 : index
    %get3A_183 = arith.constant 15 : index
    %get3A_184 = arith.constant 0 : index
    %get3A_185 = vector.load %arg1[%get3A_181, %get3A_182, %get3A_183, %get3A_184] : memref<1x1024x16x128xf32, #tpu.memory_space<vmem>>, vector<1x1024x1x128xf32>
    %get3A_186 = vector.shape_cast %get3A_185 : vector<1x1024x1x128xf32> to vector<1024x128xf32>
    %get3A_187 = arith.constant 1920 : index
    %get3A_188 = arith.constant 0 : index
    %get3A_189 = vector.load %arg2[%get3A_187, %get3A_188] : memref<2048x64xf32, #tpu.memory_space<vmem>>, vector<128x64xf32>
    %dot_general3A_190 = arith.constant dense<0.000000e+00> : vector<1024x64xf32>
    %dot_general3A_191 = tpu.matmul %get3A_186, %get3A_189, %dot_general3A_190 {dimension_numbers = #tpu.dot_dimension_numbers<[1], [0], [0], [1], [0, 0, 1, 1], [], []>, transpose_lhs_hint = false} : vector<1024x128xf32>, vector<128x64xf32>, vector<1024x64xf32> -> vector<1024x64xf32>
    %add3A_192 = arith.addf %add3A_180, %dot_general3A_191 : vector<1024x64xf32>
    %get3A_193 = arith.constant 0 : index
    %get3A_194 = arith.constant 0 : index
    %get3A_195 = vector.load %arg4[%get3A_193, %get3A_194] : memref<64x64xf32, #tpu.memory_space<vmem>>, vector<64x64xf32>
    %dot_general3A_196 = arith.constant dense<0.000000e+00> : vector<1024x64xf32>
    %dot_general3A_197 = tpu.matmul %add3A_192, %get3A_195, %dot_general3A_196 {dimension_numbers = #tpu.dot_dimension_numbers<[1], [0], [0], [1], [0, 0, 1, 1], [], []>, transpose_lhs_hint = false} : vector<1024x64xf32>, vector<64x64xf32>, vector<1024x64xf32> -> vector<1024x64xf32>
    %get3A_198 = arith.constant 0 : index
    %get3A_199 = arith.constant 0 : index
    %get3A_200 = vector.load %arg5[%get3A_198, %get3A_199] : memref<1x64xf32, #tpu.memory_space<vmem>>, vector<1x64xf32>
    %add3A_201 = vector.broadcast %get3A_200 : vector<1x64xf32> to vector<1024x64xf32>
    %add3A_202 = arith.addf %dot_general3A_197, %add3A_201 : vector<1024x64xf32>
    %tanh3A = math.tanh %add3A_202 : vector<1024x64xf32>
    %get3A_203 = arith.constant 0 : index
    %get3A_204 = arith.constant 0 : index
    %get3A_205 = vector.load %arg6[%get3A_203, %get3A_204] : memref<64x8xf32, #tpu.memory_space<vmem>>, vector<64x8xf32>
    %dot_general3A_206 = arith.constant dense<0.000000e+00> : vector<1024x8xf32>
    %dot_general3A_207 = tpu.matmul %tanh3A, %get3A_205, %dot_general3A_206 {dimension_numbers = #tpu.dot_dimension_numbers<[1], [0], [0], [1], [0, 0, 1, 1], [], []>, transpose_lhs_hint = false} : vector<1024x64xf32>, vector<64x8xf32>, vector<1024x8xf32> -> vector<1024x8xf32>
    %get3A_208 = arith.constant 0 : index
    %get3A_209 = arith.constant 0 : index
    %get3A_210 = vector.load %arg7[%get3A_208, %get3A_209] : memref<1x8xf32, #tpu.memory_space<vmem>>, vector<1x8xf32>
    %add3A_211 = vector.broadcast %get3A_210 : vector<1x8xf32> to vector<1024x8xf32>
    %add3A_212 = arith.addf %dot_general3A_207, %add3A_211 : vector<1024x8xf32>
    %swap3A = arith.constant 0 : index
    %swap3A_213 = arith.constant 0 : index
    %swap3A_214 = vector.load %arg8[%swap3A, %swap3A_213] : memref<1024x64xf32, #tpu.memory_space<vmem>>, vector<1024x64xf32>
    tpu.vector_store %arg8[%swap3A, %swap3A_213], %add3A_192 {strides = array<i32>} : memref<1024x64xf32, #tpu.memory_space<vmem>>, vector<1024x64xf32>,
    %transpose3A = tpu.transpose %add3A_212, [1, 0] : vector<1024x8xf32> -> vector<8x1024xf32>
    %swap3A_215 = arith.constant 0 : index
    %swap3A_216 = arith.constant 0 : index
    %swap3A_217 = vector.load %arg9[%swap3A_215, %swap3A_216] : memref<8x1024xf32, #tpu.memory_space<vmem>>, vector<8x1024xf32>
    tpu.vector_store %arg9[%swap3A_215, %swap3A_216], %transpose3A {strides = array<i32>} : memref<8x1024xf32, #tpu.memory_space<vmem>>, vector<8x1024xf32>,
    return
  }
  func.func @transform_0(%arg0: i32) -> (i32, i32, i32, i32) {
    %jit3A = arith.constant 2 : i32
    %div3A = arith.divsi %arg0, %jit3A : i32
    %sign3A = arith.constant 0 : i32
    %sign3A_0 = arith.cmpi sgt, %arg0, %sign3A : i32
    %sign3A_1 = arith.extui %sign3A_0 : i1 to i32
    %sign3A_2 = arith.constant 0 : i32
    %sign3A_3 = arith.cmpi slt, %arg0, %sign3A_2 : i32
    %sign3A_4 = arith.extui %sign3A_3 : i1 to i32
    %sign3A_5 = arith.subi %sign3A_1, %sign3A_4 : i32
    %sign3A_6 = arith.constant 0 : i32
    %sign3A_7 = arith.cmpi sgt, %jit3A, %sign3A_6 : i32
    %sign3A_8 = arith.extui %sign3A_7 : i1 to i32
    %sign3A_9 = arith.constant 0 : i32
    %sign3A_10 = arith.cmpi slt, %jit3A, %sign3A_9 : i32
    %sign3A_11 = arith.extui %sign3A_10 : i1 to i32
    %sign3A_12 = arith.subi %sign3A_8, %sign3A_11 : i32
    %ne3A = arith.cmpi ne, %sign3A_5, %sign3A_12 : i32
    %rem3A = arith.remsi %arg0, %jit3A : i32
    %ne3A_13 = arith.constant 0 : i32
    %ne3A_14 = arith.cmpi ne, %rem3A, %ne3A_13 : i32
    %and3A = arith.andi %ne3A, %ne3A_14 : i1
    %sub3A = arith.constant 1 : i32
    %sub3A_15 = arith.subi %div3A, %sub3A : i32
    %select_n3A = arith.select %and3A, %sub3A_15, %div3A : i32
    %jit3A_16 = arith.constant 2 : i32
    %eq3A = arith.constant 0 : i32
    %eq3A_17 = arith.cmpi eq, %jit3A_16, %eq3A : i32
    %jit3A_18 = arith.constant 1 : i32
    %select_n3A_19 = arith.select %eq3A_17, %jit3A_18, %jit3A_16 : i32
    %rem3A_20 = arith.remsi %arg0, %select_n3A_19 : i32
    %ne3A_21 = arith.constant 0 : i32
    %ne3A_22 = arith.cmpi ne, %rem3A_20, %ne3A_21 : i32
    %lt3A = arith.constant 0 : i32
    %lt3A_23 = arith.cmpi slt, %rem3A_20, %lt3A : i32
    %lt3A_24 = arith.constant 0 : i32
    %lt3A_25 = arith.cmpi slt, %select_n3A_19, %lt3A_24 : i32
    %ne3A_26 = arith.xori %lt3A_23, %lt3A_25 : i1
    %and3A_27 = arith.andi %ne3A_26, %ne3A_22 : i1
    %add3A = arith.addi %rem3A_20, %select_n3A_19 : i32
    %select_n3A_28 = arith.select %and3A_27, %add3A, %rem3A_20 : i32
    %c0_i32 = arith.constant 0 : i32
    %c0_i32_29 = arith.constant 0 : i32
    %c0_i32_30 = arith.constant 0 : i32
    return %select_n3A, %select_n3A_28, %c0_i32, %c0_i32_29 : i32, i32, i32, i32
  }
  func.func @transform_1(%arg0: i32) -> (i32, i32) {
    %c0_i32 = arith.constant 0 : i32
    %c0_i32_0 = arith.constant 0 : i32
    %c0_i32_1 = arith.constant 0 : i32
    return %c0_i32, %c0_i32_0 : i32, i32
  }
  func.func @transform_2(%arg0: i32) -> (i32, i32) {
    %c0_i32 = arith.constant 0 : i32
    %c0_i32_0 = arith.constant 0 : i32
    %c0_i32_1 = arith.constant 0 : i32
    return %c0_i32, %c0_i32_0 : i32, i32
  }
  func.func @transform_3(%arg0: i32) -> (i32, i32) {
    %c0_i32 = arith.constant 0 : i32
    %c0_i32_0 = arith.constant 0 : i32
    %c0_i32_1 = arith.constant 0 : i32
    return %c0_i32, %c0_i32_0 : i32, i32
  }
  func.func @transform_4(%arg0: i32) -> (i32, i32) {
    %c0_i32 = arith.constant 0 : i32
    %c0_i32_0 = arith.constant 0 : i32
    %c0_i32_1 = arith.constant 0 : i32
    return %c0_i32, %c0_i32_0 : i32, i32
  }
  func.func @transform_5(%arg0: i32) -> (i32, i32) {
    %c0_i32 = arith.constant 0 : i32
    %c0_i32_0 = arith.constant 0 : i32
    %c0_i32_1 = arith.constant 0 : i32
    return %c0_i32, %c0_i32_0 : i32, i32
  }
  func.func @transform_6(%arg0: i32) -> (i32, i32) {
    %c0_i32 = arith.constant 0 : i32
    %c0_i32_0 = arith.constant 0 : i32
    %c0_i32_1 = arith.constant 0 : i32
    return %c0_i32, %c0_i32_0 : i32, i32
  }
  func.func @transform_7(%arg0: i32) -> (i32, i32) {
    %c0_i32 = arith.constant 0 : i32
    %c0_i32_0 = arith.constant 0 : i32
    return %arg0, %c0_i32 : i32, i32
  }
  func.func @transform_8(%arg0: i32) -> (i32, i32) {
    %c0_i32 = arith.constant 0 : i32
    %c0_i32_0 = arith.constant 0 : i32
    return %c0_i32, %arg0 : i32, i32
  }
}

module attributes {stable_mosaic.version = 14 : i64} {
  func.func @_moe_kernel(%arg0: i32, %arg1: memref<1024x64xf32, #tpu.memory_space<vmem>>, %arg2: memref<8x1024xf32, #tpu.memory_space<vmem>>, %arg3: memref<64x8192xf32, #tpu.memory_space<vmem>>, %arg4: memref<1x8192xf32, #tpu.memory_space<vmem>>, %arg5: memref<8192x64xf32, #tpu.memory_space<vmem>>, %arg6: memref<8x64xf32, #tpu.memory_space<vmem>>, %arg7: memref<64x2048xf32, #tpu.memory_space<vmem>>, %arg8: memref<1x2048xf32, #tpu.memory_space<vmem>>, %arg9: memref<2048x1024xf32, #tpu.memory_space<vmem>>, %arg10: memref<1x1024xf32, #tpu.memory_space<vmem>>, %arg11: memref<1x1024x8x128xf32, #tpu.memory_space<vmem>>) attributes {dimension_semantics = [#tpu.dimension_semantics<arbitrary>], iteration_bounds = array<i64: 4>, scalar_prefetch = 0 : i64, scratch_operands = 0 : i64, tpu.core_type = #tpu.core_type<tc>, window_params = [{transform_indices = @transform_0, window_bounds = array<i64: 1024, 64>}, {transform_indices = @transform_1, window_bounds = array<i64: 8, 1024>}, {pipeline_mode = #tpu.pipeline_mode<synchronous>, transform_indices = @transform_2, window_bounds = array<i64: 64, 8192>}, {pipeline_mode = #tpu.pipeline_mode<synchronous>, transform_indices = @transform_3, window_bounds = array<i64: 1, 8192>}, {pipeline_mode = #tpu.pipeline_mode<synchronous>, transform_indices = @transform_4, window_bounds = array<i64: 8192, 64>}, {pipeline_mode = #tpu.pipeline_mode<synchronous>, transform_indices = @transform_5, window_bounds = array<i64: 8, 64>}, {pipeline_mode = #tpu.pipeline_mode<synchronous>, transform_indices = @transform_6, window_bounds = array<i64: 64, 2048>}, {pipeline_mode = #tpu.pipeline_mode<synchronous>, transform_indices = @transform_7, window_bounds = array<i64: 1, 2048>}, {pipeline_mode = #tpu.pipeline_mode<synchronous>, transform_indices = @transform_8, window_bounds = array<i64: 2048, 1024>}, {pipeline_mode = #tpu.pipeline_mode<synchronous>, transform_indices = @transform_9, window_bounds = array<i64: 1, 1024>}, {transform_indices = @transform_10, window_bounds = array<i64: 1, 1024, 8, 128>}]} {
    %get3A = arith.constant 0 : index
    %get3A_0 = arith.constant 0 : index
    %get3A_1 = vector.load %arg1[%get3A, %get3A_0] : memref<1024x64xf32, #tpu.memory_space<vmem>>, vector<1024x64xf32>
    %get3A_2 = arith.constant 0 : index
    %get3A_3 = arith.constant 0 : index
    %get3A_4 = vector.load %arg2[%get3A_2, %get3A_3] : memref<8x1024xf32, #tpu.memory_space<vmem>>, vector<8x1024xf32>
    %transpose3A = tpu.transpose %get3A_4, [1, 0] : vector<8x1024xf32> -> vector<1024x8xf32>
    %get3A_5 = arith.constant 0 : index
    %get3A_6 = arith.constant 0 : index
    %get3A_7 = vector.load %arg6[%get3A_5, %get3A_6] : memref<8x64xf32, #tpu.memory_space<vmem>>, vector<8x64xf32>
    %dot_general3A = arith.constant dense<0.000000e+00> : vector<1024x64xf32>
    %dot_general3A_8 = tpu.matmul %transpose3A, %get3A_7, %dot_general3A {dimension_numbers = #tpu.dot_dimension_numbers<[1], [0], [0], [1], [0, 0, 1, 1], [], []>, transpose_lhs_hint = false} : vector<1024x8xf32>, vector<8x64xf32>, vector<1024x64xf32> -> vector<1024x64xf32>
    %get3A_9 = arith.constant 0 : index
    %get3A_10 = arith.constant 0 : index
    %get3A_11 = vector.load %arg3[%get3A_9, %get3A_10] : memref<64x8192xf32, #tpu.memory_space<vmem>>, vector<64x1024xf32>
    %dot_general3A_12 = arith.constant dense<0.000000e+00> : vector<1024x1024xf32>
    %dot_general3A_13 = tpu.matmul %get3A_1, %get3A_11, %dot_general3A_12 {dimension_numbers = #tpu.dot_dimension_numbers<[1], [0], [0], [1], [0, 0, 1, 1], [], []>, transpose_lhs_hint = false} : vector<1024x64xf32>, vector<64x1024xf32>, vector<1024x1024xf32> -> vector<1024x1024xf32>
    %get3A_14 = arith.constant 0 : index
    %get3A_15 = arith.constant 0 : index
    %get3A_16 = vector.load %arg4[%get3A_14, %get3A_15] : memref<1x8192xf32, #tpu.memory_space<vmem>>, vector<1x1024xf32>
    %add3A = vector.broadcast %get3A_16 : vector<1x1024xf32> to vector<1024x1024xf32>
    %add3A_17 = arith.addf %dot_general3A_13, %add3A : vector<1024x1024xf32>
    %max3A = arith.constant 0.000000e+00 : f32
    %max3A_18 = vector.broadcast %max3A : f32 to vector<1024x1024xf32>
    %max3A_19 = arith.maximumf %add3A_17, %max3A_18 : vector<1024x1024xf32>
    %slice3A = vector.extract_strided_slice %transpose3A {offsets = [0, 0], sizes = [1024, 1], strides = [1, 1]} : vector<1024x8xf32> to vector<1024x1xf32>
    %get3A_20 = arith.constant 0 : index
    %get3A_21 = arith.constant 0 : index
    %get3A_22 = vector.load %arg5[%get3A_20, %get3A_21] : memref<8192x64xf32, #tpu.memory_space<vmem>>, vector<1024x64xf32>
    %dot_general3A_23 = arith.constant dense<0.000000e+00> : vector<1024x64xf32>
    %dot_general3A_24 = tpu.matmul %max3A_19, %get3A_22, %dot_general3A_23 {dimension_numbers = #tpu.dot_dimension_numbers<[1], [0], [0], [1], [0, 0, 1, 1], [], []>, transpose_lhs_hint = false} : vector<1024x1024xf32>, vector<1024x64xf32>, vector<1024x64xf32> -> vector<1024x64xf32>
    %mul3A = vector.broadcast %slice3A : vector<1024x1xf32> to vector<1024x64xf32>
    %mul3A_25 = arith.mulf %mul3A, %dot_general3A_24 : vector<1024x64xf32>
    %add3A_26 = arith.addf %dot_general3A_8, %mul3A_25 : vector<1024x64xf32>
    %get3A_27 = arith.constant 0 : index
    %get3A_28 = arith.constant 1024 : index
    %get3A_29 = vector.load %arg3[%get3A_27, %get3A_28] : memref<64x8192xf32, #tpu.memory_space<vmem>>, vector<64x1024xf32>
    %dot_general3A_30 = arith.constant dense<0.000000e+00> : vector<1024x1024xf32>
    %dot_general3A_31 = tpu.matmul %get3A_1, %get3A_29, %dot_general3A_30 {dimension_numbers = #tpu.dot_dimension_numbers<[1], [0], [0], [1], [0, 0, 1, 1], [], []>, transpose_lhs_hint = false} : vector<1024x64xf32>, vector<64x1024xf32>, vector<1024x1024xf32> -> vector<1024x1024xf32>
    %get3A_32 = arith.constant 0 : index
    %get3A_33 = arith.constant 1024 : index
    %get3A_34 = vector.load %arg4[%get3A_32, %get3A_33] : memref<1x8192xf32, #tpu.memory_space<vmem>>, vector<1x1024xf32>
    %add3A_35 = vector.broadcast %get3A_34 : vector<1x1024xf32> to vector<1024x1024xf32>
    %add3A_36 = arith.addf %dot_general3A_31, %add3A_35 : vector<1024x1024xf32>
    %max3A_37 = arith.constant 0.000000e+00 : f32
    %max3A_38 = vector.broadcast %max3A_37 : f32 to vector<1024x1024xf32>
    %max3A_39 = arith.maximumf %add3A_36, %max3A_38 : vector<1024x1024xf32>
    %slice3A_40 = vector.extract_strided_slice %transpose3A {offsets = [0, 1], sizes = [1024, 1], strides = [1, 1]} : vector<1024x8xf32> to vector<1024x1xf32>
    %get3A_41 = arith.constant 1024 : index
    %get3A_42 = arith.constant 0 : index
    %get3A_43 = vector.load %arg5[%get3A_41, %get3A_42] : memref<8192x64xf32, #tpu.memory_space<vmem>>, vector<1024x64xf32>
    %dot_general3A_44 = arith.constant dense<0.000000e+00> : vector<1024x64xf32>
    %dot_general3A_45 = tpu.matmul %max3A_39, %get3A_43, %dot_general3A_44 {dimension_numbers = #tpu.dot_dimension_numbers<[1], [0], [0], [1], [0, 0, 1, 1], [], []>, transpose_lhs_hint = false} : vector<1024x1024xf32>, vector<1024x64xf32>, vector<1024x64xf32> -> vector<1024x64xf32>
    %mul3A_46 = vector.broadcast %slice3A_40 : vector<1024x1xf32> to vector<1024x64xf32>
    %mul3A_47 = arith.mulf %mul3A_46, %dot_general3A_45 : vector<1024x64xf32>
    %add3A_48 = arith.addf %add3A_26, %mul3A_47 : vector<1024x64xf32>
    %get3A_49 = arith.constant 0 : index
    %get3A_50 = arith.constant 2048 : index
    %get3A_51 = vector.load %arg3[%get3A_49, %get3A_50] : memref<64x8192xf32, #tpu.memory_space<vmem>>, vector<64x1024xf32>
    %dot_general3A_52 = arith.constant dense<0.000000e+00> : vector<1024x1024xf32>
    %dot_general3A_53 = tpu.matmul %get3A_1, %get3A_51, %dot_general3A_52 {dimension_numbers = #tpu.dot_dimension_numbers<[1], [0], [0], [1], [0, 0, 1, 1], [], []>, transpose_lhs_hint = false} : vector<1024x64xf32>, vector<64x1024xf32>, vector<1024x1024xf32> -> vector<1024x1024xf32>
    %get3A_54 = arith.constant 0 : index
    %get3A_55 = arith.constant 2048 : index
    %get3A_56 = vector.load %arg4[%get3A_54, %get3A_55] : memref<1x8192xf32, #tpu.memory_space<vmem>>, vector<1x1024xf32>
    %add3A_57 = vector.broadcast %get3A_56 : vector<1x1024xf32> to vector<1024x1024xf32>
    %add3A_58 = arith.addf %dot_general3A_53, %add3A_57 : vector<1024x1024xf32>
    %max3A_59 = arith.constant 0.000000e+00 : f32
    %max3A_60 = vector.broadcast %max3A_59 : f32 to vector<1024x1024xf32>
    %max3A_61 = arith.maximumf %add3A_58, %max3A_60 : vector<1024x1024xf32>
    %slice3A_62 = vector.extract_strided_slice %transpose3A {offsets = [0, 2], sizes = [1024, 1], strides = [1, 1]} : vector<1024x8xf32> to vector<1024x1xf32>
    %get3A_63 = arith.constant 2048 : index
    %get3A_64 = arith.constant 0 : index
    %get3A_65 = vector.load %arg5[%get3A_63, %get3A_64] : memref<8192x64xf32, #tpu.memory_space<vmem>>, vector<1024x64xf32>
    %dot_general3A_66 = arith.constant dense<0.000000e+00> : vector<1024x64xf32>
    %dot_general3A_67 = tpu.matmul %max3A_61, %get3A_65, %dot_general3A_66 {dimension_numbers = #tpu.dot_dimension_numbers<[1], [0], [0], [1], [0, 0, 1, 1], [], []>, transpose_lhs_hint = false} : vector<1024x1024xf32>, vector<1024x64xf32>, vector<1024x64xf32> -> vector<1024x64xf32>
    %mul3A_68 = vector.broadcast %slice3A_62 : vector<1024x1xf32> to vector<1024x64xf32>
    %mul3A_69 = arith.mulf %mul3A_68, %dot_general3A_67 : vector<1024x64xf32>
    %add3A_70 = arith.addf %add3A_48, %mul3A_69 : vector<1024x64xf32>
    %get3A_71 = arith.constant 0 : index
    %get3A_72 = arith.constant 3072 : index
    %get3A_73 = vector.load %arg3[%get3A_71, %get3A_72] : memref<64x8192xf32, #tpu.memory_space<vmem>>, vector<64x1024xf32>
    %dot_general3A_74 = arith.constant dense<0.000000e+00> : vector<1024x1024xf32>
    %dot_general3A_75 = tpu.matmul %get3A_1, %get3A_73, %dot_general3A_74 {dimension_numbers = #tpu.dot_dimension_numbers<[1], [0], [0], [1], [0, 0, 1, 1], [], []>, transpose_lhs_hint = false} : vector<1024x64xf32>, vector<64x1024xf32>, vector<1024x1024xf32> -> vector<1024x1024xf32>
    %get3A_76 = arith.constant 0 : index
    %get3A_77 = arith.constant 3072 : index
    %get3A_78 = vector.load %arg4[%get3A_76, %get3A_77] : memref<1x8192xf32, #tpu.memory_space<vmem>>, vector<1x1024xf32>
    %add3A_79 = vector.broadcast %get3A_78 : vector<1x1024xf32> to vector<1024x1024xf32>
    %add3A_80 = arith.addf %dot_general3A_75, %add3A_79 : vector<1024x1024xf32>
    %max3A_81 = arith.constant 0.000000e+00 : f32
    %max3A_82 = vector.broadcast %max3A_81 : f32 to vector<1024x1024xf32>
    %max3A_83 = arith.maximumf %add3A_80, %max3A_82 : vector<1024x1024xf32>
    %slice3A_84 = vector.extract_strided_slice %transpose3A {offsets = [0, 3], sizes = [1024, 1], strides = [1, 1]} : vector<1024x8xf32> to vector<1024x1xf32>
    %get3A_85 = arith.constant 3072 : index
    %get3A_86 = arith.constant 0 : index
    %get3A_87 = vector.load %arg5[%get3A_85, %get3A_86] : memref<8192x64xf32, #tpu.memory_space<vmem>>, vector<1024x64xf32>
    %dot_general3A_88 = arith.constant dense<0.000000e+00> : vector<1024x64xf32>
    %dot_general3A_89 = tpu.matmul %max3A_83, %get3A_87, %dot_general3A_88 {dimension_numbers = #tpu.dot_dimension_numbers<[1], [0], [0], [1], [0, 0, 1, 1], [], []>, transpose_lhs_hint = false} : vector<1024x1024xf32>, vector<1024x64xf32>, vector<1024x64xf32> -> vector<1024x64xf32>
    %mul3A_90 = vector.broadcast %slice3A_84 : vector<1024x1xf32> to vector<1024x64xf32>
    %mul3A_91 = arith.mulf %mul3A_90, %dot_general3A_89 : vector<1024x64xf32>
    %add3A_92 = arith.addf %add3A_70, %mul3A_91 : vector<1024x64xf32>
    %get3A_93 = arith.constant 0 : index
    %get3A_94 = arith.constant 4096 : index
    %get3A_95 = vector.load %arg3[%get3A_93, %get3A_94] : memref<64x8192xf32, #tpu.memory_space<vmem>>, vector<64x1024xf32>
    %dot_general3A_96 = arith.constant dense<0.000000e+00> : vector<1024x1024xf32>
    %dot_general3A_97 = tpu.matmul %get3A_1, %get3A_95, %dot_general3A_96 {dimension_numbers = #tpu.dot_dimension_numbers<[1], [0], [0], [1], [0, 0, 1, 1], [], []>, transpose_lhs_hint = false} : vector<1024x64xf32>, vector<64x1024xf32>, vector<1024x1024xf32> -> vector<1024x1024xf32>
    %get3A_98 = arith.constant 0 : index
    %get3A_99 = arith.constant 4096 : index
    %get3A_100 = vector.load %arg4[%get3A_98, %get3A_99] : memref<1x8192xf32, #tpu.memory_space<vmem>>, vector<1x1024xf32>
    %add3A_101 = vector.broadcast %get3A_100 : vector<1x1024xf32> to vector<1024x1024xf32>
    %add3A_102 = arith.addf %dot_general3A_97, %add3A_101 : vector<1024x1024xf32>
    %max3A_103 = arith.constant 0.000000e+00 : f32
    %max3A_104 = vector.broadcast %max3A_103 : f32 to vector<1024x1024xf32>
    %max3A_105 = arith.maximumf %add3A_102, %max3A_104 : vector<1024x1024xf32>
    %slice3A_106 = vector.extract_strided_slice %transpose3A {offsets = [0, 4], sizes = [1024, 1], strides = [1, 1]} : vector<1024x8xf32> to vector<1024x1xf32>
    %get3A_107 = arith.constant 4096 : index
    %get3A_108 = arith.constant 0 : index
    %get3A_109 = vector.load %arg5[%get3A_107, %get3A_108] : memref<8192x64xf32, #tpu.memory_space<vmem>>, vector<1024x64xf32>
    %dot_general3A_110 = arith.constant dense<0.000000e+00> : vector<1024x64xf32>
    %dot_general3A_111 = tpu.matmul %max3A_105, %get3A_109, %dot_general3A_110 {dimension_numbers = #tpu.dot_dimension_numbers<[1], [0], [0], [1], [0, 0, 1, 1], [], []>, transpose_lhs_hint = false} : vector<1024x1024xf32>, vector<1024x64xf32>, vector<1024x64xf32> -> vector<1024x64xf32>
    %mul3A_112 = vector.broadcast %slice3A_106 : vector<1024x1xf32> to vector<1024x64xf32>
    %mul3A_113 = arith.mulf %mul3A_112, %dot_general3A_111 : vector<1024x64xf32>
    %add3A_114 = arith.addf %add3A_92, %mul3A_113 : vector<1024x64xf32>
    %get3A_115 = arith.constant 0 : index
    %get3A_116 = arith.constant 5120 : index
    %get3A_117 = vector.load %arg3[%get3A_115, %get3A_116] : memref<64x8192xf32, #tpu.memory_space<vmem>>, vector<64x1024xf32>
    %dot_general3A_118 = arith.constant dense<0.000000e+00> : vector<1024x1024xf32>
    %dot_general3A_119 = tpu.matmul %get3A_1, %get3A_117, %dot_general3A_118 {dimension_numbers = #tpu.dot_dimension_numbers<[1], [0], [0], [1], [0, 0, 1, 1], [], []>, transpose_lhs_hint = false} : vector<1024x64xf32>, vector<64x1024xf32>, vector<1024x1024xf32> -> vector<1024x1024xf32>
    %get3A_120 = arith.constant 0 : index
    %get3A_121 = arith.constant 5120 : index
    %get3A_122 = vector.load %arg4[%get3A_120, %get3A_121] : memref<1x8192xf32, #tpu.memory_space<vmem>>, vector<1x1024xf32>
    %add3A_123 = vector.broadcast %get3A_122 : vector<1x1024xf32> to vector<1024x1024xf32>
    %add3A_124 = arith.addf %dot_general3A_119, %add3A_123 : vector<1024x1024xf32>
    %max3A_125 = arith.constant 0.000000e+00 : f32
    %max3A_126 = vector.broadcast %max3A_125 : f32 to vector<1024x1024xf32>
    %max3A_127 = arith.maximumf %add3A_124, %max3A_126 : vector<1024x1024xf32>
    %slice3A_128 = vector.extract_strided_slice %transpose3A {offsets = [0, 5], sizes = [1024, 1], strides = [1, 1]} : vector<1024x8xf32> to vector<1024x1xf32>
    %get3A_129 = arith.constant 5120 : index
    %get3A_130 = arith.constant 0 : index
    %get3A_131 = vector.load %arg5[%get3A_129, %get3A_130] : memref<8192x64xf32, #tpu.memory_space<vmem>>, vector<1024x64xf32>
    %dot_general3A_132 = arith.constant dense<0.000000e+00> : vector<1024x64xf32>
    %dot_general3A_133 = tpu.matmul %max3A_127, %get3A_131, %dot_general3A_132 {dimension_numbers = #tpu.dot_dimension_numbers<[1], [0], [0], [1], [0, 0, 1, 1], [], []>, transpose_lhs_hint = false} : vector<1024x1024xf32>, vector<1024x64xf32>, vector<1024x64xf32> -> vector<1024x64xf32>
    %mul3A_134 = vector.broadcast %slice3A_128 : vector<1024x1xf32> to vector<1024x64xf32>
    %mul3A_135 = arith.mulf %mul3A_134, %dot_general3A_133 : vector<1024x64xf32>
    %add3A_136 = arith.addf %add3A_114, %mul3A_135 : vector<1024x64xf32>
    %get3A_137 = arith.constant 0 : index
    %get3A_138 = arith.constant 6144 : index
    %get3A_139 = vector.load %arg3[%get3A_137, %get3A_138] : memref<64x8192xf32, #tpu.memory_space<vmem>>, vector<64x1024xf32>
    %dot_general3A_140 = arith.constant dense<0.000000e+00> : vector<1024x1024xf32>
    %dot_general3A_141 = tpu.matmul %get3A_1, %get3A_139, %dot_general3A_140 {dimension_numbers = #tpu.dot_dimension_numbers<[1], [0], [0], [1], [0, 0, 1, 1], [], []>, transpose_lhs_hint = false} : vector<1024x64xf32>, vector<64x1024xf32>, vector<1024x1024xf32> -> vector<1024x1024xf32>
    %get3A_142 = arith.constant 0 : index
    %get3A_143 = arith.constant 6144 : index
    %get3A_144 = vector.load %arg4[%get3A_142, %get3A_143] : memref<1x8192xf32, #tpu.memory_space<vmem>>, vector<1x1024xf32>
    %add3A_145 = vector.broadcast %get3A_144 : vector<1x1024xf32> to vector<1024x1024xf32>
    %add3A_146 = arith.addf %dot_general3A_141, %add3A_145 : vector<1024x1024xf32>
    %max3A_147 = arith.constant 0.000000e+00 : f32
    %max3A_148 = vector.broadcast %max3A_147 : f32 to vector<1024x1024xf32>
    %max3A_149 = arith.maximumf %add3A_146, %max3A_148 : vector<1024x1024xf32>
    %slice3A_150 = vector.extract_strided_slice %transpose3A {offsets = [0, 6], sizes = [1024, 1], strides = [1, 1]} : vector<1024x8xf32> to vector<1024x1xf32>
    %get3A_151 = arith.constant 6144 : index
    %get3A_152 = arith.constant 0 : index
    %get3A_153 = vector.load %arg5[%get3A_151, %get3A_152] : memref<8192x64xf32, #tpu.memory_space<vmem>>, vector<1024x64xf32>
    %dot_general3A_154 = arith.constant dense<0.000000e+00> : vector<1024x64xf32>
    %dot_general3A_155 = tpu.matmul %max3A_149, %get3A_153, %dot_general3A_154 {dimension_numbers = #tpu.dot_dimension_numbers<[1], [0], [0], [1], [0, 0, 1, 1], [], []>, transpose_lhs_hint = false} : vector<1024x1024xf32>, vector<1024x64xf32>, vector<1024x64xf32> -> vector<1024x64xf32>
    %mul3A_156 = vector.broadcast %slice3A_150 : vector<1024x1xf32> to vector<1024x64xf32>
    %mul3A_157 = arith.mulf %mul3A_156, %dot_general3A_155 : vector<1024x64xf32>
    %add3A_158 = arith.addf %add3A_136, %mul3A_157 : vector<1024x64xf32>
    %get3A_159 = arith.constant 0 : index
    %get3A_160 = arith.constant 7168 : index
    %get3A_161 = vector.load %arg3[%get3A_159, %get3A_160] : memref<64x8192xf32, #tpu.memory_space<vmem>>, vector<64x1024xf32>
    %dot_general3A_162 = arith.constant dense<0.000000e+00> : vector<1024x1024xf32>
    %dot_general3A_163 = tpu.matmul %get3A_1, %get3A_161, %dot_general3A_162 {dimension_numbers = #tpu.dot_dimension_numbers<[1], [0], [0], [1], [0, 0, 1, 1], [], []>, transpose_lhs_hint = false} : vector<1024x64xf32>, vector<64x1024xf32>, vector<1024x1024xf32> -> vector<1024x1024xf32>
    %get3A_164 = arith.constant 0 : index
    %get3A_165 = arith.constant 7168 : index
    %get3A_166 = vector.load %arg4[%get3A_164, %get3A_165] : memref<1x8192xf32, #tpu.memory_space<vmem>>, vector<1x1024xf32>
    %add3A_167 = vector.broadcast %get3A_166 : vector<1x1024xf32> to vector<1024x1024xf32>
    %add3A_168 = arith.addf %dot_general3A_163, %add3A_167 : vector<1024x1024xf32>
    %max3A_169 = arith.constant 0.000000e+00 : f32
    %max3A_170 = vector.broadcast %max3A_169 : f32 to vector<1024x1024xf32>
    %max3A_171 = arith.maximumf %add3A_168, %max3A_170 : vector<1024x1024xf32>
    %slice3A_172 = vector.extract_strided_slice %transpose3A {offsets = [0, 7], sizes = [1024, 1], strides = [1, 1]} : vector<1024x8xf32> to vector<1024x1xf32>
    %get3A_173 = arith.constant 7168 : index
    %get3A_174 = arith.constant 0 : index
    %get3A_175 = vector.load %arg5[%get3A_173, %get3A_174] : memref<8192x64xf32, #tpu.memory_space<vmem>>, vector<1024x64xf32>
    %dot_general3A_176 = arith.constant dense<0.000000e+00> : vector<1024x64xf32>
    %dot_general3A_177 = tpu.matmul %max3A_171, %get3A_175, %dot_general3A_176 {dimension_numbers = #tpu.dot_dimension_numbers<[1], [0], [0], [1], [0, 0, 1, 1], [], []>, transpose_lhs_hint = false} : vector<1024x1024xf32>, vector<1024x64xf32>, vector<1024x64xf32> -> vector<1024x64xf32>
    %mul3A_178 = vector.broadcast %slice3A_172 : vector<1024x1xf32> to vector<1024x64xf32>
    %mul3A_179 = arith.mulf %mul3A_178, %dot_general3A_177 : vector<1024x64xf32>
    %add3A_180 = arith.addf %add3A_158, %mul3A_179 : vector<1024x64xf32>
    %get3A_181 = arith.constant 0 : index
    %get3A_182 = arith.constant 0 : index
    %get3A_183 = vector.load %arg7[%get3A_181, %get3A_182] : memref<64x2048xf32, #tpu.memory_space<vmem>>, vector<64x2048xf32>
    %dot_general3A_184 = arith.constant dense<0.000000e+00> : vector<1024x2048xf32>
    %dot_general3A_185 = tpu.matmul %add3A_180, %get3A_183, %dot_general3A_184 {dimension_numbers = #tpu.dot_dimension_numbers<[1], [0], [0], [1], [0, 0, 1, 1], [], []>, transpose_lhs_hint = false} : vector<1024x64xf32>, vector<64x2048xf32>, vector<1024x2048xf32> -> vector<1024x2048xf32>
    %get3A_186 = arith.constant 0 : index
    %get3A_187 = arith.constant 0 : index
    %get3A_188 = vector.load %arg8[%get3A_186, %get3A_187] : memref<1x2048xf32, #tpu.memory_space<vmem>>, vector<1x2048xf32>
    %add3A_189 = vector.broadcast %get3A_188 : vector<1x2048xf32> to vector<1024x2048xf32>
    %add3A_190 = arith.addf %dot_general3A_185, %add3A_189 : vector<1024x2048xf32>
    %logistic3A = arith.negf %add3A_190 : vector<1024x2048xf32>
    %logistic3A_191 = math.exp %logistic3A : vector<1024x2048xf32>
    %logistic3A_192 = arith.constant 1.000000e+00 : f32
    %logistic3A_193 = vector.broadcast %logistic3A_192 : f32 to vector<1024x2048xf32>
    %logistic3A_194 = arith.addf %logistic3A_193, %logistic3A_191 : vector<1024x2048xf32>
    %logistic3A_195 = arith.divf %logistic3A_193, %logistic3A_194 : vector<1024x2048xf32>
    %get3A_196 = arith.constant 0 : index
    %get3A_197 = arith.constant 0 : index
    %get3A_198 = vector.load %arg9[%get3A_196, %get3A_197] : memref<2048x1024xf32, #tpu.memory_space<vmem>>, vector<2048x1024xf32>
    %dot_general3A_199 = arith.constant dense<0.000000e+00> : vector<1024x1024xf32>
    %dot_general3A_200 = tpu.matmul %logistic3A_195, %get3A_198, %dot_general3A_199 {dimension_numbers = #tpu.dot_dimension_numbers<[1], [0], [0], [1], [0, 0, 1, 1], [], []>, transpose_lhs_hint = false} : vector<1024x2048xf32>, vector<2048x1024xf32>, vector<1024x1024xf32> -> vector<1024x1024xf32>
    %get3A_201 = arith.constant 0 : index
    %get3A_202 = arith.constant 0 : index
    %get3A_203 = vector.load %arg10[%get3A_201, %get3A_202] : memref<1x1024xf32, #tpu.memory_space<vmem>>, vector<1x1024xf32>
    %add3A_204 = vector.broadcast %get3A_203 : vector<1x1024xf32> to vector<1024x1024xf32>
    %add3A_205 = arith.addf %dot_general3A_200, %add3A_204 : vector<1024x1024xf32>
    %mul3A_206 = arith.constant 2.000000e+00 : f32
    %mul3A_207 = vector.broadcast %mul3A_206 : f32 to vector<1024x1024xf32>
    %mul3A_208 = arith.mulf %mul3A_207, %add3A_205 : vector<1024x1024xf32>
    %slice3A_209 = vector.extract_strided_slice %mul3A_208 {offsets = [0, 0], sizes = [1024, 128], strides = [1, 1]} : vector<1024x1024xf32> to vector<1024x128xf32>
    %swap3A = arith.constant 0 : index
    %swap3A_210 = arith.constant 0 : index
    %swap3A_211 = arith.constant 0 : index
    %swap3A_212 = arith.constant 0 : index
    %swap3A_213 = vector.load %arg11[%swap3A, %swap3A_210, %swap3A_211, %swap3A_212] : memref<1x1024x8x128xf32, #tpu.memory_space<vmem>>, vector<1x1024x1x128xf32>
    %swap3A_214 = vector.shape_cast %swap3A_213 : vector<1x1024x1x128xf32> to vector<1024x128xf32>
    %swap3A_215 = vector.shape_cast %slice3A_209 : vector<1024x128xf32> to vector<1x1024x1x128xf32>
    tpu.vector_store %arg11[%swap3A, %swap3A_210, %swap3A_211, %swap3A_212], %swap3A_215 {strides = array<i32>} : memref<1x1024x8x128xf32, #tpu.memory_space<vmem>>, vector<1x1024x1x128xf32>,
    %slice3A_216 = vector.extract_strided_slice %mul3A_208 {offsets = [0, 128], sizes = [1024, 128], strides = [1, 1]} : vector<1024x1024xf32> to vector<1024x128xf32>
    %swap3A_217 = arith.constant 0 : index
    %swap3A_218 = arith.constant 0 : index
    %swap3A_219 = arith.constant 1 : index
    %swap3A_220 = arith.constant 0 : index
    %swap3A_221 = vector.load %arg11[%swap3A_217, %swap3A_218, %swap3A_219, %swap3A_220] : memref<1x1024x8x128xf32, #tpu.memory_space<vmem>>, vector<1x1024x1x128xf32>
    %swap3A_222 = vector.shape_cast %swap3A_221 : vector<1x1024x1x128xf32> to vector<1024x128xf32>
    %swap3A_223 = vector.shape_cast %slice3A_216 : vector<1024x128xf32> to vector<1x1024x1x128xf32>
    tpu.vector_store %arg11[%swap3A_217, %swap3A_218, %swap3A_219, %swap3A_220], %swap3A_223 {strides = array<i32>} : memref<1x1024x8x128xf32, #tpu.memory_space<vmem>>, vector<1x1024x1x128xf32>,
    %slice3A_224 = vector.extract_strided_slice %mul3A_208 {offsets = [0, 256], sizes = [1024, 128], strides = [1, 1]} : vector<1024x1024xf32> to vector<1024x128xf32>
    %swap3A_225 = arith.constant 0 : index
    %swap3A_226 = arith.constant 0 : index
    %swap3A_227 = arith.constant 2 : index
    %swap3A_228 = arith.constant 0 : index
    %swap3A_229 = vector.load %arg11[%swap3A_225, %swap3A_226, %swap3A_227, %swap3A_228] : memref<1x1024x8x128xf32, #tpu.memory_space<vmem>>, vector<1x1024x1x128xf32>
    %swap3A_230 = vector.shape_cast %swap3A_229 : vector<1x1024x1x128xf32> to vector<1024x128xf32>
    %swap3A_231 = vector.shape_cast %slice3A_224 : vector<1024x128xf32> to vector<1x1024x1x128xf32>
    tpu.vector_store %arg11[%swap3A_225, %swap3A_226, %swap3A_227, %swap3A_228], %swap3A_231 {strides = array<i32>} : memref<1x1024x8x128xf32, #tpu.memory_space<vmem>>, vector<1x1024x1x128xf32>,
    %slice3A_232 = vector.extract_strided_slice %mul3A_208 {offsets = [0, 384], sizes = [1024, 128], strides = [1, 1]} : vector<1024x1024xf32> to vector<1024x128xf32>
    %swap3A_233 = arith.constant 0 : index
    %swap3A_234 = arith.constant 0 : index
    %swap3A_235 = arith.constant 3 : index
    %swap3A_236 = arith.constant 0 : index
    %swap3A_237 = vector.load %arg11[%swap3A_233, %swap3A_234, %swap3A_235, %swap3A_236] : memref<1x1024x8x128xf32, #tpu.memory_space<vmem>>, vector<1x1024x1x128xf32>
    %swap3A_238 = vector.shape_cast %swap3A_237 : vector<1x1024x1x128xf32> to vector<1024x128xf32>
    %swap3A_239 = vector.shape_cast %slice3A_232 : vector<1024x128xf32> to vector<1x1024x1x128xf32>
    tpu.vector_store %arg11[%swap3A_233, %swap3A_234, %swap3A_235, %swap3A_236], %swap3A_239 {strides = array<i32>} : memref<1x1024x8x128xf32, #tpu.memory_space<vmem>>, vector<1x1024x1x128xf32>,
    %slice3A_240 = vector.extract_strided_slice %mul3A_208 {offsets = [0, 512], sizes = [1024, 128], strides = [1, 1]} : vector<1024x1024xf32> to vector<1024x128xf32>
    %swap3A_241 = arith.constant 0 : index
    %swap3A_242 = arith.constant 0 : index
    %swap3A_243 = arith.constant 4 : index
    %swap3A_244 = arith.constant 0 : index
    %swap3A_245 = vector.load %arg11[%swap3A_241, %swap3A_242, %swap3A_243, %swap3A_244] : memref<1x1024x8x128xf32, #tpu.memory_space<vmem>>, vector<1x1024x1x128xf32>
    %swap3A_246 = vector.shape_cast %swap3A_245 : vector<1x1024x1x128xf32> to vector<1024x128xf32>
    %swap3A_247 = vector.shape_cast %slice3A_240 : vector<1024x128xf32> to vector<1x1024x1x128xf32>
    tpu.vector_store %arg11[%swap3A_241, %swap3A_242, %swap3A_243, %swap3A_244], %swap3A_247 {strides = array<i32>} : memref<1x1024x8x128xf32, #tpu.memory_space<vmem>>, vector<1x1024x1x128xf32>,
    %slice3A_248 = vector.extract_strided_slice %mul3A_208 {offsets = [0, 640], sizes = [1024, 128], strides = [1, 1]} : vector<1024x1024xf32> to vector<1024x128xf32>
    %swap3A_249 = arith.constant 0 : index
    %swap3A_250 = arith.constant 0 : index
    %swap3A_251 = arith.constant 5 : index
    %swap3A_252 = arith.constant 0 : index
    %swap3A_253 = vector.load %arg11[%swap3A_249, %swap3A_250, %swap3A_251, %swap3A_252] : memref<1x1024x8x128xf32, #tpu.memory_space<vmem>>, vector<1x1024x1x128xf32>
    %swap3A_254 = vector.shape_cast %swap3A_253 : vector<1x1024x1x128xf32> to vector<1024x128xf32>
    %swap3A_255 = vector.shape_cast %slice3A_248 : vector<1024x128xf32> to vector<1x1024x1x128xf32>
    tpu.vector_store %arg11[%swap3A_249, %swap3A_250, %swap3A_251, %swap3A_252], %swap3A_255 {strides = array<i32>} : memref<1x1024x8x128xf32, #tpu.memory_space<vmem>>, vector<1x1024x1x128xf32>,
    %slice3A_256 = vector.extract_strided_slice %mul3A_208 {offsets = [0, 768], sizes = [1024, 128], strides = [1, 1]} : vector<1024x1024xf32> to vector<1024x128xf32>
    %swap3A_257 = arith.constant 0 : index
    %swap3A_258 = arith.constant 0 : index
    %swap3A_259 = arith.constant 6 : index
    %swap3A_260 = arith.constant 0 : index
    %swap3A_261 = vector.load %arg11[%swap3A_257, %swap3A_258, %swap3A_259, %swap3A_260] : memref<1x1024x8x128xf32, #tpu.memory_space<vmem>>, vector<1x1024x1x128xf32>
    %swap3A_262 = vector.shape_cast %swap3A_261 : vector<1x1024x1x128xf32> to vector<1024x128xf32>
    %swap3A_263 = vector.shape_cast %slice3A_256 : vector<1024x128xf32> to vector<1x1024x1x128xf32>
    tpu.vector_store %arg11[%swap3A_257, %swap3A_258, %swap3A_259, %swap3A_260], %swap3A_263 {strides = array<i32>} : memref<1x1024x8x128xf32, #tpu.memory_space<vmem>>, vector<1x1024x1x128xf32>,
    %slice3A_264 = vector.extract_strided_slice %mul3A_208 {offsets = [0, 896], sizes = [1024, 128], strides = [1, 1]} : vector<1024x1024xf32> to vector<1024x128xf32>
    %swap3A_265 = arith.constant 0 : index
    %swap3A_266 = arith.constant 0 : index
    %swap3A_267 = arith.constant 7 : index
    %swap3A_268 = arith.constant 0 : index
    %swap3A_269 = vector.load %arg11[%swap3A_265, %swap3A_266, %swap3A_267, %swap3A_268] : memref<1x1024x8x128xf32, #tpu.memory_space<vmem>>, vector<1x1024x1x128xf32>
    %swap3A_270 = vector.shape_cast %swap3A_269 : vector<1x1024x1x128xf32> to vector<1024x128xf32>
    %swap3A_271 = vector.shape_cast %slice3A_264 : vector<1024x128xf32> to vector<1x1024x1x128xf32>
    tpu.vector_store %arg11[%swap3A_265, %swap3A_266, %swap3A_267, %swap3A_268], %swap3A_271 {strides = array<i32>} : memref<1x1024x8x128xf32, #tpu.memory_space<vmem>>, vector<1x1024x1x128xf32>,
    return
  }
  func.func @transform_0(%arg0: i32) -> (i32, i32) {
    %c0_i32 = arith.constant 0 : i32
    %c0_i32_0 = arith.constant 0 : i32
    return %arg0, %c0_i32 : i32, i32
  }
  func.func @transform_1(%arg0: i32) -> (i32, i32) {
    %c0_i32 = arith.constant 0 : i32
    %c0_i32_0 = arith.constant 0 : i32
    return %c0_i32, %arg0 : i32, i32
  }
  func.func @transform_2(%arg0: i32) -> (i32, i32) {
    %c0_i32 = arith.constant 0 : i32
    %c0_i32_0 = arith.constant 0 : i32
    %c0_i32_1 = arith.constant 0 : i32
    return %c0_i32, %c0_i32_0 : i32, i32
  }
  func.func @transform_3(%arg0: i32) -> (i32, i32) {
    %c0_i32 = arith.constant 0 : i32
    %c0_i32_0 = arith.constant 0 : i32
    %c0_i32_1 = arith.constant 0 : i32
    return %c0_i32, %c0_i32_0 : i32, i32
  }
  func.func @transform_4(%arg0: i32) -> (i32, i32) {
    %c0_i32 = arith.constant 0 : i32
    %c0_i32_0 = arith.constant 0 : i32
    %c0_i32_1 = arith.constant 0 : i32
    return %c0_i32, %c0_i32_0 : i32, i32
  }
  func.func @transform_5(%arg0: i32) -> (i32, i32) {
    %c0_i32 = arith.constant 0 : i32
    %c0_i32_0 = arith.constant 0 : i32
    %c0_i32_1 = arith.constant 0 : i32
    return %c0_i32, %c0_i32_0 : i32, i32
  }
  func.func @transform_6(%arg0: i32) -> (i32, i32) {
    %c0_i32 = arith.constant 0 : i32
    %c0_i32_0 = arith.constant 0 : i32
    %c0_i32_1 = arith.constant 0 : i32
    return %c0_i32, %c0_i32_0 : i32, i32
  }
  func.func @transform_7(%arg0: i32) -> (i32, i32) {
    %c0_i32 = arith.constant 0 : i32
    %c0_i32_0 = arith.constant 0 : i32
    %c0_i32_1 = arith.constant 0 : i32
    return %c0_i32, %c0_i32_0 : i32, i32
  }
  func.func @transform_8(%arg0: i32) -> (i32, i32) {
    %c0_i32 = arith.constant 0 : i32
    %c0_i32_0 = arith.constant 0 : i32
    %c0_i32_1 = arith.constant 0 : i32
    return %c0_i32, %c0_i32_0 : i32, i32
  }
  func.func @transform_9(%arg0: i32) -> (i32, i32) {
    %c0_i32 = arith.constant 0 : i32
    %c0_i32_0 = arith.constant 0 : i32
    %c0_i32_1 = arith.constant 0 : i32
    return %c0_i32, %c0_i32_0 : i32, i32
  }
  func.func @transform_10(%arg0: i32) -> (i32, i32, i32, i32) {
    %jit3A = arith.constant 2 : i32
    %div3A = arith.divsi %arg0, %jit3A : i32
    %sign3A = arith.constant 0 : i32
    %sign3A_0 = arith.cmpi sgt, %arg0, %sign3A : i32
    %sign3A_1 = arith.extui %sign3A_0 : i1 to i32
    %sign3A_2 = arith.constant 0 : i32
    %sign3A_3 = arith.cmpi slt, %arg0, %sign3A_2 : i32
    %sign3A_4 = arith.extui %sign3A_3 : i1 to i32
    %sign3A_5 = arith.subi %sign3A_1, %sign3A_4 : i32
    %sign3A_6 = arith.constant 0 : i32
    %sign3A_7 = arith.cmpi sgt, %jit3A, %sign3A_6 : i32
    %sign3A_8 = arith.extui %sign3A_7 : i1 to i32
    %sign3A_9 = arith.constant 0 : i32
    %sign3A_10 = arith.cmpi slt, %jit3A, %sign3A_9 : i32
    %sign3A_11 = arith.extui %sign3A_10 : i1 to i32
    %sign3A_12 = arith.subi %sign3A_8, %sign3A_11 : i32
    %ne3A = arith.cmpi ne, %sign3A_5, %sign3A_12 : i32
    %rem3A = arith.remsi %arg0, %jit3A : i32
    %ne3A_13 = arith.constant 0 : i32
    %ne3A_14 = arith.cmpi ne, %rem3A, %ne3A_13 : i32
    %and3A = arith.andi %ne3A, %ne3A_14 : i1
    %sub3A = arith.constant 1 : i32
    %sub3A_15 = arith.subi %div3A, %sub3A : i32
    %select_n3A = arith.select %and3A, %sub3A_15, %div3A : i32
    %jit3A_16 = arith.constant 2 : i32
    %eq3A = arith.constant 0 : i32
    %eq3A_17 = arith.cmpi eq, %jit3A_16, %eq3A : i32
    %jit3A_18 = arith.constant 1 : i32
    %select_n3A_19 = arith.select %eq3A_17, %jit3A_18, %jit3A_16 : i32
    %rem3A_20 = arith.remsi %arg0, %select_n3A_19 : i32
    %ne3A_21 = arith.constant 0 : i32
    %ne3A_22 = arith.cmpi ne, %rem3A_20, %ne3A_21 : i32
    %lt3A = arith.constant 0 : i32
    %lt3A_23 = arith.cmpi slt, %rem3A_20, %lt3A : i32
    %lt3A_24 = arith.constant 0 : i32
    %lt3A_25 = arith.cmpi slt, %select_n3A_19, %lt3A_24 : i32
    %ne3A_26 = arith.xori %lt3A_23, %lt3A_25 : i1
    %and3A_27 = arith.andi %ne3A_26, %ne3A_22 : i1
    %add3A = arith.addi %rem3A_20, %select_n3A_19 : i32
    %select_n3A_28 = arith.select %and3A_27, %add3A, %rem3A_20 : i32
    %c0_i32 = arith.constant 0 : i32
    %c0_i32_29 = arith.constant 0 : i32
    %c0_i32_30 = arith.constant 0 : i32
    return %select_n3A, %select_n3A_28, %c0_i32, %c0_i32_29 : i32, i32, i32, i32
  }
}

module attributes {stable_mosaic.version = 14 : i64} {
  func.func @_gif_kernel(%arg0: i32, %arg1: memref<2x256x8x128xf32, #tpu.memory_space<vmem>>, %arg2: memref<2x256x8x128xf32, #tpu.memory_space<vmem>>, %arg3: memref<2x8x128xf32, #tpu.memory_space<vmem>>) attributes {dimension_semantics = [#tpu.dimension_semantics<arbitrary>], iteration_bounds = array<i64: 8>, scalar_prefetch = 0 : i64, scratch_operands = 1 : i64, tpu.core_type = #tpu.core_type<tc>, window_params = [{transform_indices = @transform_0, window_bounds = array<i64: 2, 256, 8, 128>}, {transform_indices = @transform_1, window_bounds = array<i64: 2, 256, 8, 128>}]} {
    %eq3A = arith.constant 0 : i32
    %eq3A_0 = arith.cmpi eq, %arg0, %eq3A : i32
    %convert_element_type3A = arith.extui %eq3A_0 : i1 to i32
    %cond3A = arith.constant 0 : i32
    %cond3A_1 = arith.cmpi ne, %convert_element_type3A, %cond3A : i32
    scf.if %cond3A_1 {
      %broadcast_in_dim3A = arith.constant 0.000000e+00 : f32
      %broadcast_in_dim3A_13 = vector.broadcast %broadcast_in_dim3A : f32 to vector<2x8x128xf32>
      %swap3A_14 = arith.constant 0 : index
      %swap3A_15 = arith.constant 0 : index
      %swap3A_16 = arith.constant 0 : index
      %swap3A_17 = vector.load %arg3[%swap3A_14, %swap3A_15, %swap3A_16] : memref<2x8x128xf32, #tpu.memory_space<vmem>>, vector<2x8x128xf32>
      tpu.vector_store %arg3[%swap3A_14, %swap3A_15, %swap3A_16], %broadcast_in_dim3A_13 {strides = array<i32>} : memref<2x8x128xf32, #tpu.memory_space<vmem>>, vector<2x8x128xf32>,
    } else {
    }
    %get3A = arith.constant 0 : index
    %get3A_2 = arith.constant 0 : index
    %get3A_3 = arith.constant 0 : index
    %get3A_4 = vector.load %arg3[%get3A, %get3A_2, %get3A_3] : memref<2x8x128xf32, #tpu.memory_space<vmem>>, vector<2x8x128xf32>
    %scan3A = arith.constant 0 : i32
    %scan3A_5 = arith.constant 256 : i32
    %scan3A_6 = arith.addi %scan3A, %scan3A_5 : i32
    %scan3A_7 = arith.constant 8 : i32
    %scan3A_8 = scf.for %scan3A_13 = %scan3A to %scan3A_6 step %scan3A_7 iter_args(%scan3A_14 = %get3A_4) -> (vector<2x8x128xf32>)  : i32 {
      %mul3A = arith.constant 0.899999976 : f32
      %mul3A_15 = vector.broadcast %mul3A : f32 to vector<2x8x128xf32>
      %mul3A_16 = arith.mulf %mul3A_15, %scan3A_14 : vector<2x8x128xf32>
      %get3A_17 = arith.constant 0 : index
      %get3A_18 = arith.index_cast %scan3A_13 : i32 to index
      %get3A_19 = arith.constant 0 : index
      %get3A_20 = arith.constant 0 : index
      %get3A_21 = vector.load %arg1[%get3A_17, %get3A_18, %get3A_19, %get3A_20] : memref<2x256x8x128xf32, #tpu.memory_space<vmem>>, vector<2x1x8x128xf32>
      %get3A_22 = vector.shape_cast %get3A_21 : vector<2x1x8x128xf32> to vector<2x8x128xf32>
      %add3A = arith.addf %mul3A_16, %get3A_22 : vector<2x8x128xf32>
      %sub3A = arith.constant 2.000000e+00 : f32
      %sub3A_23 = vector.broadcast %sub3A : f32 to vector<2x8x128xf32>
      %sub3A_24 = arith.subf %add3A, %sub3A_23 : vector<2x8x128xf32>
      %tanh3A = math.tanh %sub3A_24 : vector<2x8x128xf32>
      %mul3A_25 = arith.constant 5.000000e-01 : f32
      %mul3A_26 = vector.broadcast %mul3A_25 : f32 to vector<2x8x128xf32>
      %mul3A_27 = arith.mulf %mul3A_26, %tanh3A : vector<2x8x128xf32>
      %add3A_28 = arith.constant 5.000000e-01 : f32
      %add3A_29 = vector.broadcast %add3A_28 : f32 to vector<2x8x128xf32>
      %add3A_30 = arith.addf %add3A_29, %mul3A_27 : vector<2x8x128xf32>
      %swap3A_31 = arith.constant 0 : index
      %swap3A_32 = arith.index_cast %scan3A_13 : i32 to index
      %swap3A_33 = arith.constant 0 : index
      %swap3A_34 = arith.constant 0 : index
      %swap3A_35 = vector.load %arg2[%swap3A_31, %swap3A_32, %swap3A_33, %swap3A_34] : memref<2x256x8x128xf32, #tpu.memory_space<vmem>>, vector<2x1x8x128xf32>
      %swap3A_36 = vector.shape_cast %swap3A_35 : vector<2x1x8x128xf32> to vector<2x8x128xf32>
      %swap3A_37 = vector.shape_cast %add3A_30 : vector<2x8x128xf32> to vector<2x1x8x128xf32>
      tpu.vector_store %arg2[%swap3A_31, %swap3A_32, %swap3A_33, %swap3A_34], %swap3A_37 {strides = array<i32>} : memref<2x256x8x128xf32, #tpu.memory_space<vmem>>, vector<2x1x8x128xf32>,
      %mul3A_38 = arith.constant 2.000000e+00 : f32
      %mul3A_39 = vector.broadcast %mul3A_38 : f32 to vector<2x8x128xf32>
      %mul3A_40 = arith.mulf %mul3A_39, %add3A_30 : vector<2x8x128xf32>
      %sub3A_41 = arith.subf %add3A, %mul3A_40 : vector<2x8x128xf32>
      %scan3A_42 = arith.constant 1 : i32
      %scan3A_43 = arith.addi %scan3A_13, %scan3A_42 : i32
      %mul3A_44 = arith.constant 0.899999976 : f32
      %mul3A_45 = vector.broadcast %mul3A_44 : f32 to vector<2x8x128xf32>
      %mul3A_46 = arith.mulf %mul3A_45, %sub3A_41 : vector<2x8x128xf32>
      %get3A_47 = arith.constant 0 : index
      %get3A_48 = arith.index_cast %scan3A_43 : i32 to index
      %get3A_49 = arith.constant 0 : index
      %get3A_50 = arith.constant 0 : index
      %get3A_51 = vector.load %arg1[%get3A_47, %get3A_48, %get3A_49, %get3A_50] : memref<2x256x8x128xf32, #tpu.memory_space<vmem>>, vector<2x1x8x128xf32>
      %get3A_52 = vector.shape_cast %get3A_51 : vector<2x1x8x128xf32> to vector<2x8x128xf32>
      %add3A_53 = arith.addf %mul3A_46, %get3A_52 : vector<2x8x128xf32>
      %sub3A_54 = arith.constant 2.000000e+00 : f32
      %sub3A_55 = vector.broadcast %sub3A_54 : f32 to vector<2x8x128xf32>
      %sub3A_56 = arith.subf %add3A_53, %sub3A_55 : vector<2x8x128xf32>
      %tanh3A_57 = math.tanh %sub3A_56 : vector<2x8x128xf32>
      %mul3A_58 = arith.constant 5.000000e-01 : f32
      %mul3A_59 = vector.broadcast %mul3A_58 : f32 to vector<2x8x128xf32>
      %mul3A_60 = arith.mulf %mul3A_59, %tanh3A_57 : vector<2x8x128xf32>
      %add3A_61 = arith.constant 5.000000e-01 : f32
      %add3A_62 = vector.broadcast %add3A_61 : f32 to vector<2x8x128xf32>
      %add3A_63 = arith.addf %add3A_62, %mul3A_60 : vector<2x8x128xf32>
      %swap3A_64 = arith.constant 0 : index
      %swap3A_65 = arith.index_cast %scan3A_43 : i32 to index
      %swap3A_66 = arith.constant 0 : index
      %swap3A_67 = arith.constant 0 : index
      %swap3A_68 = vector.load %arg2[%swap3A_64, %swap3A_65, %swap3A_66, %swap3A_67] : memref<2x256x8x128xf32, #tpu.memory_space<vmem>>, vector<2x1x8x128xf32>
      %swap3A_69 = vector.shape_cast %swap3A_68 : vector<2x1x8x128xf32> to vector<2x8x128xf32>
      %swap3A_70 = vector.shape_cast %add3A_63 : vector<2x8x128xf32> to vector<2x1x8x128xf32>
      tpu.vector_store %arg2[%swap3A_64, %swap3A_65, %swap3A_66, %swap3A_67], %swap3A_70 {strides = array<i32>} : memref<2x256x8x128xf32, #tpu.memory_space<vmem>>, vector<2x1x8x128xf32>,
      %mul3A_71 = arith.constant 2.000000e+00 : f32
      %mul3A_72 = vector.broadcast %mul3A_71 : f32 to vector<2x8x128xf32>
      %mul3A_73 = arith.mulf %mul3A_72, %add3A_63 : vector<2x8x128xf32>
      %sub3A_74 = arith.subf %add3A_53, %mul3A_73 : vector<2x8x128xf32>
      %scan3A_75 = arith.constant 2 : i32
      %scan3A_76 = arith.addi %scan3A_13, %scan3A_75 : i32
      %mul3A_77 = arith.constant 0.899999976 : f32
      %mul3A_78 = vector.broadcast %mul3A_77 : f32 to vector<2x8x128xf32>
      %mul3A_79 = arith.mulf %mul3A_78, %sub3A_74 : vector<2x8x128xf32>
      %get3A_80 = arith.constant 0 : index
      %get3A_81 = arith.index_cast %scan3A_76 : i32 to index
      %get3A_82 = arith.constant 0 : index
      %get3A_83 = arith.constant 0 : index
      %get3A_84 = vector.load %arg1[%get3A_80, %get3A_81, %get3A_82, %get3A_83] : memref<2x256x8x128xf32, #tpu.memory_space<vmem>>, vector<2x1x8x128xf32>
      %get3A_85 = vector.shape_cast %get3A_84 : vector<2x1x8x128xf32> to vector<2x8x128xf32>
      %add3A_86 = arith.addf %mul3A_79, %get3A_85 : vector<2x8x128xf32>
      %sub3A_87 = arith.constant 2.000000e+00 : f32
      %sub3A_88 = vector.broadcast %sub3A_87 : f32 to vector<2x8x128xf32>
      %sub3A_89 = arith.subf %add3A_86, %sub3A_88 : vector<2x8x128xf32>
      %tanh3A_90 = math.tanh %sub3A_89 : vector<2x8x128xf32>
      %mul3A_91 = arith.constant 5.000000e-01 : f32
      %mul3A_92 = vector.broadcast %mul3A_91 : f32 to vector<2x8x128xf32>
      %mul3A_93 = arith.mulf %mul3A_92, %tanh3A_90 : vector<2x8x128xf32>
      %add3A_94 = arith.constant 5.000000e-01 : f32
      %add3A_95 = vector.broadcast %add3A_94 : f32 to vector<2x8x128xf32>
      %add3A_96 = arith.addf %add3A_95, %mul3A_93 : vector<2x8x128xf32>
      %swap3A_97 = arith.constant 0 : index
      %swap3A_98 = arith.index_cast %scan3A_76 : i32 to index
      %swap3A_99 = arith.constant 0 : index
      %swap3A_100 = arith.constant 0 : index
      %swap3A_101 = vector.load %arg2[%swap3A_97, %swap3A_98, %swap3A_99, %swap3A_100] : memref<2x256x8x128xf32, #tpu.memory_space<vmem>>, vector<2x1x8x128xf32>
      %swap3A_102 = vector.shape_cast %swap3A_101 : vector<2x1x8x128xf32> to vector<2x8x128xf32>
      %swap3A_103 = vector.shape_cast %add3A_96 : vector<2x8x128xf32> to vector<2x1x8x128xf32>
      tpu.vector_store %arg2[%swap3A_97, %swap3A_98, %swap3A_99, %swap3A_100], %swap3A_103 {strides = array<i32>} : memref<2x256x8x128xf32, #tpu.memory_space<vmem>>, vector<2x1x8x128xf32>,
      %mul3A_104 = arith.constant 2.000000e+00 : f32
      %mul3A_105 = vector.broadcast %mul3A_104 : f32 to vector<2x8x128xf32>
      %mul3A_106 = arith.mulf %mul3A_105, %add3A_96 : vector<2x8x128xf32>
      %sub3A_107 = arith.subf %add3A_86, %mul3A_106 : vector<2x8x128xf32>
      %scan3A_108 = arith.constant 3 : i32
      %scan3A_109 = arith.addi %scan3A_13, %scan3A_108 : i32
      %mul3A_110 = arith.constant 0.899999976 : f32
      %mul3A_111 = vector.broadcast %mul3A_110 : f32 to vector<2x8x128xf32>
      %mul3A_112 = arith.mulf %mul3A_111, %sub3A_107 : vector<2x8x128xf32>
      %get3A_113 = arith.constant 0 : index
      %get3A_114 = arith.index_cast %scan3A_109 : i32 to index
      %get3A_115 = arith.constant 0 : index
      %get3A_116 = arith.constant 0 : index
      %get3A_117 = vector.load %arg1[%get3A_113, %get3A_114, %get3A_115, %get3A_116] : memref<2x256x8x128xf32, #tpu.memory_space<vmem>>, vector<2x1x8x128xf32>
      %get3A_118 = vector.shape_cast %get3A_117 : vector<2x1x8x128xf32> to vector<2x8x128xf32>
      %add3A_119 = arith.addf %mul3A_112, %get3A_118 : vector<2x8x128xf32>
      %sub3A_120 = arith.constant 2.000000e+00 : f32
      %sub3A_121 = vector.broadcast %sub3A_120 : f32 to vector<2x8x128xf32>
      %sub3A_122 = arith.subf %add3A_119, %sub3A_121 : vector<2x8x128xf32>
      %tanh3A_123 = math.tanh %sub3A_122 : vector<2x8x128xf32>
      %mul3A_124 = arith.constant 5.000000e-01 : f32
      %mul3A_125 = vector.broadcast %mul3A_124 : f32 to vector<2x8x128xf32>
      %mul3A_126 = arith.mulf %mul3A_125, %tanh3A_123 : vector<2x8x128xf32>
      %add3A_127 = arith.constant 5.000000e-01 : f32
      %add3A_128 = vector.broadcast %add3A_127 : f32 to vector<2x8x128xf32>
      %add3A_129 = arith.addf %add3A_128, %mul3A_126 : vector<2x8x128xf32>
      %swap3A_130 = arith.constant 0 : index
      %swap3A_131 = arith.index_cast %scan3A_109 : i32 to index
      %swap3A_132 = arith.constant 0 : index
      %swap3A_133 = arith.constant 0 : index
      %swap3A_134 = vector.load %arg2[%swap3A_130, %swap3A_131, %swap3A_132, %swap3A_133] : memref<2x256x8x128xf32, #tpu.memory_space<vmem>>, vector<2x1x8x128xf32>
      %swap3A_135 = vector.shape_cast %swap3A_134 : vector<2x1x8x128xf32> to vector<2x8x128xf32>
      %swap3A_136 = vector.shape_cast %add3A_129 : vector<2x8x128xf32> to vector<2x1x8x128xf32>
      tpu.vector_store %arg2[%swap3A_130, %swap3A_131, %swap3A_132, %swap3A_133], %swap3A_136 {strides = array<i32>} : memref<2x256x8x128xf32, #tpu.memory_space<vmem>>, vector<2x1x8x128xf32>,
      %mul3A_137 = arith.constant 2.000000e+00 : f32
      %mul3A_138 = vector.broadcast %mul3A_137 : f32 to vector<2x8x128xf32>
      %mul3A_139 = arith.mulf %mul3A_138, %add3A_129 : vector<2x8x128xf32>
      %sub3A_140 = arith.subf %add3A_119, %mul3A_139 : vector<2x8x128xf32>
      %scan3A_141 = arith.constant 4 : i32
      %scan3A_142 = arith.addi %scan3A_13, %scan3A_141 : i32
      %mul3A_143 = arith.constant 0.899999976 : f32
      %mul3A_144 = vector.broadcast %mul3A_143 : f32 to vector<2x8x128xf32>
      %mul3A_145 = arith.mulf %mul3A_144, %sub3A_140 : vector<2x8x128xf32>
      %get3A_146 = arith.constant 0 : index
      %get3A_147 = arith.index_cast %scan3A_142 : i32 to index
      %get3A_148 = arith.constant 0 : index
      %get3A_149 = arith.constant 0 : index
      %get3A_150 = vector.load %arg1[%get3A_146, %get3A_147, %get3A_148, %get3A_149] : memref<2x256x8x128xf32, #tpu.memory_space<vmem>>, vector<2x1x8x128xf32>
      %get3A_151 = vector.shape_cast %get3A_150 : vector<2x1x8x128xf32> to vector<2x8x128xf32>
      %add3A_152 = arith.addf %mul3A_145, %get3A_151 : vector<2x8x128xf32>
      %sub3A_153 = arith.constant 2.000000e+00 : f32
      %sub3A_154 = vector.broadcast %sub3A_153 : f32 to vector<2x8x128xf32>
      %sub3A_155 = arith.subf %add3A_152, %sub3A_154 : vector<2x8x128xf32>
      %tanh3A_156 = math.tanh %sub3A_155 : vector<2x8x128xf32>
      %mul3A_157 = arith.constant 5.000000e-01 : f32
      %mul3A_158 = vector.broadcast %mul3A_157 : f32 to vector<2x8x128xf32>
      %mul3A_159 = arith.mulf %mul3A_158, %tanh3A_156 : vector<2x8x128xf32>
      %add3A_160 = arith.constant 5.000000e-01 : f32
      %add3A_161 = vector.broadcast %add3A_160 : f32 to vector<2x8x128xf32>
      %add3A_162 = arith.addf %add3A_161, %mul3A_159 : vector<2x8x128xf32>
      %swap3A_163 = arith.constant 0 : index
      %swap3A_164 = arith.index_cast %scan3A_142 : i32 to index
      %swap3A_165 = arith.constant 0 : index
      %swap3A_166 = arith.constant 0 : index
      %swap3A_167 = vector.load %arg2[%swap3A_163, %swap3A_164, %swap3A_165, %swap3A_166] : memref<2x256x8x128xf32, #tpu.memory_space<vmem>>, vector<2x1x8x128xf32>
      %swap3A_168 = vector.shape_cast %swap3A_167 : vector<2x1x8x128xf32> to vector<2x8x128xf32>
      %swap3A_169 = vector.shape_cast %add3A_162 : vector<2x8x128xf32> to vector<2x1x8x128xf32>
      tpu.vector_store %arg2[%swap3A_163, %swap3A_164, %swap3A_165, %swap3A_166], %swap3A_169 {strides = array<i32>} : memref<2x256x8x128xf32, #tpu.memory_space<vmem>>, vector<2x1x8x128xf32>,
      %mul3A_170 = arith.constant 2.000000e+00 : f32
      %mul3A_171 = vector.broadcast %mul3A_170 : f32 to vector<2x8x128xf32>
      %mul3A_172 = arith.mulf %mul3A_171, %add3A_162 : vector<2x8x128xf32>
      %sub3A_173 = arith.subf %add3A_152, %mul3A_172 : vector<2x8x128xf32>
      %scan3A_174 = arith.constant 5 : i32
      %scan3A_175 = arith.addi %scan3A_13, %scan3A_174 : i32
      %mul3A_176 = arith.constant 0.899999976 : f32
      %mul3A_177 = vector.broadcast %mul3A_176 : f32 to vector<2x8x128xf32>
      %mul3A_178 = arith.mulf %mul3A_177, %sub3A_173 : vector<2x8x128xf32>
      %get3A_179 = arith.constant 0 : index
      %get3A_180 = arith.index_cast %scan3A_175 : i32 to index
      %get3A_181 = arith.constant 0 : index
      %get3A_182 = arith.constant 0 : index
      %get3A_183 = vector.load %arg1[%get3A_179, %get3A_180, %get3A_181, %get3A_182] : memref<2x256x8x128xf32, #tpu.memory_space<vmem>>, vector<2x1x8x128xf32>
      %get3A_184 = vector.shape_cast %get3A_183 : vector<2x1x8x128xf32> to vector<2x8x128xf32>
      %add3A_185 = arith.addf %mul3A_178, %get3A_184 : vector<2x8x128xf32>
      %sub3A_186 = arith.constant 2.000000e+00 : f32
      %sub3A_187 = vector.broadcast %sub3A_186 : f32 to vector<2x8x128xf32>
      %sub3A_188 = arith.subf %add3A_185, %sub3A_187 : vector<2x8x128xf32>
      %tanh3A_189 = math.tanh %sub3A_188 : vector<2x8x128xf32>
      %mul3A_190 = arith.constant 5.000000e-01 : f32
      %mul3A_191 = vector.broadcast %mul3A_190 : f32 to vector<2x8x128xf32>
      %mul3A_192 = arith.mulf %mul3A_191, %tanh3A_189 : vector<2x8x128xf32>
      %add3A_193 = arith.constant 5.000000e-01 : f32
      %add3A_194 = vector.broadcast %add3A_193 : f32 to vector<2x8x128xf32>
      %add3A_195 = arith.addf %add3A_194, %mul3A_192 : vector<2x8x128xf32>
      %swap3A_196 = arith.constant 0 : index
      %swap3A_197 = arith.index_cast %scan3A_175 : i32 to index
      %swap3A_198 = arith.constant 0 : index
      %swap3A_199 = arith.constant 0 : index
      %swap3A_200 = vector.load %arg2[%swap3A_196, %swap3A_197, %swap3A_198, %swap3A_199] : memref<2x256x8x128xf32, #tpu.memory_space<vmem>>, vector<2x1x8x128xf32>
      %swap3A_201 = vector.shape_cast %swap3A_200 : vector<2x1x8x128xf32> to vector<2x8x128xf32>
      %swap3A_202 = vector.shape_cast %add3A_195 : vector<2x8x128xf32> to vector<2x1x8x128xf32>
      tpu.vector_store %arg2[%swap3A_196, %swap3A_197, %swap3A_198, %swap3A_199], %swap3A_202 {strides = array<i32>} : memref<2x256x8x128xf32, #tpu.memory_space<vmem>>, vector<2x1x8x128xf32>,
      %mul3A_203 = arith.constant 2.000000e+00 : f32
      %mul3A_204 = vector.broadcast %mul3A_203 : f32 to vector<2x8x128xf32>
      %mul3A_205 = arith.mulf %mul3A_204, %add3A_195 : vector<2x8x128xf32>
      %sub3A_206 = arith.subf %add3A_185, %mul3A_205 : vector<2x8x128xf32>
      %scan3A_207 = arith.constant 6 : i32
      %scan3A_208 = arith.addi %scan3A_13, %scan3A_207 : i32
      %mul3A_209 = arith.constant 0.899999976 : f32
      %mul3A_210 = vector.broadcast %mul3A_209 : f32 to vector<2x8x128xf32>
      %mul3A_211 = arith.mulf %mul3A_210, %sub3A_206 : vector<2x8x128xf32>
      %get3A_212 = arith.constant 0 : index
      %get3A_213 = arith.index_cast %scan3A_208 : i32 to index
      %get3A_214 = arith.constant 0 : index
      %get3A_215 = arith.constant 0 : index
      %get3A_216 = vector.load %arg1[%get3A_212, %get3A_213, %get3A_214, %get3A_215] : memref<2x256x8x128xf32, #tpu.memory_space<vmem>>, vector<2x1x8x128xf32>
      %get3A_217 = vector.shape_cast %get3A_216 : vector<2x1x8x128xf32> to vector<2x8x128xf32>
      %add3A_218 = arith.addf %mul3A_211, %get3A_217 : vector<2x8x128xf32>
      %sub3A_219 = arith.constant 2.000000e+00 : f32
      %sub3A_220 = vector.broadcast %sub3A_219 : f32 to vector<2x8x128xf32>
      %sub3A_221 = arith.subf %add3A_218, %sub3A_220 : vector<2x8x128xf32>
      %tanh3A_222 = math.tanh %sub3A_221 : vector<2x8x128xf32>
      %mul3A_223 = arith.constant 5.000000e-01 : f32
      %mul3A_224 = vector.broadcast %mul3A_223 : f32 to vector<2x8x128xf32>
      %mul3A_225 = arith.mulf %mul3A_224, %tanh3A_222 : vector<2x8x128xf32>
      %add3A_226 = arith.constant 5.000000e-01 : f32
      %add3A_227 = vector.broadcast %add3A_226 : f32 to vector<2x8x128xf32>
      %add3A_228 = arith.addf %add3A_227, %mul3A_225 : vector<2x8x128xf32>
      %swap3A_229 = arith.constant 0 : index
      %swap3A_230 = arith.index_cast %scan3A_208 : i32 to index
      %swap3A_231 = arith.constant 0 : index
      %swap3A_232 = arith.constant 0 : index
      %swap3A_233 = vector.load %arg2[%swap3A_229, %swap3A_230, %swap3A_231, %swap3A_232] : memref<2x256x8x128xf32, #tpu.memory_space<vmem>>, vector<2x1x8x128xf32>
      %swap3A_234 = vector.shape_cast %swap3A_233 : vector<2x1x8x128xf32> to vector<2x8x128xf32>
      %swap3A_235 = vector.shape_cast %add3A_228 : vector<2x8x128xf32> to vector<2x1x8x128xf32>
      tpu.vector_store %arg2[%swap3A_229, %swap3A_230, %swap3A_231, %swap3A_232], %swap3A_235 {strides = array<i32>} : memref<2x256x8x128xf32, #tpu.memory_space<vmem>>, vector<2x1x8x128xf32>,
      %mul3A_236 = arith.constant 2.000000e+00 : f32
      %mul3A_237 = vector.broadcast %mul3A_236 : f32 to vector<2x8x128xf32>
      %mul3A_238 = arith.mulf %mul3A_237, %add3A_228 : vector<2x8x128xf32>
      %sub3A_239 = arith.subf %add3A_218, %mul3A_238 : vector<2x8x128xf32>
      %scan3A_240 = arith.constant 7 : i32
      %scan3A_241 = arith.addi %scan3A_13, %scan3A_240 : i32
      %mul3A_242 = arith.constant 0.899999976 : f32
      %mul3A_243 = vector.broadcast %mul3A_242 : f32 to vector<2x8x128xf32>
      %mul3A_244 = arith.mulf %mul3A_243, %sub3A_239 : vector<2x8x128xf32>
      %get3A_245 = arith.constant 0 : index
      %get3A_246 = arith.index_cast %scan3A_241 : i32 to index
      %get3A_247 = arith.constant 0 : index
      %get3A_248 = arith.constant 0 : index
      %get3A_249 = vector.load %arg1[%get3A_245, %get3A_246, %get3A_247, %get3A_248] : memref<2x256x8x128xf32, #tpu.memory_space<vmem>>, vector<2x1x8x128xf32>
      %get3A_250 = vector.shape_cast %get3A_249 : vector<2x1x8x128xf32> to vector<2x8x128xf32>
      %add3A_251 = arith.addf %mul3A_244, %get3A_250 : vector<2x8x128xf32>
      %sub3A_252 = arith.constant 2.000000e+00 : f32
      %sub3A_253 = vector.broadcast %sub3A_252 : f32 to vector<2x8x128xf32>
      %sub3A_254 = arith.subf %add3A_251, %sub3A_253 : vector<2x8x128xf32>
      %tanh3A_255 = math.tanh %sub3A_254 : vector<2x8x128xf32>
      %mul3A_256 = arith.constant 5.000000e-01 : f32
      %mul3A_257 = vector.broadcast %mul3A_256 : f32 to vector<2x8x128xf32>
      %mul3A_258 = arith.mulf %mul3A_257, %tanh3A_255 : vector<2x8x128xf32>
      %add3A_259 = arith.constant 5.000000e-01 : f32
      %add3A_260 = vector.broadcast %add3A_259 : f32 to vector<2x8x128xf32>
      %add3A_261 = arith.addf %add3A_260, %mul3A_258 : vector<2x8x128xf32>
      %swap3A_262 = arith.constant 0 : index
      %swap3A_263 = arith.index_cast %scan3A_241 : i32 to index
      %swap3A_264 = arith.constant 0 : index
      %swap3A_265 = arith.constant 0 : index
      %swap3A_266 = vector.load %arg2[%swap3A_262, %swap3A_263, %swap3A_264, %swap3A_265] : memref<2x256x8x128xf32, #tpu.memory_space<vmem>>, vector<2x1x8x128xf32>
      %swap3A_267 = vector.shape_cast %swap3A_266 : vector<2x1x8x128xf32> to vector<2x8x128xf32>
      %swap3A_268 = vector.shape_cast %add3A_261 : vector<2x8x128xf32> to vector<2x1x8x128xf32>
      tpu.vector_store %arg2[%swap3A_262, %swap3A_263, %swap3A_264, %swap3A_265], %swap3A_268 {strides = array<i32>} : memref<2x256x8x128xf32, #tpu.memory_space<vmem>>, vector<2x1x8x128xf32>,
      %mul3A_269 = arith.constant 2.000000e+00 : f32
      %mul3A_270 = vector.broadcast %mul3A_269 : f32 to vector<2x8x128xf32>
      %mul3A_271 = arith.mulf %mul3A_270, %add3A_261 : vector<2x8x128xf32>
      %sub3A_272 = arith.subf %add3A_251, %mul3A_271 : vector<2x8x128xf32>
      scf.yield %sub3A_272 : vector<2x8x128xf32>
    }
    %scan3A_9 = arith.constant 256 : i32
    %swap3A = arith.constant 0 : index
    %swap3A_10 = arith.constant 0 : index
    %swap3A_11 = arith.constant 0 : index
    %swap3A_12 = vector.load %arg3[%swap3A, %swap3A_10, %swap3A_11] : memref<2x8x128xf32, #tpu.memory_space<vmem>>, vector<2x8x128xf32>
    tpu.vector_store %arg3[%swap3A, %swap3A_10, %swap3A_11], %scan3A_8 {strides = array<i32>} : memref<2x8x128xf32, #tpu.memory_space<vmem>>, vector<2x8x128xf32>,
    return
  }
  func.func @transform_0(%arg0: i32) -> (i32, i32, i32, i32) {
    %c0_i32 = arith.constant 0 : i32
    %c0_i32_0 = arith.constant 0 : i32
    %c0_i32_1 = arith.constant 0 : i32
    %c0_i32_2 = arith.constant 0 : i32
    return %c0_i32, %arg0, %c0_i32_0, %c0_i32_1 : i32, i32, i32, i32
  }
  func.func @transform_1(%arg0: i32) -> (i32, i32, i32, i32) {
    %c0_i32 = arith.constant 0 : i32
    %c0_i32_0 = arith.constant 0 : i32
    %c0_i32_1 = arith.constant 0 : i32
    %c0_i32_2 = arith.constant 0 : i32
    return %c0_i32, %arg0, %c0_i32_0, %c0_i32_1 : i32, i32, i32, i32
  }
}

module attributes {stable_mosaic.version = 14 : i64} {
  func.func @_ln_kernel(%arg0: i32, %arg1: memref<1x512x8x128xf32, #tpu.memory_space<vmem>>, %arg2: memref<1x1024xf32, #tpu.memory_space<vmem>>, %arg3: memref<1x1024xf32, #tpu.memory_space<vmem>>, %arg4: memref<512x1024xf32, #tpu.memory_space<vmem>>) attributes {dimension_semantics = [#tpu.dimension_semantics<parallel>], iteration_bounds = array<i64: 8>, scalar_prefetch = 0 : i64, scratch_operands = 0 : i64, tpu.core_type = #tpu.core_type<tc>, window_params = [{transform_indices = @transform_0, window_bounds = array<i64: 1, 512, 8, 128>}, {pipeline_mode = #tpu.pipeline_mode<synchronous>, transform_indices = @transform_1, window_bounds = array<i64: 1, 1024>}, {pipeline_mode = #tpu.pipeline_mode<synchronous>, transform_indices = @transform_2, window_bounds = array<i64: 1, 1024>}, {transform_indices = @transform_3, window_bounds = array<i64: 512, 1024>}]} {
    %broadcast_in_dim3A = arith.constant 0.000000e+00 : f32
    %broadcast_in_dim3A_0 = vector.broadcast %broadcast_in_dim3A : f32 to vector<512x1xf32>
    %get3A = arith.constant 0 : index
    %get3A_1 = arith.constant 0 : index
    %get3A_2 = arith.constant 0 : index
    %get3A_3 = arith.constant 0 : index
    %get3A_4 = vector.load %arg1[%get3A, %get3A_1, %get3A_2, %get3A_3] : memref<1x512x8x128xf32, #tpu.memory_space<vmem>>, vector<1x512x1x128xf32>
    %get3A_5 = vector.shape_cast %get3A_4 : vector<1x512x1x128xf32> to vector<512x128xf32>
    %reduce_sum3A = arith.constant dense<0.000000e+00> : vector<512xf32>
    %reduce_sum3A_6 = vector.multi_reduction <add>, %get3A_5, %reduce_sum3A [1] : vector<512x128xf32> to vector<512xf32>
    %broadcast_in_dim3A_7 = vector.shape_cast %reduce_sum3A_6 : vector<512xf32> to vector<512x1xf32>
    %add3A = arith.addf %broadcast_in_dim3A_0, %broadcast_in_dim3A_7 : vector<512x1xf32>
    %get3A_8 = arith.constant 0 : index
    %get3A_9 = arith.constant 0 : index
    %get3A_10 = arith.constant 1 : index
    %get3A_11 = arith.constant 0 : index
    %get3A_12 = vector.load %arg1[%get3A_8, %get3A_9, %get3A_10, %get3A_11] : memref<1x512x8x128xf32, #tpu.memory_space<vmem>>, vector<1x512x1x128xf32>
    %get3A_13 = vector.shape_cast %get3A_12 : vector<1x512x1x128xf32> to vector<512x128xf32>
    %reduce_sum3A_14 = arith.constant dense<0.000000e+00> : vector<512xf32>
    %reduce_sum3A_15 = vector.multi_reduction <add>, %get3A_13, %reduce_sum3A_14 [1] : vector<512x128xf32> to vector<512xf32>
    %broadcast_in_dim3A_16 = vector.shape_cast %reduce_sum3A_15 : vector<512xf32> to vector<512x1xf32>
    %add3A_17 = arith.addf %add3A, %broadcast_in_dim3A_16 : vector<512x1xf32>
    %get3A_18 = arith.constant 0 : index
    %get3A_19 = arith.constant 0 : index
    %get3A_20 = arith.constant 2 : index
    %get3A_21 = arith.constant 0 : index
    %get3A_22 = vector.load %arg1[%get3A_18, %get3A_19, %get3A_20, %get3A_21] : memref<1x512x8x128xf32, #tpu.memory_space<vmem>>, vector<1x512x1x128xf32>
    %get3A_23 = vector.shape_cast %get3A_22 : vector<1x512x1x128xf32> to vector<512x128xf32>
    %reduce_sum3A_24 = arith.constant dense<0.000000e+00> : vector<512xf32>
    %reduce_sum3A_25 = vector.multi_reduction <add>, %get3A_23, %reduce_sum3A_24 [1] : vector<512x128xf32> to vector<512xf32>
    %broadcast_in_dim3A_26 = vector.shape_cast %reduce_sum3A_25 : vector<512xf32> to vector<512x1xf32>
    %add3A_27 = arith.addf %add3A_17, %broadcast_in_dim3A_26 : vector<512x1xf32>
    %get3A_28 = arith.constant 0 : index
    %get3A_29 = arith.constant 0 : index
    %get3A_30 = arith.constant 3 : index
    %get3A_31 = arith.constant 0 : index
    %get3A_32 = vector.load %arg1[%get3A_28, %get3A_29, %get3A_30, %get3A_31] : memref<1x512x8x128xf32, #tpu.memory_space<vmem>>, vector<1x512x1x128xf32>
    %get3A_33 = vector.shape_cast %get3A_32 : vector<1x512x1x128xf32> to vector<512x128xf32>
    %reduce_sum3A_34 = arith.constant dense<0.000000e+00> : vector<512xf32>
    %reduce_sum3A_35 = vector.multi_reduction <add>, %get3A_33, %reduce_sum3A_34 [1] : vector<512x128xf32> to vector<512xf32>
    %broadcast_in_dim3A_36 = vector.shape_cast %reduce_sum3A_35 : vector<512xf32> to vector<512x1xf32>
    %add3A_37 = arith.addf %add3A_27, %broadcast_in_dim3A_36 : vector<512x1xf32>
    %get3A_38 = arith.constant 0 : index
    %get3A_39 = arith.constant 0 : index
    %get3A_40 = arith.constant 4 : index
    %get3A_41 = arith.constant 0 : index
    %get3A_42 = vector.load %arg1[%get3A_38, %get3A_39, %get3A_40, %get3A_41] : memref<1x512x8x128xf32, #tpu.memory_space<vmem>>, vector<1x512x1x128xf32>
    %get3A_43 = vector.shape_cast %get3A_42 : vector<1x512x1x128xf32> to vector<512x128xf32>
    %reduce_sum3A_44 = arith.constant dense<0.000000e+00> : vector<512xf32>
    %reduce_sum3A_45 = vector.multi_reduction <add>, %get3A_43, %reduce_sum3A_44 [1] : vector<512x128xf32> to vector<512xf32>
    %broadcast_in_dim3A_46 = vector.shape_cast %reduce_sum3A_45 : vector<512xf32> to vector<512x1xf32>
    %add3A_47 = arith.addf %add3A_37, %broadcast_in_dim3A_46 : vector<512x1xf32>
    %get3A_48 = arith.constant 0 : index
    %get3A_49 = arith.constant 0 : index
    %get3A_50 = arith.constant 5 : index
    %get3A_51 = arith.constant 0 : index
    %get3A_52 = vector.load %arg1[%get3A_48, %get3A_49, %get3A_50, %get3A_51] : memref<1x512x8x128xf32, #tpu.memory_space<vmem>>, vector<1x512x1x128xf32>
    %get3A_53 = vector.shape_cast %get3A_52 : vector<1x512x1x128xf32> to vector<512x128xf32>
    %reduce_sum3A_54 = arith.constant dense<0.000000e+00> : vector<512xf32>
    %reduce_sum3A_55 = vector.multi_reduction <add>, %get3A_53, %reduce_sum3A_54 [1] : vector<512x128xf32> to vector<512xf32>
    %broadcast_in_dim3A_56 = vector.shape_cast %reduce_sum3A_55 : vector<512xf32> to vector<512x1xf32>
    %add3A_57 = arith.addf %add3A_47, %broadcast_in_dim3A_56 : vector<512x1xf32>
    %get3A_58 = arith.constant 0 : index
    %get3A_59 = arith.constant 0 : index
    %get3A_60 = arith.constant 6 : index
    %get3A_61 = arith.constant 0 : index
    %get3A_62 = vector.load %arg1[%get3A_58, %get3A_59, %get3A_60, %get3A_61] : memref<1x512x8x128xf32, #tpu.memory_space<vmem>>, vector<1x512x1x128xf32>
    %get3A_63 = vector.shape_cast %get3A_62 : vector<1x512x1x128xf32> to vector<512x128xf32>
    %reduce_sum3A_64 = arith.constant dense<0.000000e+00> : vector<512xf32>
    %reduce_sum3A_65 = vector.multi_reduction <add>, %get3A_63, %reduce_sum3A_64 [1] : vector<512x128xf32> to vector<512xf32>
    %broadcast_in_dim3A_66 = vector.shape_cast %reduce_sum3A_65 : vector<512xf32> to vector<512x1xf32>
    %add3A_67 = arith.addf %add3A_57, %broadcast_in_dim3A_66 : vector<512x1xf32>
    %get3A_68 = arith.constant 0 : index
    %get3A_69 = arith.constant 0 : index
    %get3A_70 = arith.constant 7 : index
    %get3A_71 = arith.constant 0 : index
    %get3A_72 = vector.load %arg1[%get3A_68, %get3A_69, %get3A_70, %get3A_71] : memref<1x512x8x128xf32, #tpu.memory_space<vmem>>, vector<1x512x1x128xf32>
    %get3A_73 = vector.shape_cast %get3A_72 : vector<1x512x1x128xf32> to vector<512x128xf32>
    %reduce_sum3A_74 = arith.constant dense<0.000000e+00> : vector<512xf32>
    %reduce_sum3A_75 = vector.multi_reduction <add>, %get3A_73, %reduce_sum3A_74 [1] : vector<512x128xf32> to vector<512xf32>
    %broadcast_in_dim3A_76 = vector.shape_cast %reduce_sum3A_75 : vector<512xf32> to vector<512x1xf32>
    %add3A_77 = arith.addf %add3A_67, %broadcast_in_dim3A_76 : vector<512x1xf32>
    %div3A = arith.constant 1.024000e+03 : f32
    %div3A_78 = vector.broadcast %div3A : f32 to vector<512x1xf32>
    %div3A_79 = arith.divf %add3A_77, %div3A_78 : vector<512x1xf32>
    %broadcast_in_dim3A_80 = arith.constant 0.000000e+00 : f32
    %broadcast_in_dim3A_81 = vector.broadcast %broadcast_in_dim3A_80 : f32 to vector<512x1xf32>
    %get3A_82 = arith.constant 0 : index
    %get3A_83 = arith.constant 0 : index
    %get3A_84 = arith.constant 0 : index
    %get3A_85 = arith.constant 0 : index
    %get3A_86 = vector.load %arg1[%get3A_82, %get3A_83, %get3A_84, %get3A_85] : memref<1x512x8x128xf32, #tpu.memory_space<vmem>>, vector<1x512x1x128xf32>
    %get3A_87 = vector.shape_cast %get3A_86 : vector<1x512x1x128xf32> to vector<512x128xf32>
    %sub3A = vector.broadcast %div3A_79 : vector<512x1xf32> to vector<512x128xf32>
    %sub3A_88 = arith.subf %get3A_87, %sub3A : vector<512x128xf32>
    %mul3A = arith.mulf %sub3A_88, %sub3A_88 : vector<512x128xf32>
    %reduce_sum3A_89 = arith.constant dense<0.000000e+00> : vector<512xf32>
    %reduce_sum3A_90 = vector.multi_reduction <add>, %mul3A, %reduce_sum3A_89 [1] : vector<512x128xf32> to vector<512xf32>
    %broadcast_in_dim3A_91 = vector.shape_cast %reduce_sum3A_90 : vector<512xf32> to vector<512x1xf32>
    %add3A_92 = arith.addf %broadcast_in_dim3A_81, %broadcast_in_dim3A_91 : vector<512x1xf32>
    %get3A_93 = arith.constant 0 : index
    %get3A_94 = arith.constant 0 : index
    %get3A_95 = arith.constant 1 : index
    %get3A_96 = arith.constant 0 : index
    %get3A_97 = vector.load %arg1[%get3A_93, %get3A_94, %get3A_95, %get3A_96] : memref<1x512x8x128xf32, #tpu.memory_space<vmem>>, vector<1x512x1x128xf32>
    %get3A_98 = vector.shape_cast %get3A_97 : vector<1x512x1x128xf32> to vector<512x128xf32>
    %sub3A_99 = vector.broadcast %div3A_79 : vector<512x1xf32> to vector<512x128xf32>
    %sub3A_100 = arith.subf %get3A_98, %sub3A_99 : vector<512x128xf32>
    %mul3A_101 = arith.mulf %sub3A_100, %sub3A_100 : vector<512x128xf32>
    %reduce_sum3A_102 = arith.constant dense<0.000000e+00> : vector<512xf32>
    %reduce_sum3A_103 = vector.multi_reduction <add>, %mul3A_101, %reduce_sum3A_102 [1] : vector<512x128xf32> to vector<512xf32>
    %broadcast_in_dim3A_104 = vector.shape_cast %reduce_sum3A_103 : vector<512xf32> to vector<512x1xf32>
    %add3A_105 = arith.addf %add3A_92, %broadcast_in_dim3A_104 : vector<512x1xf32>
    %get3A_106 = arith.constant 0 : index
    %get3A_107 = arith.constant 0 : index
    %get3A_108 = arith.constant 2 : index
    %get3A_109 = arith.constant 0 : index
    %get3A_110 = vector.load %arg1[%get3A_106, %get3A_107, %get3A_108, %get3A_109] : memref<1x512x8x128xf32, #tpu.memory_space<vmem>>, vector<1x512x1x128xf32>
    %get3A_111 = vector.shape_cast %get3A_110 : vector<1x512x1x128xf32> to vector<512x128xf32>
    %sub3A_112 = vector.broadcast %div3A_79 : vector<512x1xf32> to vector<512x128xf32>
    %sub3A_113 = arith.subf %get3A_111, %sub3A_112 : vector<512x128xf32>
    %mul3A_114 = arith.mulf %sub3A_113, %sub3A_113 : vector<512x128xf32>
    %reduce_sum3A_115 = arith.constant dense<0.000000e+00> : vector<512xf32>
    %reduce_sum3A_116 = vector.multi_reduction <add>, %mul3A_114, %reduce_sum3A_115 [1] : vector<512x128xf32> to vector<512xf32>
    %broadcast_in_dim3A_117 = vector.shape_cast %reduce_sum3A_116 : vector<512xf32> to vector<512x1xf32>
    %add3A_118 = arith.addf %add3A_105, %broadcast_in_dim3A_117 : vector<512x1xf32>
    %get3A_119 = arith.constant 0 : index
    %get3A_120 = arith.constant 0 : index
    %get3A_121 = arith.constant 3 : index
    %get3A_122 = arith.constant 0 : index
    %get3A_123 = vector.load %arg1[%get3A_119, %get3A_120, %get3A_121, %get3A_122] : memref<1x512x8x128xf32, #tpu.memory_space<vmem>>, vector<1x512x1x128xf32>
    %get3A_124 = vector.shape_cast %get3A_123 : vector<1x512x1x128xf32> to vector<512x128xf32>
    %sub3A_125 = vector.broadcast %div3A_79 : vector<512x1xf32> to vector<512x128xf32>
    %sub3A_126 = arith.subf %get3A_124, %sub3A_125 : vector<512x128xf32>
    %mul3A_127 = arith.mulf %sub3A_126, %sub3A_126 : vector<512x128xf32>
    %reduce_sum3A_128 = arith.constant dense<0.000000e+00> : vector<512xf32>
    %reduce_sum3A_129 = vector.multi_reduction <add>, %mul3A_127, %reduce_sum3A_128 [1] : vector<512x128xf32> to vector<512xf32>
    %broadcast_in_dim3A_130 = vector.shape_cast %reduce_sum3A_129 : vector<512xf32> to vector<512x1xf32>
    %add3A_131 = arith.addf %add3A_118, %broadcast_in_dim3A_130 : vector<512x1xf32>
    %get3A_132 = arith.constant 0 : index
    %get3A_133 = arith.constant 0 : index
    %get3A_134 = arith.constant 4 : index
    %get3A_135 = arith.constant 0 : index
    %get3A_136 = vector.load %arg1[%get3A_132, %get3A_133, %get3A_134, %get3A_135] : memref<1x512x8x128xf32, #tpu.memory_space<vmem>>, vector<1x512x1x128xf32>
    %get3A_137 = vector.shape_cast %get3A_136 : vector<1x512x1x128xf32> to vector<512x128xf32>
    %sub3A_138 = vector.broadcast %div3A_79 : vector<512x1xf32> to vector<512x128xf32>
    %sub3A_139 = arith.subf %get3A_137, %sub3A_138 : vector<512x128xf32>
    %mul3A_140 = arith.mulf %sub3A_139, %sub3A_139 : vector<512x128xf32>
    %reduce_sum3A_141 = arith.constant dense<0.000000e+00> : vector<512xf32>
    %reduce_sum3A_142 = vector.multi_reduction <add>, %mul3A_140, %reduce_sum3A_141 [1] : vector<512x128xf32> to vector<512xf32>
    %broadcast_in_dim3A_143 = vector.shape_cast %reduce_sum3A_142 : vector<512xf32> to vector<512x1xf32>
    %add3A_144 = arith.addf %add3A_131, %broadcast_in_dim3A_143 : vector<512x1xf32>
    %get3A_145 = arith.constant 0 : index
    %get3A_146 = arith.constant 0 : index
    %get3A_147 = arith.constant 5 : index
    %get3A_148 = arith.constant 0 : index
    %get3A_149 = vector.load %arg1[%get3A_145, %get3A_146, %get3A_147, %get3A_148] : memref<1x512x8x128xf32, #tpu.memory_space<vmem>>, vector<1x512x1x128xf32>
    %get3A_150 = vector.shape_cast %get3A_149 : vector<1x512x1x128xf32> to vector<512x128xf32>
    %sub3A_151 = vector.broadcast %div3A_79 : vector<512x1xf32> to vector<512x128xf32>
    %sub3A_152 = arith.subf %get3A_150, %sub3A_151 : vector<512x128xf32>
    %mul3A_153 = arith.mulf %sub3A_152, %sub3A_152 : vector<512x128xf32>
    %reduce_sum3A_154 = arith.constant dense<0.000000e+00> : vector<512xf32>
    %reduce_sum3A_155 = vector.multi_reduction <add>, %mul3A_153, %reduce_sum3A_154 [1] : vector<512x128xf32> to vector<512xf32>
    %broadcast_in_dim3A_156 = vector.shape_cast %reduce_sum3A_155 : vector<512xf32> to vector<512x1xf32>
    %add3A_157 = arith.addf %add3A_144, %broadcast_in_dim3A_156 : vector<512x1xf32>
    %get3A_158 = arith.constant 0 : index
    %get3A_159 = arith.constant 0 : index
    %get3A_160 = arith.constant 6 : index
    %get3A_161 = arith.constant 0 : index
    %get3A_162 = vector.load %arg1[%get3A_158, %get3A_159, %get3A_160, %get3A_161] : memref<1x512x8x128xf32, #tpu.memory_space<vmem>>, vector<1x512x1x128xf32>
    %get3A_163 = vector.shape_cast %get3A_162 : vector<1x512x1x128xf32> to vector<512x128xf32>
    %sub3A_164 = vector.broadcast %div3A_79 : vector<512x1xf32> to vector<512x128xf32>
    %sub3A_165 = arith.subf %get3A_163, %sub3A_164 : vector<512x128xf32>
    %mul3A_166 = arith.mulf %sub3A_165, %sub3A_165 : vector<512x128xf32>
    %reduce_sum3A_167 = arith.constant dense<0.000000e+00> : vector<512xf32>
    %reduce_sum3A_168 = vector.multi_reduction <add>, %mul3A_166, %reduce_sum3A_167 [1] : vector<512x128xf32> to vector<512xf32>
    %broadcast_in_dim3A_169 = vector.shape_cast %reduce_sum3A_168 : vector<512xf32> to vector<512x1xf32>
    %add3A_170 = arith.addf %add3A_157, %broadcast_in_dim3A_169 : vector<512x1xf32>
    %get3A_171 = arith.constant 0 : index
    %get3A_172 = arith.constant 0 : index
    %get3A_173 = arith.constant 7 : index
    %get3A_174 = arith.constant 0 : index
    %get3A_175 = vector.load %arg1[%get3A_171, %get3A_172, %get3A_173, %get3A_174] : memref<1x512x8x128xf32, #tpu.memory_space<vmem>>, vector<1x512x1x128xf32>
    %get3A_176 = vector.shape_cast %get3A_175 : vector<1x512x1x128xf32> to vector<512x128xf32>
    %sub3A_177 = vector.broadcast %div3A_79 : vector<512x1xf32> to vector<512x128xf32>
    %sub3A_178 = arith.subf %get3A_176, %sub3A_177 : vector<512x128xf32>
    %mul3A_179 = arith.mulf %sub3A_178, %sub3A_178 : vector<512x128xf32>
    %reduce_sum3A_180 = arith.constant dense<0.000000e+00> : vector<512xf32>
    %reduce_sum3A_181 = vector.multi_reduction <add>, %mul3A_179, %reduce_sum3A_180 [1] : vector<512x128xf32> to vector<512xf32>
    %broadcast_in_dim3A_182 = vector.shape_cast %reduce_sum3A_181 : vector<512xf32> to vector<512x1xf32>
    %add3A_183 = arith.addf %add3A_170, %broadcast_in_dim3A_182 : vector<512x1xf32>
    %div3A_184 = arith.constant 1.024000e+03 : f32
    %div3A_185 = vector.broadcast %div3A_184 : f32 to vector<512x1xf32>
    %div3A_186 = arith.divf %add3A_183, %div3A_185 : vector<512x1xf32>
    %add3A_187 = arith.constant 9.99999974E-6 : f32
    %add3A_188 = vector.broadcast %add3A_187 : f32 to vector<512x1xf32>
    %add3A_189 = arith.addf %div3A_186, %add3A_188 : vector<512x1xf32>
    %rsqrt3A = math.rsqrt %add3A_189 : vector<512x1xf32>
    %get3A_190 = arith.constant 0 : index
    %get3A_191 = arith.constant 0 : index
    %get3A_192 = arith.constant 0 : index
    %get3A_193 = arith.constant 0 : index
    %get3A_194 = vector.load %arg1[%get3A_190, %get3A_191, %get3A_192, %get3A_193] : memref<1x512x8x128xf32, #tpu.memory_space<vmem>>, vector<1x512x1x128xf32>
    %get3A_195 = vector.shape_cast %get3A_194 : vector<1x512x1x128xf32> to vector<512x128xf32>
    %sub3A_196 = vector.broadcast %div3A_79 : vector<512x1xf32> to vector<512x128xf32>
    %sub3A_197 = arith.subf %get3A_195, %sub3A_196 : vector<512x128xf32>
    %mul3A_198 = vector.broadcast %rsqrt3A : vector<512x1xf32> to vector<512x128xf32>
    %mul3A_199 = arith.mulf %sub3A_197, %mul3A_198 : vector<512x128xf32>
    %get3A_200 = arith.constant 0 : index
    %get3A_201 = arith.constant 0 : index
    %get3A_202 = vector.load %arg2[%get3A_200, %get3A_201] : memref<1x1024xf32, #tpu.memory_space<vmem>>, vector<1x128xf32>
    %mul3A_203 = vector.broadcast %get3A_202 : vector<1x128xf32> to vector<512x128xf32>
    %mul3A_204 = arith.mulf %mul3A_199, %mul3A_203 : vector<512x128xf32>
    %get3A_205 = arith.constant 0 : index
    %get3A_206 = arith.constant 0 : index
    %get3A_207 = vector.load %arg3[%get3A_205, %get3A_206] : memref<1x1024xf32, #tpu.memory_space<vmem>>, vector<1x128xf32>
    %add3A_208 = vector.broadcast %get3A_207 : vector<1x128xf32> to vector<512x128xf32>
    %add3A_209 = arith.addf %mul3A_204, %add3A_208 : vector<512x128xf32>
    %swap3A = arith.constant 0 : index
    %swap3A_210 = arith.constant 0 : index
    %swap3A_211 = vector.load %arg4[%swap3A, %swap3A_210] : memref<512x1024xf32, #tpu.memory_space<vmem>>, vector<512x128xf32>
    tpu.vector_store %arg4[%swap3A, %swap3A_210], %add3A_209 {strides = array<i32>} : memref<512x1024xf32, #tpu.memory_space<vmem>>, vector<512x128xf32>,
    %get3A_212 = arith.constant 0 : index
    %get3A_213 = arith.constant 0 : index
    %get3A_214 = arith.constant 1 : index
    %get3A_215 = arith.constant 0 : index
    %get3A_216 = vector.load %arg1[%get3A_212, %get3A_213, %get3A_214, %get3A_215] : memref<1x512x8x128xf32, #tpu.memory_space<vmem>>, vector<1x512x1x128xf32>
    %get3A_217 = vector.shape_cast %get3A_216 : vector<1x512x1x128xf32> to vector<512x128xf32>
    %sub3A_218 = vector.broadcast %div3A_79 : vector<512x1xf32> to vector<512x128xf32>
    %sub3A_219 = arith.subf %get3A_217, %sub3A_218 : vector<512x128xf32>
    %mul3A_220 = vector.broadcast %rsqrt3A : vector<512x1xf32> to vector<512x128xf32>
    %mul3A_221 = arith.mulf %sub3A_219, %mul3A_220 : vector<512x128xf32>
    %get3A_222 = arith.constant 0 : index
    %get3A_223 = arith.constant 128 : index
    %get3A_224 = vector.load %arg2[%get3A_222, %get3A_223] : memref<1x1024xf32, #tpu.memory_space<vmem>>, vector<1x128xf32>
    %mul3A_225 = vector.broadcast %get3A_224 : vector<1x128xf32> to vector<512x128xf32>
    %mul3A_226 = arith.mulf %mul3A_221, %mul3A_225 : vector<512x128xf32>
    %get3A_227 = arith.constant 0 : index
    %get3A_228 = arith.constant 128 : index
    %get3A_229 = vector.load %arg3[%get3A_227, %get3A_228] : memref<1x1024xf32, #tpu.memory_space<vmem>>, vector<1x128xf32>
    %add3A_230 = vector.broadcast %get3A_229 : vector<1x128xf32> to vector<512x128xf32>
    %add3A_231 = arith.addf %mul3A_226, %add3A_230 : vector<512x128xf32>
    %swap3A_232 = arith.constant 0 : index
    %swap3A_233 = arith.constant 128 : index
    %swap3A_234 = vector.load %arg4[%swap3A_232, %swap3A_233] : memref<512x1024xf32, #tpu.memory_space<vmem>>, vector<512x128xf32>
    tpu.vector_store %arg4[%swap3A_232, %swap3A_233], %add3A_231 {strides = array<i32>} : memref<512x1024xf32, #tpu.memory_space<vmem>>, vector<512x128xf32>,
    %get3A_235 = arith.constant 0 : index
    %get3A_236 = arith.constant 0 : index
    %get3A_237 = arith.constant 2 : index
    %get3A_238 = arith.constant 0 : index
    %get3A_239 = vector.load %arg1[%get3A_235, %get3A_236, %get3A_237, %get3A_238] : memref<1x512x8x128xf32, #tpu.memory_space<vmem>>, vector<1x512x1x128xf32>
    %get3A_240 = vector.shape_cast %get3A_239 : vector<1x512x1x128xf32> to vector<512x128xf32>
    %sub3A_241 = vector.broadcast %div3A_79 : vector<512x1xf32> to vector<512x128xf32>
    %sub3A_242 = arith.subf %get3A_240, %sub3A_241 : vector<512x128xf32>
    %mul3A_243 = vector.broadcast %rsqrt3A : vector<512x1xf32> to vector<512x128xf32>
    %mul3A_244 = arith.mulf %sub3A_242, %mul3A_243 : vector<512x128xf32>
    %get3A_245 = arith.constant 0 : index
    %get3A_246 = arith.constant 256 : index
    %get3A_247 = vector.load %arg2[%get3A_245, %get3A_246] : memref<1x1024xf32, #tpu.memory_space<vmem>>, vector<1x128xf32>
    %mul3A_248 = vector.broadcast %get3A_247 : vector<1x128xf32> to vector<512x128xf32>
    %mul3A_249 = arith.mulf %mul3A_244, %mul3A_248 : vector<512x128xf32>
    %get3A_250 = arith.constant 0 : index
    %get3A_251 = arith.constant 256 : index
    %get3A_252 = vector.load %arg3[%get3A_250, %get3A_251] : memref<1x1024xf32, #tpu.memory_space<vmem>>, vector<1x128xf32>
    %add3A_253 = vector.broadcast %get3A_252 : vector<1x128xf32> to vector<512x128xf32>
    %add3A_254 = arith.addf %mul3A_249, %add3A_253 : vector<512x128xf32>
    %swap3A_255 = arith.constant 0 : index
    %swap3A_256 = arith.constant 256 : index
    %swap3A_257 = vector.load %arg4[%swap3A_255, %swap3A_256] : memref<512x1024xf32, #tpu.memory_space<vmem>>, vector<512x128xf32>
    tpu.vector_store %arg4[%swap3A_255, %swap3A_256], %add3A_254 {strides = array<i32>} : memref<512x1024xf32, #tpu.memory_space<vmem>>, vector<512x128xf32>,
    %get3A_258 = arith.constant 0 : index
    %get3A_259 = arith.constant 0 : index
    %get3A_260 = arith.constant 3 : index
    %get3A_261 = arith.constant 0 : index
    %get3A_262 = vector.load %arg1[%get3A_258, %get3A_259, %get3A_260, %get3A_261] : memref<1x512x8x128xf32, #tpu.memory_space<vmem>>, vector<1x512x1x128xf32>
    %get3A_263 = vector.shape_cast %get3A_262 : vector<1x512x1x128xf32> to vector<512x128xf32>
    %sub3A_264 = vector.broadcast %div3A_79 : vector<512x1xf32> to vector<512x128xf32>
    %sub3A_265 = arith.subf %get3A_263, %sub3A_264 : vector<512x128xf32>
    %mul3A_266 = vector.broadcast %rsqrt3A : vector<512x1xf32> to vector<512x128xf32>
    %mul3A_267 = arith.mulf %sub3A_265, %mul3A_266 : vector<512x128xf32>
    %get3A_268 = arith.constant 0 : index
    %get3A_269 = arith.constant 384 : index
    %get3A_270 = vector.load %arg2[%get3A_268, %get3A_269] : memref<1x1024xf32, #tpu.memory_space<vmem>>, vector<1x128xf32>
    %mul3A_271 = vector.broadcast %get3A_270 : vector<1x128xf32> to vector<512x128xf32>
    %mul3A_272 = arith.mulf %mul3A_267, %mul3A_271 : vector<512x128xf32>
    %get3A_273 = arith.constant 0 : index
    %get3A_274 = arith.constant 384 : index
    %get3A_275 = vector.load %arg3[%get3A_273, %get3A_274] : memref<1x1024xf32, #tpu.memory_space<vmem>>, vector<1x128xf32>
    %add3A_276 = vector.broadcast %get3A_275 : vector<1x128xf32> to vector<512x128xf32>
    %add3A_277 = arith.addf %mul3A_272, %add3A_276 : vector<512x128xf32>
    %swap3A_278 = arith.constant 0 : index
    %swap3A_279 = arith.constant 384 : index
    %swap3A_280 = vector.load %arg4[%swap3A_278, %swap3A_279] : memref<512x1024xf32, #tpu.memory_space<vmem>>, vector<512x128xf32>
    tpu.vector_store %arg4[%swap3A_278, %swap3A_279], %add3A_277 {strides = array<i32>} : memref<512x1024xf32, #tpu.memory_space<vmem>>, vector<512x128xf32>,
    %get3A_281 = arith.constant 0 : index
    %get3A_282 = arith.constant 0 : index
    %get3A_283 = arith.constant 4 : index
    %get3A_284 = arith.constant 0 : index
    %get3A_285 = vector.load %arg1[%get3A_281, %get3A_282, %get3A_283, %get3A_284] : memref<1x512x8x128xf32, #tpu.memory_space<vmem>>, vector<1x512x1x128xf32>
    %get3A_286 = vector.shape_cast %get3A_285 : vector<1x512x1x128xf32> to vector<512x128xf32>
    %sub3A_287 = vector.broadcast %div3A_79 : vector<512x1xf32> to vector<512x128xf32>
    %sub3A_288 = arith.subf %get3A_286, %sub3A_287 : vector<512x128xf32>
    %mul3A_289 = vector.broadcast %rsqrt3A : vector<512x1xf32> to vector<512x128xf32>
    %mul3A_290 = arith.mulf %sub3A_288, %mul3A_289 : vector<512x128xf32>
    %get3A_291 = arith.constant 0 : index
    %get3A_292 = arith.constant 512 : index
    %get3A_293 = vector.load %arg2[%get3A_291, %get3A_292] : memref<1x1024xf32, #tpu.memory_space<vmem>>, vector<1x128xf32>
    %mul3A_294 = vector.broadcast %get3A_293 : vector<1x128xf32> to vector<512x128xf32>
    %mul3A_295 = arith.mulf %mul3A_290, %mul3A_294 : vector<512x128xf32>
    %get3A_296 = arith.constant 0 : index
    %get3A_297 = arith.constant 512 : index
    %get3A_298 = vector.load %arg3[%get3A_296, %get3A_297] : memref<1x1024xf32, #tpu.memory_space<vmem>>, vector<1x128xf32>
    %add3A_299 = vector.broadcast %get3A_298 : vector<1x128xf32> to vector<512x128xf32>
    %add3A_300 = arith.addf %mul3A_295, %add3A_299 : vector<512x128xf32>
    %swap3A_301 = arith.constant 0 : index
    %swap3A_302 = arith.constant 512 : index
    %swap3A_303 = vector.load %arg4[%swap3A_301, %swap3A_302] : memref<512x1024xf32, #tpu.memory_space<vmem>>, vector<512x128xf32>
    tpu.vector_store %arg4[%swap3A_301, %swap3A_302], %add3A_300 {strides = array<i32>} : memref<512x1024xf32, #tpu.memory_space<vmem>>, vector<512x128xf32>,
    %get3A_304 = arith.constant 0 : index
    %get3A_305 = arith.constant 0 : index
    %get3A_306 = arith.constant 5 : index
    %get3A_307 = arith.constant 0 : index
    %get3A_308 = vector.load %arg1[%get3A_304, %get3A_305, %get3A_306, %get3A_307] : memref<1x512x8x128xf32, #tpu.memory_space<vmem>>, vector<1x512x1x128xf32>
    %get3A_309 = vector.shape_cast %get3A_308 : vector<1x512x1x128xf32> to vector<512x128xf32>
    %sub3A_310 = vector.broadcast %div3A_79 : vector<512x1xf32> to vector<512x128xf32>
    %sub3A_311 = arith.subf %get3A_309, %sub3A_310 : vector<512x128xf32>
    %mul3A_312 = vector.broadcast %rsqrt3A : vector<512x1xf32> to vector<512x128xf32>
    %mul3A_313 = arith.mulf %sub3A_311, %mul3A_312 : vector<512x128xf32>
    %get3A_314 = arith.constant 0 : index
    %get3A_315 = arith.constant 640 : index
    %get3A_316 = vector.load %arg2[%get3A_314, %get3A_315] : memref<1x1024xf32, #tpu.memory_space<vmem>>, vector<1x128xf32>
    %mul3A_317 = vector.broadcast %get3A_316 : vector<1x128xf32> to vector<512x128xf32>
    %mul3A_318 = arith.mulf %mul3A_313, %mul3A_317 : vector<512x128xf32>
    %get3A_319 = arith.constant 0 : index
    %get3A_320 = arith.constant 640 : index
    %get3A_321 = vector.load %arg3[%get3A_319, %get3A_320] : memref<1x1024xf32, #tpu.memory_space<vmem>>, vector<1x128xf32>
    %add3A_322 = vector.broadcast %get3A_321 : vector<1x128xf32> to vector<512x128xf32>
    %add3A_323 = arith.addf %mul3A_318, %add3A_322 : vector<512x128xf32>
    %swap3A_324 = arith.constant 0 : index
    %swap3A_325 = arith.constant 640 : index
    %swap3A_326 = vector.load %arg4[%swap3A_324, %swap3A_325] : memref<512x1024xf32, #tpu.memory_space<vmem>>, vector<512x128xf32>
    tpu.vector_store %arg4[%swap3A_324, %swap3A_325], %add3A_323 {strides = array<i32>} : memref<512x1024xf32, #tpu.memory_space<vmem>>, vector<512x128xf32>,
    %get3A_327 = arith.constant 0 : index
    %get3A_328 = arith.constant 0 : index
    %get3A_329 = arith.constant 6 : index
    %get3A_330 = arith.constant 0 : index
    %get3A_331 = vector.load %arg1[%get3A_327, %get3A_328, %get3A_329, %get3A_330] : memref<1x512x8x128xf32, #tpu.memory_space<vmem>>, vector<1x512x1x128xf32>
    %get3A_332 = vector.shape_cast %get3A_331 : vector<1x512x1x128xf32> to vector<512x128xf32>
    %sub3A_333 = vector.broadcast %div3A_79 : vector<512x1xf32> to vector<512x128xf32>
    %sub3A_334 = arith.subf %get3A_332, %sub3A_333 : vector<512x128xf32>
    %mul3A_335 = vector.broadcast %rsqrt3A : vector<512x1xf32> to vector<512x128xf32>
    %mul3A_336 = arith.mulf %sub3A_334, %mul3A_335 : vector<512x128xf32>
    %get3A_337 = arith.constant 0 : index
    %get3A_338 = arith.constant 768 : index
    %get3A_339 = vector.load %arg2[%get3A_337, %get3A_338] : memref<1x1024xf32, #tpu.memory_space<vmem>>, vector<1x128xf32>
    %mul3A_340 = vector.broadcast %get3A_339 : vector<1x128xf32> to vector<512x128xf32>
    %mul3A_341 = arith.mulf %mul3A_336, %mul3A_340 : vector<512x128xf32>
    %get3A_342 = arith.constant 0 : index
    %get3A_343 = arith.constant 768 : index
    %get3A_344 = vector.load %arg3[%get3A_342, %get3A_343] : memref<1x1024xf32, #tpu.memory_space<vmem>>, vector<1x128xf32>
    %add3A_345 = vector.broadcast %get3A_344 : vector<1x128xf32> to vector<512x128xf32>
    %add3A_346 = arith.addf %mul3A_341, %add3A_345 : vector<512x128xf32>
    %swap3A_347 = arith.constant 0 : index
    %swap3A_348 = arith.constant 768 : index
    %swap3A_349 = vector.load %arg4[%swap3A_347, %swap3A_348] : memref<512x1024xf32, #tpu.memory_space<vmem>>, vector<512x128xf32>
    tpu.vector_store %arg4[%swap3A_347, %swap3A_348], %add3A_346 {strides = array<i32>} : memref<512x1024xf32, #tpu.memory_space<vmem>>, vector<512x128xf32>,
    %get3A_350 = arith.constant 0 : index
    %get3A_351 = arith.constant 0 : index
    %get3A_352 = arith.constant 7 : index
    %get3A_353 = arith.constant 0 : index
    %get3A_354 = vector.load %arg1[%get3A_350, %get3A_351, %get3A_352, %get3A_353] : memref<1x512x8x128xf32, #tpu.memory_space<vmem>>, vector<1x512x1x128xf32>
    %get3A_355 = vector.shape_cast %get3A_354 : vector<1x512x1x128xf32> to vector<512x128xf32>
    %sub3A_356 = vector.broadcast %div3A_79 : vector<512x1xf32> to vector<512x128xf32>
    %sub3A_357 = arith.subf %get3A_355, %sub3A_356 : vector<512x128xf32>
    %mul3A_358 = vector.broadcast %rsqrt3A : vector<512x1xf32> to vector<512x128xf32>
    %mul3A_359 = arith.mulf %sub3A_357, %mul3A_358 : vector<512x128xf32>
    %get3A_360 = arith.constant 0 : index
    %get3A_361 = arith.constant 896 : index
    %get3A_362 = vector.load %arg2[%get3A_360, %get3A_361] : memref<1x1024xf32, #tpu.memory_space<vmem>>, vector<1x128xf32>
    %mul3A_363 = vector.broadcast %get3A_362 : vector<1x128xf32> to vector<512x128xf32>
    %mul3A_364 = arith.mulf %mul3A_359, %mul3A_363 : vector<512x128xf32>
    %get3A_365 = arith.constant 0 : index
    %get3A_366 = arith.constant 896 : index
    %get3A_367 = vector.load %arg3[%get3A_365, %get3A_366] : memref<1x1024xf32, #tpu.memory_space<vmem>>, vector<1x128xf32>
    %add3A_368 = vector.broadcast %get3A_367 : vector<1x128xf32> to vector<512x128xf32>
    %add3A_369 = arith.addf %mul3A_364, %add3A_368 : vector<512x128xf32>
    %swap3A_370 = arith.constant 0 : index
    %swap3A_371 = arith.constant 896 : index
    %swap3A_372 = vector.load %arg4[%swap3A_370, %swap3A_371] : memref<512x1024xf32, #tpu.memory_space<vmem>>, vector<512x128xf32>
    tpu.vector_store %arg4[%swap3A_370, %swap3A_371], %add3A_369 {strides = array<i32>} : memref<512x1024xf32, #tpu.memory_space<vmem>>, vector<512x128xf32>,
    return
  }
  func.func @transform_0(%arg0: i32) -> (i32, i32, i32, i32) {
    %jit3A = arith.constant 4 : i32
    %div3A = arith.divsi %arg0, %jit3A : i32
    %sign3A = arith.constant 0 : i32
    %sign3A_0 = arith.cmpi sgt, %arg0, %sign3A : i32
    %sign3A_1 = arith.extui %sign3A_0 : i1 to i32
    %sign3A_2 = arith.constant 0 : i32
    %sign3A_3 = arith.cmpi slt, %arg0, %sign3A_2 : i32
    %sign3A_4 = arith.extui %sign3A_3 : i1 to i32
    %sign3A_5 = arith.subi %sign3A_1, %sign3A_4 : i32
    %sign3A_6 = arith.constant 0 : i32
    %sign3A_7 = arith.cmpi sgt, %jit3A, %sign3A_6 : i32
    %sign3A_8 = arith.extui %sign3A_7 : i1 to i32
    %sign3A_9 = arith.constant 0 : i32
    %sign3A_10 = arith.cmpi slt, %jit3A, %sign3A_9 : i32
    %sign3A_11 = arith.extui %sign3A_10 : i1 to i32
    %sign3A_12 = arith.subi %sign3A_8, %sign3A_11 : i32
    %ne3A = arith.cmpi ne, %sign3A_5, %sign3A_12 : i32
    %rem3A = arith.remsi %arg0, %jit3A : i32
    %ne3A_13 = arith.constant 0 : i32
    %ne3A_14 = arith.cmpi ne, %rem3A, %ne3A_13 : i32
    %and3A = arith.andi %ne3A, %ne3A_14 : i1
    %sub3A = arith.constant 1 : i32
    %sub3A_15 = arith.subi %div3A, %sub3A : i32
    %select_n3A = arith.select %and3A, %sub3A_15, %div3A : i32
    %jit3A_16 = arith.constant 4 : i32
    %eq3A = arith.constant 0 : i32
    %eq3A_17 = arith.cmpi eq, %jit3A_16, %eq3A : i32
    %jit3A_18 = arith.constant 1 : i32
    %select_n3A_19 = arith.select %eq3A_17, %jit3A_18, %jit3A_16 : i32
    %rem3A_20 = arith.remsi %arg0, %select_n3A_19 : i32
    %ne3A_21 = arith.constant 0 : i32
    %ne3A_22 = arith.cmpi ne, %rem3A_20, %ne3A_21 : i32
    %lt3A = arith.constant 0 : i32
    %lt3A_23 = arith.cmpi slt, %rem3A_20, %lt3A : i32
    %lt3A_24 = arith.constant 0 : i32
    %lt3A_25 = arith.cmpi slt, %select_n3A_19, %lt3A_24 : i32
    %ne3A_26 = arith.xori %lt3A_23, %lt3A_25 : i1
    %and3A_27 = arith.andi %ne3A_26, %ne3A_22 : i1
    %add3A = arith.addi %rem3A_20, %select_n3A_19 : i32
    %select_n3A_28 = arith.select %and3A_27, %add3A, %rem3A_20 : i32
    %c0_i32 = arith.constant 0 : i32
    %c0_i32_29 = arith.constant 0 : i32
    %c0_i32_30 = arith.constant 0 : i32
    return %select_n3A, %select_n3A_28, %c0_i32, %c0_i32_29 : i32, i32, i32, i32
  }
  func.func @transform_1(%arg0: i32) -> (i32, i32) {
    %c0_i32 = arith.constant 0 : i32
    %c0_i32_0 = arith.constant 0 : i32
    %c0_i32_1 = arith.constant 0 : i32
    return %c0_i32, %c0_i32_0 : i32, i32
  }
  func.func @transform_2(%arg0: i32) -> (i32, i32) {
    %c0_i32 = arith.constant 0 : i32
    %c0_i32_0 = arith.constant 0 : i32
    %c0_i32_1 = arith.constant 0 : i32
    return %c0_i32, %c0_i32_0 : i32, i32
  }
  func.func @transform_3(%arg0: i32) -> (i32, i32) {
    %c0_i32 = arith.constant 0 : i32
    %c0_i32_0 = arith.constant 0 : i32
    return %arg0, %c0_i32 : i32, i32
  }
}

</mosaic_0001>

<sc_bundles>
// kernel: kernel.9.cloned.1.call-start
scs
__scs_entry_jumppad:
0x0: {  	(pc) =	sbr.rel $0x88, $3  }
0x1: {  	(tag) =	ssettag $0x0;
	lr =	simm.s32 $0x1  }
0x2: {  	[smem:$0x3F8E] =	sst lr;
	_ =	strace $0xD0000000  }
0x3: {  	_ = 	snop  }
0x4: {  	_ = 	snop  }
0x5: {  	_ = 	snop  }
0x6: {  	_ = 	snop  }
0x7: {  	_ = 	snop  }
__scs_overlays_trampoline_lowered:
0x8: {  	[smem:$0x3F9D] =	sst s0  }
0x9: {  	[smem:$0x3F9E] =	sst s1  }
0xa: {  	[smem:$0x3F9F] =	sst s2  }
0xb: {  	[smem:$0x3FA0] =	sst s3  }
0xc: {  	[smem:$0x3FA1] =	sst s4  }
0xd: {  	[smem:$0x3FA2] =	sst s5  }
0xe: {  	[smem:$0x3FA3] =	sst s6  }
0xf: {  	[smem:$0x3FA4] =	sst s7  }
0x10: {  	[smem:$0x3FA5] =	sst s8  }
0x11: {  	[smem:$0x3FA6] =	sst s9;
	s0 =	simm.s32 @!p0 $0x0  }
0x12: {  	s1 =	sld [smem:$0x3F8C];
	s0 =	simm.s32 @p0 $0x1  }
0x13: {  	[smem:$0x3FA7] =	sst s0;
	s0 =	simm.s32 @!p1 $0x0  }
0x14: {  	s2 =	sld [smem:$0x3F8B];
	s0 =	simm.s32 @p1 $0x1  }
0x15: {  	[smem:$0x3FA8] =	sst s0;
	s0 =	simm.s32 @!p2 $0x0  }
0x16: {  	s3 =	sld [smem:$0x3FDB];
	s0 =	simm.s32 @p2 $0x1  }
0x17: {  	s4 =	simm.s32 $0x1BF5;
	[smem:$0x3FAA] =	sst s0  }
0x18: {  	s0 =	sld [smem:$0x3F8D];
	_ =	swait.ge [sflag:s4], $0x0  }
0x19: {  	s7 =	sld [smem:$0x3F8E]  }
0x1a: {  	s8 =	sadd.s32 $0xFFFFE003, lr  }
0x1b: {  	s9 =	sadd.s32 $0xFFFFFEF7, lr;
	s5 =	simm.s32 $0xFFFFFFFF;
	p2 =	slt.u32 s8, $0xFFFFF086  }
0x1c: {  	p1 =	slt.u32 s9, $0xF7A;
	s5 =	simm.s32 @!p2 $0x0  }
0x1d: {  	s5 =	simm.s32 @p1 $0x1;
	p0 =	seq.s32 s7, s2  }
0x1e: {  	s7 =	smul.u32 @!p0 $0xF7A, s2;
	p2 =	seq.s32 @!p0 s5, $0x0  }
0x1f: {  	s9 =	smul.u32 $0xF7A, s1;
	s8 =	simm.s32 @!p0 $0x1BF5;
	p2 =	por !p2, p0  }
0x20: {  	[sflag:s8] =	ssyncset.s32 @!p0 $0xFFFFF086;
	s6 =	sadd.s32 @!p0 s3, s7;
	s7 =	simm.s32 @!p0 $0x108  }
0x21: {  	s3 =	sadd.s32 s3, s9;
	s6 =	sadd.s32 @!p0 $0x88, s6;
	s7 =	simm.s32 @p2 $0x1082  }
0x22: {  	[simem:s7], [sflag:s8] =	dma.local @!p0 [hbm:s6], $0xF7A  }
0x23: {  	s9 =	sor.u32 $0xD0000000, s2;
	s6 =	simm.s32 $0x108;
	_ =	swait.ge @!p0 [sflag:s8], $0x0  }
0x24: {  	s3 =	sadd.s32 $0x88, s3;
	s6 =	simm.s32 @!p1 $0x1082;
	[sflag:s4] =	ssyncset.s32 $0xFFFFF086  }
0x25: {  	[simem:s6], [sflag:s4] =	dma.local [hbm:s3], $0xF7A  }
0x26: {  	[smem:$0x3F8E] =	sst s1;
	(tag) =	ssettag s2;
	_ =	strace s9  }
0x27: {  	s1 =	sld [smem:$0x3F9E]  }
0x28: {  	s2 =	sld [smem:$0x3F9F]  }
0x29: {  	s4 =	sld [smem:$0x3FA1]  }
0x2a: {  	p0 =	seq.s32 s5, $0x0;
	s5 =	sld [smem:$0x3FA2]  }
0x2b: {  	s6 =	sld [smem:$0x3FA3]  }
0x2c: {  	s7 =	sld [smem:$0x3FA4]  }
0x2d: {  	s3 =	simm.s32 $0x108;
	s8 =	sld [smem:$0x3FA5]  }
0x2e: {  	s3 =	simm.s32 @!p0 $0x1082;
	s9 =	sld [smem:$0x3FA6]  }
0x2f: {  	lr =	sadd.s32 s0, s3;
	s0 =	sld [smem:$0x3F9D]  }
0x30: {  	s3 =	sld [smem:$0x3FA0]  }
0x31: {  	[smem:$0x3FA9] =	sst s10  }
0x32: {  	s10 =	sld [smem:$0x3FA7];
	_ =	sdelay $0x3  }
0x33: {  	p0 =	seq.s32 s10, $0x1;
	s10 =	sld [smem:$0x3FA9];
	_ =	sdelay $0x3  }
0x34: {  	[smem:$0x3FA9] =	sst s10  }
0x35: {  	s10 =	sld [smem:$0x3FA8];
	_ =	sdelay $0x3  }
0x36: {  	p1 =	seq.s32 s10, $0x1;
	s10 =	sld [smem:$0x3FA9];
	_ =	sdelay $0x3  }
0x37: {  	[smem:$0x3FA9] =	sst s10  }
0x38: {  	s10 =	sld [smem:$0x3FAA]  }
0x39: {  	_ = 	snop;
	(pc) =	sbr.ind lr, $3  }
0x3a: {  	_ = 	snop  }
0x3b: {  	_ = 	snop  }
0x3c: {  	p2 =	seq.s32 s10, $0x1;
	s10 =	sld [smem:$0x3FA9]  }
0x3d: {  	_ =	shalt  }
0x3e: {  	_ =	shalt  }
0x3f: {  	_ =	shalt  }
0x40: {  	_ =	shalt  }
0x41: {  	_ =	shalt  }
0x42: {  	_ =	shalt  }
0x43: {  	_ =	shalt  }
0x44: {  	_ =	shalt  }
0x45: {  	_ =	shalt  }
0x46: {  	_ =	shalt  }
0x47: {  	_ =	shalt  }
0x48: {  	_ =	shalt  }
0x49: {  	_ =	shalt  }
0x4a: {  	_ =	shalt  }
0x4b: {  	_ =	shalt  }
0x4c: {  	_ =	shalt  }
0x4d: {  	_ =	shalt  }
0x4e: {  	_ =	shalt  }
0x4f: {  	_ =	shalt  }
0x50: {  	_ =	shalt  }
0x51: {  	_ =	shalt  }
0x52: {  	_ =	shalt  }
0x53: {  	_ =	shalt  }
0x54: {  	_ =	shalt  }
0x55: {  	_ =	shalt  }
0x56: {  	_ =	shalt  }
0x57: {  	_ =	shalt  }
0x58: {  	_ =	shalt  }
0x59: {  	_ =	shalt  }
0x5a: {  	_ =	shalt  }
0x5b: {  	_ =	shalt  }
0x5c: {  	_ =	shalt  }
0x5d: {  	_ =	shalt  }
0x5e: {  	_ =	shalt  }
0x5f: {  	_ =	shalt  }
0x60: {  	_ =	shalt  }
0x61: {  	_ =	shalt  }
0x62: {  	_ =	shalt  }
0x63: {  	_ =	shalt  }
0x64: {  	_ =	shalt  }
0x65: {  	_ =	shalt  }
0x66: {  	_ =	shalt  }
0x67: {  	_ =	shalt  }
0x68: {  	_ =	shalt  }
0x69: {  	_ =	shalt  }
0x6a: {  	_ =	shalt  }
0x6b: {  	_ =	shalt  }
0x6c: {  	_ =	shalt  }
0x6d: {  	_ =	shalt  }
0x6e: {  	_ =	shalt  }
0x6f: {  	_ =	shalt  }
0x70: {  	_ =	shalt  }
0x71: {  	_ =	shalt  }
0x72: {  	_ =	shalt  }
0x73: {  	_ =	shalt  }
0x74: {  	_ =	shalt  }
0x75: {  	_ =	shalt  }
0x76: {  	_ =	shalt  }
0x77: {  	_ =	shalt  }
0x78: {  	_ =	shalt  }
0x79: {  	_ =	shalt  }
0x7a: {  	_ =	shalt  }
0x7b: {  	_ =	shalt  }
0x7c: {  	_ =	shalt  }
0x7d: {  	_ =	shalt  }
0x7e: {  	_ =	shalt  }
0x7f: {  	_ =	shalt  }
0x80: {  	_ =	shalt  }
0x81: {  	_ =	shalt  }
0x82: {  	_ =	shalt  }
0x83: {  	_ =	shalt  }
0x84: {  	_ =	shalt  }
0x85: {  	_ =	shalt  }
0x86: {  	_ =	shalt  }
0x87: {  	_ =	shalt  }
.Lfunc_end0:
.L_simem_size_0:
called_computation_lowered:
.L_overlay_start_0:
0x88: {  	s2 =	sld [smem:$0x3FD9]  }
0x89: {  	s3 =	sld [smem:$0x3FFE];
	_ =	sdelay $0x1  }
0x8a: {  	s1 =	srdreg.scid  }
0x8b: {  	s0 =	sand.u32 $0x1, s1  }
0x8c: {  	s17 =	sshll.u32 s0, $0xA;
	s2 =	sadd.s32 s3, s2  }
0x8d: {  	s2 =	sadd.s32 s2, s17  }
0x8e: {  	[smem:$0x3FB5] =	sst s2  }
0x8f: {  	_ = 	snop  }
0x90: {  	s2 =	sld [smem:$0x3FD0];
	(tm) =	ssettm $0x1  }
0x91: {  	s18 =	sld [smem:$0x3FFB];
	_ =	sdelay $0x3  }
0x92: {  	_ =	strace s18  }
0x93: {  	s3 =	sld [smem:$0x3FFC];
	_ =	sdelay $0x3  }
0x94: {  	_ =	strace s3  }
0x95: {  	s3 =	sld [smem:$0x3FFD];
	_ =	sdelay $0x3  }
0x96: {  	_ =	strace s3  }
0x97: {  	_ =	strace $0x8FFFFFFF  }
0x98: {  	s19 =	sld [smem:$0x3FDB];
	_ =	sdelay $0x1  }
0x99: {  	s4 =	simm.s32 $_scs_section_size  }
0x9a: {  	s5 =	simm.s32 $_size__tile_overlayer_lowered;
	s6 =	simm.s32 $_tile_overlayer_lowered  }
0x9b: {  	s22 =	simm.s32 $0x1BFF;
	s21 =	sshll.u32 s6, $0x1;
	s3 =	sadd.s32 s4, s19  }
0x9c: {  	s7 =	simm.s32 $0x0;
	s20 =	sshll.u32 s5, $0x1;
	s5 =	sadd.s32 s21, s3  }
0x9d: {  	[timem:s7], [sflag:s22] =	dma.local [hbm:s5], s20  }
0x9e: {  	_ =	swait.ge [sflag:s22], s20  }
0x9f: {  	s4 =	ssub.s32 $0x0, s20;
	[sflag:s22] =	ssyncset.done $0x0  }
0xa0: {  	[sflag:s22] =	ssyncadd.s32 s4;
	_ =	sdelay $0x1  }
0xa1: {  	s23 =	simm.s32 $0x1B8B  }
0xa2: {  	_ =	swait.ge [sflag:s23], $0x1  }
0xa3: {  	[sflag:s23] =	ssyncset.done $0x0  }
0xa4: {  	s25 =	simm.s32 $0x1B8E;
	s24 =	sld [smem:$0x3FFE];
	[sflag:s23] =	ssyncadd.s32 $0xFFFFFFFF  }
0xa5: {  	s26 =	simm.s32 $execute0_lowered;
	[smem:$0x3FD2] =	sst s25  }
0xa6: {  	s5 =	sshll.u32 s26, $0x1;
	_ =	strace $0x80000046;
	[dreg:$0x1] =	wrdreg $0xFFFFFFFF  }
0xa7: {  	s28 =	simm.s32 $_size_execute0_lowered;
	s3 =	sadd.s32 s3, s5;
	[dreg:$0x0] =	wrdreg $0x0  }
0xa8: {  	s5 =	sshll.u32 s28, $0x1;
	[dreg:$0x2] =	wrdreg s3  }
0xa9: {  	[dreg:$0x3] =	wrdreg s5  }
0xaa: {  	[dreg:$0x4] =	wrdreg $0xC0  }
0xab: {  	_ =	task [dreg:s7], $0x5FFFF  }
0xac: {  	[dreg:$0x1] =	wrdreg $0xFFFFFFFF  }
0xad: {  	[dreg:$0x0] =	wrdreg $0x60  }
0xae: {  	[dreg:$0x2] =	wrdreg s2  }
0xaf: {  	[dreg:$0x3] =	wrdreg s24  }
0xb0: {  	[dreg:$0x4] =	wrdreg $0x9  }
0xb1: {  	_ =	task.clear_ibuf [dreg:s7], $0x5FFFF;
	_ =	strace $0x90000046  }
0xb2: {  	s29 =	simm.s32 $0x9;
	_ =	strace $0x80000048  }
0xb3: {  	_ =	swait.ge [sflag:s29], $0x1  }
0xb4: {  	[sflag:s29] =	ssyncadd.s32 $0xFFFFFFFF  }
0xb5: {  	_ =	strace $0x90000048  }
0xb6: {  	_ =	sfence  }
0xb7: {  	s30 =	sld [smem:$0x0];
	_ =	sdelay $0x2  }
0xb8: {  	s31 =	sshll.u32 s1, $0xD;
	s1 =	sshrl.u32 s1, $0x2  }
0xb9: {  	s3 =	sand.u32 $0x4000, s31;
	s1 =	sadd.s32 s1, s30  }
0xba: {  	s0 =	sor.u32 s3, s0;
	s1 =	sshll.u32 s1, $0x11  }
0xbb: {  	s0 =	sor.u32 s1, s0  }
0xbc: {  	s0 =	sadd.s32 $0x8F2B, s0  }
0xbd: {  	[sflag:s0] =	ssyncadd.remote.s32 $0x1  }
0xbe: {  	_ =	sfence.sel $0xFFFF  }
0xbf: {  	[dreg:$0x0] =	wrdreg $0xFFFFFFFF;
	(pc) =	sbr.abs _section_cstart, $3  }
0xc0: {  	[dreg:$0x1] =	wrdreg $0xFFFFFFFF  }
0xc1: {  	_ =	task.clear_ibuf [dreg:s7], $0x2FFFF;
	_ =	strace $0x9FFFFFFF  }
0xc2: {  	(tm) =	ssettm $0x7FFFFFFF  }
0xc3: {  	_ =	shalt  }
tec
execute0_lowered:
.L_overlay_start_1:
0x0: {  	(tag) =	ssettag $0x1  }
0x1: {  	s3 =	rddreg [dreg:$0x0]  }
0x2: {  	s4 =	rddreg [dreg:$0x1];
	s2 =	srdreg.scid  }
0x3: {  	s0 =	rddreg [dreg:$0x2];
	s1 =	stileid.u32;
	s5 =	sand.u32 $0x1, s2  }
0x4: {  	s2 =	simm.s32 $0x0;
	s6 =	sshll.u32 s1, $0x8;
	s7 =	sshll.u32 s5, $0x7  }
0x5: {  	[smem:$0x7FF] =	sst s2;
	s5 =	ssub.s32 $0x2, s5;
	s6 =	sor.u32 s7, s6  }
0x6: {  	_ =	strace $0x80000047;
	s31 =	sshrl.u32 s5, $0x1;
	s7 =	simm.s32 $0x400  }
0x7: {  	s4 =	sadd.s32 s6, s4;
	s5 =	ssub.s32 s5, s31;
	s3 =	sadd.s32 s3, s6  }
0x8: {  	s6 =	simm.s32 $0x1;
	s4 =	sadd.s32 $0x3400, s4;
	s5 =	smax.u32 s5, $0x1  }
.LBB2_1:
0x9: {  	[tilespmem:s2], [sflag:$0x1] =	stream.linear.gather [hbm4b:s3+s2], $0x400, $0x38;
	[tilespmem:$0x800] =	vst v63  }
0xa: {  	_ =	swait.ge [sflag:s6], $0x400  }
0xb: {  	[sflag:s6] =	ssyncset.done $0x0  }
0xc: {  	[sflag:s6] =	ssyncadd.s32 $0xFFFFFC00  }
0xd: {  	v1 =	vld [tilespmem:$0x0]  }
0xe: {  	v2 =	vld [tilespmem:$0x80]  }
0xf: {  	v3 =	vld [tilespmem:$0x100]  }
0x10: {  	v4 =	vld [tilespmem:$0x180]  }
0x11: {  	v5 =	vld [tilespmem:$0x200]  }
0x12: {  	v6 =	vld [tilespmem:$0x280]  }
0x13: {  	v7 =	vld [tilespmem:$0x300];
	v8 =	vmax.f32 v1, v2  }
0x14: {  	v13 =	vld [tilespmem:$0x380];
	v8 =	vmax.f32 v8, v3  }
0x15: {  	v8 =	vmax.f32 v8, v4  }
0x16: {  	v8 =	vmax.f32 v8, v5  }
0x17: {  	v8 =	vmax.f32 v8, v6  }
0x18: {  	v8 =	vmax.f32 v8, v7  }
0x19: {  	v14 =	vmax.f32 v8, v13  }
0x1a: {  	v0 =	vimm.s32 $0x0;
	vm0 =	veq.f32 v13, v14  }
0x1b: {  	vm13 =	veq.f32 v7, v14;
	v34 =	vsel vm0, $0x7, v0  }
0x1c: {  	vm14 =	veq.f32 v6, v14;
	v8 =	vsel vm13, $0x6, v34  }
0x1d: {  	vm15 =	veq.f32 v5, v14;
	v8 =	vsel vm14, $0x5, v8  }
0x1e: {  	vm4 =	veq.f32 v4, v14;
	v8 =	vsel vm15, $0x4, v8  }
0x1f: {  	vm5 =	veq.f32 v3, v14;
	v8 =	vsel vm4, $0x3, v8  }
0x20: {  	vm6 =	veq.f32 v2, v14;
	v8 =	vsel vm5, $0x2, v8  }
0x21: {  	vm1 =	vne.f32 v1, v14;
	v8 =	vsel vm6, $0x1, v8  }
0x22: {  	v15 =	vnsel vm1, $0x0, v8  }
0x23: {  	v35 =	vmax.f32 v1, $-3.000000010e+38;
	vm12 =	vmand vm1, vm6;
	vm10 =	veq.s32 v15, $0x0  }
0x24: {  	v9 =	vsel vm12, $0xFF61B1E6, v2;
	vm1 =	veq.s32 v15, $0x2;
	v8 =	vsel vm10, $0xFF61B1E6, v35  }
0x25: {  	vm8 =	veq.s32 v15, $0x3;
	v36 =	vsel vm1, $0xFF61B1E6, v3;
	v8 =	vmax.f32 v8, v9  }
0x26: {  	vm13 =	veq.s32 v15, $0x4;
	v37 =	vsel vm8, $0xFF61B1E6, v4;
	v8 =	vmax.f32 v8, v36  }
0x27: {  	v10 =	vsel vm13, $0xFF61B1E6, v5;
	v9 =	vmax.f32 v8, v37;
	v8 =	vld [tilespmem:$0x10]  }
0x28: {  	vm2 =	veq.s32 v15, $0x5;
	v10 =	vmax.f32 v9, v10;
	v9 =	vld [tilespmem:$0x90]  }
0x29: {  	v39 =	vld [tilespmem:$0x110];
	vm9 =	veq.s32 v15, $0x6;
	v11 =	vsel vm2, $0xFF61B1E6, v6  }
0x2a: {  	v40 =	vld [tilespmem:$0x190];
	vm7 =	veq.s32 v15, $0x7;
	v12 =	vsel vm9, $0xFF61B1E6, v7;
	v11 =	vmax.f32 v10, v11  }
0x2b: {  	v41 =	vld [tilespmem:$0x210];
	v16 =	vsel vm7, $0xFF61B1E6, v13;
	v12 =	vmax.f32 v11, v12  }
0x2c: {  	v38 =	vimm.s32 $0x0;
	v55 =	vimm.s32 $0x0;
	v17 =	vld [tilespmem:$0x290];
	v16 =	vmax.f32 v12, v16  }
0x2d: {  	v57 =	vimm.s32 $0x0;
	v18 =	vld [tilespmem:$0x310];
	v14 =	vsub.f32 v16, v14;
	v19 =	vmax.f32 v8, v9  }
0x2e: {  	v20 =	vld [tilespmem:$0x390];
	vm4 =	vne.s32 v15, $0x7;
	vm5 =	vne.s32 v15, $0x6;
	v19 =	vmax.f32 v19, v39  }
0x2f: {  	v10 =	vsel vm7, $0xFFFFFFFF, v38;
	v14 =	vmul.f32 $1.442695020e+00, v14;
	v42 =	vmax.f32 v19, v40  }
0x30: {  	vm3 =	veq.f32 v13, v16;
	vm11 =	veq.f32 v7, v16;
	v13 =	vmax.f32 v42, v41  }
0x31: {  	v48 =	vmax.f32 v8, $-3.000000010e+38;
	(erf) = vpow2.f32 v14;
	v13 =	vmax.f32 v13, v17  }
0x32: {  	vm3 =	vmand vm4, vm3;
	vm14 =	vmand vm5, vm11;
	v43 =	vmax.f32 v13, v18  }
0x33: {  	vm4 =	veq.f32 v6, v16;
	v44 =	vsel vm3, $0x7, v0;
	v7 =	vmax.f32 v43, v20  }
0x34: {  	v13 =	vsel vm14, $0x6, v44;
	vm14 =	vne.s32 v15, $0x5;
	vm15 =	veq.f32 v20, v7  }
0x35: {  	vm4 =	vmand vm14, vm4;
	vm11 =	veq.f32 v18, v7;
	v45 =	vsel vm15, $0x7, v0  }
0x36: {  	v13 =	vsel vm4, $0x5, v13;
	vm15 =	veq.f32 v17, v7;
	v6 =	vsel vm11, $0x6, v45  }
0x37: {  	vm14 =	veq.f32 v40, v7;
	vm11 =	veq.f32 v41, v7;
	v6 =	vsel vm15, $0x5, v6  }
0x38: {  	vm3 =	veq.f32 v9, v7;
	vm6 =	vne.f32 v8, v7;
	v6 =	vsel vm11, $0x4, v6  }
0x39: {  	vm7 =	vmand vm6, vm3;
	vm11 =	veq.f32 v39, v7;
	v6 =	vsel vm14, $0x3, v6  }
0x3a: {  	vm15 =	veq.f32 v5, v16;
	v46 =	vpop (erf);
	vm14 =	vne.s32 v15, $0x4;
	v6 =	vsel vm11, $0x2, v6  }
0x3b: {  	v5 =	vadd.f32 $1.000000000e+00, v46;
	vm14 =	vmand vm14, vm15;
	v6 =	vsel vm3, $0x1, v6  }
0x3c: {  	v49 =	vsel vm7, $0xFF61B1E6, v9;
	v13 =	vsel vm14, $0x4, v13;
	v47 =	vnsel vm6, $0x0, v6  }
0x3d: {  	vm14 =	veq.f32 v4, v16;
	(erf) = vrcp.f32 v5;
	vm11 =	veq.s32 v47, $0x0  }
0x3e: {  	vm6 =	veq.s32 v47, $0x2;
	vm5 =	veq.s32 v47, $0x3;
	vm3 =	veq.s32 v47, $0x4  }
0x3f: {  	vm4 =	veq.s32 v47, $0x5;
	vm15 =	veq.s32 v47, $0x6;
	v5 =	vsel vm11, $0xFF61B1E6, v48  }
0x40: {  	vm0 =	veq.s32 v47, $0x7;
	v50 =	vsel vm6, $0xFF61B1E6, v39;
	v5 =	vmax.f32 v5, v49  }
0x41: {  	v51 =	vsel vm5, $0xFF61B1E6, v40;
	v52 =	vsel vm3, $0xFF61B1E6, v41;
	v5 =	vmax.f32 v5, v50  }
0x42: {  	v53 =	vsel vm4, $0xFF61B1E6, v17;
	v56 =	vsel vm15, $0xFF61B1E6, v18;
	v5 =	vmax.f32 v5, v51  }
0x43: {  	v6 =	vsel vm0, $0xFFFFFFFF, v57;
	v58 =	vsel vm0, $0xFF61B1E6, v20;
	v5 =	vmax.f32 v5, v52  }
0x44: {  	vm0 =	vne.s32 v15, $0x2;
	v57 =	vimm.s32 $0x0;
	v54 =	vmax.f32 v5, v53  }
0x45: {  	v5 =	vsel vm15, $0xFFFFFFFF, v55;
	vm15 =	vne.s32 v15, $0x3;
	v4 =	vmax.f32 v54, v56  }
0x46: {  	vm14 =	vmand vm15, vm14;
	vm15 =	veq.f32 v3, v16;
	v59 =	vmax.f32 v4, v58  }
0x47: {  	v60 =	vsel vm14, $0x3, v13;
	vm0 =	vmand vm0, vm15;
	vm14 =	vne.s32 v15, $0x1  }
0x48: {  	v63 =	vpop (erf);
	v4 =	vsub.f32 v59, v7;
	v3 =	vsel vm0, $0x2, v60;
	vm0 =	veq.f32 v2, v16  }
0x49: {  	v23 =	vsub.f32 $1.000000000e+00, v63;
	vm0 =	vmand vm14, vm0;
	vm14 =	vne.f32 v1, v16  }
0x4a: {  	v61 =	vmul.f32 $1.442695020e+00, v4;
	v62 =	vsel vm0, $0x1, v3;
	vm14 =	vmor vm10, vm14  }
0x4b: {  	v21 =	vnsel vm14, $0x0, v62;
	vm0 =	vmand vm14, vm0;
	v62 =	vimm.s32 $0x0  }
0x4c: {  	v16 =	vld [tilespmem:$0x20];
	(erf) = vpow2.f32 v61;
	vm14 =	veq.s32 v21, $0x0;
	v24 =	vnsel vm0, $0x0, v23  }
0x4d: {  	vm15 =	veq.s32 v21, $0x3;
	v22 =	vnsel vm14, $0x0, v23;
	v3 =	vsel vm12, v63, v24  }
0x4e: {  	vm14 =	veq.s32 v21, $0x2;
	vm12 =	veq.s32 v21, $0x4;
	v26 =	vnsel vm15, $0x0, v23  }
0x4f: {  	vm15 =	veq.f32 v20, v59;
	v7 =	vsel vm10, v63, v22;
	v25 =	vnsel vm14, $0x0, v23  }
0x50: {  	v27 =	vnsel vm12, $0x0, v23;
	v4 =	vsel vm8, v63, v26;
	vm14 =	veq.s32 v21, $0x6  }
0x51: {  	vm12 =	vne.s32 v47, $0x7;
	vm8 =	veq.f32 v17, v59;
	v50 =	vmax.f32 v16, $-3.000000010e+38  }
0x52: {  	[tilespmem:$0x1FF20] =	vst v5;
	v5 =	vsel vm1, v63, v25;
	v28 =	vsel vm13, v63, v27;
	vm13 =	veq.s32 v21, $0x5  }
0x53: {  	[tilespmem:$0x1FF10] =	vst v10;
	v30 =	vnsel vm14, $0x0, v23;
	vm14 =	veq.f32 v18, v59;
	v29 =	vnsel vm13, $0x0, v23  }
0x54: {  	v42 =	vld [tilespmem:$0x1FF10];
	vm13 =	vmand vm12, vm15;
	v2 =	vsel vm9, v63, v30;
	vm15 =	vne.s32 v47, $0x6  }
0x55: {  	[tilespmem:$0x1FF30] =	vst v6;
	v15 =	vld [tilespmem:$0x120];
	vm9 =	vne.s32 v47, $0x5;
	vm12 =	veq.f32 v41, v59;
	v6 =	vsel vm2, v63, v29  }
0x56: {  	v17 =	vld [tilespmem:$0xA0];
	v31 =	vsel vm13, $0x7, v0;
	vm0 =	vmand vm15, vm14;
	vm10 =	vmand vm9, vm8  }
0x57: {  	v24 =	vld [tilespmem:$0x30];
	vm13 =	vne.s32 v47, $0x4;
	vm14 =	veq.f32 v40, v59;
	vm15 =	vne.s32 v47, $0x3  }
0x58: {  	v18 =	vld [tilespmem:$0x1A0];
	vm8 =	veq.s32 v21, $0x7;
	vm9 =	veq.f32 v9, v59;
	v34 =	vsel vm0, $0x6, v31;
	v32 =	vpop (erf)  }
0x59: {  	v25 =	vld [tilespmem:$0xB0];
	vm0 =	vmand vm13, vm12;
	vm12 =	vmand vm15, vm14;
	v33 =	vadd.f32 $1.000000000e+00, v32  }
0x5a: {  	v22 =	vld [tilespmem:$0x220];
	vm13 =	veq.f32 v39, v59;
	vm14 =	vne.s32 v47, $0x2;
	v37 =	vnsel vm8, $0x0, v23  }
0x5b: {  	v29 =	vld [tilespmem:$0x2A0];
	v20 =	vsel vm10, $0x5, v34;
	v36 =	vmax.f32 v16, v17;
	(erf) = vrcp.f32 v33  }
0x5c: {  	v30 =	vld [tilespmem:$0x320];
	vm15 =	vmand vm14, vm13;
	vm10 =	vne.s32 v47, $0x1;
	vm13 =	vnez.u8 v42  }
0x5d: {  	v31 =	vld [tilespmem:$0x3A0];
	v35 =	vsel vm0, $0x4, v20;
	v10 =	vmax.f32 v36, v15;
	vm0 =	vmand vm10, vm9  }
0x5e: {  	v58 =	vmax.f32 v24, v25;
	v11 =	vsel vm12, $0x3, v35;
	v10 =	vmax.f32 v10, v18  }
0x5f: {  	vm12 =	vne.f32 v8, v59;
	v11 =	vsel vm15, $0x2, v11;
	v38 =	vmax.f32 v10, v22  }
0x60: {  	vm1 =	vmor vm11, vm12;
	v39 =	vmax.f32 v38, v29;
	v40 =	vsel vm0, $0x1, v11  }
0x61: {  	vm0 =	vmand vm1, vm0;
	v8 =	vmax.f32 v39, v30;
	v20 =	vnsel vm1, $0x0, v40  }
0x62: {  	v41 =	vmax.f32 v8, v31;
	v8 =	vsel vm13, v63, v37;
	vm14 =	veq.s32 v20, $0x0  }
0x63: {  	vm9 =	veq.s32 v20, $0x2;
	vm15 =	veq.f32 v31, v41;
	vm12 =	veq.f32 v30, v41  }
0x64: {  	vm13 =	veq.f32 v29, v41;
	vm8 =	veq.f32 v15, v41;
	v44 =	vsel vm15, $0x7, v0;
	v19 =	vpop (erf)  }
0x65: {  	vm10 =	veq.f32 v17, v41;
	v10 =	vsel vm12, $0x6, v44;
	v21 =	vsub.f32 $1.000000000e+00, v19  }
0x66: {  	vm15 =	veq.f32 v18, v41;
	v44 =	vmax.f32 v24, $-3.000000010e+38;
	v10 =	vsel vm13, $0x5, v10  }
0x67: {  	v43 =	vnsel vm14, $0x0, v21;
	vm14 =	veq.f32 v22, v41;
	v45 =	vnsel vm0, $0x0, v21  }
0x68: {  	v48 =	vnsel vm9, $0x0, v21;
	vm9 =	veq.s32 v20, $0x5;
	v9 =	vsel vm11, v19, v43  }
0x69: {  	v46 =	vsel vm14, $0x4, v10;
	v10 =	vsel vm7, v19, v45;
	vm11 =	vne.f32 v16, v41  }
0x6a: {  	vm7 =	veq.s32 v20, $0x3;
	v37 =	vnsel vm9, $0x0, v21;
	v47 =	vsel vm15, $0x3, v46  }
0x6b: {  	vm13 =	vmand vm11, vm10;
	v33 =	vnsel vm7, $0x0, v21;
	v11 =	vsel vm8, $0x2, v47  }
0x6c: {  	vm7 =	veq.s32 v20, $0x4;
	v51 =	vsel vm13, $0xFF61B1E6, v17;
	v49 =	vsel vm10, $0x1, v11  }
0x6d: {  	v36 =	vnsel vm7, $0x0, v21;
	v11 =	vsel vm6, v19, v48;
	v32 =	vnsel vm11, $0x0, v49  }
0x6e: {  	v49 =	vimm.s32 $0x0;
	vm12 =	veq.s32 v32, $0x0;
	vm10 =	veq.s32 v32, $0x2  }
0x6f: {  	vm11 =	veq.s32 v32, $0x3;
	vm14 =	veq.s32 v32, $0x4;
	vm8 =	veq.s32 v32, $0x5  }
0x70: {  	vm6 =	veq.s32 v32, $0x6;
	vm15 =	veq.s32 v32, $0x7;
	v12 =	vsel vm12, $0xFF61B1E6, v50  }
0x71: {  	vm9 =	vne.s32 v32, $0x7;
	v52 =	vsel vm10, $0xFF61B1E6, v15;
	v12 =	vmax.f32 v12, v51  }
0x72: {  	v23 =	vld [tilespmem:$0x130];
	vm2 =	vne.s32 v32, $0x4;
	v53 =	vsel vm11, $0xFF61B1E6, v18;
	v12 =	vmax.f32 v12, v52  }
0x73: {  	v26 =	vld [tilespmem:$0x1B0];
	v54 =	vsel vm14, $0xFF61B1E6, v22;
	v55 =	vsel vm8, $0xFF61B1E6, v29;
	v12 =	vmax.f32 v12, v53  }
0x74: {  	v27 =	vld [tilespmem:$0x230];
	v56 =	vsel vm6, $0xFF61B1E6, v30;
	v0 =	vsel vm15, $0xFFFFFFFF, v57;
	v12 =	vmax.f32 v12, v54  }
0x75: {  	[tilespmem:$0x1FF80] =	vst v28;
	v34 =	vsel vm15, $0xFF61B1E6, v31;
	vm15 =	veq.s32 v20, $0x6;
	v12 =	vmax.f32 v12, v55  }
0x76: {  	v28 =	vld [tilespmem:$0x2B0];
	[tilespmem:$0x1FF40] =	vst v0;
	v61 =	vnsel vm15, $0x0, v21;
	v0 =	vimm.s32 $0x0;
	v13 =	vmax.f32 v12, v56  }
0x77: {  	v12 =	vsel vm5, v19, v33;
	v33 =	vmax.f32 v13, v34;
	v34 =	vld [tilespmem:$0x330];
	v13 =	vmax.f32 v58, v23  }
0x78: {  	v35 =	vld [tilespmem:$0x3B0];
	v52 =	vimm.s32 $0x0;
	v55 =	vimm.s32 $0x0;
	v13 =	vmax.f32 v13, v26  }
0x79: {  	v14 =	vsub.f32 v33, v41;
	vm7 =	veq.f32 v31, v33;
	v39 =	vmax.f32 v13, v27  }
0x7a: {  	v13 =	vsel vm4, v19, v37;
	vm15 =	vmand vm9, vm7;
	vm7 =	veq.f32 v30, v33  }
0x7b: {  	v38 =	vmul.f32 $1.442695020e+00, v14;
	v14 =	vsel vm3, v19, v36;
	v59 =	vmax.f32 v39, v28  }
0x7c: {  	v63 =	vsel vm15, $0x7, v62;
	vm15 =	vne.s32 v32, $0x6;
	v36 =	vmax.f32 v59, v34  }
0x7d: {  	vm1 =	vmand vm15, vm7;
	(erf) = vpow2.f32 v38;
	v60 =	vmax.f32 v36, v35  }
0x7e: {  	v37 =	vsel vm1, $0x6, v63;
	vm1 =	veq.f32 v29, v33;
	vm4 =	veq.f32 v35, v60  }
0x7f: {  	vm5 =	veq.f32 v34, v60;
	vm9 =	veq.f32 v28, v60;
	v40 =	vsel vm4, $0x7, v62  }
0x80: {  	vm7 =	veq.f32 v23, v60;
	vm3 =	veq.f32 v25, v60;
	v41 =	vsel vm5, $0x6, v40  }
0x81: {  	vm15 =	vne.f32 v24, v60;
	vm4 =	veq.f32 v27, v60;
	v30 =	vsel vm9, $0x5, v41  }
0x82: {  	vm5 =	veq.f32 v26, v60;
	vm9 =	vne.s32 v32, $0x5;
	v30 =	vsel vm4, $0x4, v30  }
0x83: {  	vm0 =	vmand vm9, vm1;
	vm1 =	veq.f32 v18, v33;
	v30 =	vsel vm5, $0x3, v30  }
0x84: {  	v37 =	vsel vm0, $0x5, v37;
	vm0 =	veq.f32 v22, v33;
	v42 =	vsel vm7, $0x2, v30  }
0x85: {  	vm2 =	vmand vm2, vm0;
	v29 =	vsel vm3, $0x1, v42;
	vm3 =	vmand vm15, vm3  }
0x86: {  	v43 =	vpop (erf);
	v57 =	vsel vm2, $0x4, v37;
	vm2 =	vne.s32 v32, $0x2;
	v29 =	vnsel vm15, $0x0, v29  }
0x87: {  	v30 =	vadd.f32 $1.000000000e+00, v43;
	v45 =	vsel vm3, $0xFF61B1E6, v25;
	vm5 =	veq.s32 v29, $0x0  }
0x88: {  	vm15 =	veq.s32 v29, $0x2;
	vm9 =	veq.s32 v29, $0x3;
	vm7 =	veq.s32 v29, $0x4  }
0x89: {  	vm4 =	veq.s32 v29, $0x5;
	v38 =	vsel vm5, $0xFF61B1E6, v44;
	v46 =	vsel vm15, $0xFF61B1E6, v23  }
0x8a: {  	v58 =	vld [tilespmem:$0x1FF20];
	v47 =	vsel vm9, $0xFF61B1E6, v26;
	v1 =	vsel vm4, $0xFFFFFFFF, v49;
	v50 =	vsel vm4, $0xFF61B1E6, v28  }
0x8b: {  	(erf) = vrcp.f32 v30;
	vm4 =	veq.s32 v29, $0x6;
	v38 =	vmax.f32 v38, v45  }
0x8c: {  	[tilespmem:$0x1FF50] =	vst v1;
	v1 =	vsel vm4, $0xFFFFFFFF, v52;
	v53 =	vsel vm4, $0xFF61B1E6, v34;
	vm4 =	veq.s32 v29, $0x7  }
0x8d: {  	v48 =	vsel vm7, $0xFF61B1E6, v27;
	v38 =	vmax.f32 v38, v46;
	[tilespmem:$0x1FF60] =	vst v1;
	v1 =	vsel vm4, $0xFFFFFFFF, v55  }
0x8e: {  	v56 =	vsel vm4, $0xFF61B1E6, v35;
	vm4 =	vne.s32 v32, $0x3;
	v38 =	vmax.f32 v38, v47  }
0x8f: {  	vm0 =	vmand vm4, vm1;
	vm1 =	veq.f32 v15, v33;
	vm4 =	vnez.u8 v58  }
0x90: {  	v42 =	vld [tilespmem:$0x1FF30];
	v38 =	vmax.f32 v38, v48;
	v15 =	vsel vm4, v19, v61;
	v18 =	vsel vm0, $0x3, v57  }
0x91: {  	vm0 =	vmand vm2, vm1;
	vm1 =	veq.f32 v17, v33;
	v51 =	vmax.f32 v38, v50  }
0x92: {  	vm4 =	vne.s32 v32, $0x1;
	v59 =	vsel vm0, $0x2, v18;
	v54 =	vmax.f32 v51, v53  }
0x93: {  	vm0 =	vmand vm4, vm1;
	vm4 =	vne.f32 v16, v33;
	v30 =	vmax.f32 v54, v56  }
0x94: {  	vm1 =	vmor vm12, vm4;
	vm4 =	veq.s32 v20, $0x7;
	v22 =	vsub.f32 v30, v60  }
0x95: {  	v41 =	vnsel vm4, $0x0, v21;
	vm4 =	vnez.u8 v42;
	v60 =	vsel vm0, $0x1, v59;
	v61 =	vpop (erf)  }
0x96: {  	v62 =	vnsel vm1, $0x0, v60;
	v22 =	vmul.f32 $1.442695020e+00, v22;
	v63 =	vsub.f32 $1.000000000e+00, v61  }
0x97: {  	vm0 =	vmand vm1, vm0;
	v21 =	vsel vm4, v19, v41;
	vm1 =	veq.s32 v62, $0x0  }
0x98: {  	vm4 =	veq.s32 v62, $0x4;
	(erf) = vpow2.f32 v22;
	v43 =	vnsel vm1, $0x0, v63  }
0x99: {  	v44 =	vnsel vm0, $0x0, v63;
	v47 =	vnsel vm4, $0x0, v63;
	vm4 =	veq.f32 v34, v30  }
0x9a: {  	vm1 =	veq.s32 v62, $0x6;
	v20 =	vsel vm12, v61, v43;
	v17 =	vsel vm13, v61, v44  }
0x9b: {  	vm12 =	veq.s32 v62, $0x2;
	vm13 =	veq.s32 v62, $0x3;
	v16 =	vsel vm14, v61, v47  }
0x9c: {  	vm14 =	vne.s32 v29, $0x7;
	v52 =	vnsel vm1, $0x0, v63;
	v45 =	vnsel vm12, $0x0, v63  }
0x9d: {  	v46 =	vnsel vm13, $0x0, v63;
	vm12 =	veq.s32 v62, $0x5;
	vm13 =	veq.f32 v35, v30  }
0x9e: {  	v60 =	vld [tilespmem:$0x1FF40];
	v19 =	vsel vm10, v61, v45;
	v18 =	vsel vm11, v61, v46;
	v48 =	vnsel vm12, $0x0, v63  }
0x9f: {  	vm0 =	vmand vm14, vm13;
	vm10 =	vne.s32 v29, $0x6;
	vm12 =	veq.f32 v28, v30  }
0xa0: {  	v36 =	vld [tilespmem:$0xC0];
	vm13 =	vne.s32 v29, $0x5;
	vm14 =	veq.f32 v27, v30;
	v50 =	vsel vm0, $0x7, v0  }
0xa1: {  	v35 =	vld [tilespmem:$0x40];
	vm11 =	vmand vm10, vm4;
	v22 =	vsel vm8, v61, v48;
	vm0 =	vmand vm13, vm12  }
0xa2: {  	v37 =	vld [tilespmem:$0x140];
	vm4 =	vne.s32 v29, $0x4;
	vm13 =	veq.f32 v26, v30;
	vm8 =	vne.f32 v24, v30  }
0xa3: {  	v38 =	vld [tilespmem:$0x1C0];
	vm10 =	vnez.u8 v60;
	v51 =	vsel vm11, $0x6, v50;
	vm12 =	vmand vm4, vm14  }
0xa4: {  	v39 =	vld [tilespmem:$0x240];
	vm14 =	vne.s32 v29, $0x3;
	vm4 =	veq.f32 v23, v30;
	v23 =	vsel vm6, v61, v52;
	v49 =	vpop (erf)  }
0xa5: {  	v40 =	vld [tilespmem:$0x2C0];
	vm6 =	vne.s32 v29, $0x1;
	vm1 =	vmor vm5, vm8;
	v34 =	vadd.f32 $1.000000000e+00, v49  }
0xa6: {  	v41 =	vld [tilespmem:$0x340];
	v53 =	vsel vm0, $0x5, v51;
	vm0 =	vmand vm14, vm13;
	v56 =	vmax.f32 v35, v36  }
0xa7: {  	v43 =	vld [tilespmem:$0x3C0];
	vm13 =	veq.s32 v62, $0x7;
	v57 =	vmax.f32 v56, v37;
	(erf) = vrcp.f32 v34  }
0xa8: {  	v28 =	vsel vm12, $0x4, v53;
	vm12 =	vne.s32 v29, $0x2;
	v24 =	vmax.f32 v57, v38  }
0xa9: {  	v55 =	vnsel vm13, $0x0, v63;
	v54 =	vsel vm0, $0x3, v28;
	v59 =	vmax.f32 v24, v39  }
0xaa: {  	vm14 =	vmand vm12, vm4;
	vm4 =	veq.f32 v25, v30;
	v25 =	vmax.f32 v59, v40  }
0xab: {  	v26 =	vsel vm14, $0x2, v54;
	vm0 =	vmand vm6, vm4;
	v25 =	vmax.f32 v25, v41  }
0xac: {  	v51 =	vmax.f32 v35, $-3.000000010e+38;
	v58 =	vsel vm0, $0x1, v26;
	v63 =	vmax.f32 v25, v43  }
0xad: {  	v24 =	vsel vm10, v61, v55;
	vm0 =	vmand vm1, vm0;
	vm13 =	veq.f32 v43, v63  }
0xae: {  	v33 =	vnsel vm1, $0x0, v58;
	v58 =	vld [tilespmem:$0x1FF50];
	vm14 =	veq.f32 v41, v63;
	v46 =	vsel vm13, $0x7, v0  }
0xaf: {  	vm11 =	veq.s32 v33, $0x0;
	vm4 =	veq.f32 v40, v63;
	v28 =	vsel vm14, $0x6, v46  }
0xb0: {  	vm12 =	veq.s32 v33, $0x2;
	vm6 =	veq.f32 v39, v63;
	v28 =	vsel vm4, $0x5, v28;
	v32 =	vpop (erf)  }
0xb1: {  	vm8 =	veq.f32 v38, v63;
	v48 =	vsel vm6, $0x4, v28;
	v34 =	vsub.f32 $1.000000000e+00, v32  }
0xb2: {  	vm10 =	veq.f32 v37, v63;
	vm13 =	vne.f32 v35, v63;
	v49 =	vsel vm8, $0x3, v48  }
0xb3: {  	vm14 =	vnez.u8 v58;
	v29 =	vsel vm10, $0x2, v49;
	v61 =	vnsel vm11, $0x0, v34  }
0xb4: {  	v62 =	vnsel vm0, $0x0, v34;
	v45 =	vnsel vm12, $0x0, v34;
	vm11 =	veq.s32 v33, $0x4  }
0xb5: {  	vm12 =	veq.f32 v36, v63;
	v26 =	vsel vm5, v32, v61;
	v25 =	vsel vm3, v32, v62  }
0xb6: {  	v27 =	vsel vm15, v32, v45;
	vm5 =	veq.s32 v33, $0x3;
	v50 =	vnsel vm11, $0x0, v34  }
0xb7: {  	v42 =	vsel vm12, $0x1, v29;
	vm3 =	veq.s32 v33, $0x5;
	vm10 =	vmand vm13, vm12  }
0xb8: {  	vm15 =	veq.s32 v33, $0x6;
	v47 =	vnsel vm5, $0x0, v34;
	v29 =	vsel vm7, v32, v50  }
0xb9: {  	v46 =	vnsel vm13, $0x0, v42;
	v52 =	vsel vm10, $0xFF61B1E6, v36;
	v44 =	vnsel vm3, $0x0, v34  }
0xba: {  	v50 =	vnsel vm15, $0x0, v34;
	v28 =	vsel vm9, v32, v47;
	vm9 =	veq.s32 v46, $0x0  }
0xbb: {  	vm13 =	veq.s32 v46, $0x2;
	vm7 =	veq.s32 v46, $0x3;
	v30 =	vsel vm9, $0xFF61B1E6, v51  }
0xbc: {  	v42 =	vld [tilespmem:$0x50];
	vm8 =	veq.s32 v46, $0x4;
	v53 =	vsel vm13, $0xFF61B1E6, v37;
	v30 =	vmax.f32 v30, v52  }
0xbd: {  	vm11 =	veq.s32 v46, $0x5;
	v54 =	vsel vm7, $0xFF61B1E6, v38;
	v30 =	vmax.f32 v30, v53  }
0xbe: {  	vm6 =	veq.s32 v46, $0x6;
	v55 =	vsel vm8, $0xFF61B1E6, v39;
	v30 =	vmax.f32 v30, v54  }
0xbf: {  	vm2 =	veq.s32 v46, $0x7;
	v56 =	vsel vm11, $0xFF61B1E6, v40;
	v30 =	vmax.f32 v30, v55  }
0xc0: {  	v61 =	vld [tilespmem:$0x1FF60];
	vm5 =	vne.s32 v46, $0x7;
	v57 =	vsel vm6, $0xFF61B1E6, v41;
	v30 =	vmax.f32 v30, v56  }
0xc1: {  	v47 =	vsel vm2, $0xFF61B1E6, v43;
	v58 =	vmax.f32 v42, $-3.000000010e+38;
	v45 =	vmax.f32 v30, v57  }
0xc2: {  	v30 =	vsel vm14, v32, v44;
	vm14 =	vne.s32 v46, $0x6;
	v49 =	vmax.f32 v45, v47  }
0xc3: {  	v44 =	vld [tilespmem:$0xD0];
	v57 =	vimm.s32 $0x0;
	vm4 =	veq.f32 v43, v49;
	vm12 =	veq.f32 v41, v49  }
0xc4: {  	v45 =	vld [tilespmem:$0x150];
	v60 =	vsub.f32 v49, v63;
	vm1 =	veq.f32 v36, v49;
	vm0 =	vmand vm5, vm4  }
0xc5: {  	v47 =	vld [tilespmem:$0x1D0];
	vm15 =	vmand vm14, vm12;
	vm4 =	vnez.u8 v61;
	vm5 =	veq.f32 v40, v49  }
0xc6: {  	v48 =	vld [tilespmem:$0x250];
	vm12 =	vne.s32 v46, $0x5;
	vm14 =	veq.f32 v39, v49;
	v59 =	vsel vm0, $0x7, v0  }
0xc7: {  	v40 =	vld [tilespmem:$0x2D0];
	v31 =	vsel vm4, v32, v50;
	v43 =	vmul.f32 $1.442695020e+00, v60;
	vm0 =	vmand vm12, vm5  }
0xc8: {  	v50 =	vld [tilespmem:$0x350];
	v41 =	vsel vm15, $0x6, v59;
	v51 =	vmax.f32 v42, v44;
	vm15 =	vne.s32 v46, $0x4  }
0xc9: {  	v52 =	vld [tilespmem:$0x3D0];
	v62 =	vmax.f32 v51, v45;
	(erf) = vpow2.f32 v43;
	v41 =	vsel vm0, $0x5, v41  }
0xca: {  	vm12 =	vmand vm15, vm14;
	vm14 =	veq.f32 v38, v49;
	v39 =	vmax.f32 v62, v47  }
0xcb: {  	[tilespmem:$0x1FF70] =	vst v1;
	vm15 =	vne.s32 v46, $0x3;
	v1 =	vsel vm12, $0x4, v41;
	v39 =	vmax.f32 v39, v48  }
0xcc: {  	vm12 =	vmand vm15, vm14;
	vm14 =	veq.f32 v37, v49;
	v63 =	vmax.f32 v39, v40  }
0xcd: {  	vm15 =	vne.s32 v46, $0x2;
	v62 =	vimm.s32 $0x0;
	v38 =	vmax.f32 v63, v50  }
0xce: {  	v41 =	vimm.s32 $0x0;
	v43 =	vsel vm12, $0x3, v1;
	v37 =	vmax.f32 v38, v52  }
0xcf: {  	vm4 =	vmand vm15, vm14;
	vm15 =	vne.s32 v46, $0x1;
	vm5 =	veq.f32 v52, v37  }
0xd0: {  	v46 =	vimm.s32 $0x0;
	vm12 =	veq.f32 v50, v37;
	v51 =	vsel vm5, $0x7, v0  }
0xd1: {  	v38 =	vsel vm4, $0x2, v43;
	vm14 =	veq.f32 v40, v37;
	v53 =	vsel vm12, $0x6, v51  }
0xd2: {  	vm4 =	vne.f32 v35, v49;
	vm12 =	veq.f32 v48, v37;
	v36 =	vsel vm14, $0x5, v53  }
0xd3: {  	vm0 =	veq.f32 v44, v37;
	vm14 =	veq.f32 v47, v37;
	v36 =	vsel vm12, $0x4, v36  }
0xd4: {  	vm5 =	vmand vm15, vm1;
	vm15 =	veq.f32 v45, v37;
	v54 =	vpop (erf);
	v36 =	vsel vm14, $0x3, v36  }
0xd5: {  	v56 =	vsel vm5, $0x1, v38;
	v39 =	vadd.f32 $1.000000000e+00, v54;
	v55 =	vsel vm15, $0x2, v36  }
0xd6: {  	vm12 =	vne.f32 v42, v37;
	vm14 =	vmor vm9, vm4;
	v35 =	vsel vm0, $0x1, v55  }
0xd7: {  	vm1 =	vmand vm12, vm0;
	(erf) = vrcp.f32 v39;
	v51 =	vnsel vm12, $0x0, v35  }
0xd8: {  	v59 =	vsel vm1, $0xFF61B1E6, v44;
	vm3 =	veq.s32 v51, $0x0;
	vm0 =	veq.s32 v51, $0x2  }
0xd9: {  	vm12 =	veq.s32 v51, $0x3;
	vm4 =	veq.s32 v51, $0x4;
	v35 =	vsel vm3, $0xFF61B1E6, v58  }
0xda: {  	v60 =	vsel vm0, $0xFF61B1E6, v45;
	v61 =	vsel vm12, $0xFF61B1E6, v47;
	v1 =	vsel vm4, $0xFFFFFFFF, v62  }
0xdb: {  	v63 =	vsel vm4, $0xFF61B1E6, v48;
	vm4 =	veq.s32 v51, $0x5;
	v35 =	vmax.f32 v35, v59  }
0xdc: {  	v58 =	vnsel vm14, $0x0, v56;
	[tilespmem:$0x1FF90] =	vst v1;
	v1 =	vsel vm4, $0xFFFFFFFF, v41;
	v35 =	vmax.f32 v35, v60  }
0xdd: {  	v43 =	vsel vm4, $0xFF61B1E6, v40;
	vm4 =	veq.s32 v51, $0x6;
	v35 =	vmax.f32 v35, v61  }
0xde: {  	vm14 =	vmand vm14, vm5;
	[tilespmem:$0x1FFA0] =	vst v1;
	v1 =	vsel vm4, $0xFFFFFFFF, v46;
	v61 =	vld [tilespmem:$0x1FF70];
	v35 =	vmax.f32 v35, v63  }
0xdf: {  	v49 =	vsel vm4, $0xFF61B1E6, v50;
	vm4 =	veq.s32 v51, $0x7;
	v35 =	vmax.f32 v35, v43  }
0xe0: {  	[tilespmem:$0x1FFB0] =	vst v1;
	v1 =	vsel vm4, $0xFFFFFFFF, v57;
	v59 =	vsel vm4, $0xFF61B1E6, v52;
	v54 =	vpop (erf);
	v35 =	vmax.f32 v35, v49  }
0xe1: {  	vm4 =	veq.s32 v33, $0x7;
	v53 =	vsub.f32 $1.000000000e+00, v54;
	v55 =	vmax.f32 v35, v59  }
0xe2: {  	vm15 =	veq.s32 v58, $0x0;
	v33 =	vnsel vm4, $0x0, v34;
	v60 =	vsub.f32 v55, v37  }
0xe3: {  	vm4 =	vnez.u8 v61;
	v62 =	vnsel vm15, $0x0, v53;
	v63 =	vnsel vm14, $0x0, v53  }
0xe4: {  	vm15 =	veq.s32 v58, $0x2;
	vm14 =	veq.s32 v58, $0x6;
	v38 =	vsel vm4, v32, v33  }
0xe5: {  	[tilespmem:$0x1FFC0] =	vst v1;
	v39 =	vsel vm9, v54, v62;
	v37 =	vsel vm10, v54, v63;
	v1 =	vnsel vm15, $0x0, v53  }
0xe6: {  	vm9 =	veq.s32 v58, $0x3;
	vm10 =	veq.s32 v58, $0x4;
	v49 =	vnsel vm14, $0x0, v53  }
0xe7: {  	vm15 =	veq.f32 v52, v55;
	vm14 =	veq.f32 v40, v55;
	v34 =	vmul.f32 $1.442695020e+00, v60  }
0xe8: {  	v32 =	vsel vm13, v54, v1;
	v36 =	vnsel vm9, $0x0, v53;
	vm13 =	veq.s32 v58, $0x5  }
0xe9: {  	v41 =	vnsel vm10, $0x0, v53;
	vm9 =	vne.s32 v51, $0x7;
	v35 =	vsel vm6, v54, v49  }
0xea: {  	v43 =	vld [tilespmem:$0xE0];
	vm10 =	veq.s32 v58, $0x7;
	v36 =	vsel vm7, v54, v36;
	v46 =	vnsel vm13, $0x0, v53  }
0xeb: {  	v33 =	vsel vm8, v54, v41;
	v41 =	vld [tilespmem:$0x60];
	vm4 =	vmand vm9, vm15;
	vm13 =	vne.s32 v51, $0x6  }
0xec: {  	vm15 =	vne.s32 v51, $0x5;
	(erf) = vpow2.f32 v34;
	v34 =	vsel vm11, v54, v46;
	v46 =	vld [tilespmem:$0x160]  }
0xed: {  	v49 =	vld [tilespmem:$0x1E0];
	v57 =	vnsel vm10, $0x0, v53;
	vm10 =	veq.f32 v48, v55;
	vm8 =	veq.f32 v45, v55  }
0xee: {  	v53 =	vld [tilespmem:$0x260];
	v56 =	vsel vm4, $0x7, v0;
	vm11 =	veq.f32 v50, v55;
	vm9 =	vmand vm15, vm14  }
0xef: {  	v60 =	vld [tilespmem:$0x2E0];
	v40 =	vsel vm2, v54, v57;
	vm14 =	vne.s32 v51, $0x3;
	vm4 =	vmand vm13, vm11  }
0xf0: {  	v61 =	vld [tilespmem:$0x360];
	vm11 =	vne.s32 v51, $0x4;
	vm13 =	veq.f32 v47, v55;
	v1 =	vmax.f32 v41, v43  }
0xf1: {  	v62 =	vld [tilespmem:$0x3E0];
	v58 =	vsel vm4, $0x6, v56;
	vm2 =	vmand vm11, vm10;
	v52 =	vmax.f32 v1, v46  }
0xf2: {  	vm15 =	vmand vm14, vm13;
	vm11 =	veq.f32 v44, v55;
	v47 =	vmax.f32 v52, v49  }
0xf3: {  	vm13 =	vne.s32 v51, $0x1;
	v50 =	vsel vm9, $0x5, v58;
	v47 =	vmax.f32 v47, v53  }
0xf4: {  	vm9 =	vne.s32 v51, $0x2;
	v54 =	vsel vm2, $0x4, v50;
	v56 =	vmax.f32 v47, v60  }
0xf5: {  	vm10 =	vmand vm9, vm8;
	vm2 =	vmand vm13, vm11;
	v45 =	vmax.f32 v56, v61  }
0xf6: {  	vm8 =	vne.f32 v42, v55;
	v57 =	vsel vm15, $0x3, v54;
	v59 =	vpop (erf);
	v63 =	vmax.f32 v45, v62  }
0xf7: {  	vm5 =	vmor vm3, vm8;
	v48 =	vadd.f32 $1.000000000e+00, v59;
	vm14 =	veq.f32 v62, v63  }
0xf8: {  	v58 =	vsel vm10, $0x2, v57;
	vm15 =	veq.f32 v61, v63;
	v59 =	vsel vm14, $0x7, v0  }
0xf9: {  	vm9 =	veq.f32 v60, v63;
	(erf) = vrcp.f32 v48;
	v0 =	vsel vm15, $0x6, v59  }
0xfa: {  	v44 =	vsel vm2, $0x1, v58;
	vm10 =	veq.f32 v53, v63;
	v42 =	vsel vm9, $0x5, v0  }
0xfb: {  	vm2 =	vmand vm5, vm2;
	vm11 =	veq.f32 v49, v63;
	v42 =	vsel vm10, $0x4, v42  }
0xfc: {  	v52 =	vnsel vm5, $0x0, v44;
	vm13 =	veq.f32 v46, v63;
	v42 =	vsel vm11, $0x3, v42  }
0xfd: {  	vm15 =	veq.f32 v43, v63;
	v42 =	vsel vm13, $0x2, v42;
	vm13 =	vne.f32 v41, v63  }
0xfe: {  	vm14 =	veq.s32 v52, $0x0;
	v42 =	vsel vm15, $0x1, v42;
	vm9 =	vmand vm13, vm15  }
0xff: {  	v48 =	vmax.f32 v41, $-3.000000010e+38;
	v57 =	vnsel vm13, $0x0, v42;
	v55 =	vsel vm9, $0xFF61B1E6, v43  }
0x100: {  	vm13 =	veq.s32 v52, $0x2;
	vm11 =	veq.s32 v57, $0x0;
	vm10 =	veq.s32 v57, $0x2  }
0x101: {  	v42 =	vld [tilespmem:$0x70];
	vm8 =	veq.s32 v57, $0x3;
	vm7 =	veq.s32 v57, $0x4;
	vm15 =	veq.s32 v57, $0x6  }
0x102: {  	vm6 =	veq.s32 v57, $0x7;
	vm4 =	vne.s32 v57, $0x7;
	v51 =	vpop (erf);
	v50 =	vsel vm11, $0xFF61B1E6, v48  }
0x103: {  	v56 =	vsel vm10, $0xFF61B1E6, v46;
	v54 =	vsub.f32 $1.000000000e+00, v51;
	v45 =	vmax.f32 v50, v55  }
0x104: {  	v58 =	vsel vm8, $0xFF61B1E6, v49;
	v59 =	vsel vm7, $0xFF61B1E6, v53;
	v48 =	vmax.f32 v45, v56  }
0x105: {  	v56 =	vimm.s32 $0x0;
	v1 =	vnsel vm14, $0x0, v54;
	v50 =	vmax.f32 v48, v58  }
0x106: {  	[tilespmem:$0x490] =	vst v10;
	v44 =	vld [tilespmem:$0xF0];
	vm14 =	veq.s32 v57, $0x5;
	v58 =	vimm.s32 $0x0;
	v10 =	vmax.f32 v42, $-3.000000010e+38  }
0x107: {  	v45 =	vld [tilespmem:$0x170];
	v47 =	vsel vm3, v51, v1;
	v0 =	vsel vm14, $0xFFFFFFFF, v56;
	v55 =	vmax.f32 v50, v59  }
0x108: {  	[tilespmem:$0x400] =	vst v7;
	v48 =	vld [tilespmem:$0x1F0];
	v56 =	vsel vm14, $0xFF61B1E6, v60;
	v59 =	vimm.s32 $0x0;
	v1 =	vnsel vm2, $0x0, v54  }
0x109: {  	v50 =	vld [tilespmem:$0x270];
	[tilespmem:$0x1FFD0] =	vst v0;
	v0 =	vsel vm15, $0xFFFFFFFF, v58;
	v56 =	vmax.f32 v55, v56;
	v58 =	vsel vm15, $0xFF61B1E6, v61  }
0x10a: {  	v55 =	vld [tilespmem:$0x2F0];
	[tilespmem:$0x1FFE0] =	vst v0;
	v0 =	vsel vm6, $0xFFFFFFFF, v59;
	v58 =	vmax.f32 v56, v58;
	v59 =	vsel vm6, $0xFF61B1E6, v62  }
0x10b: {  	v7 =	vsel vm1, v51, v1;
	v56 =	vld [tilespmem:$0x370];
	[tilespmem:$0x1FFF0] =	vst v0;
	v0 =	vmax.f32 v42, v44;
	v59 =	vmax.f32 v58, v59  }
0x10c: {  	vm15 =	veq.s32 v52, $0x3;
	v58 =	vld [tilespmem:$0x3F0];
	v0 =	vmax.f32 v0, v45;
	vm14 =	veq.f32 v62, v59  }
0x10d: {  	v62 =	vnsel vm13, $0x0, v54;
	vm1 =	veq.f32 v61, v59;
	v0 =	vmax.f32 v0, v48  }
0x10e: {  	[tilespmem:$0x480] =	vst v3;
	v63 =	vsub.f32 v59, v63;
	v3 =	vsel vm0, v51, v62;
	v62 =	vld [tilespmem:$0x1FF80];
	v0 =	vmax.f32 v0, v50  }
0x10f: {  	v61 =	vnsel vm15, $0x0, v54;
	vm3 =	veq.f32 v60, v59;
	v0 =	vmax.f32 v0, v55  }
0x110: {  	v1 =	vsel vm12, v51, v61;
	v61 =	vmul.f32 $1.442695020e+00, v63;
	v0 =	vmax.f32 v0, v56  }
0x111: {  	[tilespmem:$0x580] =	vst v4;
	vm15 =	vne.s32 v57, $0x6;
	vm0 =	vmand vm4, vm14;
	v0 =	vmax.f32 v0, v58  }
0x112: {  	[tilespmem:$0x500] =	vst v5;
	vm1 =	vmand vm15, vm1;
	(erf) = vpow2.f32 v61;
	vm5 =	veq.f32 v58, v0  }
0x113: {  	[tilespmem:$0x600] =	vst v62;
	v62 =	vimm.s32 $0x0;
	vm6 =	veq.f32 v56, v0;
	vm12 =	veq.f32 v55, v0  }
0x114: {  	[tilespmem:$0x700] =	vst v2;
	vm13 =	veq.f32 v50, v0;
	vm14 =	veq.f32 v48, v0;
	v63 =	vsel vm5, $0x7, v62  }
0x115: {  	[tilespmem:$0x780] =	vst v8;
	vm4 =	veq.f32 v45, v0;
	vm2 =	veq.f32 v44, v0;
	v4 =	vsel vm6, $0x6, v63  }
0x116: {  	[tilespmem:$0x410] =	vst v9;
	v9 =	vsel vm0, $0x7, v62;
	vm5 =	vne.s32 v57, $0x5;
	v8 =	vsel vm12, $0x5, v4  }
0x117: {  	[tilespmem:$0x680] =	vst v6;
	vm0 =	veq.f32 v53, v59;
	vm6 =	vne.f32 v42, v0;
	v2 =	vsel vm13, $0x4, v8  }
0x118: {  	[tilespmem:$0x510] =	vst v11;
	v4 =	vsel vm1, $0x6, v9;
	vm1 =	vmand vm5, vm3;
	v2 =	vsel vm14, $0x3, v2  }
0x119: {  	[tilespmem:$0x590] =	vst v12;
	vm12 =	vmand vm6, vm2;
	vm5 =	veq.f32 v49, v59;
	v2 =	vsel vm4, $0x2, v2  }
0x11a: {  	[tilespmem:$0x690] =	vst v13;
	v4 =	vsel vm1, $0x5, v4;
	vm1 =	vne.s32 v57, $0x4;
	v2 =	vsel vm2, $0x1, v2  }
0x11b: {  	[tilespmem:$0x610] =	vst v14;
	v11 =	vsel vm12, $0xFF61B1E6, v44;
	vm1 =	vmand vm1, vm0;
	v2 =	vnsel vm6, $0x0, v2  }
0x11c: {  	[tilespmem:$0x620] =	vst v16;
	vm0 =	vne.s32 v57, $0x3;
	v4 =	vsel vm1, $0x4, v4;
	v16 =	vpop (erf);
	vm3 =	veq.s32 v2, $0x0  }
0x11d: {  	[tilespmem:$0x5A0] =	vst v18;
	v18 =	vadd.f32 $1.000000000e+00, v16;
	vm13 =	veq.s32 v2, $0x2;
	v5 =	vsel vm3, $0xFF61B1E6, v10  }
0x11e: {  	[tilespmem:$0x710] =	vst v15;
	vm14 =	veq.s32 v2, $0x3;
	v12 =	vsel vm13, $0xFF61B1E6, v45;
	v5 =	vmax.f32 v5, v11  }
0x11f: {  	[tilespmem:$0x790] =	vst v21;
	vm15 =	veq.s32 v2, $0x4;
	v13 =	vsel vm14, $0xFF61B1E6, v48;
	v5 =	vmax.f32 v5, v12  }
0x120: {  	[tilespmem:$0x420] =	vst v20;
	vm6 =	veq.s32 v2, $0x5;
	v14 =	vsel vm15, $0xFF61B1E6, v50;
	v5 =	vmax.f32 v5, v13  }
0x121: {  	[tilespmem:$0x4A0] =	vst v17;
	vm4 =	veq.s32 v2, $0x6;
	v15 =	vsel vm6, $0xFF61B1E6, v55;
	v5 =	vmax.f32 v5, v14  }
0x122: {  	[tilespmem:$0x520] =	vst v19;
	vm2 =	veq.s32 v2, $0x7;
	v17 =	vsel vm4, $0xFF61B1E6, v56;
	v5 =	vmax.f32 v5, v15  }
0x123: {  	[tilespmem:$0x6A0] =	vst v22;
	v22 =	vld [tilespmem:$0x1FF90];
	v19 =	vsel vm2, $0xFF61B1E6, v58;
	(erf) = vrcp.f32 v18;
	v5 =	vmax.f32 v5, v17  }
0x124: {  	[tilespmem:$0x720] =	vst v23;
	v23 =	vld [tilespmem:$0x1FFA0];
	vm0 =	vmand vm0, vm5;
	vm5 =	veq.s32 v52, $0x4;
	v5 =	vmax.f32 v5, v19  }
0x125: {  	[tilespmem:$0x7A0] =	vst v24;
	v20 =	vnsel vm5, $0x0, v54;
	vm5 =	veq.s32 v52, $0x5;
	v0 =	vsub.f32 v5, v0  }
0x126: {  	[tilespmem:$0x430] =	vst v26;
	vm1 =	veq.f32 v46, v59;
	v21 =	vnsel vm5, $0x0, v54;
	vm5 =	vne.s32 v57, $0x2  }
0x127: {  	[tilespmem:$0x4B0] =	vst v25;
	v4 =	vsel vm0, $0x3, v4;
	vm0 =	vmand vm5, vm1;
	v0 =	vmul.f32 $1.442695020e+00, v0  }
0x128: {  	[tilespmem:$0x530] =	vst v27;
	v60 =	vimm.s32 $0x0;
	vm5 =	vnez.u8 v22;
	v4 =	vsel vm0, $0x2, v4  }
0x129: {  	[tilespmem:$0x5B0] =	vst v28;
	v28 =	vld [tilespmem:$0x1FFB0];
	(erf) = vpow2.f32 v0;
	v0 =	vsel vm5, v51, v20;
	vm5 =	vnez.u8 v23  }
0x12a: {  	[tilespmem:$0x630] =	vst v29;
	v29 =	vld [tilespmem:$0x1FFC0];
	vm0 =	veq.f32 v43, v59;
	v6 =	vsel vm5, v51, v21;
	vm5 =	vne.s32 v57, $0x1  }
0x12b: {  	[tilespmem:$0x6B0] =	vst v30;
	vm1 =	veq.s32 v52, $0x6;
	vm0 =	vmand vm5, vm0;
	vm5 =	vne.f32 v41, v59  }
0x12c: {  	[tilespmem:$0x730] =	vst v31;
	v24 =	vnsel vm1, $0x0, v54;
	v25 =	vpop (erf);
	vm1 =	vmor vm11, vm5;
	vm5 =	veq.s32 v52, $0x7  }
0x12d: {  	[tilespmem:$0x7B0] =	vst v38;
	v27 =	vsub.f32 $1.000000000e+00, v25;
	v4 =	vsel vm0, $0x1, v4;
	v26 =	vnsel vm5, $0x0, v54  }
0x12e: {  	[tilespmem:$0x440] =	vst v39;
	v4 =	vnsel vm1, $0x0, v4;
	vm5 =	vnez.u8 v28;
	vm0 =	vmand vm1, vm0  }
0x12f: {  	[tilespmem:$0x4C0] =	vst v37;
	v8 =	vsel vm5, v51, v24;
	vm5 =	vnez.u8 v29;
	v31 =	vnsel vm0, $0x0, v27  }
0x130: {  	[tilespmem:$0x540] =	vst v32;
	v10 =	vsel vm5, v51, v26;
	vm5 =	veq.s32 v4, $0x0;
	v13 =	vsel vm9, v25, v31  }
0x131: {  	[tilespmem:$0x740] =	vst v35;
	vm9 =	veq.s32 v4, $0x3;
	v30 =	vnsel vm5, $0x0, v27;
	vm5 =	veq.s32 v4, $0x2  }
0x132: {  	[tilespmem:$0x6C0] =	vst v34;
	v34 =	vnsel vm9, $0x0, v27;
	vm9 =	vne.s32 v2, $0x6;
	v12 =	vsel vm11, v25, v30  }
0x133: {  	[tilespmem:$0x5C0] =	vst v36;
	v32 =	vnsel vm5, $0x0, v27;
	vm11 =	veq.f32 v56, v5;
	v16 =	vsel vm8, v25, v34  }
0x134: {  	[tilespmem:$0x640] =	vst v33;
	vm8 =	vne.s32 v2, $0x7;
	v14 =	vsel vm10, v25, v32;
	vm10 =	veq.f32 v58, v5  }
0x135: {  	[tilespmem:$0x7C0] =	vst v40;
	v33 =	vpop (erf);
	vm0 =	vmand vm9, vm11;
	vm11 =	veq.s32 v4, $0x4;
	vm9 =	veq.f32 v50, v5  }
0x136: {  	[tilespmem:$0x450] =	vst v47;
	v15 =	vadd.f32 $1.000000000e+00, v33;
	vm1 =	vmand vm8, vm10;
	vm10 =	veq.f32 v55, v5  }
0x137: {  	[tilespmem:$0x4D0] =	vst v7;
	vm8 =	vne.s32 v2, $0x5;
	v37 =	vnsel vm11, $0x0, v27;
	vm11 =	veq.f32 v48, v5  }
0x138: {  	[tilespmem:$0x550] =	vst v3;
	v41 =	vld [tilespmem:$0x1FFD0];
	v35 =	vsel vm1, $0x7, v60;
	v38 =	vsel vm7, v25, v37;
	(erf) = vrcp.f32 v15  }
0x139: {  	[tilespmem:$0x5D0] =	vst v1;
	vm7 =	veq.s32 v4, $0x5;
	v36 =	vsel vm0, $0x6, v35;
	vm0 =	vmand vm8, vm10  }
0x13a: {  	[tilespmem:$0x650] =	vst v0;
	vm10 =	vne.s32 v2, $0x4;
	v40 =	vnsel vm7, $0x0, v27;
	vm8 =	vne.s32 v2, $0x3  }
0x13b: {  	v47 =	vld [tilespmem:$0x1FFE0];
	[tilespmem:$0x6D0] =	vst v6;
	v39 =	vsel vm0, $0x5, v36;
	vm0 =	vmand vm10, vm9;
	vm9 =	veq.f32 v45, v5  }
0x13c: {  	[tilespmem:$0x750] =	vst v8;
	vm10 =	vne.s32 v2, $0x2;
	v1 =	vsel vm0, $0x4, v39;
	vm0 =	vmand vm8, vm11  }
0x13d: {  	v49 =	vld [tilespmem:$0x1FFF0];
	[tilespmem:$0x7D0] =	vst v10;
	vm11 =	vnez.u8 v41;
	vm8 =	vmand vm10, vm9;
	vm9 =	veq.f32 v44, v5  }
0x13e: {  	[tilespmem:$0x4E0] =	vst v13;
	vm10 =	vne.s32 v2, $0x1;
	v3 =	vsel vm11, v25, v40;
	v1 =	vsel vm0, $0x3, v1  }
0x13f: {  	[tilespmem:$0x460] =	vst v12;
	vm0 =	vmand vm10, vm9;
	vm11 =	vne.f32 v42, v5;
	vm9 =	veq.s32 v4, $0x7  }
0x140: {  	[tilespmem:$0x5E0] =	vst v16;
	vm10 =	vnez.u8 v47;
	v1 =	vsel vm8, $0x2, v1;
	vm8 =	veq.s32 v4, $0x6  }
0x141: {  	[tilespmem:$0x560] =	vst v14;
	vm1 =	vmor vm3, vm11;
	v48 =	vnsel vm9, $0x0, v27;
	v1 =	vsel vm0, $0x1, v1;
	v44 =	vpop (erf)  }
0x142: {  	[tilespmem:$0x660] =	vst v38;
	vm9 =	vnez.u8 v49;
	v45 =	vnsel vm1, $0x0, v1;
	v46 =	vsub.f32 $1.000000000e+00, v44  }
0x143: {  	[tilespmem:$0x6E0] =	vst v3;
	v43 =	vnsel vm8, $0x0, v27;
	v3 =	vsel vm9, v25, v48;
	vm11 =	veq.s32 v45, $0x0  }
0x144: {  	vm0 =	vmand vm1, vm0;
	v2 =	vsel vm10, v25, v43;
	[tilespmem:$0x7E0] =	vst v3;
	v50 =	vnsel vm11, $0x0, v46  }
0x145: {  	[tilespmem:$0x760] =	vst v2;
	vm10 =	veq.s32 v45, $0x2;
	v51 =	vnsel vm0, $0x0, v46;
	v2 =	vsel vm3, v44, v50  }
0x146: {  	v53 =	vnsel vm10, $0x0, v46;
	vm11 =	veq.s32 v45, $0x3;
	v52 =	vsel vm12, v44, v51;
	[tilespmem:$0x470] =	vst v2  }
0x147: {  	v54 =	vsel vm13, v44, v53;
	v55 =	vnsel vm11, $0x0, v46;
	vm12 =	veq.s32 v45, $0x4;
	[tilespmem:$0x4F0] =	vst v52  }
0x148: {  	vm13 =	veq.s32 v45, $0x5;
	[tilespmem:$0x570] =	vst v54;
	v56 =	vsel vm14, v44, v55;
	v57 =	vnsel vm12, $0x0, v46  }
0x149: {  	v59 =	vnsel vm13, $0x0, v46;
	vm14 =	veq.s32 v45, $0x6;
	[tilespmem:$0x5F0] =	vst v56;
	v58 =	vsel vm15, v44, v57  }
0x14a: {  	v60 =	vsel vm6, v44, v59;
	v61 =	vnsel vm14, $0x0, v46;
	vm15 =	veq.s32 v45, $0x7;
	[tilespmem:$0x670] =	vst v58  }
0x14b: {  	[tilespmem:$0x6F0] =	vst v60;
	v62 =	vsel vm4, v44, v61;
	v1 =	vnsel vm15, $0x0, v46  }
0x14c: {  	p0 =	sne.s32 s5, $0x1;
	[tilespmem:$0x770] =	vst v62;
	v63 =	vsel vm2, v44, v1  }
.Ltmp0:
0x14d: {  	[tilespmem:$0x7F0] =	vst v63;
	(pc) =	sbr.rel @p0 .LBB2_1-.Ltmp0, $4  }
0x14e: {  	[hbm4b:s4+s2] =	stream.linear.scatter [tilespmem:s7], [sflag:$0x1], $0x400, $0x38;
	[tilespmem:$0x800] =	vst v63  }
0x14f: {  	_ =	swait.ge [sflag:s6], $0x400  }
0x150: {  	[sflag:s6] =	ssyncset.done $0x0  }
0x151: {  	s5 =	sadd.s32 $0xFFFFFFFF, s5;
	[sflag:s6] =	ssyncadd.s32 $0xFFFFFC00  }
0x152: {  	_ =	sfence.sel $0x180000  }
0x153: {  	[bflag:$0x0] =	sbarrier.arrive $0xFFFF  }
0x154: {  	p0 =	sne.s32 s1, $0x0;
	_ =	strace $0x90000047  }
0x155: {  	s0 =	sadd.s32 @!p0 $0x100000, s0;
	[bflag:$0x2] =	sbarrier.arrive $0xFFFF  }
0x156: {  	[sflag:s0] =	ssyncadd.tile.s32 @!p0 $0x1;
	_ =	shalt  }
.Lfunc_end2:
_tile_overlayer_lowered:
.L_overlay_start_2:
0x157: {  	(tag) =	ssettag $0x2  }
0x158: {  	s0 =	rddreg [dreg:$0x0];
	s2 =	stileid.u32  }
0x159: {  	s1 =	rddreg [dreg:$0x1];
	p0 =	sne.s32 s2, $0x0  }
0x15a: {  	s3 =	rddreg [dreg:$0x2];
	[bflag:$0x3] =	sbarrier.arrive $0xFFFF;
	s2 =	simm.s32 @!p0 $0x1C01  }
0x15b: {  	[timem:s3], [sflag:s2] =	dma.local @!p0 [hbm:s0], s1  }
0x15c: {  	s0 =	simm.s32 @!p0 $0x1  }
0x15d: {  	_ =	swait.ge @!p0 [sflag:s0], s1  }
0x15e: {  	s1 =	ssub.s32 @!p0 $0x0, s1;
	[sflag:s0] =	ssyncset.done @!p0 $0x0  }
0x15f: {  	[sflag:s0] =	ssyncadd.s32 @!p0 s1  }
0x160: {  	[bflag:$0x3] =	sbarrier.arrive $0xFFFF  }
0x161: {  	_ =	shalt  }

</sc_bundles>
